<compile_context>
chip_gen: v7x
topology: tpu7x:2x2x1
jax: 0.10.2.dev20260603
libtpu: 0.0.44.dev20260713+nightly
codegen_flags: <defaults>
</compile_context>

<pallas_src>
import dataclasses
import functools

import jax
import jax.numpy as jnp
from jax import lax
from jax.experimental import pallas as pl
from jax.experimental.pallas import tpu as pltpu
from jax.experimental.pallas import tpu_sc as plsc

N = 10000
D = 128
NC = 2
NS = 16
NW = NC * NS
LANES = 16
N_PAD = 10240
ROWS_PER_TILE = N_PAD // NS
CHUNK = 80
GRP = 4



def _ew_body(attr_ref, out_ref):
    v = attr_ref[...]
    out_ref[...] = (jnp.sum(v, axis=1) * 0.25)[None, None, :]


def _edge_weight(edge_attr):
    e, four = edge_attr.shape
    nblk = 40
    r = e // nblk
    out = pl.pallas_call(
        _ew_body,
        grid=(nblk,),
        in_specs=[pl.BlockSpec((r, four), lambda i: (i, 0))],
        out_specs=pl.BlockSpec((1, 1, r), lambda i: (i, 0, 0)),
        out_shape=jax.ShapeDtypeStruct((nblk, 1, r), jnp.float32),
    )(edge_attr)
    return out.reshape(e)


def _dis_body(degp_ref, out_ref):
    deg = degp_ref[0] + degp_ref[1] + 1.0
    dis = jnp.where(deg > 0, lax.rsqrt(deg), 0.0)
    out_ref[...] = dis[:, None]


def _dis(degp):
    return pl.pallas_call(
        _dis_body,
        out_shape=jax.ShapeDtypeStruct((N_PAD, 1), jnp.float32),
    )(degp)


def _combine_body(p_ref, prev_ref, dis_ref, out_ref):
    d = dis_ref[...]
    out_ref[...] = p_ref[0] + p_ref[1] + (d * d) * prev_ref[...]


def _combine(partials, prev, dis2d):
    return pl.pallas_call(
        _combine_body,
        out_shape=jax.ShapeDtypeStruct((N_PAD, D), jnp.float32),
    )(partials, prev, dis2d)


def _final_body(p_ref, prev_ref, dis_ref, w_ref, b_ref, out_ref):
    d = dis_ref[...]
    h = p_ref[0] + p_ref[1] + (d * d) * prev_ref[...]
    z = lax.dot_general(
        h, w_ref[...],
        dimension_numbers=(((1,), (1,)), ((), ())),
        preferred_element_type=jnp.float32,
        precision=lax.Precision.HIGHEST,
    ) + b_ref[...]
    z = jnp.maximum(z, 0.0)
    m = jnp.max(z, axis=1, keepdims=True)
    zc = z - m
    lse = jnp.log(jnp.sum(jnp.exp(zc), axis=1, keepdims=True))
    out_ref[...] = (zc - lse)[:N]


def _final(partials, prev, dis2d, w, b2):
    return pl.pallas_call(
        _final_body,
        out_shape=jax.ShapeDtypeStruct((N, D), jnp.float32),
    )(partials, prev, dis2d, w, b2)



_MESH = plsc.VectorSubcoreMesh(
    core_axis_name="c", subcore_axis_name="s", num_cores=NC, num_subcores=NS)

_SC_PARAMS = pltpu.CompilerParams()
if "needs_layout_passes" in pltpu.CompilerParams.__dataclass_fields__:
    _SC_PARAMS = dataclasses.replace(_SC_PARAMS, needs_layout_passes=False)


def _worker_id():
    return lax.axis_index("c") * NS + lax.axis_index("s")


def _deg_sc(dst3, ew3):
    ch_w = dst3.shape[1]

    @functools.partial(
        pl.kernel,
        out_type=jax.ShapeDtypeStruct((NC, N_PAD), jnp.float32),
        mesh=_MESH,
        compiler_params=_SC_PARAMS,
        scratch_types=[
            pltpu.VMEM_SHARED((N_PAD,), jnp.float32),
            pltpu.VMEM((ch_w, CHUNK), jnp.int32),
            pltpu.VMEM((ch_w, CHUNK), jnp.float32),
            pltpu.VMEM((ROWS_PER_TILE,), jnp.float32),
        ],
    )
    def body(dst_hbm, ew_hbm, out_hbm, acc, dstb, ewb, zb):
        c = lax.axis_index("c")
        s = lax.axis_index("s")
        w = _worker_id()
        my_rows = pl.ds(s * ROWS_PER_TILE, ROWS_PER_TILE)

        @pl.loop(0, ROWS_PER_TILE, step=LANES)
        def _(i):
            zb[pl.ds(i, LANES)] = jnp.zeros((LANES,), jnp.float32)

        pltpu.sync_copy(zb, acc.at[my_rows])
        plsc.subcore_barrier()

        pltpu.sync_copy(dst_hbm.at[w], dstb)
        pltpu.sync_copy(ew_hbm.at[w], ewb)

        @pl.loop(0, ch_w)
        def _(j):
            pltpu.sync_copy(ewb.at[j], acc.at[dstb.at[j]], add=True)

        plsc.subcore_barrier()
        pltpu.sync_copy(acc.at[my_rows], zb)
        pltpu.sync_copy(zb, out_hbm.at[c, my_rows])

    return body(dst3, ew3)


def _norm_sc(src3, dst3, ew3, dis1):
    ch_w = src3.shape[1]
    e_w = ch_w * CHUNK

    @functools.partial(
        pl.kernel,
        out_type=jax.ShapeDtypeStruct((NW, e_w), jnp.float32),
        mesh=_MESH,
        compiler_params=_SC_PARAMS,
        scratch_types=[
            pltpu.VMEM((N_PAD,), jnp.float32),
            pltpu.VMEM((ch_w, CHUNK), jnp.int32),
            pltpu.VMEM((ch_w, CHUNK), jnp.int32),
            pltpu.VMEM((ch_w, CHUNK), jnp.float32),
            pltpu.VMEM((e_w,), jnp.float32),
        ],
    )
    def body(src_hbm, dst_hbm, ew_hbm, dis_hbm, out_hbm,
             disb, srcb, dstb, ewb, nrmb):
        w = _worker_id()
        pltpu.sync_copy(dis_hbm, disb)
        pltpu.sync_copy(src_hbm.at[w], srcb)
        pltpu.sync_copy(dst_hbm.at[w], dstb)
        pltpu.sync_copy(ew_hbm.at[w], ewb)

        @pl.loop(0, ch_w)
        def _(j):
            @pl.loop(0, CHUNK // LANES)
            def _(g):
                sl = pl.ds(g * LANES, LANES)
                si = srcb[j, sl]
                di = dstb[j, sl]
                e16 = ewb[j, sl]
                nv = (plsc.load_gather(disb, [si]) * e16
                      * plsc.load_gather(disb, [di]))
                nrmb[pl.ds(j * CHUNK + g * LANES, LANES)] = nv

        pltpu.sync_copy(nrmb, out_hbm.at[w])

    return body(src3, dst3, ew3, dis1)


def _hop_sc(table, joined):
    n_grp = joined.shape[1]

    @functools.partial(
        pl.kernel,
        out_type=jax.ShapeDtypeStruct((NC, N_PAD, D), jnp.float32),
        mesh=_MESH,
        compiler_params=_SC_PARAMS,
        scratch_types=[
            pltpu.VMEM_SHARED((N_PAD, D), jnp.float32),
            pltpu.VMEM((3 * GRP, CHUNK), jnp.int32),
            [pltpu.VMEM((CHUNK, D), jnp.float32)] * GRP,
            [pltpu.SemaphoreType.DMA] * GRP,
            [pltpu.SemaphoreType.DMA] * GRP,
        ],
    )
    def body(table_hbm, joined_hbm, out_hbm, acc, ring, gb, gsem, ssem):
        c = lax.axis_index("c")
        s = lax.axis_index("s")
        w = _worker_id()

        @pl.loop(0, CHUNK)
        def _(i):
            for k in range(D // LANES):
                gb[0][i, pl.ds(k * LANES, LANES)] = jnp.zeros(
                    (LANES,), jnp.float32)

        @pl.loop(0, ROWS_PER_TILE, step=CHUNK)
        def _(r):
            pltpu.sync_copy(gb[0],
                            acc.at[pl.ds(s * ROWS_PER_TILE + r, CHUNK)])

        plsc.subcore_barrier()

        @pl.loop(0, n_grp)
        def _(kk):
            pltpu.sync_copy(joined_hbm.at[w, kk], ring)
            gds = [
                pltpu.async_copy(table_hbm.at[ring.at[ci]], gb[ci], gsem[ci])
                for ci in range(GRP)
            ]
            sds = []
            for ci in range(GRP):
                gds[ci].wait()

                @pl.loop(0, CHUNK, step=2)
                def _(i):
                    for u in range(2):
                        bc = plsc.bitcast(
                            plsc.load_gather(
                                ring,
                                [jnp.full((LANES,), 2 * GRP + ci, jnp.int32),
                                 jnp.full((LANES,), i + u, jnp.int32)]),
                            jnp.float32)
                        for k in range(D // LANES):
                            sl = pl.ds(k * LANES, LANES)
                            gb[ci][i + u, sl] = gb[ci][i + u, sl] * bc

                sds.append(
                    pltpu.async_copy(gb[ci], acc.at[ring.at[GRP + ci]],
                                     ssem[ci], add=True))
            for d in sds:
                d.wait()

        plsc.subcore_barrier()

        my_rows = pl.ds(s * ROWS_PER_TILE, ROWS_PER_TILE)
        pltpu.sync_copy(acc.at[my_rows], out_hbm.at[c, my_rows])

    return body(table, joined)



def kernel(x, edge_index, edge_attr, W, b):
    e = edge_index.shape[1]
    ch_w = -(-e // (NW * CHUNK))
    ch_w = -(-ch_w // GRP) * GRP
    n_grp = ch_w // GRP
    e_pad = NW * CHUNK * ch_w
    pad = e_pad - e

    src = jnp.pad(edge_index[0], (0, pad)).reshape(NW, ch_w, CHUNK)
    dst = jnp.pad(edge_index[1], (0, pad)).reshape(NW, ch_w, CHUNK)
    ew = jnp.pad(_edge_weight(edge_attr), (0, pad)).reshape(NW, ch_w, CHUNK)

    degp = _deg_sc(dst, ew)
    dis2d = _dis(degp)
    norm2 = _norm_sc(src, dst, ew, dis2d.reshape(N_PAD))

    nb = lax.bitcast_convert_type(
        norm2.reshape(NW, n_grp, GRP, CHUNK), jnp.int32)
    joined = jnp.concatenate(
        [src.reshape(NW, n_grp, GRP, CHUNK),
         dst.reshape(NW, n_grp, GRP, CHUNK), nb],
        axis=2)

    xp = jnp.pad(x, ((0, N_PAD - N), (0, 0)))
    p1 = _hop_sc(xp, joined)
    h1 = _combine(p1, xp, dis2d)
    p2 = _hop_sc(h1, joined)
    return _final(p2, h1, dis2d, W, b.reshape(1, D))

# --- scband reference (transcript-rebuilt; emitter-appended) ---
"""Pipeline reference for scband-sgc-15556371546772 (READ-ONLY COPY).

The authoritative reference and input builder live on the scoring server;
editing this copy changes nothing except your own understanding.
"""

import jax, jax.numpy as jnp
import numpy as np

N = 10000
E = 320000
D_IN = 128
D_OUT = 128
D_EDGE = 4
K = 2


def setup_inputs(seed: int = 0) -> dict:
    key = jax.random.key(seed)
    k1, k2, k3, k4, k5 = jax.random.split(key, 5)
    x = jax.random.normal(k1, (N, D_IN), dtype=jnp.float32)
    edge_index = jax.random.randint(k2, (2, E), 0, N, dtype=jnp.int32)
    edge_attr = jax.random.uniform(k3, (E, D_EDGE), dtype=jnp.float32)
    # SGConv linear layer params (torch.nn.Linear default init)
    bound = 1.0 / np.sqrt(D_IN)
    W = jax.random.uniform(k4, (D_OUT, D_IN), minval=-bound, maxval=bound, dtype=jnp.float32)
    b = jax.random.uniform(k5, (D_OUT,), minval=-bound, maxval=bound, dtype=jnp.float32)
    return {"x": x, "edge_index": edge_index, "edge_attr": edge_attr, "W": W, "b": b}


def _sgc_forward(x, edge_attr, W, b, edge_index):
    # edge_weight = edge_attr.mean(dim=1)
    edge_weight = edge_attr.mean(axis=1)
    n = x.shape[0]
    src = edge_index[0]
    dst = edge_index[1]
    # add self-loops with weight 1 (PyG gcn_norm default, fill_value=1)
    loop = jnp.arange(n, dtype=src.dtype)
    src_full = jnp.concatenate([src, loop])
    dst_full = jnp.concatenate([dst, loop])
    ew_full = jnp.concatenate([edge_weight, jnp.ones((n,), dtype=edge_weight.dtype)])
    # symmetric GCN normalization: deg computed over dst (col)
    deg = jax.ops.segment_sum(ew_full, dst_full, num_segments=n)
    deg_inv_sqrt = jnp.where(deg > 0, deg ** -0.5, 0.0)
    norm = deg_inv_sqrt[src_full] * ew_full * deg_inv_sqrt[dst_full]
    # K propagation hops: x <- A_norm x
    h = x
    for _ in range(K):
        msg = norm[:, None] * h[src_full]
        h = jax.ops.segment_sum(msg, dst_full, num_segments=n)
    # final linear of SGConv
    h = h @ W.T + b
    # relu, dropout (eval mode: identity), log_softmax
    h = jax.nn.relu(h)
    return jax.nn.log_softmax(h, axis=-1)


def reference(x, edge_index, edge_attr, W, b):
    return _sgc_forward(x, edge_attr, W, b, edge_index)

if __name__ == "__main__":
    import jax
    _d = setup_inputs()
    print(jax.jit(kernel)(*tuple(_d.values())))

</pallas_src>

<mosaic_0001>
#map = affine_map<(d0, d1) -> (0, 0)>
#map1 = affine_map<(d0, d1) -> (0, 0, 0, 0)>
#map2 = affine_map<(d0, d1) -> (0, 0, 0)>
module attributes {stable_mosaic.version = 14 : i64} {
  func.func @body(%arg0: i32, %arg1: i32, %arg2: memref<10240x128xf32, #tpu.memory_space<hbm>>, %arg3: memref<32x32x12x80xi32, #tpu.memory_space<hbm>>, %arg4: memref<2x10240x128xf32, #tpu.memory_space<hbm>>, %arg5: memref<10240x128xf32, #tpu.memory_space<vmem_shared>>, %arg6: memref<12x80xi32, #tpu.memory_space<vmem>>, %arg7: memref<80x128xf32, #tpu.memory_space<vmem>>, %arg8: memref<80x128xf32, #tpu.memory_space<vmem>>, %arg9: memref<80x128xf32, #tpu.memory_space<vmem>>, %arg10: memref<80x128xf32, #tpu.memory_space<vmem>>, %arg11: memref<!tpu.dma_semaphore, #tpu.memory_space<semaphore_mem>>, %arg12: memref<!tpu.dma_semaphore, #tpu.memory_space<semaphore_mem>>, %arg13: memref<!tpu.dma_semaphore, #tpu.memory_space<semaphore_mem>>, %arg14: memref<!tpu.dma_semaphore, #tpu.memory_space<semaphore_mem>>, %arg15: memref<!tpu.dma_semaphore, #tpu.memory_space<semaphore_mem>>, %arg16: memref<!tpu.dma_semaphore, #tpu.memory_space<semaphore_mem>>, %arg17: memref<!tpu.dma_semaphore, #tpu.memory_space<semaphore_mem>>, %arg18: memref<!tpu.dma_semaphore, #tpu.memory_space<semaphore_mem>>) attributes {dimension_semantics = [#tpu.dimension_semantics<core_parallel>, #tpu.dimension_semantics<subcore_parallel>], iteration_bounds = array<i64: 2, 16>, scalar_prefetch = 0 : i64, scratch_operands = 14 : i64, tpu.core_type = #tpu.core_type<sc_vector_subcore>, window_params = [{transform_indices = #map}, {transform_indices = #map1}, {transform_indices = #map2}]} {
    %mul3A = arith.constant 16 : i32
    %mul3A_0 = arith.muli %arg0, %mul3A : i32
    %add3A = arith.addi %mul3A_0, %arg1 : i32
    %scan3A = arith.constant 0 : i32
    %scan3A_1 = arith.constant 80 : i32
    %scan3A_2 = arith.addi %scan3A, %scan3A_1 : i32
    %scan3A_3 = arith.constant 1 : i32
    scf.for %scan3A_18 = %scan3A to %scan3A_2 step %scan3A_3  : i32 {
      %mul3A_19 = arith.constant 1 : i32
      %mul3A_20 = arith.muli %scan3A_18, %mul3A_19 : i32
      %add3A_21 = arith.constant 0 : i32
      %add3A_22 = arith.addi %add3A_21, %mul3A_20 : i32
      %broadcast_in_dim3A = arith.constant 0.000000e+00 : f32
      %broadcast_in_dim3A_23 = vector.broadcast %broadcast_in_dim3A : f32 to vector<16xf32>
      %swap3A = arith.index_cast %add3A_22 : i32 to index
      %swap3A_24 = arith.constant 0 : index
      %swap3A_25 = tpu.vector_load %arg7[%swap3A, %swap3A_24] {strides = array<i32>} : memref<80x128xf32, #tpu.memory_space<vmem>>, vector<16xf32>,
      tpu.vector_store %arg7[%swap3A, %swap3A_24], %broadcast_in_dim3A_23 {strides = array<i32>} : memref<80x128xf32, #tpu.memory_space<vmem>>, vector<16xf32>,
      %broadcast_in_dim3A_26 = arith.constant 0.000000e+00 : f32
      %broadcast_in_dim3A_27 = vector.broadcast %broadcast_in_dim3A_26 : f32 to vector<16xf32>
      %swap3A_28 = arith.index_cast %add3A_22 : i32 to index
      %swap3A_29 = arith.constant 16 : index
      %swap3A_30 = tpu.vector_load %arg7[%swap3A_28, %swap3A_29] {strides = array<i32>} : memref<80x128xf32, #tpu.memory_space<vmem>>, vector<16xf32>,
      tpu.vector_store %arg7[%swap3A_28, %swap3A_29], %broadcast_in_dim3A_27 {strides = array<i32>} : memref<80x128xf32, #tpu.memory_space<vmem>>, vector<16xf32>,
      %broadcast_in_dim3A_31 = arith.constant 0.000000e+00 : f32
      %broadcast_in_dim3A_32 = vector.broadcast %broadcast_in_dim3A_31 : f32 to vector<16xf32>
      %swap3A_33 = arith.index_cast %add3A_22 : i32 to index
      %swap3A_34 = arith.constant 32 : index
      %swap3A_35 = tpu.vector_load %arg7[%swap3A_33, %swap3A_34] {strides = array<i32>} : memref<80x128xf32, #tpu.memory_space<vmem>>, vector<16xf32>,
      tpu.vector_store %arg7[%swap3A_33, %swap3A_34], %broadcast_in_dim3A_32 {strides = array<i32>} : memref<80x128xf32, #tpu.memory_space<vmem>>, vector<16xf32>,
      %broadcast_in_dim3A_36 = arith.constant 0.000000e+00 : f32
      %broadcast_in_dim3A_37 = vector.broadcast %broadcast_in_dim3A_36 : f32 to vector<16xf32>
      %swap3A_38 = arith.index_cast %add3A_22 : i32 to index
      %swap3A_39 = arith.constant 48 : index
      %swap3A_40 = tpu.vector_load %arg7[%swap3A_38, %swap3A_39] {strides = array<i32>} : memref<80x128xf32, #tpu.memory_space<vmem>>, vector<16xf32>,
      tpu.vector_store %arg7[%swap3A_38, %swap3A_39], %broadcast_in_dim3A_37 {strides = array<i32>} : memref<80x128xf32, #tpu.memory_space<vmem>>, vector<16xf32>,
      %broadcast_in_dim3A_41 = arith.constant 0.000000e+00 : f32
      %broadcast_in_dim3A_42 = vector.broadcast %broadcast_in_dim3A_41 : f32 to vector<16xf32>
      %swap3A_43 = arith.index_cast %add3A_22 : i32 to index
      %swap3A_44 = arith.constant 64 : index
      %swap3A_45 = tpu.vector_load %arg7[%swap3A_43, %swap3A_44] {strides = array<i32>} : memref<80x128xf32, #tpu.memory_space<vmem>>, vector<16xf32>,
      tpu.vector_store %arg7[%swap3A_43, %swap3A_44], %broadcast_in_dim3A_42 {strides = array<i32>} : memref<80x128xf32, #tpu.memory_space<vmem>>, vector<16xf32>,
      %broadcast_in_dim3A_46 = arith.constant 0.000000e+00 : f32
      %broadcast_in_dim3A_47 = vector.broadcast %broadcast_in_dim3A_46 : f32 to vector<16xf32>
      %swap3A_48 = arith.index_cast %add3A_22 : i32 to index
      %swap3A_49 = arith.constant 80 : index
      %swap3A_50 = tpu.vector_load %arg7[%swap3A_48, %swap3A_49] {strides = array<i32>} : memref<80x128xf32, #tpu.memory_space<vmem>>, vector<16xf32>,
      tpu.vector_store %arg7[%swap3A_48, %swap3A_49], %broadcast_in_dim3A_47 {strides = array<i32>} : memref<80x128xf32, #tpu.memory_space<vmem>>, vector<16xf32>,
      %broadcast_in_dim3A_51 = arith.constant 0.000000e+00 : f32
      %broadcast_in_dim3A_52 = vector.broadcast %broadcast_in_dim3A_51 : f32 to vector<16xf32>
      %swap3A_53 = arith.index_cast %add3A_22 : i32 to index
      %swap3A_54 = arith.constant 96 : index
      %swap3A_55 = tpu.vector_load %arg7[%swap3A_53, %swap3A_54] {strides = array<i32>} : memref<80x128xf32, #tpu.memory_space<vmem>>, vector<16xf32>,
      tpu.vector_store %arg7[%swap3A_53, %swap3A_54], %broadcast_in_dim3A_52 {strides = array<i32>} : memref<80x128xf32, #tpu.memory_space<vmem>>, vector<16xf32>,
      %broadcast_in_dim3A_56 = arith.constant 0.000000e+00 : f32
      %broadcast_in_dim3A_57 = vector.broadcast %broadcast_in_dim3A_56 : f32 to vector<16xf32>
      %swap3A_58 = arith.index_cast %add3A_22 : i32 to index
      %swap3A_59 = arith.constant 112 : index
      %swap3A_60 = tpu.vector_load %arg7[%swap3A_58, %swap3A_59] {strides = array<i32>} : memref<80x128xf32, #tpu.memory_space<vmem>>, vector<16xf32>,
      tpu.vector_store %arg7[%swap3A_58, %swap3A_59], %broadcast_in_dim3A_57 {strides = array<i32>} : memref<80x128xf32, #tpu.memory_space<vmem>>, vector<16xf32>,
    }
    %scan3A_4 = arith.constant 80 : i32
    %scan3A_5 = arith.constant 0 : i32
    %scan3A_6 = arith.constant 8 : i32
    %scan3A_7 = arith.addi %scan3A_5, %scan3A_6 : i32
    %scan3A_8 = arith.constant 1 : i32
    scf.for %scan3A_18 = %scan3A_5 to %scan3A_7 step %scan3A_8  : i32 {
      %mul3A_19 = arith.constant 80 : i32
      %mul3A_20 = arith.muli %scan3A_18, %mul3A_19 : i32
      %add3A_21 = arith.constant 0 : i32
      %add3A_22 = arith.addi %add3A_21, %mul3A_20 : i32
      %mul3A_23 = arith.constant 640 : i32
      %mul3A_24 = arith.muli %arg1, %mul3A_23 : i32
      %add3A_25 = arith.addi %mul3A_24, %add3A_22 : i32
      "tpu.region"() ({
        %run_scoped3A = tpu.sem_alloc : memref<!tpu.dma_semaphore, #tpu.memory_space<semaphore_mem>>
        %dma_start3A = arith.constant 0 : i32
        %dma_start3A_26 = tpu.memref_slice %arg5[%add3A_25, %dma_start3A] : memref<10240x128xf32, #tpu.memory_space<vmem_shared>> -> memref<80x128xf32, #tpu.memory_space<vmem_shared>>
        %dma_start3A_27 = arith.constant 0 : i32
        %dma_start3A_28 = tpu.memref_slice %arg5[%add3A_25, %dma_start3A_27] : memref<10240x128xf32, #tpu.memory_space<vmem_shared>> -> memref<80x128xf32, #tpu.memory_space<vmem_shared>>
        tpu.enqueue_dma source(%arg7 : memref<80x128xf32, #tpu.memory_space<vmem>>) target(%dma_start3A_28 : memref<80x128xf32, #tpu.memory_space<vmem_shared>>) target_semaphore(%run_scoped3A : memref<!tpu.dma_semaphore, #tpu.memory_space<semaphore_mem>>)
        %dma_wait3A = arith.constant 0 : i32
        %dma_wait3A_29 = tpu.memref_slice %arg5[%add3A_25, %dma_wait3A] : memref<10240x128xf32, #tpu.memory_space<vmem_shared>> -> memref<80x128xf32, #tpu.memory_space<vmem_shared>>
        %dma_wait3A_30 = arith.constant 0 : i32
        %dma_wait3A_31 = tpu.memref_slice %arg5[%add3A_25, %dma_wait3A_30] : memref<10240x128xf32, #tpu.memory_space<vmem_shared>> -> memref<80x128xf32, #tpu.memory_space<vmem_shared>>
        tpu.wait_dma2 semaphore(%run_scoped3A : memref<!tpu.dma_semaphore, #tpu.memory_space<semaphore_mem>>) src(%arg7 : memref<80x128xf32, #tpu.memory_space<vmem>>) dst(%dma_wait3A_31 : memref<80x128xf32, #tpu.memory_space<vmem_shared>>)
        tpu.yield
      }) : () -> ()
    }
    %scan3A_9 = arith.constant 8 : i32
    %barrier3A = arith.constant 0 : index
    tpu.barrier barrier_id(%barrier3A)
    %scan3A_10 = arith.constant 0 : i32
    %scan3A_11 = arith.constant 32 : i32
    %scan3A_12 = arith.addi %scan3A_10, %scan3A_11 : i32
    %scan3A_13 = arith.constant 1 : i32
    scf.for %scan3A_18 = %scan3A_10 to %scan3A_12 step %scan3A_13  : i32 {
      %mul3A_19 = arith.constant 1 : i32
      %mul3A_20 = arith.muli %scan3A_18, %mul3A_19 : i32
      %add3A_21 = arith.constant 0 : i32
      %add3A_22 = arith.addi %add3A_21, %mul3A_20 : i32
      "tpu.region"() ({
        %run_scoped3A = tpu.sem_alloc : memref<!tpu.dma_semaphore, #tpu.memory_space<semaphore_mem>>
        %dma_start3A_153 = arith.constant 0 : i32
        %dma_start3A_154 = arith.constant 0 : i32
        %dma_start3A_155 = tpu.memref_slice %arg3[%add3A, %add3A_22, %dma_start3A_153, %dma_start3A_154] : memref<32x32x12x80xi32, #tpu.memory_space<hbm>> -> memref<1x1x12x80xi32, #tpu.memory_space<hbm>>
        %dma_start3A_156 = tpu.memref_squeeze %dma_start3A_155 : memref<1x1x12x80xi32, #tpu.memory_space<hbm>> -> memref<12x80xi32, #tpu.memory_space<hbm>>
        %dma_start3A_157 = arith.constant 0 : i32
        %dma_start3A_158 = arith.constant 0 : i32
        %dma_start3A_159 = tpu.memref_slice %arg3[%add3A, %add3A_22, %dma_start3A_157, %dma_start3A_158] : memref<32x32x12x80xi32, #tpu.memory_space<hbm>> -> memref<1x1x12x80xi32, #tpu.memory_space<hbm>>
        %dma_start3A_160 = tpu.memref_squeeze %dma_start3A_159 : memref<1x1x12x80xi32, #tpu.memory_space<hbm>> -> memref<12x80xi32, #tpu.memory_space<hbm>>
        tpu.enqueue_dma source(%dma_start3A_160 : memref<12x80xi32, #tpu.memory_space<hbm>>) target(%arg6 : memref<12x80xi32, #tpu.memory_space<vmem>>) target_semaphore(%run_scoped3A : memref<!tpu.dma_semaphore, #tpu.memory_space<semaphore_mem>>)
        %dma_wait3A_161 = arith.constant 0 : i32
        %dma_wait3A_162 = arith.constant 0 : i32
        %dma_wait3A_163 = tpu.memref_slice %arg3[%add3A, %add3A_22, %dma_wait3A_161, %dma_wait3A_162] : memref<32x32x12x80xi32, #tpu.memory_space<hbm>> -> memref<1x1x12x80xi32, #tpu.memory_space<hbm>>
        %dma_wait3A_164 = tpu.memref_squeeze %dma_wait3A_163 : memref<1x1x12x80xi32, #tpu.memory_space<hbm>> -> memref<12x80xi32, #tpu.memory_space<hbm>>
        %dma_wait3A_165 = arith.constant 0 : i32
        %dma_wait3A_166 = arith.constant 0 : i32
        %dma_wait3A_167 = tpu.memref_slice %arg3[%add3A, %add3A_22, %dma_wait3A_165, %dma_wait3A_166] : memref<32x32x12x80xi32, #tpu.memory_space<hbm>> -> memref<1x1x12x80xi32, #tpu.memory_space<hbm>>
        %dma_wait3A_168 = tpu.memref_squeeze %dma_wait3A_167 : memref<1x1x12x80xi32, #tpu.memory_space<hbm>> -> memref<12x80xi32, #tpu.memory_space<hbm>>
        tpu.wait_dma2 semaphore(%run_scoped3A : memref<!tpu.dma_semaphore, #tpu.memory_space<semaphore_mem>>) src(%dma_wait3A_168 : memref<12x80xi32, #tpu.memory_space<hbm>>) dst(%arg6 : memref<12x80xi32, #tpu.memory_space<vmem>>)
        tpu.yield
      }) : () -> ()
      %dma_start3A = arith.constant 0 : i32
      %dma_start3A_23 = arith.constant 0 : i32
      %dma_start3A_24 = tpu.memref_slice %arg6[%dma_start3A, %dma_start3A_23] : memref<12x80xi32, #tpu.memory_space<vmem>> -> memref<1x80xi32, #tpu.memory_space<vmem>>
      %dma_start3A_25 = tpu.memref_squeeze %dma_start3A_24 : memref<1x80xi32, #tpu.memory_space<vmem>> -> memref<80xi32, #tpu.memory_space<vmem>>
      %dma_start3A_26 = arith.constant 0 : i32
      %dma_start3A_27 = arith.constant 0 : i32
      %dma_start3A_28 = tpu.memref_slice %arg2[%dma_start3A_26, %dma_start3A_27] : memref<10240x128xf32, #tpu.memory_space<hbm>> -> memref<10240x128xf32, #tpu.memory_space<hbm>>
      tpu.enqueue_indirect_dma source(%dma_start3A_28 : memref<10240x128xf32, #tpu.memory_space<hbm>>) target(%arg7 : memref<80x128xf32, #tpu.memory_space<vmem>>) offsets(%dma_start3A_25 : memref<80xi32, #tpu.memory_space<vmem>>) semaphore(%arg11 : memref<!tpu.dma_semaphore, #tpu.memory_space<semaphore_mem>>)
      %dma_start3A_29 = arith.constant 1 : i32
      %dma_start3A_30 = arith.constant 0 : i32
      %dma_start3A_31 = tpu.memref_slice %arg6[%dma_start3A_29, %dma_start3A_30] : memref<12x80xi32, #tpu.memory_space<vmem>> -> memref<1x80xi32, #tpu.memory_space<vmem>>
      %dma_start3A_32 = tpu.memref_squeeze %dma_start3A_31 : memref<1x80xi32, #tpu.memory_space<vmem>> -> memref<80xi32, #tpu.memory_space<vmem>>
      %dma_start3A_33 = arith.constant 0 : i32
      %dma_start3A_34 = arith.constant 0 : i32
      %dma_start3A_35 = tpu.memref_slice %arg2[%dma_start3A_33, %dma_start3A_34] : memref<10240x128xf32, #tpu.memory_space<hbm>> -> memref<10240x128xf32, #tpu.memory_space<hbm>>
      tpu.enqueue_indirect_dma source(%dma_start3A_35 : memref<10240x128xf32, #tpu.memory_space<hbm>>) target(%arg8 : memref<80x128xf32, #tpu.memory_space<vmem>>) offsets(%dma_start3A_32 : memref<80xi32, #tpu.memory_space<vmem>>) semaphore(%arg12 : memref<!tpu.dma_semaphore, #tpu.memory_space<semaphore_mem>>)
      %dma_start3A_36 = arith.constant 2 : i32
      %dma_start3A_37 = arith.constant 0 : i32
      %dma_start3A_38 = tpu.memref_slice %arg6[%dma_start3A_36, %dma_start3A_37] : memref<12x80xi32, #tpu.memory_space<vmem>> -> memref<1x80xi32, #tpu.memory_space<vmem>>
      %dma_start3A_39 = tpu.memref_squeeze %dma_start3A_38 : memref<1x80xi32, #tpu.memory_space<vmem>> -> memref<80xi32, #tpu.memory_space<vmem>>
      %dma_start3A_40 = arith.constant 0 : i32
      %dma_start3A_41 = arith.constant 0 : i32
      %dma_start3A_42 = tpu.memref_slice %arg2[%dma_start3A_40, %dma_start3A_41] : memref<10240x128xf32, #tpu.memory_space<hbm>> -> memref<10240x128xf32, #tpu.memory_space<hbm>>
      tpu.enqueue_indirect_dma source(%dma_start3A_42 : memref<10240x128xf32, #tpu.memory_space<hbm>>) target(%arg9 : memref<80x128xf32, #tpu.memory_space<vmem>>) offsets(%dma_start3A_39 : memref<80xi32, #tpu.memory_space<vmem>>) semaphore(%arg13 : memref<!tpu.dma_semaphore, #tpu.memory_space<semaphore_mem>>)
      %dma_start3A_43 = arith.constant 3 : i32
      %dma_start3A_44 = arith.constant 0 : i32
      %dma_start3A_45 = tpu.memref_slice %arg6[%dma_start3A_43, %dma_start3A_44] : memref<12x80xi32, #tpu.memory_space<vmem>> -> memref<1x80xi32, #tpu.memory_space<vmem>>
      %dma_start3A_46 = tpu.memref_squeeze %dma_start3A_45 : memref<1x80xi32, #tpu.memory_space<vmem>> -> memref<80xi32, #tpu.memory_space<vmem>>
      %dma_start3A_47 = arith.constant 0 : i32
      %dma_start3A_48 = arith.constant 0 : i32
      %dma_start3A_49 = tpu.memref_slice %arg2[%dma_start3A_47, %dma_start3A_48] : memref<10240x128xf32, #tpu.memory_space<hbm>> -> memref<10240x128xf32, #tpu.memory_space<hbm>>
      tpu.enqueue_indirect_dma source(%dma_start3A_49 : memref<10240x128xf32, #tpu.memory_space<hbm>>) target(%arg10 : memref<80x128xf32, #tpu.memory_space<vmem>>) offsets(%dma_start3A_46 : memref<80xi32, #tpu.memory_space<vmem>>) semaphore(%arg14 : memref<!tpu.dma_semaphore, #tpu.memory_space<semaphore_mem>>)
      %dma_wait3A = arith.constant 0 : i32
      %dma_wait3A_50 = arith.constant 0 : i32
      %dma_wait3A_51 = tpu.memref_slice %arg6[%dma_wait3A, %dma_wait3A_50] : memref<12x80xi32, #tpu.memory_space<vmem>> -> memref<1x80xi32, #tpu.memory_space<vmem>>
      %dma_wait3A_52 = tpu.memref_squeeze %dma_wait3A_51 : memref<1x80xi32, #tpu.memory_space<vmem>> -> memref<80xi32, #tpu.memory_space<vmem>>
      %dma_wait3A_53 = arith.constant 0 : i32
      %dma_wait3A_54 = arith.constant 0 : i32
      %dma_wait3A_55 = tpu.memref_slice %arg2[%dma_wait3A_53, %dma_wait3A_54] : memref<10240x128xf32, #tpu.memory_space<hbm>> -> memref<10240x128xf32, #tpu.memory_space<hbm>>
      tpu.wait_indirect_dma semaphore(%arg11 : memref<!tpu.dma_semaphore, #tpu.memory_space<semaphore_mem>>) src(%dma_wait3A_55 : memref<10240x128xf32, #tpu.memory_space<hbm>>) dst(%arg7 : memref<80x128xf32, #tpu.memory_space<vmem>>)
      %scan3A_56 = arith.constant 0 : i32
      %scan3A_57 = arith.constant 40 : i32
      %scan3A_58 = arith.addi %scan3A_56, %scan3A_57 : i32
      %scan3A_59 = arith.constant 1 : i32
      scf.for %scan3A_153 = %scan3A_56 to %scan3A_58 step %scan3A_59  : i32 {
        %mul3A_154 = arith.constant 2 : i32
        %mul3A_155 = arith.muli %scan3A_153, %mul3A_154 : i32
        %add3A_156 = arith.constant 0 : i32
        %add3A_157 = arith.addi %add3A_156, %mul3A_155 : i32
        %broadcast_in_dim3A = arith.constant 8 : i32
        %broadcast_in_dim3A_158 = vector.broadcast %broadcast_in_dim3A : i32 to vector<16xi32>
        %add3A_159 = arith.constant 0 : i32
        %add3A_160 = arith.addi %add3A_157, %add3A_159 : i32
        %broadcast_in_dim3A_161 = vector.broadcast %add3A_160 : i32 to vector<16xi32>
        %gather3A = tpu.vector_load_idx %arg6[%broadcast_in_dim3A_158, %broadcast_in_dim3A_161] : memref<12x80xi32, #tpu.memory_space<vmem>>[vector<16xi32>, vector<16xi32>], vector<16xi32>,
        %bitcast3A = vector.bitcast %gather3A : vector<16xi32> to vector<16xf32>
        %add3A_162 = arith.constant 0 : i32
        %add3A_163 = arith.addi %add3A_157, %add3A_162 : i32
        %get3A = arith.index_cast %add3A_163 : i32 to index
        %get3A_164 = arith.constant 0 : index
        %get3A_165 = tpu.vector_load %arg7[%get3A, %get3A_164] {strides = array<i32>} : memref<80x128xf32, #tpu.memory_space<vmem>>, vector<16xf32>,
        %mul3A_166 = arith.mulf %get3A_165, %bitcast3A : vector<16xf32>
        %add3A_167 = arith.constant 0 : i32
        %add3A_168 = arith.addi %add3A_157, %add3A_167 : i32
        %swap3A = arith.index_cast %add3A_168 : i32 to index
        %swap3A_169 = arith.constant 0 : index
        %swap3A_170 = tpu.vector_load %arg7[%swap3A, %swap3A_169] {strides = array<i32>} : memref<80x128xf32, #tpu.memory_space<vmem>>, vector<16xf32>,
        tpu.vector_store %arg7[%swap3A, %swap3A_169], %mul3A_166 {strides = array<i32>} : memref<80x128xf32, #tpu.memory_space<vmem>>, vector<16xf32>,
        %add3A_171 = arith.constant 0 : i32
        %add3A_172 = arith.addi %add3A_157, %add3A_171 : i32
        %get3A_173 = arith.index_cast %add3A_172 : i32 to index
        %get3A_174 = arith.constant 16 : index
        %get3A_175 = tpu.vector_load %arg7[%get3A_173, %get3A_174] {strides = array<i32>} : memref<80x128xf32, #tpu.memory_space<vmem>>, vector<16xf32>,
        %mul3A_176 = arith.mulf %get3A_175, %bitcast3A : vector<16xf32>
        %add3A_177 = arith.constant 0 : i32
        %add3A_178 = arith.addi %add3A_157, %add3A_177 : i32
        %swap3A_179 = arith.index_cast %add3A_178 : i32 to index
        %swap3A_180 = arith.constant 16 : index
        %swap3A_181 = tpu.vector_load %arg7[%swap3A_179, %swap3A_180] {strides = array<i32>} : memref<80x128xf32, #tpu.memory_space<vmem>>, vector<16xf32>,
        tpu.vector_store %arg7[%swap3A_179, %swap3A_180], %mul3A_176 {strides = array<i32>} : memref<80x128xf32, #tpu.memory_space<vmem>>, vector<16xf32>,
        %add3A_182 = arith.constant 0 : i32
        %add3A_183 = arith.addi %add3A_157, %add3A_182 : i32
        %get3A_184 = arith.index_cast %add3A_183 : i32 to index
        %get3A_185 = arith.constant 32 : index
        %get3A_186 = tpu.vector_load %arg7[%get3A_184, %get3A_185] {strides = array<i32>} : memref<80x128xf32, #tpu.memory_space<vmem>>, vector<16xf32>,
        %mul3A_187 = arith.mulf %get3A_186, %bitcast3A : vector<16xf32>
        %add3A_188 = arith.constant 0 : i32
        %add3A_189 = arith.addi %add3A_157, %add3A_188 : i32
        %swap3A_190 = arith.index_cast %add3A_189 : i32 to index
        %swap3A_191 = arith.constant 32 : index
        %swap3A_192 = tpu.vector_load %arg7[%swap3A_190, %swap3A_191] {strides = array<i32>} : memref<80x128xf32, #tpu.memory_space<vmem>>, vector<16xf32>,
        tpu.vector_store %arg7[%swap3A_190, %swap3A_191], %mul3A_187 {strides = array<i32>} : memref<80x128xf32, #tpu.memory_space<vmem>>, vector<16xf32>,
        %add3A_193 = arith.constant 0 : i32
        %add3A_194 = arith.addi %add3A_157, %add3A_193 : i32
        %get3A_195 = arith.index_cast %add3A_194 : i32 to index
        %get3A_196 = arith.constant 48 : index
        %get3A_197 = tpu.vector_load %arg7[%get3A_195, %get3A_196] {strides = array<i32>} : memref<80x128xf32, #tpu.memory_space<vmem>>, vector<16xf32>,
        %mul3A_198 = arith.mulf %get3A_197, %bitcast3A : vector<16xf32>
        %add3A_199 = arith.constant 0 : i32
        %add3A_200 = arith.addi %add3A_157, %add3A_199 : i32
        %swap3A_201 = arith.index_cast %add3A_200 : i32 to index
        %swap3A_202 = arith.constant 48 : index
        %swap3A_203 = tpu.vector_load %arg7[%swap3A_201, %swap3A_202] {strides = array<i32>} : memref<80x128xf32, #tpu.memory_space<vmem>>, vector<16xf32>,
        tpu.vector_store %arg7[%swap3A_201, %swap3A_202], %mul3A_198 {strides = array<i32>} : memref<80x128xf32, #tpu.memory_space<vmem>>, vector<16xf32>,
        %add3A_204 = arith.constant 0 : i32
        %add3A_205 = arith.addi %add3A_157, %add3A_204 : i32
        %get3A_206 = arith.index_cast %add3A_205 : i32 to index
        %get3A_207 = arith.constant 64 : index
        %get3A_208 = tpu.vector_load %arg7[%get3A_206, %get3A_207] {strides = array<i32>} : memref<80x128xf32, #tpu.memory_space<vmem>>, vector<16xf32>,
        %mul3A_209 = arith.mulf %get3A_208, %bitcast3A : vector<16xf32>
        %add3A_210 = arith.constant 0 : i32
        %add3A_211 = arith.addi %add3A_157, %add3A_210 : i32
        %swap3A_212 = arith.index_cast %add3A_211 : i32 to index
        %swap3A_213 = arith.constant 64 : index
        %swap3A_214 = tpu.vector_load %arg7[%swap3A_212, %swap3A_213] {strides = array<i32>} : memref<80x128xf32, #tpu.memory_space<vmem>>, vector<16xf32>,
        tpu.vector_store %arg7[%swap3A_212, %swap3A_213], %mul3A_209 {strides = array<i32>} : memref<80x128xf32, #tpu.memory_space<vmem>>, vector<16xf32>,
        %add3A_215 = arith.constant 0 : i32
        %add3A_216 = arith.addi %add3A_157, %add3A_215 : i32
        %get3A_217 = arith.index_cast %add3A_216 : i32 to index
        %get3A_218 = arith.constant 80 : index
        %get3A_219 = tpu.vector_load %arg7[%get3A_217, %get3A_218] {strides = array<i32>} : memref<80x128xf32, #tpu.memory_space<vmem>>, vector<16xf32>,
        %mul3A_220 = arith.mulf %get3A_219, %bitcast3A : vector<16xf32>
        %add3A_221 = arith.constant 0 : i32
        %add3A_222 = arith.addi %add3A_157, %add3A_221 : i32
        %swap3A_223 = arith.index_cast %add3A_222 : i32 to index
        %swap3A_224 = arith.constant 80 : index
        %swap3A_225 = tpu.vector_load %arg7[%swap3A_223, %swap3A_224] {strides = array<i32>} : memref<80x128xf32, #tpu.memory_space<vmem>>, vector<16xf32>,
        tpu.vector_store %arg7[%swap3A_223, %swap3A_224], %mul3A_220 {strides = array<i32>} : memref<80x128xf32, #tpu.memory_space<vmem>>, vector<16xf32>,
        %add3A_226 = arith.constant 0 : i32
        %add3A_227 = arith.addi %add3A_157, %add3A_226 : i32
        %get3A_228 = arith.index_cast %add3A_227 : i32 to index
        %get3A_229 = arith.constant 96 : index
        %get3A_230 = tpu.vector_load %arg7[%get3A_228, %get3A_229] {strides = array<i32>} : memref<80x128xf32, #tpu.memory_space<vmem>>, vector<16xf32>,
        %mul3A_231 = arith.mulf %get3A_230, %bitcast3A : vector<16xf32>
        %add3A_232 = arith.constant 0 : i32
        %add3A_233 = arith.addi %add3A_157, %add3A_232 : i32
        %swap3A_234 = arith.index_cast %add3A_233 : i32 to index
        %swap3A_235 = arith.constant 96 : index
        %swap3A_236 = tpu.vector_load %arg7[%swap3A_234, %swap3A_235] {strides = array<i32>} : memref<80x128xf32, #tpu.memory_space<vmem>>, vector<16xf32>,
        tpu.vector_store %arg7[%swap3A_234, %swap3A_235], %mul3A_231 {strides = array<i32>} : memref<80x128xf32, #tpu.memory_space<vmem>>, vector<16xf32>,
        %add3A_237 = arith.constant 0 : i32
        %add3A_238 = arith.addi %add3A_157, %add3A_237 : i32
        %get3A_239 = arith.index_cast %add3A_238 : i32 to index
        %get3A_240 = arith.constant 112 : index
        %get3A_241 = tpu.vector_load %arg7[%get3A_239, %get3A_240] {strides = array<i32>} : memref<80x128xf32, #tpu.memory_space<vmem>>, vector<16xf32>,
        %mul3A_242 = arith.mulf %get3A_241, %bitcast3A : vector<16xf32>
        %add3A_243 = arith.constant 0 : i32
        %add3A_244 = arith.addi %add3A_157, %add3A_243 : i32
        %swap3A_245 = arith.index_cast %add3A_244 : i32 to index
        %swap3A_246 = arith.constant 112 : index
        %swap3A_247 = tpu.vector_load %arg7[%swap3A_245, %swap3A_246] {strides = array<i32>} : memref<80x128xf32, #tpu.memory_space<vmem>>, vector<16xf32>,
        tpu.vector_store %arg7[%swap3A_245, %swap3A_246], %mul3A_242 {strides = array<i32>} : memref<80x128xf32, #tpu.memory_space<vmem>>, vector<16xf32>,
        %broadcast_in_dim3A_248 = arith.constant 8 : i32
        %broadcast_in_dim3A_249 = vector.broadcast %broadcast_in_dim3A_248 : i32 to vector<16xi32>
        %add3A_250 = arith.constant 1 : i32
        %add3A_251 = arith.addi %add3A_157, %add3A_250 : i32
        %broadcast_in_dim3A_252 = vector.broadcast %add3A_251 : i32 to vector<16xi32>
        %gather3A_253 = tpu.vector_load_idx %arg6[%broadcast_in_dim3A_249, %broadcast_in_dim3A_252] : memref<12x80xi32, #tpu.memory_space<vmem>>[vector<16xi32>, vector<16xi32>], vector<16xi32>,
        %bitcast3A_254 = vector.bitcast %gather3A_253 : vector<16xi32> to vector<16xf32>
        %add3A_255 = arith.constant 1 : i32
        %add3A_256 = arith.addi %add3A_157, %add3A_255 : i32
        %get3A_257 = arith.index_cast %add3A_256 : i32 to index
        %get3A_258 = arith.constant 0 : index
        %get3A_259 = tpu.vector_load %arg7[%get3A_257, %get3A_258] {strides = array<i32>} : memref<80x128xf32, #tpu.memory_space<vmem>>, vector<16xf32>,
        %mul3A_260 = arith.mulf %get3A_259, %bitcast3A_254 : vector<16xf32>
        %add3A_261 = arith.constant 1 : i32
        %add3A_262 = arith.addi %add3A_157, %add3A_261 : i32
        %swap3A_263 = arith.index_cast %add3A_262 : i32 to index
        %swap3A_264 = arith.constant 0 : index
        %swap3A_265 = tpu.vector_load %arg7[%swap3A_263, %swap3A_264] {strides = array<i32>} : memref<80x128xf32, #tpu.memory_space<vmem>>, vector<16xf32>,
        tpu.vector_store %arg7[%swap3A_263, %swap3A_264], %mul3A_260 {strides = array<i32>} : memref<80x128xf32, #tpu.memory_space<vmem>>, vector<16xf32>,
        %add3A_266 = arith.constant 1 : i32
        %add3A_267 = arith.addi %add3A_157, %add3A_266 : i32
        %get3A_268 = arith.index_cast %add3A_267 : i32 to index
        %get3A_269 = arith.constant 16 : index
        %get3A_270 = tpu.vector_load %arg7[%get3A_268, %get3A_269] {strides = array<i32>} : memref<80x128xf32, #tpu.memory_space<vmem>>, vector<16xf32>,
        %mul3A_271 = arith.mulf %get3A_270, %bitcast3A_254 : vector<16xf32>
        %add3A_272 = arith.constant 1 : i32
        %add3A_273 = arith.addi %add3A_157, %add3A_272 : i32
        %swap3A_274 = arith.index_cast %add3A_273 : i32 to index
        %swap3A_275 = arith.constant 16 : index
        %swap3A_276 = tpu.vector_load %arg7[%swap3A_274, %swap3A_275] {strides = array<i32>} : memref<80x128xf32, #tpu.memory_space<vmem>>, vector<16xf32>,
        tpu.vector_store %arg7[%swap3A_274, %swap3A_275], %mul3A_271 {strides = array<i32>} : memref<80x128xf32, #tpu.memory_space<vmem>>, vector<16xf32>,
        %add3A_277 = arith.constant 1 : i32
        %add3A_278 = arith.addi %add3A_157, %add3A_277 : i32
        %get3A_279 = arith.index_cast %add3A_278 : i32 to index
        %get3A_280 = arith.constant 32 : index
        %get3A_281 = tpu.vector_load %arg7[%get3A_279, %get3A_280] {strides = array<i32>} : memref<80x128xf32, #tpu.memory_space<vmem>>, vector<16xf32>,
        %mul3A_282 = arith.mulf %get3A_281, %bitcast3A_254 : vector<16xf32>
        %add3A_283 = arith.constant 1 : i32
        %add3A_284 = arith.addi %add3A_157, %add3A_283 : i32
        %swap3A_285 = arith.index_cast %add3A_284 : i32 to index
        %swap3A_286 = arith.constant 32 : index
        %swap3A_287 = tpu.vector_load %arg7[%swap3A_285, %swap3A_286] {strides = array<i32>} : memref<80x128xf32, #tpu.memory_space<vmem>>, vector<16xf32>,
        tpu.vector_store %arg7[%swap3A_285, %swap3A_286], %mul3A_282 {strides = array<i32>} : memref<80x128xf32, #tpu.memory_space<vmem>>, vector<16xf32>,
        %add3A_288 = arith.constant 1 : i32
        %add3A_289 = arith.addi %add3A_157, %add3A_288 : i32
        %get3A_290 = arith.index_cast %add3A_289 : i32 to index
        %get3A_291 = arith.constant 48 : index
        %get3A_292 = tpu.vector_load %arg7[%get3A_290, %get3A_291] {strides = array<i32>} : memref<80x128xf32, #tpu.memory_space<vmem>>, vector<16xf32>,
        %mul3A_293 = arith.mulf %get3A_292, %bitcast3A_254 : vector<16xf32>
        %add3A_294 = arith.constant 1 : i32
        %add3A_295 = arith.addi %add3A_157, %add3A_294 : i32
        %swap3A_296 = arith.index_cast %add3A_295 : i32 to index
        %swap3A_297 = arith.constant 48 : index
        %swap3A_298 = tpu.vector_load %arg7[%swap3A_296, %swap3A_297] {strides = array<i32>} : memref<80x128xf32, #tpu.memory_space<vmem>>, vector<16xf32>,
        tpu.vector_store %arg7[%swap3A_296, %swap3A_297], %mul3A_293 {strides = array<i32>} : memref<80x128xf32, #tpu.memory_space<vmem>>, vector<16xf32>,
        %add3A_299 = arith.constant 1 : i32
        %add3A_300 = arith.addi %add3A_157, %add3A_299 : i32
        %get3A_301 = arith.index_cast %add3A_300 : i32 to index
        %get3A_302 = arith.constant 64 : index
        %get3A_303 = tpu.vector_load %arg7[%get3A_301, %get3A_302] {strides = array<i32>} : memref<80x128xf32, #tpu.memory_space<vmem>>, vector<16xf32>,
        %mul3A_304 = arith.mulf %get3A_303, %bitcast3A_254 : vector<16xf32>
        %add3A_305 = arith.constant 1 : i32
        %add3A_306 = arith.addi %add3A_157, %add3A_305 : i32
        %swap3A_307 = arith.index_cast %add3A_306 : i32 to index
        %swap3A_308 = arith.constant 64 : index
        %swap3A_309 = tpu.vector_load %arg7[%swap3A_307, %swap3A_308] {strides = array<i32>} : memref<80x128xf32, #tpu.memory_space<vmem>>, vector<16xf32>,
        tpu.vector_store %arg7[%swap3A_307, %swap3A_308], %mul3A_304 {strides = array<i32>} : memref<80x128xf32, #tpu.memory_space<vmem>>, vector<16xf32>,
        %add3A_310 = arith.constant 1 : i32
        %add3A_311 = arith.addi %add3A_157, %add3A_310 : i32
        %get3A_312 = arith.index_cast %add3A_311 : i32 to index
        %get3A_313 = arith.constant 80 : index
        %get3A_314 = tpu.vector_load %arg7[%get3A_312, %get3A_313] {strides = array<i32>} : memref<80x128xf32, #tpu.memory_space<vmem>>, vector<16xf32>,
        %mul3A_315 = arith.mulf %get3A_314, %bitcast3A_254 : vector<16xf32>
        %add3A_316 = arith.constant 1 : i32
        %add3A_317 = arith.addi %add3A_157, %add3A_316 : i32
        %swap3A_318 = arith.index_cast %add3A_317 : i32 to index
        %swap3A_319 = arith.constant 80 : index
        %swap3A_320 = tpu.vector_load %arg7[%swap3A_318, %swap3A_319] {strides = array<i32>} : memref<80x128xf32, #tpu.memory_space<vmem>>, vector<16xf32>,
        tpu.vector_store %arg7[%swap3A_318, %swap3A_319], %mul3A_315 {strides = array<i32>} : memref<80x128xf32, #tpu.memory_space<vmem>>, vector<16xf32>,
        %add3A_321 = arith.constant 1 : i32
        %add3A_322 = arith.addi %add3A_157, %add3A_321 : i32
        %get3A_323 = arith.index_cast %add3A_322 : i32 to index
        %get3A_324 = arith.constant 96 : index
        %get3A_325 = tpu.vector_load %arg7[%get3A_323, %get3A_324] {strides = array<i32>} : memref<80x128xf32, #tpu.memory_space<vmem>>, vector<16xf32>,
        %mul3A_326 = arith.mulf %get3A_325, %bitcast3A_254 : vector<16xf32>
        %add3A_327 = arith.constant 1 : i32
        %add3A_328 = arith.addi %add3A_157, %add3A_327 : i32
        %swap3A_329 = arith.index_cast %add3A_328 : i32 to index
        %swap3A_330 = arith.constant 96 : index
        %swap3A_331 = tpu.vector_load %arg7[%swap3A_329, %swap3A_330] {strides = array<i32>} : memref<80x128xf32, #tpu.memory_space<vmem>>, vector<16xf32>,
        tpu.vector_store %arg7[%swap3A_329, %swap3A_330], %mul3A_326 {strides = array<i32>} : memref<80x128xf32, #tpu.memory_space<vmem>>, vector<16xf32>,
        %add3A_332 = arith.constant 1 : i32
        %add3A_333 = arith.addi %add3A_157, %add3A_332 : i32
        %get3A_334 = arith.index_cast %add3A_333 : i32 to index
        %get3A_335 = arith.constant 112 : index
        %get3A_336 = tpu.vector_load %arg7[%get3A_334, %get3A_335] {strides = array<i32>} : memref<80x128xf32, #tpu.memory_space<vmem>>, vector<16xf32>,
        %mul3A_337 = arith.mulf %get3A_336, %bitcast3A_254 : vector<16xf32>
        %add3A_338 = arith.constant 1 : i32
        %add3A_339 = arith.addi %add3A_157, %add3A_338 : i32
        %swap3A_340 = arith.index_cast %add3A_339 : i32 to index
        %swap3A_341 = arith.constant 112 : index
        %swap3A_342 = tpu.vector_load %arg7[%swap3A_340, %swap3A_341] {strides = array<i32>} : memref<80x128xf32, #tpu.memory_space<vmem>>, vector<16xf32>,
        tpu.vector_store %arg7[%swap3A_340, %swap3A_341], %mul3A_337 {strides = array<i32>} : memref<80x128xf32, #tpu.memory_space<vmem>>, vector<16xf32>,
      }
      %scan3A_60 = arith.constant 40 : i32
      %dma_start3A_61 = arith.constant 4 : i32
      %dma_start3A_62 = arith.constant 0 : i32
      %dma_start3A_63 = tpu.memref_slice %arg6[%dma_start3A_61, %dma_start3A_62] : memref<12x80xi32, #tpu.memory_space<vmem>> -> memref<1x80xi32, #tpu.memory_space<vmem>>
      %dma_start3A_64 = tpu.memref_squeeze %dma_start3A_63 : memref<1x80xi32, #tpu.memory_space<vmem>> -> memref<80xi32, #tpu.memory_space<vmem>>
      %dma_start3A_65 = arith.constant 0 : i32
      %dma_start3A_66 = arith.constant 0 : i32
      %dma_start3A_67 = tpu.memref_slice %arg5[%dma_start3A_65, %dma_start3A_66] : memref<10240x128xf32, #tpu.memory_space<vmem_shared>> -> memref<10240x128xf32, #tpu.memory_space<vmem_shared>>
      tpu.enqueue_indirect_dma source(%arg7 : memref<80x128xf32, #tpu.memory_space<vmem>>) target(%dma_start3A_67 : memref<10240x128xf32, #tpu.memory_space<vmem_shared>>) offsets(%dma_start3A_64 : memref<80xi32, #tpu.memory_space<vmem>>) semaphore(%arg15 : memref<!tpu.dma_semaphore, #tpu.memory_space<semaphore_mem>>) {add = true}
      %dma_wait3A_68 = arith.constant 1 : i32
      %dma_wait3A_69 = arith.constant 0 : i32
      %dma_wait3A_70 = tpu.memref_slice %arg6[%dma_wait3A_68, %dma_wait3A_69] : memref<12x80xi32, #tpu.memory_space<vmem>> -> memref<1x80xi32, #tpu.memory_space<vmem>>
      %dma_wait3A_71 = tpu.memref_squeeze %dma_wait3A_70 : memref<1x80xi32, #tpu.memory_space<vmem>> -> memref<80xi32, #tpu.memory_space<vmem>>
      %dma_wait3A_72 = arith.constant 0 : i32
      %dma_wait3A_73 = arith.constant 0 : i32
      %dma_wait3A_74 = tpu.memref_slice %arg2[%dma_wait3A_72, %dma_wait3A_73] : memref<10240x128xf32, #tpu.memory_space<hbm>> -> memref<10240x128xf32, #tpu.memory_space<hbm>>
      tpu.wait_indirect_dma semaphore(%arg12 : memref<!tpu.dma_semaphore, #tpu.memory_space<semaphore_mem>>) src(%dma_wait3A_74 : memref<10240x128xf32, #tpu.memory_space<hbm>>) dst(%arg8 : memref<80x128xf32, #tpu.memory_space<vmem>>)
      %scan3A_75 = arith.constant 0 : i32
      %scan3A_76 = arith.constant 40 : i32
      %scan3A_77 = arith.addi %scan3A_75, %scan3A_76 : i32
      %scan3A_78 = arith.constant 1 : i32
      scf.for %scan3A_153 = %scan3A_75 to %scan3A_77 step %scan3A_78  : i32 {
        %mul3A_154 = arith.constant 2 : i32
        %mul3A_155 = arith.muli %scan3A_153, %mul3A_154 : i32
        %add3A_156 = arith.constant 0 : i32
        %add3A_157 = arith.addi %add3A_156, %mul3A_155 : i32
        %broadcast_in_dim3A = arith.constant 9 : i32
        %broadcast_in_dim3A_158 = vector.broadcast %broadcast_in_dim3A : i32 to vector<16xi32>
        %add3A_159 = arith.constant 0 : i32
        %add3A_160 = arith.addi %add3A_157, %add3A_159 : i32
        %broadcast_in_dim3A_161 = vector.broadcast %add3A_160 : i32 to vector<16xi32>
        %gather3A = tpu.vector_load_idx %arg6[%broadcast_in_dim3A_158, %broadcast_in_dim3A_161] : memref<12x80xi32, #tpu.memory_space<vmem>>[vector<16xi32>, vector<16xi32>], vector<16xi32>,
        %bitcast3A = vector.bitcast %gather3A : vector<16xi32> to vector<16xf32>
        %add3A_162 = arith.constant 0 : i32
        %add3A_163 = arith.addi %add3A_157, %add3A_162 : i32
        %get3A = arith.index_cast %add3A_163 : i32 to index
        %get3A_164 = arith.constant 0 : index
        %get3A_165 = tpu.vector_load %arg8[%get3A, %get3A_164] {strides = array<i32>} : memref<80x128xf32, #tpu.memory_space<vmem>>, vector<16xf32>,
        %mul3A_166 = arith.mulf %get3A_165, %bitcast3A : vector<16xf32>
        %add3A_167 = arith.constant 0 : i32
        %add3A_168 = arith.addi %add3A_157, %add3A_167 : i32
        %swap3A = arith.index_cast %add3A_168 : i32 to index
        %swap3A_169 = arith.constant 0 : index
        %swap3A_170 = tpu.vector_load %arg8[%swap3A, %swap3A_169] {strides = array<i32>} : memref<80x128xf32, #tpu.memory_space<vmem>>, vector<16xf32>,
        tpu.vector_store %arg8[%swap3A, %swap3A_169], %mul3A_166 {strides = array<i32>} : memref<80x128xf32, #tpu.memory_space<vmem>>, vector<16xf32>,
        %add3A_171 = arith.constant 0 : i32
        %add3A_172 = arith.addi %add3A_157, %add3A_171 : i32
        %get3A_173 = arith.index_cast %add3A_172 : i32 to index
        %get3A_174 = arith.constant 16 : index
        %get3A_175 = tpu.vector_load %arg8[%get3A_173, %get3A_174] {strides = array<i32>} : memref<80x128xf32, #tpu.memory_space<vmem>>, vector<16xf32>,
        %mul3A_176 = arith.mulf %get3A_175, %bitcast3A : vector<16xf32>
        %add3A_177 = arith.constant 0 : i32
        %add3A_178 = arith.addi %add3A_157, %add3A_177 : i32
        %swap3A_179 = arith.index_cast %add3A_178 : i32 to index
        %swap3A_180 = arith.constant 16 : index
        %swap3A_181 = tpu.vector_load %arg8[%swap3A_179, %swap3A_180] {strides = array<i32>} : memref<80x128xf32, #tpu.memory_space<vmem>>, vector<16xf32>,
        tpu.vector_store %arg8[%swap3A_179, %swap3A_180], %mul3A_176 {strides = array<i32>} : memref<80x128xf32, #tpu.memory_space<vmem>>, vector<16xf32>,
        %add3A_182 = arith.constant 0 : i32
        %add3A_183 = arith.addi %add3A_157, %add3A_182 : i32
        %get3A_184 = arith.index_cast %add3A_183 : i32 to index
        %get3A_185 = arith.constant 32 : index
        %get3A_186 = tpu.vector_load %arg8[%get3A_184, %get3A_185] {strides = array<i32>} : memref<80x128xf32, #tpu.memory_space<vmem>>, vector<16xf32>,
        %mul3A_187 = arith.mulf %get3A_186, %bitcast3A : vector<16xf32>
        %add3A_188 = arith.constant 0 : i32
        %add3A_189 = arith.addi %add3A_157, %add3A_188 : i32
        %swap3A_190 = arith.index_cast %add3A_189 : i32 to index
        %swap3A_191 = arith.constant 32 : index
        %swap3A_192 = tpu.vector_load %arg8[%swap3A_190, %swap3A_191] {strides = array<i32>} : memref<80x128xf32, #tpu.memory_space<vmem>>, vector<16xf32>,
        tpu.vector_store %arg8[%swap3A_190, %swap3A_191], %mul3A_187 {strides = array<i32>} : memref<80x128xf32, #tpu.memory_space<vmem>>, vector<16xf32>,
        %add3A_193 = arith.constant 0 : i32
        %add3A_194 = arith.addi %add3A_157, %add3A_193 : i32
        %get3A_195 = arith.index_cast %add3A_194 : i32 to index
        %get3A_196 = arith.constant 48 : index
        %get3A_197 = tpu.vector_load %arg8[%get3A_195, %get3A_196] {strides = array<i32>} : memref<80x128xf32, #tpu.memory_space<vmem>>, vector<16xf32>,
        %mul3A_198 = arith.mulf %get3A_197, %bitcast3A : vector<16xf32>
        %add3A_199 = arith.constant 0 : i32
        %add3A_200 = arith.addi %add3A_157, %add3A_199 : i32
        %swap3A_201 = arith.index_cast %add3A_200 : i32 to index
        %swap3A_202 = arith.constant 48 : index
        %swap3A_203 = tpu.vector_load %arg8[%swap3A_201, %swap3A_202] {strides = array<i32>} : memref<80x128xf32, #tpu.memory_space<vmem>>, vector<16xf32>,
        tpu.vector_store %arg8[%swap3A_201, %swap3A_202], %mul3A_198 {strides = array<i32>} : memref<80x128xf32, #tpu.memory_space<vmem>>, vector<16xf32>,
        %add3A_204 = arith.constant 0 : i32
        %add3A_205 = arith.addi %add3A_157, %add3A_204 : i32
        %get3A_206 = arith.index_cast %add3A_205 : i32 to index
        %get3A_207 = arith.constant 64 : index
        %get3A_208 = tpu.vector_load %arg8[%get3A_206, %get3A_207] {strides = array<i32>} : memref<80x128xf32, #tpu.memory_space<vmem>>, vector<16xf32>,
        %mul3A_209 = arith.mulf %get3A_208, %bitcast3A : vector<16xf32>
        %add3A_210 = arith.constant 0 : i32
        %add3A_211 = arith.addi %add3A_157, %add3A_210 : i32
        %swap3A_212 = arith.index_cast %add3A_211 : i32 to index
        %swap3A_213 = arith.constant 64 : index
        %swap3A_214 = tpu.vector_load %arg8[%swap3A_212, %swap3A_213] {strides = array<i32>} : memref<80x128xf32, #tpu.memory_space<vmem>>, vector<16xf32>,
        tpu.vector_store %arg8[%swap3A_212, %swap3A_213], %mul3A_209 {strides = array<i32>} : memref<80x128xf32, #tpu.memory_space<vmem>>, vector<16xf32>,
        %add3A_215 = arith.constant 0 : i32
        %add3A_216 = arith.addi %add3A_157, %add3A_215 : i32
        %get3A_217 = arith.index_cast %add3A_216 : i32 to index
        %get3A_218 = arith.constant 80 : index
        %get3A_219 = tpu.vector_load %arg8[%get3A_217, %get3A_218] {strides = array<i32>} : memref<80x128xf32, #tpu.memory_space<vmem>>, vector<16xf32>,
        %mul3A_220 = arith.mulf %get3A_219, %bitcast3A : vector<16xf32>
        %add3A_221 = arith.constant 0 : i32
        %add3A_222 = arith.addi %add3A_157, %add3A_221 : i32
        %swap3A_223 = arith.index_cast %add3A_222 : i32 to index
        %swap3A_224 = arith.constant 80 : index
        %swap3A_225 = tpu.vector_load %arg8[%swap3A_223, %swap3A_224] {strides = array<i32>} : memref<80x128xf32, #tpu.memory_space<vmem>>, vector<16xf32>,
        tpu.vector_store %arg8[%swap3A_223, %swap3A_224], %mul3A_220 {strides = array<i32>} : memref<80x128xf32, #tpu.memory_space<vmem>>, vector<16xf32>,
        %add3A_226 = arith.constant 0 : i32
        %add3A_227 = arith.addi %add3A_157, %add3A_226 : i32
        %get3A_228 = arith.index_cast %add3A_227 : i32 to index
        %get3A_229 = arith.constant 96 : index
        %get3A_230 = tpu.vector_load %arg8[%get3A_228, %get3A_229] {strides = array<i32>} : memref<80x128xf32, #tpu.memory_space<vmem>>, vector<16xf32>,
        %mul3A_231 = arith.mulf %get3A_230, %bitcast3A : vector<16xf32>
        %add3A_232 = arith.constant 0 : i32
        %add3A_233 = arith.addi %add3A_157, %add3A_232 : i32
        %swap3A_234 = arith.index_cast %add3A_233 : i32 to index
        %swap3A_235 = arith.constant 96 : index
        %swap3A_236 = tpu.vector_load %arg8[%swap3A_234, %swap3A_235] {strides = array<i32>} : memref<80x128xf32, #tpu.memory_space<vmem>>, vector<16xf32>,
        tpu.vector_store %arg8[%swap3A_234, %swap3A_235], %mul3A_231 {strides = array<i32>} : memref<80x128xf32, #tpu.memory_space<vmem>>, vector<16xf32>,
        %add3A_237 = arith.constant 0 : i32
        %add3A_238 = arith.addi %add3A_157, %add3A_237 : i32
        %get3A_239 = arith.index_cast %add3A_238 : i32 to index
        %get3A_240 = arith.constant 112 : index
        %get3A_241 = tpu.vector_load %arg8[%get3A_239, %get3A_240] {strides = array<i32>} : memref<80x128xf32, #tpu.memory_space<vmem>>, vector<16xf32>,
        %mul3A_242 = arith.mulf %get3A_241, %bitcast3A : vector<16xf32>
        %add3A_243 = arith.constant 0 : i32
        %add3A_244 = arith.addi %add3A_157, %add3A_243 : i32
        %swap3A_245 = arith.index_cast %add3A_244 : i32 to index
        %swap3A_246 = arith.constant 112 : index
        %swap3A_247 = tpu.vector_load %arg8[%swap3A_245, %swap3A_246] {strides = array<i32>} : memref<80x128xf32, #tpu.memory_space<vmem>>, vector<16xf32>,
        tpu.vector_store %arg8[%swap3A_245, %swap3A_246], %mul3A_242 {strides = array<i32>} : memref<80x128xf32, #tpu.memory_space<vmem>>, vector<16xf32>,
        %broadcast_in_dim3A_248 = arith.constant 9 : i32
        %broadcast_in_dim3A_249 = vector.broadcast %broadcast_in_dim3A_248 : i32 to vector<16xi32>
        %add3A_250 = arith.constant 1 : i32
        %add3A_251 = arith.addi %add3A_157, %add3A_250 : i32
        %broadcast_in_dim3A_252 = vector.broadcast %add3A_251 : i32 to vector<16xi32>
        %gather3A_253 = tpu.vector_load_idx %arg6[%broadcast_in_dim3A_249, %broadcast_in_dim3A_252] : memref<12x80xi32, #tpu.memory_space<vmem>>[vector<16xi32>, vector<16xi32>], vector<16xi32>,
        %bitcast3A_254 = vector.bitcast %gather3A_253 : vector<16xi32> to vector<16xf32>
        %add3A_255 = arith.constant 1 : i32
        %add3A_256 = arith.addi %add3A_157, %add3A_255 : i32
        %get3A_257 = arith.index_cast %add3A_256 : i32 to index
        %get3A_258 = arith.constant 0 : index
        %get3A_259 = tpu.vector_load %arg8[%get3A_257, %get3A_258] {strides = array<i32>} : memref<80x128xf32, #tpu.memory_space<vmem>>, vector<16xf32>,
        %mul3A_260 = arith.mulf %get3A_259, %bitcast3A_254 : vector<16xf32>
        %add3A_261 = arith.constant 1 : i32
        %add3A_262 = arith.addi %add3A_157, %add3A_261 : i32
        %swap3A_263 = arith.index_cast %add3A_262 : i32 to index
        %swap3A_264 = arith.constant 0 : index
        %swap3A_265 = tpu.vector_load %arg8[%swap3A_263, %swap3A_264] {strides = array<i32>} : memref<80x128xf32, #tpu.memory_space<vmem>>, vector<16xf32>,
        tpu.vector_store %arg8[%swap3A_263, %swap3A_264], %mul3A_260 {strides = array<i32>} : memref<80x128xf32, #tpu.memory_space<vmem>>, vector<16xf32>,
        %add3A_266 = arith.constant 1 : i32
        %add3A_267 = arith.addi %add3A_157, %add3A_266 : i32
        %get3A_268 = arith.index_cast %add3A_267 : i32 to index
        %get3A_269 = arith.constant 16 : index
        %get3A_270 = tpu.vector_load %arg8[%get3A_268, %get3A_269] {strides = array<i32>} : memref<80x128xf32, #tpu.memory_space<vmem>>, vector<16xf32>,
        %mul3A_271 = arith.mulf %get3A_270, %bitcast3A_254 : vector<16xf32>
        %add3A_272 = arith.constant 1 : i32
        %add3A_273 = arith.addi %add3A_157, %add3A_272 : i32
        %swap3A_274 = arith.index_cast %add3A_273 : i32 to index
        %swap3A_275 = arith.constant 16 : index
        %swap3A_276 = tpu.vector_load %arg8[%swap3A_274, %swap3A_275] {strides = array<i32>} : memref<80x128xf32, #tpu.memory_space<vmem>>, vector<16xf32>,
        tpu.vector_store %arg8[%swap3A_274, %swap3A_275], %mul3A_271 {strides = array<i32>} : memref<80x128xf32, #tpu.memory_space<vmem>>, vector<16xf32>,
        %add3A_277 = arith.constant 1 : i32
        %add3A_278 = arith.addi %add3A_157, %add3A_277 : i32
        %get3A_279 = arith.index_cast %add3A_278 : i32 to index
        %get3A_280 = arith.constant 32 : index
        %get3A_281 = tpu.vector_load %arg8[%get3A_279, %get3A_280] {strides = array<i32>} : memref<80x128xf32, #tpu.memory_space<vmem>>, vector<16xf32>,
        %mul3A_282 = arith.mulf %get3A_281, %bitcast3A_254 : vector<16xf32>
        %add3A_283 = arith.constant 1 : i32
        %add3A_284 = arith.addi %add3A_157, %add3A_283 : i32
        %swap3A_285 = arith.index_cast %add3A_284 : i32 to index
        %swap3A_286 = arith.constant 32 : index
        %swap3A_287 = tpu.vector_load %arg8[%swap3A_285, %swap3A_286] {strides = array<i32>} : memref<80x128xf32, #tpu.memory_space<vmem>>, vector<16xf32>,
        tpu.vector_store %arg8[%swap3A_285, %swap3A_286], %mul3A_282 {strides = array<i32>} : memref<80x128xf32, #tpu.memory_space<vmem>>, vector<16xf32>,
        %add3A_288 = arith.constant 1 : i32
        %add3A_289 = arith.addi %add3A_157, %add3A_288 : i32
        %get3A_290 = arith.index_cast %add3A_289 : i32 to index
        %get3A_291 = arith.constant 48 : index
        %get3A_292 = tpu.vector_load %arg8[%get3A_290, %get3A_291] {strides = array<i32>} : memref<80x128xf32, #tpu.memory_space<vmem>>, vector<16xf32>,
        %mul3A_293 = arith.mulf %get3A_292, %bitcast3A_254 : vector<16xf32>
        %add3A_294 = arith.constant 1 : i32
        %add3A_295 = arith.addi %add3A_157, %add3A_294 : i32
        %swap3A_296 = arith.index_cast %add3A_295 : i32 to index
        %swap3A_297 = arith.constant 48 : index
        %swap3A_298 = tpu.vector_load %arg8[%swap3A_296, %swap3A_297] {strides = array<i32>} : memref<80x128xf32, #tpu.memory_space<vmem>>, vector<16xf32>,
        tpu.vector_store %arg8[%swap3A_296, %swap3A_297], %mul3A_293 {strides = array<i32>} : memref<80x128xf32, #tpu.memory_space<vmem>>, vector<16xf32>,
        %add3A_299 = arith.constant 1 : i32
        %add3A_300 = arith.addi %add3A_157, %add3A_299 : i32
        %get3A_301 = arith.index_cast %add3A_300 : i32 to index
        %get3A_302 = arith.constant 64 : index
        %get3A_303 = tpu.vector_load %arg8[%get3A_301, %get3A_302] {strides = array<i32>} : memref<80x128xf32, #tpu.memory_space<vmem>>, vector<16xf32>,
        %mul3A_304 = arith.mulf %get3A_303, %bitcast3A_254 : vector<16xf32>
        %add3A_305 = arith.constant 1 : i32
        %add3A_306 = arith.addi %add3A_157, %add3A_305 : i32
        %swap3A_307 = arith.index_cast %add3A_306 : i32 to index
        %swap3A_308 = arith.constant 64 : index
        %swap3A_309 = tpu.vector_load %arg8[%swap3A_307, %swap3A_308] {strides = array<i32>} : memref<80x128xf32, #tpu.memory_space<vmem>>, vector<16xf32>,
        tpu.vector_store %arg8[%swap3A_307, %swap3A_308], %mul3A_304 {strides = array<i32>} : memref<80x128xf32, #tpu.memory_space<vmem>>, vector<16xf32>,
        %add3A_310 = arith.constant 1 : i32
        %add3A_311 = arith.addi %add3A_157, %add3A_310 : i32
        %get3A_312 = arith.index_cast %add3A_311 : i32 to index
        %get3A_313 = arith.constant 80 : index
        %get3A_314 = tpu.vector_load %arg8[%get3A_312, %get3A_313] {strides = array<i32>} : memref<80x128xf32, #tpu.memory_space<vmem>>, vector<16xf32>,
        %mul3A_315 = arith.mulf %get3A_314, %bitcast3A_254 : vector<16xf32>
        %add3A_316 = arith.constant 1 : i32
        %add3A_317 = arith.addi %add3A_157, %add3A_316 : i32
        %swap3A_318 = arith.index_cast %add3A_317 : i32 to index
        %swap3A_319 = arith.constant 80 : index
        %swap3A_320 = tpu.vector_load %arg8[%swap3A_318, %swap3A_319] {strides = array<i32>} : memref<80x128xf32, #tpu.memory_space<vmem>>, vector<16xf32>,
        tpu.vector_store %arg8[%swap3A_318, %swap3A_319], %mul3A_315 {strides = array<i32>} : memref<80x128xf32, #tpu.memory_space<vmem>>, vector<16xf32>,
        %add3A_321 = arith.constant 1 : i32
        %add3A_322 = arith.addi %add3A_157, %add3A_321 : i32
        %get3A_323 = arith.index_cast %add3A_322 : i32 to index
        %get3A_324 = arith.constant 96 : index
        %get3A_325 = tpu.vector_load %arg8[%get3A_323, %get3A_324] {strides = array<i32>} : memref<80x128xf32, #tpu.memory_space<vmem>>, vector<16xf32>,
        %mul3A_326 = arith.mulf %get3A_325, %bitcast3A_254 : vector<16xf32>
        %add3A_327 = arith.constant 1 : i32
        %add3A_328 = arith.addi %add3A_157, %add3A_327 : i32
        %swap3A_329 = arith.index_cast %add3A_328 : i32 to index
        %swap3A_330 = arith.constant 96 : index
        %swap3A_331 = tpu.vector_load %arg8[%swap3A_329, %swap3A_330] {strides = array<i32>} : memref<80x128xf32, #tpu.memory_space<vmem>>, vector<16xf32>,
        tpu.vector_store %arg8[%swap3A_329, %swap3A_330], %mul3A_326 {strides = array<i32>} : memref<80x128xf32, #tpu.memory_space<vmem>>, vector<16xf32>,
        %add3A_332 = arith.constant 1 : i32
        %add3A_333 = arith.addi %add3A_157, %add3A_332 : i32
        %get3A_334 = arith.index_cast %add3A_333 : i32 to index
        %get3A_335 = arith.constant 112 : index
        %get3A_336 = tpu.vector_load %arg8[%get3A_334, %get3A_335] {strides = array<i32>} : memref<80x128xf32, #tpu.memory_space<vmem>>, vector<16xf32>,
        %mul3A_337 = arith.mulf %get3A_336, %bitcast3A_254 : vector<16xf32>
        %add3A_338 = arith.constant 1 : i32
        %add3A_339 = arith.addi %add3A_157, %add3A_338 : i32
        %swap3A_340 = arith.index_cast %add3A_339 : i32 to index
        %swap3A_341 = arith.constant 112 : index
        %swap3A_342 = tpu.vector_load %arg8[%swap3A_340, %swap3A_341] {strides = array<i32>} : memref<80x128xf32, #tpu.memory_space<vmem>>, vector<16xf32>,
        tpu.vector_store %arg8[%swap3A_340, %swap3A_341], %mul3A_337 {strides = array<i32>} : memref<80x128xf32, #tpu.memory_space<vmem>>, vector<16xf32>,
      }
      %scan3A_79 = arith.constant 40 : i32
      %dma_start3A_80 = arith.constant 5 : i32
      %dma_start3A_81 = arith.constant 0 : i32
      %dma_start3A_82 = tpu.memref_slice %arg6[%dma_start3A_80, %dma_start3A_81] : memref<12x80xi32, #tpu.memory_space<vmem>> -> memref<1x80xi32, #tpu.memory_space<vmem>>
      %dma_start3A_83 = tpu.memref_squeeze %dma_start3A_82 : memref<1x80xi32, #tpu.memory_space<vmem>> -> memref<80xi32, #tpu.memory_space<vmem>>
      %dma_start3A_84 = arith.constant 0 : i32
      %dma_start3A_85 = arith.constant 0 : i32
      %dma_start3A_86 = tpu.memref_slice %arg5[%dma_start3A_84, %dma_start3A_85] : memref<10240x128xf32, #tpu.memory_space<vmem_shared>> -> memref<10240x128xf32, #tpu.memory_space<vmem_shared>>
      tpu.enqueue_indirect_dma source(%arg8 : memref<80x128xf32, #tpu.memory_space<vmem>>) target(%dma_start3A_86 : memref<10240x128xf32, #tpu.memory_space<vmem_shared>>) offsets(%dma_start3A_83 : memref<80xi32, #tpu.memory_space<vmem>>) semaphore(%arg16 : memref<!tpu.dma_semaphore, #tpu.memory_space<semaphore_mem>>) {add = true}
      %dma_wait3A_87 = arith.constant 2 : i32
      %dma_wait3A_88 = arith.constant 0 : i32
      %dma_wait3A_89 = tpu.memref_slice %arg6[%dma_wait3A_87, %dma_wait3A_88] : memref<12x80xi32, #tpu.memory_space<vmem>> -> memref<1x80xi32, #tpu.memory_space<vmem>>
      %dma_wait3A_90 = tpu.memref_squeeze %dma_wait3A_89 : memref<1x80xi32, #tpu.memory_space<vmem>> -> memref<80xi32, #tpu.memory_space<vmem>>
      %dma_wait3A_91 = arith.constant 0 : i32
      %dma_wait3A_92 = arith.constant 0 : i32
      %dma_wait3A_93 = tpu.memref_slice %arg2[%dma_wait3A_91, %dma_wait3A_92] : memref<10240x128xf32, #tpu.memory_space<hbm>> -> memref<10240x128xf32, #tpu.memory_space<hbm>>
      tpu.wait_indirect_dma semaphore(%arg13 : memref<!tpu.dma_semaphore, #tpu.memory_space<semaphore_mem>>) src(%dma_wait3A_93 : memref<10240x128xf32, #tpu.memory_space<hbm>>) dst(%arg9 : memref<80x128xf32, #tpu.memory_space<vmem>>)
      %scan3A_94 = arith.constant 0 : i32
      %scan3A_95 = arith.constant 40 : i32
      %scan3A_96 = arith.addi %scan3A_94, %scan3A_95 : i32
      %scan3A_97 = arith.constant 1 : i32
      scf.for %scan3A_153 = %scan3A_94 to %scan3A_96 step %scan3A_97  : i32 {
        %mul3A_154 = arith.constant 2 : i32
        %mul3A_155 = arith.muli %scan3A_153, %mul3A_154 : i32
        %add3A_156 = arith.constant 0 : i32
        %add3A_157 = arith.addi %add3A_156, %mul3A_155 : i32
        %broadcast_in_dim3A = arith.constant 10 : i32
        %broadcast_in_dim3A_158 = vector.broadcast %broadcast_in_dim3A : i32 to vector<16xi32>
        %add3A_159 = arith.constant 0 : i32
        %add3A_160 = arith.addi %add3A_157, %add3A_159 : i32
        %broadcast_in_dim3A_161 = vector.broadcast %add3A_160 : i32 to vector<16xi32>
        %gather3A = tpu.vector_load_idx %arg6[%broadcast_in_dim3A_158, %broadcast_in_dim3A_161] : memref<12x80xi32, #tpu.memory_space<vmem>>[vector<16xi32>, vector<16xi32>], vector<16xi32>,
        %bitcast3A = vector.bitcast %gather3A : vector<16xi32> to vector<16xf32>
        %add3A_162 = arith.constant 0 : i32
        %add3A_163 = arith.addi %add3A_157, %add3A_162 : i32
        %get3A = arith.index_cast %add3A_163 : i32 to index
        %get3A_164 = arith.constant 0 : index
        %get3A_165 = tpu.vector_load %arg9[%get3A, %get3A_164] {strides = array<i32>} : memref<80x128xf32, #tpu.memory_space<vmem>>, vector<16xf32>,
        %mul3A_166 = arith.mulf %get3A_165, %bitcast3A : vector<16xf32>
        %add3A_167 = arith.constant 0 : i32
        %add3A_168 = arith.addi %add3A_157, %add3A_167 : i32
        %swap3A = arith.index_cast %add3A_168 : i32 to index
        %swap3A_169 = arith.constant 0 : index
        %swap3A_170 = tpu.vector_load %arg9[%swap3A, %swap3A_169] {strides = array<i32>} : memref<80x128xf32, #tpu.memory_space<vmem>>, vector<16xf32>,
        tpu.vector_store %arg9[%swap3A, %swap3A_169], %mul3A_166 {strides = array<i32>} : memref<80x128xf32, #tpu.memory_space<vmem>>, vector<16xf32>,
        %add3A_171 = arith.constant 0 : i32
        %add3A_172 = arith.addi %add3A_157, %add3A_171 : i32
        %get3A_173 = arith.index_cast %add3A_172 : i32 to index
        %get3A_174 = arith.constant 16 : index
        %get3A_175 = tpu.vector_load %arg9[%get3A_173, %get3A_174] {strides = array<i32>} : memref<80x128xf32, #tpu.memory_space<vmem>>, vector<16xf32>,
        %mul3A_176 = arith.mulf %get3A_175, %bitcast3A : vector<16xf32>
        %add3A_177 = arith.constant 0 : i32
        %add3A_178 = arith.addi %add3A_157, %add3A_177 : i32
        %swap3A_179 = arith.index_cast %add3A_178 : i32 to index
        %swap3A_180 = arith.constant 16 : index
        %swap3A_181 = tpu.vector_load %arg9[%swap3A_179, %swap3A_180] {strides = array<i32>} : memref<80x128xf32, #tpu.memory_space<vmem>>, vector<16xf32>,
        tpu.vector_store %arg9[%swap3A_179, %swap3A_180], %mul3A_176 {strides = array<i32>} : memref<80x128xf32, #tpu.memory_space<vmem>>, vector<16xf32>,
        %add3A_182 = arith.constant 0 : i32
        %add3A_183 = arith.addi %add3A_157, %add3A_182 : i32
        %get3A_184 = arith.index_cast %add3A_183 : i32 to index
        %get3A_185 = arith.constant 32 : index
        %get3A_186 = tpu.vector_load %arg9[%get3A_184, %get3A_185] {strides = array<i32>} : memref<80x128xf32, #tpu.memory_space<vmem>>, vector<16xf32>,
        %mul3A_187 = arith.mulf %get3A_186, %bitcast3A : vector<16xf32>
        %add3A_188 = arith.constant 0 : i32
        %add3A_189 = arith.addi %add3A_157, %add3A_188 : i32
        %swap3A_190 = arith.index_cast %add3A_189 : i32 to index
        %swap3A_191 = arith.constant 32 : index
        %swap3A_192 = tpu.vector_load %arg9[%swap3A_190, %swap3A_191] {strides = array<i32>} : memref<80x128xf32, #tpu.memory_space<vmem>>, vector<16xf32>,
        tpu.vector_store %arg9[%swap3A_190, %swap3A_191], %mul3A_187 {strides = array<i32>} : memref<80x128xf32, #tpu.memory_space<vmem>>, vector<16xf32>,
        %add3A_193 = arith.constant 0 : i32
        %add3A_194 = arith.addi %add3A_157, %add3A_193 : i32
        %get3A_195 = arith.index_cast %add3A_194 : i32 to index
        %get3A_196 = arith.constant 48 : index
        %get3A_197 = tpu.vector_load %arg9[%get3A_195, %get3A_196] {strides = array<i32>} : memref<80x128xf32, #tpu.memory_space<vmem>>, vector<16xf32>,
        %mul3A_198 = arith.mulf %get3A_197, %bitcast3A : vector<16xf32>
        %add3A_199 = arith.constant 0 : i32
        %add3A_200 = arith.addi %add3A_157, %add3A_199 : i32
        %swap3A_201 = arith.index_cast %add3A_200 : i32 to index
        %swap3A_202 = arith.constant 48 : index
        %swap3A_203 = tpu.vector_load %arg9[%swap3A_201, %swap3A_202] {strides = array<i32>} : memref<80x128xf32, #tpu.memory_space<vmem>>, vector<16xf32>,
        tpu.vector_store %arg9[%swap3A_201, %swap3A_202], %mul3A_198 {strides = array<i32>} : memref<80x128xf32, #tpu.memory_space<vmem>>, vector<16xf32>,
        %add3A_204 = arith.constant 0 : i32
        %add3A_205 = arith.addi %add3A_157, %add3A_204 : i32
        %get3A_206 = arith.index_cast %add3A_205 : i32 to index
        %get3A_207 = arith.constant 64 : index
        %get3A_208 = tpu.vector_load %arg9[%get3A_206, %get3A_207] {strides = array<i32>} : memref<80x128xf32, #tpu.memory_space<vmem>>, vector<16xf32>,
        %mul3A_209 = arith.mulf %get3A_208, %bitcast3A : vector<16xf32>
        %add3A_210 = arith.constant 0 : i32
        %add3A_211 = arith.addi %add3A_157, %add3A_210 : i32
        %swap3A_212 = arith.index_cast %add3A_211 : i32 to index
        %swap3A_213 = arith.constant 64 : index
        %swap3A_214 = tpu.vector_load %arg9[%swap3A_212, %swap3A_213] {strides = array<i32>} : memref<80x128xf32, #tpu.memory_space<vmem>>, vector<16xf32>,
        tpu.vector_store %arg9[%swap3A_212, %swap3A_213], %mul3A_209 {strides = array<i32>} : memref<80x128xf32, #tpu.memory_space<vmem>>, vector<16xf32>,
        %add3A_215 = arith.constant 0 : i32
        %add3A_216 = arith.addi %add3A_157, %add3A_215 : i32
        %get3A_217 = arith.index_cast %add3A_216 : i32 to index
        %get3A_218 = arith.constant 80 : index
        %get3A_219 = tpu.vector_load %arg9[%get3A_217, %get3A_218] {strides = array<i32>} : memref<80x128xf32, #tpu.memory_space<vmem>>, vector<16xf32>,
        %mul3A_220 = arith.mulf %get3A_219, %bitcast3A : vector<16xf32>
        %add3A_221 = arith.constant 0 : i32
        %add3A_222 = arith.addi %add3A_157, %add3A_221 : i32
        %swap3A_223 = arith.index_cast %add3A_222 : i32 to index
        %swap3A_224 = arith.constant 80 : index
        %swap3A_225 = tpu.vector_load %arg9[%swap3A_223, %swap3A_224] {strides = array<i32>} : memref<80x128xf32, #tpu.memory_space<vmem>>, vector<16xf32>,
        tpu.vector_store %arg9[%swap3A_223, %swap3A_224], %mul3A_220 {strides = array<i32>} : memref<80x128xf32, #tpu.memory_space<vmem>>, vector<16xf32>,
        %add3A_226 = arith.constant 0 : i32
        %add3A_227 = arith.addi %add3A_157, %add3A_226 : i32
        %get3A_228 = arith.index_cast %add3A_227 : i32 to index
        %get3A_229 = arith.constant 96 : index
        %get3A_230 = tpu.vector_load %arg9[%get3A_228, %get3A_229] {strides = array<i32>} : memref<80x128xf32, #tpu.memory_space<vmem>>, vector<16xf32>,
        %mul3A_231 = arith.mulf %get3A_230, %bitcast3A : vector<16xf32>
        %add3A_232 = arith.constant 0 : i32
        %add3A_233 = arith.addi %add3A_157, %add3A_232 : i32
        %swap3A_234 = arith.index_cast %add3A_233 : i32 to index
        %swap3A_235 = arith.constant 96 : index
        %swap3A_236 = tpu.vector_load %arg9[%swap3A_234, %swap3A_235] {strides = array<i32>} : memref<80x128xf32, #tpu.memory_space<vmem>>, vector<16xf32>,
        tpu.vector_store %arg9[%swap3A_234, %swap3A_235], %mul3A_231 {strides = array<i32>} : memref<80x128xf32, #tpu.memory_space<vmem>>, vector<16xf32>,
        %add3A_237 = arith.constant 0 : i32
        %add3A_238 = arith.addi %add3A_157, %add3A_237 : i32
        %get3A_239 = arith.index_cast %add3A_238 : i32 to index
        %get3A_240 = arith.constant 112 : index
        %get3A_241 = tpu.vector_load %arg9[%get3A_239, %get3A_240] {strides = array<i32>} : memref<80x128xf32, #tpu.memory_space<vmem>>, vector<16xf32>,
        %mul3A_242 = arith.mulf %get3A_241, %bitcast3A : vector<16xf32>
        %add3A_243 = arith.constant 0 : i32
        %add3A_244 = arith.addi %add3A_157, %add3A_243 : i32
        %swap3A_245 = arith.index_cast %add3A_244 : i32 to index
        %swap3A_246 = arith.constant 112 : index
        %swap3A_247 = tpu.vector_load %arg9[%swap3A_245, %swap3A_246] {strides = array<i32>} : memref<80x128xf32, #tpu.memory_space<vmem>>, vector<16xf32>,
        tpu.vector_store %arg9[%swap3A_245, %swap3A_246], %mul3A_242 {strides = array<i32>} : memref<80x128xf32, #tpu.memory_space<vmem>>, vector<16xf32>,
        %broadcast_in_dim3A_248 = arith.constant 10 : i32
        %broadcast_in_dim3A_249 = vector.broadcast %broadcast_in_dim3A_248 : i32 to vector<16xi32>
        %add3A_250 = arith.constant 1 : i32
        %add3A_251 = arith.addi %add3A_157, %add3A_250 : i32
        %broadcast_in_dim3A_252 = vector.broadcast %add3A_251 : i32 to vector<16xi32>
        %gather3A_253 = tpu.vector_load_idx %arg6[%broadcast_in_dim3A_249, %broadcast_in_dim3A_252] : memref<12x80xi32, #tpu.memory_space<vmem>>[vector<16xi32>, vector<16xi32>], vector<16xi32>,
        %bitcast3A_254 = vector.bitcast %gather3A_253 : vector<16xi32> to vector<16xf32>
        %add3A_255 = arith.constant 1 : i32
        %add3A_256 = arith.addi %add3A_157, %add3A_255 : i32
        %get3A_257 = arith.index_cast %add3A_256 : i32 to index
        %get3A_258 = arith.constant 0 : index
        %get3A_259 = tpu.vector_load %arg9[%get3A_257, %get3A_258] {strides = array<i32>} : memref<80x128xf32, #tpu.memory_space<vmem>>, vector<16xf32>,
        %mul3A_260 = arith.mulf %get3A_259, %bitcast3A_254 : vector<16xf32>
        %add3A_261 = arith.constant 1 : i32
        %add3A_262 = arith.addi %add3A_157, %add3A_261 : i32
        %swap3A_263 = arith.index_cast %add3A_262 : i32 to index
        %swap3A_264 = arith.constant 0 : index
        %swap3A_265 = tpu.vector_load %arg9[%swap3A_263, %swap3A_264] {strides = array<i32>} : memref<80x128xf32, #tpu.memory_space<vmem>>, vector<16xf32>,
        tpu.vector_store %arg9[%swap3A_263, %swap3A_264], %mul3A_260 {strides = array<i32>} : memref<80x128xf32, #tpu.memory_space<vmem>>, vector<16xf32>,
        %add3A_266 = arith.constant 1 : i32
        %add3A_267 = arith.addi %add3A_157, %add3A_266 : i32
        %get3A_268 = arith.index_cast %add3A_267 : i32 to index
        %get3A_269 = arith.constant 16 : index
        %get3A_270 = tpu.vector_load %arg9[%get3A_268, %get3A_269] {strides = array<i32>} : memref<80x128xf32, #tpu.memory_space<vmem>>, vector<16xf32>,
        %mul3A_271 = arith.mulf %get3A_270, %bitcast3A_254 : vector<16xf32>
        %add3A_272 = arith.constant 1 : i32
        %add3A_273 = arith.addi %add3A_157, %add3A_272 : i32
        %swap3A_274 = arith.index_cast %add3A_273 : i32 to index
        %swap3A_275 = arith.constant 16 : index
        %swap3A_276 = tpu.vector_load %arg9[%swap3A_274, %swap3A_275] {strides = array<i32>} : memref<80x128xf32, #tpu.memory_space<vmem>>, vector<16xf32>,
        tpu.vector_store %arg9[%swap3A_274, %swap3A_275], %mul3A_271 {strides = array<i32>} : memref<80x128xf32, #tpu.memory_space<vmem>>, vector<16xf32>,
        %add3A_277 = arith.constant 1 : i32
        %add3A_278 = arith.addi %add3A_157, %add3A_277 : i32
        %get3A_279 = arith.index_cast %add3A_278 : i32 to index
        %get3A_280 = arith.constant 32 : index
        %get3A_281 = tpu.vector_load %arg9[%get3A_279, %get3A_280] {strides = array<i32>} : memref<80x128xf32, #tpu.memory_space<vmem>>, vector<16xf32>,
        %mul3A_282 = arith.mulf %get3A_281, %bitcast3A_254 : vector<16xf32>
        %add3A_283 = arith.constant 1 : i32
        %add3A_284 = arith.addi %add3A_157, %add3A_283 : i32
        %swap3A_285 = arith.index_cast %add3A_284 : i32 to index
        %swap3A_286 = arith.constant 32 : index
        %swap3A_287 = tpu.vector_load %arg9[%swap3A_285, %swap3A_286] {strides = array<i32>} : memref<80x128xf32, #tpu.memory_space<vmem>>, vector<16xf32>,
        tpu.vector_store %arg9[%swap3A_285, %swap3A_286], %mul3A_282 {strides = array<i32>} : memref<80x128xf32, #tpu.memory_space<vmem>>, vector<16xf32>,
        %add3A_288 = arith.constant 1 : i32
        %add3A_289 = arith.addi %add3A_157, %add3A_288 : i32
        %get3A_290 = arith.index_cast %add3A_289 : i32 to index
        %get3A_291 = arith.constant 48 : index
        %get3A_292 = tpu.vector_load %arg9[%get3A_290, %get3A_291] {strides = array<i32>} : memref<80x128xf32, #tpu.memory_space<vmem>>, vector<16xf32>,
        %mul3A_293 = arith.mulf %get3A_292, %bitcast3A_254 : vector<16xf32>
        %add3A_294 = arith.constant 1 : i32
        %add3A_295 = arith.addi %add3A_157, %add3A_294 : i32
        %swap3A_296 = arith.index_cast %add3A_295 : i32 to index
        %swap3A_297 = arith.constant 48 : index
        %swap3A_298 = tpu.vector_load %arg9[%swap3A_296, %swap3A_297] {strides = array<i32>} : memref<80x128xf32, #tpu.memory_space<vmem>>, vector<16xf32>,
        tpu.vector_store %arg9[%swap3A_296, %swap3A_297], %mul3A_293 {strides = array<i32>} : memref<80x128xf32, #tpu.memory_space<vmem>>, vector<16xf32>,
        %add3A_299 = arith.constant 1 : i32
        %add3A_300 = arith.addi %add3A_157, %add3A_299 : i32
        %get3A_301 = arith.index_cast %add3A_300 : i32 to index
        %get3A_302 = arith.constant 64 : index
        %get3A_303 = tpu.vector_load %arg9[%get3A_301, %get3A_302] {strides = array<i32>} : memref<80x128xf32, #tpu.memory_space<vmem>>, vector<16xf32>,
        %mul3A_304 = arith.mulf %get3A_303, %bitcast3A_254 : vector<16xf32>
        %add3A_305 = arith.constant 1 : i32
        %add3A_306 = arith.addi %add3A_157, %add3A_305 : i32
        %swap3A_307 = arith.index_cast %add3A_306 : i32 to index
        %swap3A_308 = arith.constant 64 : index
        %swap3A_309 = tpu.vector_load %arg9[%swap3A_307, %swap3A_308] {strides = array<i32>} : memref<80x128xf32, #tpu.memory_space<vmem>>, vector<16xf32>,
        tpu.vector_store %arg9[%swap3A_307, %swap3A_308], %mul3A_304 {strides = array<i32>} : memref<80x128xf32, #tpu.memory_space<vmem>>, vector<16xf32>,
        %add3A_310 = arith.constant 1 : i32
        %add3A_311 = arith.addi %add3A_157, %add3A_310 : i32
        %get3A_312 = arith.index_cast %add3A_311 : i32 to index
        %get3A_313 = arith.constant 80 : index
        %get3A_314 = tpu.vector_load %arg9[%get3A_312, %get3A_313] {strides = array<i32>} : memref<80x128xf32, #tpu.memory_space<vmem>>, vector<16xf32>,
        %mul3A_315 = arith.mulf %get3A_314, %bitcast3A_254 : vector<16xf32>
        %add3A_316 = arith.constant 1 : i32
        %add3A_317 = arith.addi %add3A_157, %add3A_316 : i32
        %swap3A_318 = arith.index_cast %add3A_317 : i32 to index
        %swap3A_319 = arith.constant 80 : index
        %swap3A_320 = tpu.vector_load %arg9[%swap3A_318, %swap3A_319] {strides = array<i32>} : memref<80x128xf32, #tpu.memory_space<vmem>>, vector<16xf32>,
        tpu.vector_store %arg9[%swap3A_318, %swap3A_319], %mul3A_315 {strides = array<i32>} : memref<80x128xf32, #tpu.memory_space<vmem>>, vector<16xf32>,
        %add3A_321 = arith.constant 1 : i32
        %add3A_322 = arith.addi %add3A_157, %add3A_321 : i32
        %get3A_323 = arith.index_cast %add3A_322 : i32 to index
        %get3A_324 = arith.constant 96 : index
        %get3A_325 = tpu.vector_load %arg9[%get3A_323, %get3A_324] {strides = array<i32>} : memref<80x128xf32, #tpu.memory_space<vmem>>, vector<16xf32>,
        %mul3A_326 = arith.mulf %get3A_325, %bitcast3A_254 : vector<16xf32>
        %add3A_327 = arith.constant 1 : i32
        %add3A_328 = arith.addi %add3A_157, %add3A_327 : i32
        %swap3A_329 = arith.index_cast %add3A_328 : i32 to index
        %swap3A_330 = arith.constant 96 : index
        %swap3A_331 = tpu.vector_load %arg9[%swap3A_329, %swap3A_330] {strides = array<i32>} : memref<80x128xf32, #tpu.memory_space<vmem>>, vector<16xf32>,
        tpu.vector_store %arg9[%swap3A_329, %swap3A_330], %mul3A_326 {strides = array<i32>} : memref<80x128xf32, #tpu.memory_space<vmem>>, vector<16xf32>,
        %add3A_332 = arith.constant 1 : i32
        %add3A_333 = arith.addi %add3A_157, %add3A_332 : i32
        %get3A_334 = arith.index_cast %add3A_333 : i32 to index
        %get3A_335 = arith.constant 112 : index
        %get3A_336 = tpu.vector_load %arg9[%get3A_334, %get3A_335] {strides = array<i32>} : memref<80x128xf32, #tpu.memory_space<vmem>>, vector<16xf32>,
        %mul3A_337 = arith.mulf %get3A_336, %bitcast3A_254 : vector<16xf32>
        %add3A_338 = arith.constant 1 : i32
        %add3A_339 = arith.addi %add3A_157, %add3A_338 : i32
        %swap3A_340 = arith.index_cast %add3A_339 : i32 to index
        %swap3A_341 = arith.constant 112 : index
        %swap3A_342 = tpu.vector_load %arg9[%swap3A_340, %swap3A_341] {strides = array<i32>} : memref<80x128xf32, #tpu.memory_space<vmem>>, vector<16xf32>,
        tpu.vector_store %arg9[%swap3A_340, %swap3A_341], %mul3A_337 {strides = array<i32>} : memref<80x128xf32, #tpu.memory_space<vmem>>, vector<16xf32>,
      }
      %scan3A_98 = arith.constant 40 : i32
      %dma_start3A_99 = arith.constant 6 : i32
      %dma_start3A_100 = arith.constant 0 : i32
      %dma_start3A_101 = tpu.memref_slice %arg6[%dma_start3A_99, %dma_start3A_100] : memref<12x80xi32, #tpu.memory_space<vmem>> -> memref<1x80xi32, #tpu.memory_space<vmem>>
      %dma_start3A_102 = tpu.memref_squeeze %dma_start3A_101 : memref<1x80xi32, #tpu.memory_space<vmem>> -> memref<80xi32, #tpu.memory_space<vmem>>
      %dma_start3A_103 = arith.constant 0 : i32
      %dma_start3A_104 = arith.constant 0 : i32
      %dma_start3A_105 = tpu.memref_slice %arg5[%dma_start3A_103, %dma_start3A_104] : memref<10240x128xf32, #tpu.memory_space<vmem_shared>> -> memref<10240x128xf32, #tpu.memory_space<vmem_shared>>
      tpu.enqueue_indirect_dma source(%arg9 : memref<80x128xf32, #tpu.memory_space<vmem>>) target(%dma_start3A_105 : memref<10240x128xf32, #tpu.memory_space<vmem_shared>>) offsets(%dma_start3A_102 : memref<80xi32, #tpu.memory_space<vmem>>) semaphore(%arg17 : memref<!tpu.dma_semaphore, #tpu.memory_space<semaphore_mem>>) {add = true}
      %dma_wait3A_106 = arith.constant 3 : i32
      %dma_wait3A_107 = arith.constant 0 : i32
      %dma_wait3A_108 = tpu.memref_slice %arg6[%dma_wait3A_106, %dma_wait3A_107] : memref<12x80xi32, #tpu.memory_space<vmem>> -> memref<1x80xi32, #tpu.memory_space<vmem>>
      %dma_wait3A_109 = tpu.memref_squeeze %dma_wait3A_108 : memref<1x80xi32, #tpu.memory_space<vmem>> -> memref<80xi32, #tpu.memory_space<vmem>>
      %dma_wait3A_110 = arith.constant 0 : i32
      %dma_wait3A_111 = arith.constant 0 : i32
      %dma_wait3A_112 = tpu.memref_slice %arg2[%dma_wait3A_110, %dma_wait3A_111] : memref<10240x128xf32, #tpu.memory_space<hbm>> -> memref<10240x128xf32, #tpu.memory_space<hbm>>
      tpu.wait_indirect_dma semaphore(%arg14 : memref<!tpu.dma_semaphore, #tpu.memory_space<semaphore_mem>>) src(%dma_wait3A_112 : memref<10240x128xf32, #tpu.memory_space<hbm>>) dst(%arg10 : memref<80x128xf32, #tpu.memory_space<vmem>>)
      %scan3A_113 = arith.constant 0 : i32
      %scan3A_114 = arith.constant 40 : i32
      %scan3A_115 = arith.addi %scan3A_113, %scan3A_114 : i32
      %scan3A_116 = arith.constant 1 : i32
      scf.for %scan3A_153 = %scan3A_113 to %scan3A_115 step %scan3A_116  : i32 {
        %mul3A_154 = arith.constant 2 : i32
        %mul3A_155 = arith.muli %scan3A_153, %mul3A_154 : i32
        %add3A_156 = arith.constant 0 : i32
        %add3A_157 = arith.addi %add3A_156, %mul3A_155 : i32
        %broadcast_in_dim3A = arith.constant 11 : i32
        %broadcast_in_dim3A_158 = vector.broadcast %broadcast_in_dim3A : i32 to vector<16xi32>
        %add3A_159 = arith.constant 0 : i32
        %add3A_160 = arith.addi %add3A_157, %add3A_159 : i32
        %broadcast_in_dim3A_161 = vector.broadcast %add3A_160 : i32 to vector<16xi32>
        %gather3A = tpu.vector_load_idx %arg6[%broadcast_in_dim3A_158, %broadcast_in_dim3A_161] : memref<12x80xi32, #tpu.memory_space<vmem>>[vector<16xi32>, vector<16xi32>], vector<16xi32>,
        %bitcast3A = vector.bitcast %gather3A : vector<16xi32> to vector<16xf32>
        %add3A_162 = arith.constant 0 : i32
        %add3A_163 = arith.addi %add3A_157, %add3A_162 : i32
        %get3A = arith.index_cast %add3A_163 : i32 to index
        %get3A_164 = arith.constant 0 : index
        %get3A_165 = tpu.vector_load %arg10[%get3A, %get3A_164] {strides = array<i32>} : memref<80x128xf32, #tpu.memory_space<vmem>>, vector<16xf32>,
        %mul3A_166 = arith.mulf %get3A_165, %bitcast3A : vector<16xf32>
        %add3A_167 = arith.constant 0 : i32
        %add3A_168 = arith.addi %add3A_157, %add3A_167 : i32
        %swap3A = arith.index_cast %add3A_168 : i32 to index
        %swap3A_169 = arith.constant 0 : index
        %swap3A_170 = tpu.vector_load %arg10[%swap3A, %swap3A_169] {strides = array<i32>} : memref<80x128xf32, #tpu.memory_space<vmem>>, vector<16xf32>,
        tpu.vector_store %arg10[%swap3A, %swap3A_169], %mul3A_166 {strides = array<i32>} : memref<80x128xf32, #tpu.memory_space<vmem>>, vector<16xf32>,
        %add3A_171 = arith.constant 0 : i32
        %add3A_172 = arith.addi %add3A_157, %add3A_171 : i32
        %get3A_173 = arith.index_cast %add3A_172 : i32 to index
        %get3A_174 = arith.constant 16 : index
        %get3A_175 = tpu.vector_load %arg10[%get3A_173, %get3A_174] {strides = array<i32>} : memref<80x128xf32, #tpu.memory_space<vmem>>, vector<16xf32>,
        %mul3A_176 = arith.mulf %get3A_175, %bitcast3A : vector<16xf32>
        %add3A_177 = arith.constant 0 : i32
        %add3A_178 = arith.addi %add3A_157, %add3A_177 : i32
        %swap3A_179 = arith.index_cast %add3A_178 : i32 to index
        %swap3A_180 = arith.constant 16 : index
        %swap3A_181 = tpu.vector_load %arg10[%swap3A_179, %swap3A_180] {strides = array<i32>} : memref<80x128xf32, #tpu.memory_space<vmem>>, vector<16xf32>,
        tpu.vector_store %arg10[%swap3A_179, %swap3A_180], %mul3A_176 {strides = array<i32>} : memref<80x128xf32, #tpu.memory_space<vmem>>, vector<16xf32>,
        %add3A_182 = arith.constant 0 : i32
        %add3A_183 = arith.addi %add3A_157, %add3A_182 : i32
        %get3A_184 = arith.index_cast %add3A_183 : i32 to index
        %get3A_185 = arith.constant 32 : index
        %get3A_186 = tpu.vector_load %arg10[%get3A_184, %get3A_185] {strides = array<i32>} : memref<80x128xf32, #tpu.memory_space<vmem>>, vector<16xf32>,
        %mul3A_187 = arith.mulf %get3A_186, %bitcast3A : vector<16xf32>
        %add3A_188 = arith.constant 0 : i32
        %add3A_189 = arith.addi %add3A_157, %add3A_188 : i32
        %swap3A_190 = arith.index_cast %add3A_189 : i32 to index
        %swap3A_191 = arith.constant 32 : index
        %swap3A_192 = tpu.vector_load %arg10[%swap3A_190, %swap3A_191] {strides = array<i32>} : memref<80x128xf32, #tpu.memory_space<vmem>>, vector<16xf32>,
        tpu.vector_store %arg10[%swap3A_190, %swap3A_191], %mul3A_187 {strides = array<i32>} : memref<80x128xf32, #tpu.memory_space<vmem>>, vector<16xf32>,
        %add3A_193 = arith.constant 0 : i32
        %add3A_194 = arith.addi %add3A_157, %add3A_193 : i32
        %get3A_195 = arith.index_cast %add3A_194 : i32 to index
        %get3A_196 = arith.constant 48 : index
        %get3A_197 = tpu.vector_load %arg10[%get3A_195, %get3A_196] {strides = array<i32>} : memref<80x128xf32, #tpu.memory_space<vmem>>, vector<16xf32>,
        %mul3A_198 = arith.mulf %get3A_197, %bitcast3A : vector<16xf32>
        %add3A_199 = arith.constant 0 : i32
        %add3A_200 = arith.addi %add3A_157, %add3A_199 : i32
        %swap3A_201 = arith.index_cast %add3A_200 : i32 to index
        %swap3A_202 = arith.constant 48 : index
        %swap3A_203 = tpu.vector_load %arg10[%swap3A_201, %swap3A_202] {strides = array<i32>} : memref<80x128xf32, #tpu.memory_space<vmem>>, vector<16xf32>,
        tpu.vector_store %arg10[%swap3A_201, %swap3A_202], %mul3A_198 {strides = array<i32>} : memref<80x128xf32, #tpu.memory_space<vmem>>, vector<16xf32>,
        %add3A_204 = arith.constant 0 : i32
        %add3A_205 = arith.addi %add3A_157, %add3A_204 : i32
        %get3A_206 = arith.index_cast %add3A_205 : i32 to index
        %get3A_207 = arith.constant 64 : index
        %get3A_208 = tpu.vector_load %arg10[%get3A_206, %get3A_207] {strides = array<i32>} : memref<80x128xf32, #tpu.memory_space<vmem>>, vector<16xf32>,
        %mul3A_209 = arith.mulf %get3A_208, %bitcast3A : vector<16xf32>
        %add3A_210 = arith.constant 0 : i32
        %add3A_211 = arith.addi %add3A_157, %add3A_210 : i32
        %swap3A_212 = arith.index_cast %add3A_211 : i32 to index
        %swap3A_213 = arith.constant 64 : index
        %swap3A_214 = tpu.vector_load %arg10[%swap3A_212, %swap3A_213] {strides = array<i32>} : memref<80x128xf32, #tpu.memory_space<vmem>>, vector<16xf32>,
        tpu.vector_store %arg10[%swap3A_212, %swap3A_213], %mul3A_209 {strides = array<i32>} : memref<80x128xf32, #tpu.memory_space<vmem>>, vector<16xf32>,
        %add3A_215 = arith.constant 0 : i32
        %add3A_216 = arith.addi %add3A_157, %add3A_215 : i32
        %get3A_217 = arith.index_cast %add3A_216 : i32 to index
        %get3A_218 = arith.constant 80 : index
        %get3A_219 = tpu.vector_load %arg10[%get3A_217, %get3A_218] {strides = array<i32>} : memref<80x128xf32, #tpu.memory_space<vmem>>, vector<16xf32>,
        %mul3A_220 = arith.mulf %get3A_219, %bitcast3A : vector<16xf32>
        %add3A_221 = arith.constant 0 : i32
        %add3A_222 = arith.addi %add3A_157, %add3A_221 : i32
        %swap3A_223 = arith.index_cast %add3A_222 : i32 to index
        %swap3A_224 = arith.constant 80 : index
        %swap3A_225 = tpu.vector_load %arg10[%swap3A_223, %swap3A_224] {strides = array<i32>} : memref<80x128xf32, #tpu.memory_space<vmem>>, vector<16xf32>,
        tpu.vector_store %arg10[%swap3A_223, %swap3A_224], %mul3A_220 {strides = array<i32>} : memref<80x128xf32, #tpu.memory_space<vmem>>, vector<16xf32>,
        %add3A_226 = arith.constant 0 : i32
        %add3A_227 = arith.addi %add3A_157, %add3A_226 : i32
        %get3A_228 = arith.index_cast %add3A_227 : i32 to index
        %get3A_229 = arith.constant 96 : index
        %get3A_230 = tpu.vector_load %arg10[%get3A_228, %get3A_229] {strides = array<i32>} : memref<80x128xf32, #tpu.memory_space<vmem>>, vector<16xf32>,
        %mul3A_231 = arith.mulf %get3A_230, %bitcast3A : vector<16xf32>
        %add3A_232 = arith.constant 0 : i32
        %add3A_233 = arith.addi %add3A_157, %add3A_232 : i32
        %swap3A_234 = arith.index_cast %add3A_233 : i32 to index
        %swap3A_235 = arith.constant 96 : index
        %swap3A_236 = tpu.vector_load %arg10[%swap3A_234, %swap3A_235] {strides = array<i32>} : memref<80x128xf32, #tpu.memory_space<vmem>>, vector<16xf32>,
        tpu.vector_store %arg10[%swap3A_234, %swap3A_235], %mul3A_231 {strides = array<i32>} : memref<80x128xf32, #tpu.memory_space<vmem>>, vector<16xf32>,
        %add3A_237 = arith.constant 0 : i32
        %add3A_238 = arith.addi %add3A_157, %add3A_237 : i32
        %get3A_239 = arith.index_cast %add3A_238 : i32 to index
        %get3A_240 = arith.constant 112 : index
        %get3A_241 = tpu.vector_load %arg10[%get3A_239, %get3A_240] {strides = array<i32>} : memref<80x128xf32, #tpu.memory_space<vmem>>, vector<16xf32>,
        %mul3A_242 = arith.mulf %get3A_241, %bitcast3A : vector<16xf32>
        %add3A_243 = arith.constant 0 : i32
        %add3A_244 = arith.addi %add3A_157, %add3A_243 : i32
        %swap3A_245 = arith.index_cast %add3A_244 : i32 to index
        %swap3A_246 = arith.constant 112 : index
        %swap3A_247 = tpu.vector_load %arg10[%swap3A_245, %swap3A_246] {strides = array<i32>} : memref<80x128xf32, #tpu.memory_space<vmem>>, vector<16xf32>,
        tpu.vector_store %arg10[%swap3A_245, %swap3A_246], %mul3A_242 {strides = array<i32>} : memref<80x128xf32, #tpu.memory_space<vmem>>, vector<16xf32>,
        %broadcast_in_dim3A_248 = arith.constant 11 : i32
        %broadcast_in_dim3A_249 = vector.broadcast %broadcast_in_dim3A_248 : i32 to vector<16xi32>
        %add3A_250 = arith.constant 1 : i32
        %add3A_251 = arith.addi %add3A_157, %add3A_250 : i32
        %broadcast_in_dim3A_252 = vector.broadcast %add3A_251 : i32 to vector<16xi32>
        %gather3A_253 = tpu.vector_load_idx %arg6[%broadcast_in_dim3A_249, %broadcast_in_dim3A_252] : memref<12x80xi32, #tpu.memory_space<vmem>>[vector<16xi32>, vector<16xi32>], vector<16xi32>,
        %bitcast3A_254 = vector.bitcast %gather3A_253 : vector<16xi32> to vector<16xf32>
        %add3A_255 = arith.constant 1 : i32
        %add3A_256 = arith.addi %add3A_157, %add3A_255 : i32
        %get3A_257 = arith.index_cast %add3A_256 : i32 to index
        %get3A_258 = arith.constant 0 : index
        %get3A_259 = tpu.vector_load %arg10[%get3A_257, %get3A_258] {strides = array<i32>} : memref<80x128xf32, #tpu.memory_space<vmem>>, vector<16xf32>,
        %mul3A_260 = arith.mulf %get3A_259, %bitcast3A_254 : vector<16xf32>
        %add3A_261 = arith.constant 1 : i32
        %add3A_262 = arith.addi %add3A_157, %add3A_261 : i32
        %swap3A_263 = arith.index_cast %add3A_262 : i32 to index
        %swap3A_264 = arith.constant 0 : index
        %swap3A_265 = tpu.vector_load %arg10[%swap3A_263, %swap3A_264] {strides = array<i32>} : memref<80x128xf32, #tpu.memory_space<vmem>>, vector<16xf32>,
        tpu.vector_store %arg10[%swap3A_263, %swap3A_264], %mul3A_260 {strides = array<i32>} : memref<80x128xf32, #tpu.memory_space<vmem>>, vector<16xf32>,
        %add3A_266 = arith.constant 1 : i32
        %add3A_267 = arith.addi %add3A_157, %add3A_266 : i32
        %get3A_268 = arith.index_cast %add3A_267 : i32 to index
        %get3A_269 = arith.constant 16 : index
        %get3A_270 = tpu.vector_load %arg10[%get3A_268, %get3A_269] {strides = array<i32>} : memref<80x128xf32, #tpu.memory_space<vmem>>, vector<16xf32>,
        %mul3A_271 = arith.mulf %get3A_270, %bitcast3A_254 : vector<16xf32>
        %add3A_272 = arith.constant 1 : i32
        %add3A_273 = arith.addi %add3A_157, %add3A_272 : i32
        %swap3A_274 = arith.index_cast %add3A_273 : i32 to index
        %swap3A_275 = arith.constant 16 : index
        %swap3A_276 = tpu.vector_load %arg10[%swap3A_274, %swap3A_275] {strides = array<i32>} : memref<80x128xf32, #tpu.memory_space<vmem>>, vector<16xf32>,
        tpu.vector_store %arg10[%swap3A_274, %swap3A_275], %mul3A_271 {strides = array<i32>} : memref<80x128xf32, #tpu.memory_space<vmem>>, vector<16xf32>,
        %add3A_277 = arith.constant 1 : i32
        %add3A_278 = arith.addi %add3A_157, %add3A_277 : i32
        %get3A_279 = arith.index_cast %add3A_278 : i32 to index
        %get3A_280 = arith.constant 32 : index
        %get3A_281 = tpu.vector_load %arg10[%get3A_279, %get3A_280] {strides = array<i32>} : memref<80x128xf32, #tpu.memory_space<vmem>>, vector<16xf32>,
        %mul3A_282 = arith.mulf %get3A_281, %bitcast3A_254 : vector<16xf32>
        %add3A_283 = arith.constant 1 : i32
        %add3A_284 = arith.addi %add3A_157, %add3A_283 : i32
        %swap3A_285 = arith.index_cast %add3A_284 : i32 to index
        %swap3A_286 = arith.constant 32 : index
        %swap3A_287 = tpu.vector_load %arg10[%swap3A_285, %swap3A_286] {strides = array<i32>} : memref<80x128xf32, #tpu.memory_space<vmem>>, vector<16xf32>,
        tpu.vector_store %arg10[%swap3A_285, %swap3A_286], %mul3A_282 {strides = array<i32>} : memref<80x128xf32, #tpu.memory_space<vmem>>, vector<16xf32>,
        %add3A_288 = arith.constant 1 : i32
        %add3A_289 = arith.addi %add3A_157, %add3A_288 : i32
        %get3A_290 = arith.index_cast %add3A_289 : i32 to index
        %get3A_291 = arith.constant 48 : index
        %get3A_292 = tpu.vector_load %arg10[%get3A_290, %get3A_291] {strides = array<i32>} : memref<80x128xf32, #tpu.memory_space<vmem>>, vector<16xf32>,
        %mul3A_293 = arith.mulf %get3A_292, %bitcast3A_254 : vector<16xf32>
        %add3A_294 = arith.constant 1 : i32
        %add3A_295 = arith.addi %add3A_157, %add3A_294 : i32
        %swap3A_296 = arith.index_cast %add3A_295 : i32 to index
        %swap3A_297 = arith.constant 48 : index
        %swap3A_298 = tpu.vector_load %arg10[%swap3A_296, %swap3A_297] {strides = array<i32>} : memref<80x128xf32, #tpu.memory_space<vmem>>, vector<16xf32>,
        tpu.vector_store %arg10[%swap3A_296, %swap3A_297], %mul3A_293 {strides = array<i32>} : memref<80x128xf32, #tpu.memory_space<vmem>>, vector<16xf32>,
        %add3A_299 = arith.constant 1 : i32
        %add3A_300 = arith.addi %add3A_157, %add3A_299 : i32
        %get3A_301 = arith.index_cast %add3A_300 : i32 to index
        %get3A_302 = arith.constant 64 : index
        %get3A_303 = tpu.vector_load %arg10[%get3A_301, %get3A_302] {strides = array<i32>} : memref<80x128xf32, #tpu.memory_space<vmem>>, vector<16xf32>,
        %mul3A_304 = arith.mulf %get3A_303, %bitcast3A_254 : vector<16xf32>
        %add3A_305 = arith.constant 1 : i32
        %add3A_306 = arith.addi %add3A_157, %add3A_305 : i32
        %swap3A_307 = arith.index_cast %add3A_306 : i32 to index
        %swap3A_308 = arith.constant 64 : index
        %swap3A_309 = tpu.vector_load %arg10[%swap3A_307, %swap3A_308] {strides = array<i32>} : memref<80x128xf32, #tpu.memory_space<vmem>>, vector<16xf32>,
        tpu.vector_store %arg10[%swap3A_307, %swap3A_308], %mul3A_304 {strides = array<i32>} : memref<80x128xf32, #tpu.memory_space<vmem>>, vector<16xf32>,
        %add3A_310 = arith.constant 1 : i32
        %add3A_311 = arith.addi %add3A_157, %add3A_310 : i32
        %get3A_312 = arith.index_cast %add3A_311 : i32 to index
        %get3A_313 = arith.constant 80 : index
        %get3A_314 = tpu.vector_load %arg10[%get3A_312, %get3A_313] {strides = array<i32>} : memref<80x128xf32, #tpu.memory_space<vmem>>, vector<16xf32>,
        %mul3A_315 = arith.mulf %get3A_314, %bitcast3A_254 : vector<16xf32>
        %add3A_316 = arith.constant 1 : i32
        %add3A_317 = arith.addi %add3A_157, %add3A_316 : i32
        %swap3A_318 = arith.index_cast %add3A_317 : i32 to index
        %swap3A_319 = arith.constant 80 : index
        %swap3A_320 = tpu.vector_load %arg10[%swap3A_318, %swap3A_319] {strides = array<i32>} : memref<80x128xf32, #tpu.memory_space<vmem>>, vector<16xf32>,
        tpu.vector_store %arg10[%swap3A_318, %swap3A_319], %mul3A_315 {strides = array<i32>} : memref<80x128xf32, #tpu.memory_space<vmem>>, vector<16xf32>,
        %add3A_321 = arith.constant 1 : i32
        %add3A_322 = arith.addi %add3A_157, %add3A_321 : i32
        %get3A_323 = arith.index_cast %add3A_322 : i32 to index
        %get3A_324 = arith.constant 96 : index
        %get3A_325 = tpu.vector_load %arg10[%get3A_323, %get3A_324] {strides = array<i32>} : memref<80x128xf32, #tpu.memory_space<vmem>>, vector<16xf32>,
        %mul3A_326 = arith.mulf %get3A_325, %bitcast3A_254 : vector<16xf32>
        %add3A_327 = arith.constant 1 : i32
        %add3A_328 = arith.addi %add3A_157, %add3A_327 : i32
        %swap3A_329 = arith.index_cast %add3A_328 : i32 to index
        %swap3A_330 = arith.constant 96 : index
        %swap3A_331 = tpu.vector_load %arg10[%swap3A_329, %swap3A_330] {strides = array<i32>} : memref<80x128xf32, #tpu.memory_space<vmem>>, vector<16xf32>,
        tpu.vector_store %arg10[%swap3A_329, %swap3A_330], %mul3A_326 {strides = array<i32>} : memref<80x128xf32, #tpu.memory_space<vmem>>, vector<16xf32>,
        %add3A_332 = arith.constant 1 : i32
        %add3A_333 = arith.addi %add3A_157, %add3A_332 : i32
        %get3A_334 = arith.index_cast %add3A_333 : i32 to index
        %get3A_335 = arith.constant 112 : index
        %get3A_336 = tpu.vector_load %arg10[%get3A_334, %get3A_335] {strides = array<i32>} : memref<80x128xf32, #tpu.memory_space<vmem>>, vector<16xf32>,
        %mul3A_337 = arith.mulf %get3A_336, %bitcast3A_254 : vector<16xf32>
        %add3A_338 = arith.constant 1 : i32
        %add3A_339 = arith.addi %add3A_157, %add3A_338 : i32
        %swap3A_340 = arith.index_cast %add3A_339 : i32 to index
        %swap3A_341 = arith.constant 112 : index
        %swap3A_342 = tpu.vector_load %arg10[%swap3A_340, %swap3A_341] {strides = array<i32>} : memref<80x128xf32, #tpu.memory_space<vmem>>, vector<16xf32>,
        tpu.vector_store %arg10[%swap3A_340, %swap3A_341], %mul3A_337 {strides = array<i32>} : memref<80x128xf32, #tpu.memory_space<vmem>>, vector<16xf32>,
      }
      %scan3A_117 = arith.constant 40 : i32
      %dma_start3A_118 = arith.constant 7 : i32
      %dma_start3A_119 = arith.constant 0 : i32
      %dma_start3A_120 = tpu.memref_slice %arg6[%dma_start3A_118, %dma_start3A_119] : memref<12x80xi32, #tpu.memory_space<vmem>> -> memref<1x80xi32, #tpu.memory_space<vmem>>
      %dma_start3A_121 = tpu.memref_squeeze %dma_start3A_120 : memref<1x80xi32, #tpu.memory_space<vmem>> -> memref<80xi32, #tpu.memory_space<vmem>>
      %dma_start3A_122 = arith.constant 0 : i32
      %dma_start3A_123 = arith.constant 0 : i32
      %dma_start3A_124 = tpu.memref_slice %arg5[%dma_start3A_122, %dma_start3A_123] : memref<10240x128xf32, #tpu.memory_space<vmem_shared>> -> memref<10240x128xf32, #tpu.memory_space<vmem_shared>>
      tpu.enqueue_indirect_dma source(%arg10 : memref<80x128xf32, #tpu.memory_space<vmem>>) target(%dma_start3A_124 : memref<10240x128xf32, #tpu.memory_space<vmem_shared>>) offsets(%dma_start3A_121 : memref<80xi32, #tpu.memory_space<vmem>>) semaphore(%arg18 : memref<!tpu.dma_semaphore, #tpu.memory_space<semaphore_mem>>) {add = true}
      %dma_wait3A_125 = arith.constant 4 : i32
      %dma_wait3A_126 = arith.constant 0 : i32
      %dma_wait3A_127 = tpu.memref_slice %arg6[%dma_wait3A_125, %dma_wait3A_126] : memref<12x80xi32, #tpu.memory_space<vmem>> -> memref<1x80xi32, #tpu.memory_space<vmem>>
      %dma_wait3A_128 = tpu.memref_squeeze %dma_wait3A_127 : memref<1x80xi32, #tpu.memory_space<vmem>> -> memref<80xi32, #tpu.memory_space<vmem>>
      %dma_wait3A_129 = arith.constant 0 : i32
      %dma_wait3A_130 = arith.constant 0 : i32
      %dma_wait3A_131 = tpu.memref_slice %arg5[%dma_wait3A_129, %dma_wait3A_130] : memref<10240x128xf32, #tpu.memory_space<vmem_shared>> -> memref<10240x128xf32, #tpu.memory_space<vmem_shared>>
      tpu.wait_indirect_dma semaphore(%arg15 : memref<!tpu.dma_semaphore, #tpu.memory_space<semaphore_mem>>) src(%arg7 : memref<80x128xf32, #tpu.memory_space<vmem>>) dst(%dma_wait3A_131 : memref<10240x128xf32, #tpu.memory_space<vmem_shared>>)
      %dma_wait3A_132 = arith.constant 5 : i32
      %dma_wait3A_133 = arith.constant 0 : i32
      %dma_wait3A_134 = tpu.memref_slice %arg6[%dma_wait3A_132, %dma_wait3A_133] : memref<12x80xi32, #tpu.memory_space<vmem>> -> memref<1x80xi32, #tpu.memory_space<vmem>>
      %dma_wait3A_135 = tpu.memref_squeeze %dma_wait3A_134 : memref<1x80xi32, #tpu.memory_space<vmem>> -> memref<80xi32, #tpu.memory_space<vmem>>
      %dma_wait3A_136 = arith.constant 0 : i32
      %dma_wait3A_137 = arith.constant 0 : i32
      %dma_wait3A_138 = tpu.memref_slice %arg5[%dma_wait3A_136, %dma_wait3A_137] : memref<10240x128xf32, #tpu.memory_space<vmem_shared>> -> memref<10240x128xf32, #tpu.memory_space<vmem_shared>>
      tpu.wait_indirect_dma semaphore(%arg16 : memref<!tpu.dma_semaphore, #tpu.memory_space<semaphore_mem>>) src(%arg8 : memref<80x128xf32, #tpu.memory_space<vmem>>) dst(%dma_wait3A_138 : memref<10240x128xf32, #tpu.memory_space<vmem_shared>>)
      %dma_wait3A_139 = arith.constant 6 : i32
      %dma_wait3A_140 = arith.constant 0 : i32
      %dma_wait3A_141 = tpu.memref_slice %arg6[%dma_wait3A_139, %dma_wait3A_140] : memref<12x80xi32, #tpu.memory_space<vmem>> -> memref<1x80xi32, #tpu.memory_space<vmem>>
      %dma_wait3A_142 = tpu.memref_squeeze %dma_wait3A_141 : memref<1x80xi32, #tpu.memory_space<vmem>> -> memref<80xi32, #tpu.memory_space<vmem>>
      %dma_wait3A_143 = arith.constant 0 : i32
      %dma_wait3A_144 = arith.constant 0 : i32
      %dma_wait3A_145 = tpu.memref_slice %arg5[%dma_wait3A_143, %dma_wait3A_144] : memref<10240x128xf32, #tpu.memory_space<vmem_shared>> -> memref<10240x128xf32, #tpu.memory_space<vmem_shared>>
      tpu.wait_indirect_dma semaphore(%arg17 : memref<!tpu.dma_semaphore, #tpu.memory_space<semaphore_mem>>) src(%arg9 : memref<80x128xf32, #tpu.memory_space<vmem>>) dst(%dma_wait3A_145 : memref<10240x128xf32, #tpu.memory_space<vmem_shared>>)
      %dma_wait3A_146 = arith.constant 7 : i32
      %dma_wait3A_147 = arith.constant 0 : i32
      %dma_wait3A_148 = tpu.memref_slice %arg6[%dma_wait3A_146, %dma_wait3A_147] : memref<12x80xi32, #tpu.memory_space<vmem>> -> memref<1x80xi32, #tpu.memory_space<vmem>>
      %dma_wait3A_149 = tpu.memref_squeeze %dma_wait3A_148 : memref<1x80xi32, #tpu.memory_space<vmem>> -> memref<80xi32, #tpu.memory_space<vmem>>
      %dma_wait3A_150 = arith.constant 0 : i32
      %dma_wait3A_151 = arith.constant 0 : i32
      %dma_wait3A_152 = tpu.memref_slice %arg5[%dma_wait3A_150, %dma_wait3A_151] : memref<10240x128xf32, #tpu.memory_space<vmem_shared>> -> memref<10240x128xf32, #tpu.memory_space<vmem_shared>>
      tpu.wait_indirect_dma semaphore(%arg18 : memref<!tpu.dma_semaphore, #tpu.memory_space<semaphore_mem>>) src(%arg10 : memref<80x128xf32, #tpu.memory_space<vmem>>) dst(%dma_wait3A_152 : memref<10240x128xf32, #tpu.memory_space<vmem_shared>>)
    }
    %scan3A_14 = arith.constant 32 : i32
    %barrier3A_15 = arith.constant 0 : index
    tpu.barrier barrier_id(%barrier3A_15)
    %mul3A_16 = arith.constant 640 : i32
    %mul3A_17 = arith.muli %arg1, %mul3A_16 : i32
    "tpu.region"() ({
      %run_scoped3A = tpu.sem_alloc : memref<!tpu.dma_semaphore, #tpu.memory_space<semaphore_mem>>
      %dma_start3A = arith.constant 0 : i32
      %dma_start3A_18 = tpu.memref_slice %arg4[%arg0, %mul3A_17, %dma_start3A] : memref<2x10240x128xf32, #tpu.memory_space<hbm>> -> memref<1x640x128xf32, #tpu.memory_space<hbm>>
      %dma_start3A_19 = tpu.memref_squeeze %dma_start3A_18 : memref<1x640x128xf32, #tpu.memory_space<hbm>> -> memref<640x128xf32, #tpu.memory_space<hbm>>
      %dma_start3A_20 = arith.constant 0 : i32
      %dma_start3A_21 = tpu.memref_slice %arg5[%mul3A_17, %dma_start3A_20] : memref<10240x128xf32, #tpu.memory_space<vmem_shared>> -> memref<640x128xf32, #tpu.memory_space<vmem_shared>>
      tpu.enqueue_dma source(%dma_start3A_21 : memref<640x128xf32, #tpu.memory_space<vmem_shared>>) target(%dma_start3A_19 : memref<640x128xf32, #tpu.memory_space<hbm>>) target_semaphore(%run_scoped3A : memref<!tpu.dma_semaphore, #tpu.memory_space<semaphore_mem>>)
      %dma_wait3A = arith.constant 0 : i32
      %dma_wait3A_22 = tpu.memref_slice %arg4[%arg0, %mul3A_17, %dma_wait3A] : memref<2x10240x128xf32, #tpu.memory_space<hbm>> -> memref<1x640x128xf32, #tpu.memory_space<hbm>>
      %dma_wait3A_23 = tpu.memref_squeeze %dma_wait3A_22 : memref<1x640x128xf32, #tpu.memory_space<hbm>> -> memref<640x128xf32, #tpu.memory_space<hbm>>
      %dma_wait3A_24 = arith.constant 0 : i32
      %dma_wait3A_25 = tpu.memref_slice %arg5[%mul3A_17, %dma_wait3A_24] : memref<10240x128xf32, #tpu.memory_space<vmem_shared>> -> memref<640x128xf32, #tpu.memory_space<vmem_shared>>
      tpu.wait_dma2 semaphore(%run_scoped3A : memref<!tpu.dma_semaphore, #tpu.memory_space<semaphore_mem>>) src(%dma_wait3A_25 : memref<640x128xf32, #tpu.memory_space<vmem_shared>>) dst(%dma_wait3A_23 : memref<640x128xf32, #tpu.memory_space<hbm>>)
      tpu.yield
    }) : () -> ()
    return
  }
}

#map = affine_map<(d0, d1) -> (0, 0, 0)>
#map1 = affine_map<(d0, d1) -> (0, 0)>
module attributes {stable_mosaic.version = 14 : i64} {
  func.func @body(%arg0: i32, %arg1: i32, %arg2: memref<32x128x80xi32, #tpu.memory_space<hbm>>, %arg3: memref<32x128x80xf32, #tpu.memory_space<hbm>>, %arg4: memref<2x10240xf32, #tpu.memory_space<hbm>>, %arg5: memref<10240xf32, #tpu.memory_space<vmem_shared>>, %arg6: memref<128x80xi32, #tpu.memory_space<vmem>>, %arg7: memref<128x80xf32, #tpu.memory_space<vmem>>, %arg8: memref<640xf32, #tpu.memory_space<vmem>>) attributes {dimension_semantics = [#tpu.dimension_semantics<core_parallel>, #tpu.dimension_semantics<subcore_parallel>], iteration_bounds = array<i64: 2, 16>, scalar_prefetch = 0 : i64, scratch_operands = 4 : i64, tpu.core_type = #tpu.core_type<sc_vector_subcore>, window_params = [{transform_indices = #map}, {transform_indices = #map}, {transform_indices = #map1}]} {
    %mul3A = arith.constant 16 : i32
    %mul3A_0 = arith.muli %arg0, %mul3A : i32
    %add3A = arith.addi %mul3A_0, %arg1 : i32
    %mul3A_1 = arith.constant 640 : i32
    %mul3A_2 = arith.muli %arg1, %mul3A_1 : i32
    %scan3A = arith.constant 0 : i32
    %scan3A_3 = arith.constant 40 : i32
    %scan3A_4 = arith.addi %scan3A, %scan3A_3 : i32
    %scan3A_5 = arith.constant 1 : i32
    scf.for %scan3A_13 = %scan3A to %scan3A_4 step %scan3A_5  : i32 {
      %mul3A_14 = arith.constant 16 : i32
      %mul3A_15 = arith.muli %scan3A_13, %mul3A_14 : i32
      %add3A_16 = arith.constant 0 : i32
      %add3A_17 = arith.addi %add3A_16, %mul3A_15 : i32
      %broadcast_in_dim3A = arith.constant 0.000000e+00 : f32
      %broadcast_in_dim3A_18 = vector.broadcast %broadcast_in_dim3A : f32 to vector<16xf32>
      %swap3A = arith.index_cast %add3A_17 : i32 to index
      %swap3A_19 = tpu.vector_load %arg8[%swap3A] {strides = array<i32>} : memref<640xf32, #tpu.memory_space<vmem>>, vector<16xf32>,
      tpu.vector_store %arg8[%swap3A], %broadcast_in_dim3A_18 {strides = array<i32>} : memref<640xf32, #tpu.memory_space<vmem>>, vector<16xf32>,
    }
    %scan3A_6 = arith.constant 40 : i32
    "tpu.region"() ({
      %run_scoped3A = tpu.sem_alloc : memref<!tpu.dma_semaphore, #tpu.memory_space<semaphore_mem>>
      %dma_start3A = tpu.memref_slice %arg5[%mul3A_2] : memref<10240xf32, #tpu.memory_space<vmem_shared>> -> memref<640xf32, #tpu.memory_space<vmem_shared>>
      %dma_start3A_13 = tpu.memref_slice %arg5[%mul3A_2] : memref<10240xf32, #tpu.memory_space<vmem_shared>> -> memref<640xf32, #tpu.memory_space<vmem_shared>>
      tpu.enqueue_dma source(%arg8 : memref<640xf32, #tpu.memory_space<vmem>>) target(%dma_start3A_13 : memref<640xf32, #tpu.memory_space<vmem_shared>>) target_semaphore(%run_scoped3A : memref<!tpu.dma_semaphore, #tpu.memory_space<semaphore_mem>>)
      %dma_wait3A = tpu.memref_slice %arg5[%mul3A_2] : memref<10240xf32, #tpu.memory_space<vmem_shared>> -> memref<640xf32, #tpu.memory_space<vmem_shared>>
      %dma_wait3A_14 = tpu.memref_slice %arg5[%mul3A_2] : memref<10240xf32, #tpu.memory_space<vmem_shared>> -> memref<640xf32, #tpu.memory_space<vmem_shared>>
      tpu.wait_dma2 semaphore(%run_scoped3A : memref<!tpu.dma_semaphore, #tpu.memory_space<semaphore_mem>>) src(%arg8 : memref<640xf32, #tpu.memory_space<vmem>>) dst(%dma_wait3A_14 : memref<640xf32, #tpu.memory_space<vmem_shared>>)
      tpu.yield
    }) : () -> ()
    %barrier3A = arith.constant 0 : index
    tpu.barrier barrier_id(%barrier3A)
    "tpu.region"() ({
      %run_scoped3A = tpu.sem_alloc : memref<!tpu.dma_semaphore, #tpu.memory_space<semaphore_mem>>
      %dma_start3A = arith.constant 0 : i32
      %dma_start3A_13 = arith.constant 0 : i32
      %dma_start3A_14 = tpu.memref_slice %arg2[%add3A, %dma_start3A, %dma_start3A_13] : memref<32x128x80xi32, #tpu.memory_space<hbm>> -> memref<1x128x80xi32, #tpu.memory_space<hbm>>
      %dma_start3A_15 = tpu.memref_squeeze %dma_start3A_14 : memref<1x128x80xi32, #tpu.memory_space<hbm>> -> memref<128x80xi32, #tpu.memory_space<hbm>>
      %dma_start3A_16 = arith.constant 0 : i32
      %dma_start3A_17 = arith.constant 0 : i32
      %dma_start3A_18 = tpu.memref_slice %arg2[%add3A, %dma_start3A_16, %dma_start3A_17] : memref<32x128x80xi32, #tpu.memory_space<hbm>> -> memref<1x128x80xi32, #tpu.memory_space<hbm>>
      %dma_start3A_19 = tpu.memref_squeeze %dma_start3A_18 : memref<1x128x80xi32, #tpu.memory_space<hbm>> -> memref<128x80xi32, #tpu.memory_space<hbm>>
      tpu.enqueue_dma source(%dma_start3A_19 : memref<128x80xi32, #tpu.memory_space<hbm>>) target(%arg6 : memref<128x80xi32, #tpu.memory_space<vmem>>) target_semaphore(%run_scoped3A : memref<!tpu.dma_semaphore, #tpu.memory_space<semaphore_mem>>)
      %dma_wait3A = arith.constant 0 : i32
      %dma_wait3A_20 = arith.constant 0 : i32
      %dma_wait3A_21 = tpu.memref_slice %arg2[%add3A, %dma_wait3A, %dma_wait3A_20] : memref<32x128x80xi32, #tpu.memory_space<hbm>> -> memref<1x128x80xi32, #tpu.memory_space<hbm>>
      %dma_wait3A_22 = tpu.memref_squeeze %dma_wait3A_21 : memref<1x128x80xi32, #tpu.memory_space<hbm>> -> memref<128x80xi32, #tpu.memory_space<hbm>>
      %dma_wait3A_23 = arith.constant 0 : i32
      %dma_wait3A_24 = arith.constant 0 : i32
      %dma_wait3A_25 = tpu.memref_slice %arg2[%add3A, %dma_wait3A_23, %dma_wait3A_24] : memref<32x128x80xi32, #tpu.memory_space<hbm>> -> memref<1x128x80xi32, #tpu.memory_space<hbm>>
      %dma_wait3A_26 = tpu.memref_squeeze %dma_wait3A_25 : memref<1x128x80xi32, #tpu.memory_space<hbm>> -> memref<128x80xi32, #tpu.memory_space<hbm>>
      tpu.wait_dma2 semaphore(%run_scoped3A : memref<!tpu.dma_semaphore, #tpu.memory_space<semaphore_mem>>) src(%dma_wait3A_26 : memref<128x80xi32, #tpu.memory_space<hbm>>) dst(%arg6 : memref<128x80xi32, #tpu.memory_space<vmem>>)
      tpu.yield
    }) : () -> ()
    "tpu.region"() ({
      %run_scoped3A = tpu.sem_alloc : memref<!tpu.dma_semaphore, #tpu.memory_space<semaphore_mem>>
      %dma_start3A = arith.constant 0 : i32
      %dma_start3A_13 = arith.constant 0 : i32
      %dma_start3A_14 = tpu.memref_slice %arg3[%add3A, %dma_start3A, %dma_start3A_13] : memref<32x128x80xf32, #tpu.memory_space<hbm>> -> memref<1x128x80xf32, #tpu.memory_space<hbm>>
      %dma_start3A_15 = tpu.memref_squeeze %dma_start3A_14 : memref<1x128x80xf32, #tpu.memory_space<hbm>> -> memref<128x80xf32, #tpu.memory_space<hbm>>
      %dma_start3A_16 = arith.constant 0 : i32
      %dma_start3A_17 = arith.constant 0 : i32
      %dma_start3A_18 = tpu.memref_slice %arg3[%add3A, %dma_start3A_16, %dma_start3A_17] : memref<32x128x80xf32, #tpu.memory_space<hbm>> -> memref<1x128x80xf32, #tpu.memory_space<hbm>>
      %dma_start3A_19 = tpu.memref_squeeze %dma_start3A_18 : memref<1x128x80xf32, #tpu.memory_space<hbm>> -> memref<128x80xf32, #tpu.memory_space<hbm>>
      tpu.enqueue_dma source(%dma_start3A_19 : memref<128x80xf32, #tpu.memory_space<hbm>>) target(%arg7 : memref<128x80xf32, #tpu.memory_space<vmem>>) target_semaphore(%run_scoped3A : memref<!tpu.dma_semaphore, #tpu.memory_space<semaphore_mem>>)
      %dma_wait3A = arith.constant 0 : i32
      %dma_wait3A_20 = arith.constant 0 : i32
      %dma_wait3A_21 = tpu.memref_slice %arg3[%add3A, %dma_wait3A, %dma_wait3A_20] : memref<32x128x80xf32, #tpu.memory_space<hbm>> -> memref<1x128x80xf32, #tpu.memory_space<hbm>>
      %dma_wait3A_22 = tpu.memref_squeeze %dma_wait3A_21 : memref<1x128x80xf32, #tpu.memory_space<hbm>> -> memref<128x80xf32, #tpu.memory_space<hbm>>
      %dma_wait3A_23 = arith.constant 0 : i32
      %dma_wait3A_24 = arith.constant 0 : i32
      %dma_wait3A_25 = tpu.memref_slice %arg3[%add3A, %dma_wait3A_23, %dma_wait3A_24] : memref<32x128x80xf32, #tpu.memory_space<hbm>> -> memref<1x128x80xf32, #tpu.memory_space<hbm>>
      %dma_wait3A_26 = tpu.memref_squeeze %dma_wait3A_25 : memref<1x128x80xf32, #tpu.memory_space<hbm>> -> memref<128x80xf32, #tpu.memory_space<hbm>>
      tpu.wait_dma2 semaphore(%run_scoped3A : memref<!tpu.dma_semaphore, #tpu.memory_space<semaphore_mem>>) src(%dma_wait3A_26 : memref<128x80xf32, #tpu.memory_space<hbm>>) dst(%arg7 : memref<128x80xf32, #tpu.memory_space<vmem>>)
      tpu.yield
    }) : () -> ()
    %scan3A_7 = arith.constant 0 : i32
    %scan3A_8 = arith.constant 128 : i32
    %scan3A_9 = arith.addi %scan3A_7, %scan3A_8 : i32
    %scan3A_10 = arith.constant 1 : i32
    scf.for %scan3A_13 = %scan3A_7 to %scan3A_9 step %scan3A_10  : i32 {
      %mul3A_14 = arith.constant 1 : i32
      %mul3A_15 = arith.muli %scan3A_13, %mul3A_14 : i32
      %add3A_16 = arith.constant 0 : i32
      %add3A_17 = arith.addi %add3A_16, %mul3A_15 : i32
      "tpu.region"() ({
        %run_scoped3A = tpu.sem_alloc : memref<!tpu.dma_semaphore, #tpu.memory_space<semaphore_mem>>
        %dma_start3A = arith.constant 0 : i32
        %dma_start3A_18 = tpu.memref_slice %arg7[%add3A_17, %dma_start3A] : memref<128x80xf32, #tpu.memory_space<vmem>> -> memref<1x80xf32, #tpu.memory_space<vmem>>
        %dma_start3A_19 = tpu.memref_squeeze %dma_start3A_18 : memref<1x80xf32, #tpu.memory_space<vmem>> -> memref<80xf32, #tpu.memory_space<vmem>>
        %dma_start3A_20 = arith.constant 0 : i32
        %dma_start3A_21 = tpu.memref_slice %arg6[%add3A_17, %dma_start3A_20] : memref<128x80xi32, #tpu.memory_space<vmem>> -> memref<1x80xi32, #tpu.memory_space<vmem>>
        %dma_start3A_22 = tpu.memref_squeeze %dma_start3A_21 : memref<1x80xi32, #tpu.memory_space<vmem>> -> memref<80xi32, #tpu.memory_space<vmem>>
        %dma_start3A_23 = arith.constant 0 : i32
        %dma_start3A_24 = tpu.memref_slice %arg5[%dma_start3A_23] : memref<10240xf32, #tpu.memory_space<vmem_shared>> -> memref<10240xf32, #tpu.memory_space<vmem_shared>>
        tpu.enqueue_indirect_dma source(%dma_start3A_19 : memref<80xf32, #tpu.memory_space<vmem>>) target(%dma_start3A_24 : memref<10240xf32, #tpu.memory_space<vmem_shared>>) offsets(%dma_start3A_22 : memref<80xi32, #tpu.memory_space<vmem>>) semaphore(%run_scoped3A : memref<!tpu.dma_semaphore, #tpu.memory_space<semaphore_mem>>) {add = true}
        %dma_wait3A = arith.constant 0 : i32
        %dma_wait3A_25 = tpu.memref_slice %arg7[%add3A_17, %dma_wait3A] : memref<128x80xf32, #tpu.memory_space<vmem>> -> memref<1x80xf32, #tpu.memory_space<vmem>>
        %dma_wait3A_26 = tpu.memref_squeeze %dma_wait3A_25 : memref<1x80xf32, #tpu.memory_space<vmem>> -> memref<80xf32, #tpu.memory_space<vmem>>
        %dma_wait3A_27 = arith.constant 0 : i32
        %dma_wait3A_28 = tpu.memref_slice %arg6[%add3A_17, %dma_wait3A_27] : memref<128x80xi32, #tpu.memory_space<vmem>> -> memref<1x80xi32, #tpu.memory_space<vmem>>
        %dma_wait3A_29 = tpu.memref_squeeze %dma_wait3A_28 : memref<1x80xi32, #tpu.memory_space<vmem>> -> memref<80xi32, #tpu.memory_space<vmem>>
        %dma_wait3A_30 = arith.constant 0 : i32
        %dma_wait3A_31 = tpu.memref_slice %arg5[%dma_wait3A_30] : memref<10240xf32, #tpu.memory_space<vmem_shared>> -> memref<10240xf32, #tpu.memory_space<vmem_shared>>
        tpu.wait_indirect_dma semaphore(%run_scoped3A : memref<!tpu.dma_semaphore, #tpu.memory_space<semaphore_mem>>) src(%dma_wait3A_26 : memref<80xf32, #tpu.memory_space<vmem>>) dst(%dma_wait3A_31 : memref<10240xf32, #tpu.memory_space<vmem_shared>>)
        tpu.yield
      }) : () -> ()
    }
    %scan3A_11 = arith.constant 128 : i32
    %barrier3A_12 = arith.constant 0 : index
    tpu.barrier barrier_id(%barrier3A_12)
    "tpu.region"() ({
      %run_scoped3A = tpu.sem_alloc : memref<!tpu.dma_semaphore, #tpu.memory_space<semaphore_mem>>
      %dma_start3A = tpu.memref_slice %arg5[%mul3A_2] : memref<10240xf32, #tpu.memory_space<vmem_shared>> -> memref<640xf32, #tpu.memory_space<vmem_shared>>
      %dma_start3A_13 = tpu.memref_slice %arg5[%mul3A_2] : memref<10240xf32, #tpu.memory_space<vmem_shared>> -> memref<640xf32, #tpu.memory_space<vmem_shared>>
      tpu.enqueue_dma source(%dma_start3A_13 : memref<640xf32, #tpu.memory_space<vmem_shared>>) target(%arg8 : memref<640xf32, #tpu.memory_space<vmem>>) target_semaphore(%run_scoped3A : memref<!tpu.dma_semaphore, #tpu.memory_space<semaphore_mem>>)
      %dma_wait3A = tpu.memref_slice %arg5[%mul3A_2] : memref<10240xf32, #tpu.memory_space<vmem_shared>> -> memref<640xf32, #tpu.memory_space<vmem_shared>>
      %dma_wait3A_14 = tpu.memref_slice %arg5[%mul3A_2] : memref<10240xf32, #tpu.memory_space<vmem_shared>> -> memref<640xf32, #tpu.memory_space<vmem_shared>>
      tpu.wait_dma2 semaphore(%run_scoped3A : memref<!tpu.dma_semaphore, #tpu.memory_space<semaphore_mem>>) src(%dma_wait3A_14 : memref<640xf32, #tpu.memory_space<vmem_shared>>) dst(%arg8 : memref<640xf32, #tpu.memory_space<vmem>>)
      tpu.yield
    }) : () -> ()
    "tpu.region"() ({
      %run_scoped3A = tpu.sem_alloc : memref<!tpu.dma_semaphore, #tpu.memory_space<semaphore_mem>>
      %dma_start3A = tpu.memref_slice %arg4[%arg0, %mul3A_2] : memref<2x10240xf32, #tpu.memory_space<hbm>> -> memref<1x640xf32, #tpu.memory_space<hbm>>
      %dma_start3A_13 = tpu.memref_squeeze %dma_start3A : memref<1x640xf32, #tpu.memory_space<hbm>> -> memref<640xf32, #tpu.memory_space<hbm>>
      %dma_start3A_14 = tpu.memref_slice %arg4[%arg0, %mul3A_2] : memref<2x10240xf32, #tpu.memory_space<hbm>> -> memref<1x640xf32, #tpu.memory_space<hbm>>
      %dma_start3A_15 = tpu.memref_squeeze %dma_start3A_14 : memref<1x640xf32, #tpu.memory_space<hbm>> -> memref<640xf32, #tpu.memory_space<hbm>>
      tpu.enqueue_dma source(%arg8 : memref<640xf32, #tpu.memory_space<vmem>>) target(%dma_start3A_15 : memref<640xf32, #tpu.memory_space<hbm>>) target_semaphore(%run_scoped3A : memref<!tpu.dma_semaphore, #tpu.memory_space<semaphore_mem>>)
      %dma_wait3A = tpu.memref_slice %arg4[%arg0, %mul3A_2] : memref<2x10240xf32, #tpu.memory_space<hbm>> -> memref<1x640xf32, #tpu.memory_space<hbm>>
      %dma_wait3A_16 = tpu.memref_squeeze %dma_wait3A : memref<1x640xf32, #tpu.memory_space<hbm>> -> memref<640xf32, #tpu.memory_space<hbm>>
      %dma_wait3A_17 = tpu.memref_slice %arg4[%arg0, %mul3A_2] : memref<2x10240xf32, #tpu.memory_space<hbm>> -> memref<1x640xf32, #tpu.memory_space<hbm>>
      %dma_wait3A_18 = tpu.memref_squeeze %dma_wait3A_17 : memref<1x640xf32, #tpu.memory_space<hbm>> -> memref<640xf32, #tpu.memory_space<hbm>>
      tpu.wait_dma2 semaphore(%run_scoped3A : memref<!tpu.dma_semaphore, #tpu.memory_space<semaphore_mem>>) src(%arg8 : memref<640xf32, #tpu.memory_space<vmem>>) dst(%dma_wait3A_18 : memref<640xf32, #tpu.memory_space<hbm>>)
      tpu.yield
    }) : () -> ()
    return
  }
}

#map = affine_map<(d0, d1) -> (0, 0, 0)>
#map1 = affine_map<(d0, d1) -> (0)>
#map2 = affine_map<(d0, d1) -> (0, 0)>
module attributes {stable_mosaic.version = 14 : i64} {
  func.func @body(%arg0: i32, %arg1: i32, %arg2: memref<32x128x80xi32, #tpu.memory_space<hbm>>, %arg3: memref<32x128x80xi32, #tpu.memory_space<hbm>>, %arg4: memref<32x128x80xf32, #tpu.memory_space<hbm>>, %arg5: memref<10240xf32, #tpu.memory_space<hbm>>, %arg6: memref<32x10240xf32, #tpu.memory_space<hbm>>, %arg7: memref<10240xf32, #tpu.memory_space<vmem>>, %arg8: memref<128x80xi32, #tpu.memory_space<vmem>>, %arg9: memref<128x80xi32, #tpu.memory_space<vmem>>, %arg10: memref<128x80xf32, #tpu.memory_space<vmem>>, %arg11: memref<10240xf32, #tpu.memory_space<vmem>>) attributes {dimension_semantics = [#tpu.dimension_semantics<core_parallel>, #tpu.dimension_semantics<subcore_parallel>], iteration_bounds = array<i64: 2, 16>, scalar_prefetch = 0 : i64, scratch_operands = 5 : i64, tpu.core_type = #tpu.core_type<sc_vector_subcore>, window_params = [{transform_indices = #map}, {transform_indices = #map}, {transform_indices = #map}, {transform_indices = #map1}, {transform_indices = #map2}]} {
    %mul3A = arith.constant 16 : i32
    %mul3A_0 = arith.muli %arg0, %mul3A : i32
    %add3A = arith.addi %mul3A_0, %arg1 : i32
    "tpu.region"() ({
      %run_scoped3A = tpu.sem_alloc : memref<!tpu.dma_semaphore, #tpu.memory_space<semaphore_mem>>
      tpu.enqueue_dma source(%arg5 : memref<10240xf32, #tpu.memory_space<hbm>>) target(%arg7 : memref<10240xf32, #tpu.memory_space<vmem>>) target_semaphore(%run_scoped3A : memref<!tpu.dma_semaphore, #tpu.memory_space<semaphore_mem>>)
      tpu.wait_dma2 semaphore(%run_scoped3A : memref<!tpu.dma_semaphore, #tpu.memory_space<semaphore_mem>>) src(%arg5 : memref<10240xf32, #tpu.memory_space<hbm>>) dst(%arg7 : memref<10240xf32, #tpu.memory_space<vmem>>)
      tpu.yield
    }) : () -> ()
    "tpu.region"() ({
      %run_scoped3A = tpu.sem_alloc : memref<!tpu.dma_semaphore, #tpu.memory_space<semaphore_mem>>
      %dma_start3A = arith.constant 0 : i32
      %dma_start3A_5 = arith.constant 0 : i32
      %dma_start3A_6 = tpu.memref_slice %arg2[%add3A, %dma_start3A, %dma_start3A_5] : memref<32x128x80xi32, #tpu.memory_space<hbm>> -> memref<1x128x80xi32, #tpu.memory_space<hbm>>
      %dma_start3A_7 = tpu.memref_squeeze %dma_start3A_6 : memref<1x128x80xi32, #tpu.memory_space<hbm>> -> memref<128x80xi32, #tpu.memory_space<hbm>>
      %dma_start3A_8 = arith.constant 0 : i32
      %dma_start3A_9 = arith.constant 0 : i32
      %dma_start3A_10 = tpu.memref_slice %arg2[%add3A, %dma_start3A_8, %dma_start3A_9] : memref<32x128x80xi32, #tpu.memory_space<hbm>> -> memref<1x128x80xi32, #tpu.memory_space<hbm>>
      %dma_start3A_11 = tpu.memref_squeeze %dma_start3A_10 : memref<1x128x80xi32, #tpu.memory_space<hbm>> -> memref<128x80xi32, #tpu.memory_space<hbm>>
      tpu.enqueue_dma source(%dma_start3A_11 : memref<128x80xi32, #tpu.memory_space<hbm>>) target(%arg8 : memref<128x80xi32, #tpu.memory_space<vmem>>) target_semaphore(%run_scoped3A : memref<!tpu.dma_semaphore, #tpu.memory_space<semaphore_mem>>)
      %dma_wait3A = arith.constant 0 : i32
      %dma_wait3A_12 = arith.constant 0 : i32
      %dma_wait3A_13 = tpu.memref_slice %arg2[%add3A, %dma_wait3A, %dma_wait3A_12] : memref<32x128x80xi32, #tpu.memory_space<hbm>> -> memref<1x128x80xi32, #tpu.memory_space<hbm>>
      %dma_wait3A_14 = tpu.memref_squeeze %dma_wait3A_13 : memref<1x128x80xi32, #tpu.memory_space<hbm>> -> memref<128x80xi32, #tpu.memory_space<hbm>>
      %dma_wait3A_15 = arith.constant 0 : i32
      %dma_wait3A_16 = arith.constant 0 : i32
      %dma_wait3A_17 = tpu.memref_slice %arg2[%add3A, %dma_wait3A_15, %dma_wait3A_16] : memref<32x128x80xi32, #tpu.memory_space<hbm>> -> memref<1x128x80xi32, #tpu.memory_space<hbm>>
      %dma_wait3A_18 = tpu.memref_squeeze %dma_wait3A_17 : memref<1x128x80xi32, #tpu.memory_space<hbm>> -> memref<128x80xi32, #tpu.memory_space<hbm>>
      tpu.wait_dma2 semaphore(%run_scoped3A : memref<!tpu.dma_semaphore, #tpu.memory_space<semaphore_mem>>) src(%dma_wait3A_18 : memref<128x80xi32, #tpu.memory_space<hbm>>) dst(%arg8 : memref<128x80xi32, #tpu.memory_space<vmem>>)
      tpu.yield
    }) : () -> ()
    "tpu.region"() ({
      %run_scoped3A = tpu.sem_alloc : memref<!tpu.dma_semaphore, #tpu.memory_space<semaphore_mem>>
      %dma_start3A = arith.constant 0 : i32
      %dma_start3A_5 = arith.constant 0 : i32
      %dma_start3A_6 = tpu.memref_slice %arg3[%add3A, %dma_start3A, %dma_start3A_5] : memref<32x128x80xi32, #tpu.memory_space<hbm>> -> memref<1x128x80xi32, #tpu.memory_space<hbm>>
      %dma_start3A_7 = tpu.memref_squeeze %dma_start3A_6 : memref<1x128x80xi32, #tpu.memory_space<hbm>> -> memref<128x80xi32, #tpu.memory_space<hbm>>
      %dma_start3A_8 = arith.constant 0 : i32
      %dma_start3A_9 = arith.constant 0 : i32
      %dma_start3A_10 = tpu.memref_slice %arg3[%add3A, %dma_start3A_8, %dma_start3A_9] : memref<32x128x80xi32, #tpu.memory_space<hbm>> -> memref<1x128x80xi32, #tpu.memory_space<hbm>>
      %dma_start3A_11 = tpu.memref_squeeze %dma_start3A_10 : memref<1x128x80xi32, #tpu.memory_space<hbm>> -> memref<128x80xi32, #tpu.memory_space<hbm>>
      tpu.enqueue_dma source(%dma_start3A_11 : memref<128x80xi32, #tpu.memory_space<hbm>>) target(%arg9 : memref<128x80xi32, #tpu.memory_space<vmem>>) target_semaphore(%run_scoped3A : memref<!tpu.dma_semaphore, #tpu.memory_space<semaphore_mem>>)
      %dma_wait3A = arith.constant 0 : i32
      %dma_wait3A_12 = arith.constant 0 : i32
      %dma_wait3A_13 = tpu.memref_slice %arg3[%add3A, %dma_wait3A, %dma_wait3A_12] : memref<32x128x80xi32, #tpu.memory_space<hbm>> -> memref<1x128x80xi32, #tpu.memory_space<hbm>>
      %dma_wait3A_14 = tpu.memref_squeeze %dma_wait3A_13 : memref<1x128x80xi32, #tpu.memory_space<hbm>> -> memref<128x80xi32, #tpu.memory_space<hbm>>
      %dma_wait3A_15 = arith.constant 0 : i32
      %dma_wait3A_16 = arith.constant 0 : i32
      %dma_wait3A_17 = tpu.memref_slice %arg3[%add3A, %dma_wait3A_15, %dma_wait3A_16] : memref<32x128x80xi32, #tpu.memory_space<hbm>> -> memref<1x128x80xi32, #tpu.memory_space<hbm>>
      %dma_wait3A_18 = tpu.memref_squeeze %dma_wait3A_17 : memref<1x128x80xi32, #tpu.memory_space<hbm>> -> memref<128x80xi32, #tpu.memory_space<hbm>>
      tpu.wait_dma2 semaphore(%run_scoped3A : memref<!tpu.dma_semaphore, #tpu.memory_space<semaphore_mem>>) src(%dma_wait3A_18 : memref<128x80xi32, #tpu.memory_space<hbm>>) dst(%arg9 : memref<128x80xi32, #tpu.memory_space<vmem>>)
      tpu.yield
    }) : () -> ()
    "tpu.region"() ({
      %run_scoped3A = tpu.sem_alloc : memref<!tpu.dma_semaphore, #tpu.memory_space<semaphore_mem>>
      %dma_start3A = arith.constant 0 : i32
      %dma_start3A_5 = arith.constant 0 : i32
      %dma_start3A_6 = tpu.memref_slice %arg4[%add3A, %dma_start3A, %dma_start3A_5] : memref<32x128x80xf32, #tpu.memory_space<hbm>> -> memref<1x128x80xf32, #tpu.memory_space<hbm>>
      %dma_start3A_7 = tpu.memref_squeeze %dma_start3A_6 : memref<1x128x80xf32, #tpu.memory_space<hbm>> -> memref<128x80xf32, #tpu.memory_space<hbm>>
      %dma_start3A_8 = arith.constant 0 : i32
      %dma_start3A_9 = arith.constant 0 : i32
      %dma_start3A_10 = tpu.memref_slice %arg4[%add3A, %dma_start3A_8, %dma_start3A_9] : memref<32x128x80xf32, #tpu.memory_space<hbm>> -> memref<1x128x80xf32, #tpu.memory_space<hbm>>
      %dma_start3A_11 = tpu.memref_squeeze %dma_start3A_10 : memref<1x128x80xf32, #tpu.memory_space<hbm>> -> memref<128x80xf32, #tpu.memory_space<hbm>>
      tpu.enqueue_dma source(%dma_start3A_11 : memref<128x80xf32, #tpu.memory_space<hbm>>) target(%arg10 : memref<128x80xf32, #tpu.memory_space<vmem>>) target_semaphore(%run_scoped3A : memref<!tpu.dma_semaphore, #tpu.memory_space<semaphore_mem>>)
      %dma_wait3A = arith.constant 0 : i32
      %dma_wait3A_12 = arith.constant 0 : i32
      %dma_wait3A_13 = tpu.memref_slice %arg4[%add3A, %dma_wait3A, %dma_wait3A_12] : memref<32x128x80xf32, #tpu.memory_space<hbm>> -> memref<1x128x80xf32, #tpu.memory_space<hbm>>
      %dma_wait3A_14 = tpu.memref_squeeze %dma_wait3A_13 : memref<1x128x80xf32, #tpu.memory_space<hbm>> -> memref<128x80xf32, #tpu.memory_space<hbm>>
      %dma_wait3A_15 = arith.constant 0 : i32
      %dma_wait3A_16 = arith.constant 0 : i32
      %dma_wait3A_17 = tpu.memref_slice %arg4[%add3A, %dma_wait3A_15, %dma_wait3A_16] : memref<32x128x80xf32, #tpu.memory_space<hbm>> -> memref<1x128x80xf32, #tpu.memory_space<hbm>>
      %dma_wait3A_18 = tpu.memref_squeeze %dma_wait3A_17 : memref<1x128x80xf32, #tpu.memory_space<hbm>> -> memref<128x80xf32, #tpu.memory_space<hbm>>
      tpu.wait_dma2 semaphore(%run_scoped3A : memref<!tpu.dma_semaphore, #tpu.memory_space<semaphore_mem>>) src(%dma_wait3A_18 : memref<128x80xf32, #tpu.memory_space<hbm>>) dst(%arg10 : memref<128x80xf32, #tpu.memory_space<vmem>>)
      tpu.yield
    }) : () -> ()
    %scan3A = arith.constant 0 : i32
    %scan3A_1 = arith.constant 128 : i32
    %scan3A_2 = arith.addi %scan3A, %scan3A_1 : i32
    %scan3A_3 = arith.constant 1 : i32
    scf.for %scan3A_5 = %scan3A to %scan3A_2 step %scan3A_3  : i32 {
      %mul3A_6 = arith.constant 1 : i32
      %mul3A_7 = arith.muli %scan3A_5, %mul3A_6 : i32
      %add3A_8 = arith.constant 0 : i32
      %add3A_9 = arith.addi %add3A_8, %mul3A_7 : i32
      %scan3A_10 = arith.constant 0 : i32
      %scan3A_11 = arith.constant 5 : i32
      %scan3A_12 = arith.addi %scan3A_10, %scan3A_11 : i32
      %scan3A_13 = arith.constant 1 : i32
      scf.for %scan3A_15 = %scan3A_10 to %scan3A_12 step %scan3A_13  : i32 {
        %mul3A_16 = arith.constant 1 : i32
        %mul3A_17 = arith.muli %scan3A_15, %mul3A_16 : i32
        %add3A_18 = arith.constant 0 : i32
        %add3A_19 = arith.addi %add3A_18, %mul3A_17 : i32
        %mul3A_20 = arith.constant 16 : i32
        %mul3A_21 = arith.muli %add3A_19, %mul3A_20 : i32
        %get3A = arith.index_cast %add3A_9 : i32 to index
        %get3A_22 = arith.index_cast %mul3A_21 : i32 to index
        %get3A_23 = tpu.vector_load %arg8[%get3A, %get3A_22] {strides = array<i32>} : memref<128x80xi32, #tpu.memory_space<vmem>>, vector<16xi32>,
        %get3A_24 = arith.index_cast %add3A_9 : i32 to index
        %get3A_25 = arith.index_cast %mul3A_21 : i32 to index
        %get3A_26 = tpu.vector_load %arg9[%get3A_24, %get3A_25] {strides = array<i32>} : memref<128x80xi32, #tpu.memory_space<vmem>>, vector<16xi32>,
        %get3A_27 = arith.index_cast %add3A_9 : i32 to index
        %get3A_28 = arith.index_cast %mul3A_21 : i32 to index
        %get3A_29 = tpu.vector_load %arg10[%get3A_27, %get3A_28] {strides = array<i32>} : memref<128x80xf32, #tpu.memory_space<vmem>>, vector<16xf32>,
        %gather3A = tpu.vector_load_idx %arg7[%get3A_23] : memref<10240xf32, #tpu.memory_space<vmem>>[vector<16xi32>], vector<16xf32>,
        %mul3A_30 = arith.mulf %gather3A, %get3A_29 : vector<16xf32>
        %gather3A_31 = tpu.vector_load_idx %arg7[%get3A_26] : memref<10240xf32, #tpu.memory_space<vmem>>[vector<16xi32>], vector<16xf32>,
        %mul3A_32 = arith.mulf %mul3A_30, %gather3A_31 : vector<16xf32>
        %mul3A_33 = arith.constant 80 : i32
        %mul3A_34 = arith.muli %add3A_9, %mul3A_33 : i32
        %mul3A_35 = arith.constant 16 : i32
        %mul3A_36 = arith.muli %add3A_19, %mul3A_35 : i32
        %add3A_37 = arith.addi %mul3A_34, %mul3A_36 : i32
        %swap3A = arith.index_cast %add3A_37 : i32 to index
        %swap3A_38 = tpu.vector_load %arg11[%swap3A] {strides = array<i32>} : memref<10240xf32, #tpu.memory_space<vmem>>, vector<16xf32>,
        tpu.vector_store %arg11[%swap3A], %mul3A_32 {strides = array<i32>} : memref<10240xf32, #tpu.memory_space<vmem>>, vector<16xf32>,
      }
      %scan3A_14 = arith.constant 5 : i32
    }
    %scan3A_4 = arith.constant 128 : i32
    "tpu.region"() ({
      %run_scoped3A = tpu.sem_alloc : memref<!tpu.dma_semaphore, #tpu.memory_space<semaphore_mem>>
      %dma_start3A = arith.constant 0 : i32
      %dma_start3A_5 = tpu.memref_slice %arg6[%add3A, %dma_start3A] : memref<32x10240xf32, #tpu.memory_space<hbm>> -> memref<1x10240xf32, #tpu.memory_space<hbm>>
      %dma_start3A_6 = tpu.memref_squeeze %dma_start3A_5 : memref<1x10240xf32, #tpu.memory_space<hbm>> -> memref<10240xf32, #tpu.memory_space<hbm>>
      %dma_start3A_7 = arith.constant 0 : i32
      %dma_start3A_8 = tpu.memref_slice %arg6[%add3A, %dma_start3A_7] : memref<32x10240xf32, #tpu.memory_space<hbm>> -> memref<1x10240xf32, #tpu.memory_space<hbm>>
      %dma_start3A_9 = tpu.memref_squeeze %dma_start3A_8 : memref<1x10240xf32, #tpu.memory_space<hbm>> -> memref<10240xf32, #tpu.memory_space<hbm>>
      tpu.enqueue_dma source(%arg11 : memref<10240xf32, #tpu.memory_space<vmem>>) target(%dma_start3A_9 : memref<10240xf32, #tpu.memory_space<hbm>>) target_semaphore(%run_scoped3A : memref<!tpu.dma_semaphore, #tpu.memory_space<semaphore_mem>>)
      %dma_wait3A = arith.constant 0 : i32
      %dma_wait3A_10 = tpu.memref_slice %arg6[%add3A, %dma_wait3A] : memref<32x10240xf32, #tpu.memory_space<hbm>> -> memref<1x10240xf32, #tpu.memory_space<hbm>>
      %dma_wait3A_11 = tpu.memref_squeeze %dma_wait3A_10 : memref<1x10240xf32, #tpu.memory_space<hbm>> -> memref<10240xf32, #tpu.memory_space<hbm>>
      %dma_wait3A_12 = arith.constant 0 : i32
      %dma_wait3A_13 = tpu.memref_slice %arg6[%add3A, %dma_wait3A_12] : memref<32x10240xf32, #tpu.memory_space<hbm>> -> memref<1x10240xf32, #tpu.memory_space<hbm>>
      %dma_wait3A_14 = tpu.memref_squeeze %dma_wait3A_13 : memref<1x10240xf32, #tpu.memory_space<hbm>> -> memref<10240xf32, #tpu.memory_space<hbm>>
      tpu.wait_dma2 semaphore(%run_scoped3A : memref<!tpu.dma_semaphore, #tpu.memory_space<semaphore_mem>>) src(%arg11 : memref<10240xf32, #tpu.memory_space<vmem>>) dst(%dma_wait3A_14 : memref<10240xf32, #tpu.memory_space<hbm>>)
      tpu.yield
    }) : () -> ()
    return
  }
}

#map = affine_map<(d0, d1) -> (0, 0)>
#map1 = affine_map<(d0, d1) -> (0, 0, 0, 0)>
#map2 = affine_map<(d0, d1) -> (0, 0, 0)>
module attributes {stable_mosaic.version = 14 : i64} {
  func.func @body(%arg0: i32, %arg1: i32, %arg2: memref<10240x128xf32, #tpu.memory_space<hbm>>, %arg3: memref<32x32x12x80xi32, #tpu.memory_space<hbm>>, %arg4: memref<2x10240x128xf32, #tpu.memory_space<hbm>>, %arg5: memref<10240x128xf32, #tpu.memory_space<vmem_shared>>, %arg6: memref<12x80xi32, #tpu.memory_space<vmem>>, %arg7: memref<80x128xf32, #tpu.memory_space<vmem>>, %arg8: memref<80x128xf32, #tpu.memory_space<vmem>>, %arg9: memref<80x128xf32, #tpu.memory_space<vmem>>, %arg10: memref<80x128xf32, #tpu.memory_space<vmem>>, %arg11: memref<!tpu.dma_semaphore, #tpu.memory_space<semaphore_mem>>, %arg12: memref<!tpu.dma_semaphore, #tpu.memory_space<semaphore_mem>>, %arg13: memref<!tpu.dma_semaphore, #tpu.memory_space<semaphore_mem>>, %arg14: memref<!tpu.dma_semaphore, #tpu.memory_space<semaphore_mem>>, %arg15: memref<!tpu.dma_semaphore, #tpu.memory_space<semaphore_mem>>, %arg16: memref<!tpu.dma_semaphore, #tpu.memory_space<semaphore_mem>>, %arg17: memref<!tpu.dma_semaphore, #tpu.memory_space<semaphore_mem>>, %arg18: memref<!tpu.dma_semaphore, #tpu.memory_space<semaphore_mem>>) attributes {dimension_semantics = [#tpu.dimension_semantics<core_parallel>, #tpu.dimension_semantics<subcore_parallel>], iteration_bounds = array<i64: 2, 16>, scalar_prefetch = 0 : i64, scratch_operands = 14 : i64, tpu.core_type = #tpu.core_type<sc_vector_subcore>, window_params = [{transform_indices = #map}, {transform_indices = #map1}, {transform_indices = #map2}]} {
    %mul3A = arith.constant 16 : i32
    %mul3A_0 = arith.muli %arg0, %mul3A : i32
    %add3A = arith.addi %mul3A_0, %arg1 : i32
    %scan3A = arith.constant 0 : i32
    %scan3A_1 = arith.constant 80 : i32
    %scan3A_2 = arith.addi %scan3A, %scan3A_1 : i32
    %scan3A_3 = arith.constant 1 : i32
    scf.for %scan3A_18 = %scan3A to %scan3A_2 step %scan3A_3  : i32 {
      %mul3A_19 = arith.constant 1 : i32
      %mul3A_20 = arith.muli %scan3A_18, %mul3A_19 : i32
      %add3A_21 = arith.constant 0 : i32
      %add3A_22 = arith.addi %add3A_21, %mul3A_20 : i32
      %broadcast_in_dim3A = arith.constant 0.000000e+00 : f32
      %broadcast_in_dim3A_23 = vector.broadcast %broadcast_in_dim3A : f32 to vector<16xf32>
      %swap3A = arith.index_cast %add3A_22 : i32 to index
      %swap3A_24 = arith.constant 0 : index
      %swap3A_25 = tpu.vector_load %arg7[%swap3A, %swap3A_24] {strides = array<i32>} : memref<80x128xf32, #tpu.memory_space<vmem>>, vector<16xf32>,
      tpu.vector_store %arg7[%swap3A, %swap3A_24], %broadcast_in_dim3A_23 {strides = array<i32>} : memref<80x128xf32, #tpu.memory_space<vmem>>, vector<16xf32>,
      %broadcast_in_dim3A_26 = arith.constant 0.000000e+00 : f32
      %broadcast_in_dim3A_27 = vector.broadcast %broadcast_in_dim3A_26 : f32 to vector<16xf32>
      %swap3A_28 = arith.index_cast %add3A_22 : i32 to index
      %swap3A_29 = arith.constant 16 : index
      %swap3A_30 = tpu.vector_load %arg7[%swap3A_28, %swap3A_29] {strides = array<i32>} : memref<80x128xf32, #tpu.memory_space<vmem>>, vector<16xf32>,
      tpu.vector_store %arg7[%swap3A_28, %swap3A_29], %broadcast_in_dim3A_27 {strides = array<i32>} : memref<80x128xf32, #tpu.memory_space<vmem>>, vector<16xf32>,
      %broadcast_in_dim3A_31 = arith.constant 0.000000e+00 : f32
      %broadcast_in_dim3A_32 = vector.broadcast %broadcast_in_dim3A_31 : f32 to vector<16xf32>
      %swap3A_33 = arith.index_cast %add3A_22 : i32 to index
      %swap3A_34 = arith.constant 32 : index
      %swap3A_35 = tpu.vector_load %arg7[%swap3A_33, %swap3A_34] {strides = array<i32>} : memref<80x128xf32, #tpu.memory_space<vmem>>, vector<16xf32>,
      tpu.vector_store %arg7[%swap3A_33, %swap3A_34], %broadcast_in_dim3A_32 {strides = array<i32>} : memref<80x128xf32, #tpu.memory_space<vmem>>, vector<16xf32>,
      %broadcast_in_dim3A_36 = arith.constant 0.000000e+00 : f32
      %broadcast_in_dim3A_37 = vector.broadcast %broadcast_in_dim3A_36 : f32 to vector<16xf32>
      %swap3A_38 = arith.index_cast %add3A_22 : i32 to index
      %swap3A_39 = arith.constant 48 : index
      %swap3A_40 = tpu.vector_load %arg7[%swap3A_38, %swap3A_39] {strides = array<i32>} : memref<80x128xf32, #tpu.memory_space<vmem>>, vector<16xf32>,
      tpu.vector_store %arg7[%swap3A_38, %swap3A_39], %broadcast_in_dim3A_37 {strides = array<i32>} : memref<80x128xf32, #tpu.memory_space<vmem>>, vector<16xf32>,
      %broadcast_in_dim3A_41 = arith.constant 0.000000e+00 : f32
      %broadcast_in_dim3A_42 = vector.broadcast %broadcast_in_dim3A_41 : f32 to vector<16xf32>
      %swap3A_43 = arith.index_cast %add3A_22 : i32 to index
      %swap3A_44 = arith.constant 64 : index
      %swap3A_45 = tpu.vector_load %arg7[%swap3A_43, %swap3A_44] {strides = array<i32>} : memref<80x128xf32, #tpu.memory_space<vmem>>, vector<16xf32>,
      tpu.vector_store %arg7[%swap3A_43, %swap3A_44], %broadcast_in_dim3A_42 {strides = array<i32>} : memref<80x128xf32, #tpu.memory_space<vmem>>, vector<16xf32>,
      %broadcast_in_dim3A_46 = arith.constant 0.000000e+00 : f32
      %broadcast_in_dim3A_47 = vector.broadcast %broadcast_in_dim3A_46 : f32 to vector<16xf32>
      %swap3A_48 = arith.index_cast %add3A_22 : i32 to index
      %swap3A_49 = arith.constant 80 : index
      %swap3A_50 = tpu.vector_load %arg7[%swap3A_48, %swap3A_49] {strides = array<i32>} : memref<80x128xf32, #tpu.memory_space<vmem>>, vector<16xf32>,
      tpu.vector_store %arg7[%swap3A_48, %swap3A_49], %broadcast_in_dim3A_47 {strides = array<i32>} : memref<80x128xf32, #tpu.memory_space<vmem>>, vector<16xf32>,
      %broadcast_in_dim3A_51 = arith.constant 0.000000e+00 : f32
      %broadcast_in_dim3A_52 = vector.broadcast %broadcast_in_dim3A_51 : f32 to vector<16xf32>
      %swap3A_53 = arith.index_cast %add3A_22 : i32 to index
      %swap3A_54 = arith.constant 96 : index
      %swap3A_55 = tpu.vector_load %arg7[%swap3A_53, %swap3A_54] {strides = array<i32>} : memref<80x128xf32, #tpu.memory_space<vmem>>, vector<16xf32>,
      tpu.vector_store %arg7[%swap3A_53, %swap3A_54], %broadcast_in_dim3A_52 {strides = array<i32>} : memref<80x128xf32, #tpu.memory_space<vmem>>, vector<16xf32>,
      %broadcast_in_dim3A_56 = arith.constant 0.000000e+00 : f32
      %broadcast_in_dim3A_57 = vector.broadcast %broadcast_in_dim3A_56 : f32 to vector<16xf32>
      %swap3A_58 = arith.index_cast %add3A_22 : i32 to index
      %swap3A_59 = arith.constant 112 : index
      %swap3A_60 = tpu.vector_load %arg7[%swap3A_58, %swap3A_59] {strides = array<i32>} : memref<80x128xf32, #tpu.memory_space<vmem>>, vector<16xf32>,
      tpu.vector_store %arg7[%swap3A_58, %swap3A_59], %broadcast_in_dim3A_57 {strides = array<i32>} : memref<80x128xf32, #tpu.memory_space<vmem>>, vector<16xf32>,
    }
    %scan3A_4 = arith.constant 80 : i32
    %scan3A_5 = arith.constant 0 : i32
    %scan3A_6 = arith.constant 8 : i32
    %scan3A_7 = arith.addi %scan3A_5, %scan3A_6 : i32
    %scan3A_8 = arith.constant 1 : i32
    scf.for %scan3A_18 = %scan3A_5 to %scan3A_7 step %scan3A_8  : i32 {
      %mul3A_19 = arith.constant 80 : i32
      %mul3A_20 = arith.muli %scan3A_18, %mul3A_19 : i32
      %add3A_21 = arith.constant 0 : i32
      %add3A_22 = arith.addi %add3A_21, %mul3A_20 : i32
      %mul3A_23 = arith.constant 640 : i32
      %mul3A_24 = arith.muli %arg1, %mul3A_23 : i32
      %add3A_25 = arith.addi %mul3A_24, %add3A_22 : i32
      "tpu.region"() ({
        %run_scoped3A = tpu.sem_alloc : memref<!tpu.dma_semaphore, #tpu.memory_space<semaphore_mem>>
        %dma_start3A = arith.constant 0 : i32
        %dma_start3A_26 = tpu.memref_slice %arg5[%add3A_25, %dma_start3A] : memref<10240x128xf32, #tpu.memory_space<vmem_shared>> -> memref<80x128xf32, #tpu.memory_space<vmem_shared>>
        %dma_start3A_27 = arith.constant 0 : i32
        %dma_start3A_28 = tpu.memref_slice %arg5[%add3A_25, %dma_start3A_27] : memref<10240x128xf32, #tpu.memory_space<vmem_shared>> -> memref<80x128xf32, #tpu.memory_space<vmem_shared>>
        tpu.enqueue_dma source(%arg7 : memref<80x128xf32, #tpu.memory_space<vmem>>) target(%dma_start3A_28 : memref<80x128xf32, #tpu.memory_space<vmem_shared>>) target_semaphore(%run_scoped3A : memref<!tpu.dma_semaphore, #tpu.memory_space<semaphore_mem>>)
        %dma_wait3A = arith.constant 0 : i32
        %dma_wait3A_29 = tpu.memref_slice %arg5[%add3A_25, %dma_wait3A] : memref<10240x128xf32, #tpu.memory_space<vmem_shared>> -> memref<80x128xf32, #tpu.memory_space<vmem_shared>>
        %dma_wait3A_30 = arith.constant 0 : i32
        %dma_wait3A_31 = tpu.memref_slice %arg5[%add3A_25, %dma_wait3A_30] : memref<10240x128xf32, #tpu.memory_space<vmem_shared>> -> memref<80x128xf32, #tpu.memory_space<vmem_shared>>
        tpu.wait_dma2 semaphore(%run_scoped3A : memref<!tpu.dma_semaphore, #tpu.memory_space<semaphore_mem>>) src(%arg7 : memref<80x128xf32, #tpu.memory_space<vmem>>) dst(%dma_wait3A_31 : memref<80x128xf32, #tpu.memory_space<vmem_shared>>)
        tpu.yield
      }) : () -> ()
    }
    %scan3A_9 = arith.constant 8 : i32
    %barrier3A = arith.constant 0 : index
    tpu.barrier barrier_id(%barrier3A)
    %scan3A_10 = arith.constant 0 : i32
    %scan3A_11 = arith.constant 32 : i32
    %scan3A_12 = arith.addi %scan3A_10, %scan3A_11 : i32
    %scan3A_13 = arith.constant 1 : i32
    scf.for %scan3A_18 = %scan3A_10 to %scan3A_12 step %scan3A_13  : i32 {
      %mul3A_19 = arith.constant 1 : i32
      %mul3A_20 = arith.muli %scan3A_18, %mul3A_19 : i32
      %add3A_21 = arith.constant 0 : i32
      %add3A_22 = arith.addi %add3A_21, %mul3A_20 : i32
      "tpu.region"() ({
        %run_scoped3A = tpu.sem_alloc : memref<!tpu.dma_semaphore, #tpu.memory_space<semaphore_mem>>
        %dma_start3A_153 = arith.constant 0 : i32
        %dma_start3A_154 = arith.constant 0 : i32
        %dma_start3A_155 = tpu.memref_slice %arg3[%add3A, %add3A_22, %dma_start3A_153, %dma_start3A_154] : memref<32x32x12x80xi32, #tpu.memory_space<hbm>> -> memref<1x1x12x80xi32, #tpu.memory_space<hbm>>
        %dma_start3A_156 = tpu.memref_squeeze %dma_start3A_155 : memref<1x1x12x80xi32, #tpu.memory_space<hbm>> -> memref<12x80xi32, #tpu.memory_space<hbm>>
        %dma_start3A_157 = arith.constant 0 : i32
        %dma_start3A_158 = arith.constant 0 : i32
        %dma_start3A_159 = tpu.memref_slice %arg3[%add3A, %add3A_22, %dma_start3A_157, %dma_start3A_158] : memref<32x32x12x80xi32, #tpu.memory_space<hbm>> -> memref<1x1x12x80xi32, #tpu.memory_space<hbm>>
        %dma_start3A_160 = tpu.memref_squeeze %dma_start3A_159 : memref<1x1x12x80xi32, #tpu.memory_space<hbm>> -> memref<12x80xi32, #tpu.memory_space<hbm>>
        tpu.enqueue_dma source(%dma_start3A_160 : memref<12x80xi32, #tpu.memory_space<hbm>>) target(%arg6 : memref<12x80xi32, #tpu.memory_space<vmem>>) target_semaphore(%run_scoped3A : memref<!tpu.dma_semaphore, #tpu.memory_space<semaphore_mem>>)
        %dma_wait3A_161 = arith.constant 0 : i32
        %dma_wait3A_162 = arith.constant 0 : i32
        %dma_wait3A_163 = tpu.memref_slice %arg3[%add3A, %add3A_22, %dma_wait3A_161, %dma_wait3A_162] : memref<32x32x12x80xi32, #tpu.memory_space<hbm>> -> memref<1x1x12x80xi32, #tpu.memory_space<hbm>>
        %dma_wait3A_164 = tpu.memref_squeeze %dma_wait3A_163 : memref<1x1x12x80xi32, #tpu.memory_space<hbm>> -> memref<12x80xi32, #tpu.memory_space<hbm>>
        %dma_wait3A_165 = arith.constant 0 : i32
        %dma_wait3A_166 = arith.constant 0 : i32
        %dma_wait3A_167 = tpu.memref_slice %arg3[%add3A, %add3A_22, %dma_wait3A_165, %dma_wait3A_166] : memref<32x32x12x80xi32, #tpu.memory_space<hbm>> -> memref<1x1x12x80xi32, #tpu.memory_space<hbm>>
        %dma_wait3A_168 = tpu.memref_squeeze %dma_wait3A_167 : memref<1x1x12x80xi32, #tpu.memory_space<hbm>> -> memref<12x80xi32, #tpu.memory_space<hbm>>
        tpu.wait_dma2 semaphore(%run_scoped3A : memref<!tpu.dma_semaphore, #tpu.memory_space<semaphore_mem>>) src(%dma_wait3A_168 : memref<12x80xi32, #tpu.memory_space<hbm>>) dst(%arg6 : memref<12x80xi32, #tpu.memory_space<vmem>>)
        tpu.yield
      }) : () -> ()
      %dma_start3A = arith.constant 0 : i32
      %dma_start3A_23 = arith.constant 0 : i32
      %dma_start3A_24 = tpu.memref_slice %arg6[%dma_start3A, %dma_start3A_23] : memref<12x80xi32, #tpu.memory_space<vmem>> -> memref<1x80xi32, #tpu.memory_space<vmem>>
      %dma_start3A_25 = tpu.memref_squeeze %dma_start3A_24 : memref<1x80xi32, #tpu.memory_space<vmem>> -> memref<80xi32, #tpu.memory_space<vmem>>
      %dma_start3A_26 = arith.constant 0 : i32
      %dma_start3A_27 = arith.constant 0 : i32
      %dma_start3A_28 = tpu.memref_slice %arg2[%dma_start3A_26, %dma_start3A_27] : memref<10240x128xf32, #tpu.memory_space<hbm>> -> memref<10240x128xf32, #tpu.memory_space<hbm>>
      tpu.enqueue_indirect_dma source(%dma_start3A_28 : memref<10240x128xf32, #tpu.memory_space<hbm>>) target(%arg7 : memref<80x128xf32, #tpu.memory_space<vmem>>) offsets(%dma_start3A_25 : memref<80xi32, #tpu.memory_space<vmem>>) semaphore(%arg11 : memref<!tpu.dma_semaphore, #tpu.memory_space<semaphore_mem>>)
      %dma_start3A_29 = arith.constant 1 : i32
      %dma_start3A_30 = arith.constant 0 : i32
      %dma_start3A_31 = tpu.memref_slice %arg6[%dma_start3A_29, %dma_start3A_30] : memref<12x80xi32, #tpu.memory_space<vmem>> -> memref<1x80xi32, #tpu.memory_space<vmem>>
      %dma_start3A_32 = tpu.memref_squeeze %dma_start3A_31 : memref<1x80xi32, #tpu.memory_space<vmem>> -> memref<80xi32, #tpu.memory_space<vmem>>
      %dma_start3A_33 = arith.constant 0 : i32
      %dma_start3A_34 = arith.constant 0 : i32
      %dma_start3A_35 = tpu.memref_slice %arg2[%dma_start3A_33, %dma_start3A_34] : memref<10240x128xf32, #tpu.memory_space<hbm>> -> memref<10240x128xf32, #tpu.memory_space<hbm>>
      tpu.enqueue_indirect_dma source(%dma_start3A_35 : memref<10240x128xf32, #tpu.memory_space<hbm>>) target(%arg8 : memref<80x128xf32, #tpu.memory_space<vmem>>) offsets(%dma_start3A_32 : memref<80xi32, #tpu.memory_space<vmem>>) semaphore(%arg12 : memref<!tpu.dma_semaphore, #tpu.memory_space<semaphore_mem>>)
      %dma_start3A_36 = arith.constant 2 : i32
      %dma_start3A_37 = arith.constant 0 : i32
      %dma_start3A_38 = tpu.memref_slice %arg6[%dma_start3A_36, %dma_start3A_37] : memref<12x80xi32, #tpu.memory_space<vmem>> -> memref<1x80xi32, #tpu.memory_space<vmem>>
      %dma_start3A_39 = tpu.memref_squeeze %dma_start3A_38 : memref<1x80xi32, #tpu.memory_space<vmem>> -> memref<80xi32, #tpu.memory_space<vmem>>
      %dma_start3A_40 = arith.constant 0 : i32
      %dma_start3A_41 = arith.constant 0 : i32
      %dma_start3A_42 = tpu.memref_slice %arg2[%dma_start3A_40, %dma_start3A_41] : memref<10240x128xf32, #tpu.memory_space<hbm>> -> memref<10240x128xf32, #tpu.memory_space<hbm>>
      tpu.enqueue_indirect_dma source(%dma_start3A_42 : memref<10240x128xf32, #tpu.memory_space<hbm>>) target(%arg9 : memref<80x128xf32, #tpu.memory_space<vmem>>) offsets(%dma_start3A_39 : memref<80xi32, #tpu.memory_space<vmem>>) semaphore(%arg13 : memref<!tpu.dma_semaphore, #tpu.memory_space<semaphore_mem>>)
      %dma_start3A_43 = arith.constant 3 : i32
      %dma_start3A_44 = arith.constant 0 : i32
      %dma_start3A_45 = tpu.memref_slice %arg6[%dma_start3A_43, %dma_start3A_44] : memref<12x80xi32, #tpu.memory_space<vmem>> -> memref<1x80xi32, #tpu.memory_space<vmem>>
      %dma_start3A_46 = tpu.memref_squeeze %dma_start3A_45 : memref<1x80xi32, #tpu.memory_space<vmem>> -> memref<80xi32, #tpu.memory_space<vmem>>
      %dma_start3A_47 = arith.constant 0 : i32
      %dma_start3A_48 = arith.constant 0 : i32
      %dma_start3A_49 = tpu.memref_slice %arg2[%dma_start3A_47, %dma_start3A_48] : memref<10240x128xf32, #tpu.memory_space<hbm>> -> memref<10240x128xf32, #tpu.memory_space<hbm>>
      tpu.enqueue_indirect_dma source(%dma_start3A_49 : memref<10240x128xf32, #tpu.memory_space<hbm>>) target(%arg10 : memref<80x128xf32, #tpu.memory_space<vmem>>) offsets(%dma_start3A_46 : memref<80xi32, #tpu.memory_space<vmem>>) semaphore(%arg14 : memref<!tpu.dma_semaphore, #tpu.memory_space<semaphore_mem>>)
      %dma_wait3A = arith.constant 0 : i32
      %dma_wait3A_50 = arith.constant 0 : i32
      %dma_wait3A_51 = tpu.memref_slice %arg6[%dma_wait3A, %dma_wait3A_50] : memref<12x80xi32, #tpu.memory_space<vmem>> -> memref<1x80xi32, #tpu.memory_space<vmem>>
      %dma_wait3A_52 = tpu.memref_squeeze %dma_wait3A_51 : memref<1x80xi32, #tpu.memory_space<vmem>> -> memref<80xi32, #tpu.memory_space<vmem>>
      %dma_wait3A_53 = arith.constant 0 : i32
      %dma_wait3A_54 = arith.constant 0 : i32
      %dma_wait3A_55 = tpu.memref_slice %arg2[%dma_wait3A_53, %dma_wait3A_54] : memref<10240x128xf32, #tpu.memory_space<hbm>> -> memref<10240x128xf32, #tpu.memory_space<hbm>>
      tpu.wait_indirect_dma semaphore(%arg11 : memref<!tpu.dma_semaphore, #tpu.memory_space<semaphore_mem>>) src(%dma_wait3A_55 : memref<10240x128xf32, #tpu.memory_space<hbm>>) dst(%arg7 : memref<80x128xf32, #tpu.memory_space<vmem>>)
      %scan3A_56 = arith.constant 0 : i32
      %scan3A_57 = arith.constant 40 : i32
      %scan3A_58 = arith.addi %scan3A_56, %scan3A_57 : i32
      %scan3A_59 = arith.constant 1 : i32
      scf.for %scan3A_153 = %scan3A_56 to %scan3A_58 step %scan3A_59  : i32 {
        %mul3A_154 = arith.constant 2 : i32
        %mul3A_155 = arith.muli %scan3A_153, %mul3A_154 : i32
        %add3A_156 = arith.constant 0 : i32
        %add3A_157 = arith.addi %add3A_156, %mul3A_155 : i32
        %broadcast_in_dim3A = arith.constant 8 : i32
        %broadcast_in_dim3A_158 = vector.broadcast %broadcast_in_dim3A : i32 to vector<16xi32>
        %add3A_159 = arith.constant 0 : i32
        %add3A_160 = arith.addi %add3A_157, %add3A_159 : i32
        %broadcast_in_dim3A_161 = vector.broadcast %add3A_160 : i32 to vector<16xi32>
        %gather3A = tpu.vector_load_idx %arg6[%broadcast_in_dim3A_158, %broadcast_in_dim3A_161] : memref<12x80xi32, #tpu.memory_space<vmem>>[vector<16xi32>, vector<16xi32>], vector<16xi32>,
        %bitcast3A = vector.bitcast %gather3A : vector<16xi32> to vector<16xf32>
        %add3A_162 = arith.constant 0 : i32
        %add3A_163 = arith.addi %add3A_157, %add3A_162 : i32
        %get3A = arith.index_cast %add3A_163 : i32 to index
        %get3A_164 = arith.constant 0 : index
        %get3A_165 = tpu.vector_load %arg7[%get3A, %get3A_164] {strides = array<i32>} : memref<80x128xf32, #tpu.memory_space<vmem>>, vector<16xf32>,
        %mul3A_166 = arith.mulf %get3A_165, %bitcast3A : vector<16xf32>
        %add3A_167 = arith.constant 0 : i32
        %add3A_168 = arith.addi %add3A_157, %add3A_167 : i32
        %swap3A = arith.index_cast %add3A_168 : i32 to index
        %swap3A_169 = arith.constant 0 : index
        %swap3A_170 = tpu.vector_load %arg7[%swap3A, %swap3A_169] {strides = array<i32>} : memref<80x128xf32, #tpu.memory_space<vmem>>, vector<16xf32>,
        tpu.vector_store %arg7[%swap3A, %swap3A_169], %mul3A_166 {strides = array<i32>} : memref<80x128xf32, #tpu.memory_space<vmem>>, vector<16xf32>,
        %add3A_171 = arith.constant 0 : i32
        %add3A_172 = arith.addi %add3A_157, %add3A_171 : i32
        %get3A_173 = arith.index_cast %add3A_172 : i32 to index
        %get3A_174 = arith.constant 16 : index
        %get3A_175 = tpu.vector_load %arg7[%get3A_173, %get3A_174] {strides = array<i32>} : memref<80x128xf32, #tpu.memory_space<vmem>>, vector<16xf32>,
        %mul3A_176 = arith.mulf %get3A_175, %bitcast3A : vector<16xf32>
        %add3A_177 = arith.constant 0 : i32
        %add3A_178 = arith.addi %add3A_157, %add3A_177 : i32
        %swap3A_179 = arith.index_cast %add3A_178 : i32 to index
        %swap3A_180 = arith.constant 16 : index
        %swap3A_181 = tpu.vector_load %arg7[%swap3A_179, %swap3A_180] {strides = array<i32>} : memref<80x128xf32, #tpu.memory_space<vmem>>, vector<16xf32>,
        tpu.vector_store %arg7[%swap3A_179, %swap3A_180], %mul3A_176 {strides = array<i32>} : memref<80x128xf32, #tpu.memory_space<vmem>>, vector<16xf32>,
        %add3A_182 = arith.constant 0 : i32
        %add3A_183 = arith.addi %add3A_157, %add3A_182 : i32
        %get3A_184 = arith.index_cast %add3A_183 : i32 to index
        %get3A_185 = arith.constant 32 : index
        %get3A_186 = tpu.vector_load %arg7[%get3A_184, %get3A_185] {strides = array<i32>} : memref<80x128xf32, #tpu.memory_space<vmem>>, vector<16xf32>,
        %mul3A_187 = arith.mulf %get3A_186, %bitcast3A : vector<16xf32>
        %add3A_188 = arith.constant 0 : i32
        %add3A_189 = arith.addi %add3A_157, %add3A_188 : i32
        %swap3A_190 = arith.index_cast %add3A_189 : i32 to index
        %swap3A_191 = arith.constant 32 : index
        %swap3A_192 = tpu.vector_load %arg7[%swap3A_190, %swap3A_191] {strides = array<i32>} : memref<80x128xf32, #tpu.memory_space<vmem>>, vector<16xf32>,
        tpu.vector_store %arg7[%swap3A_190, %swap3A_191], %mul3A_187 {strides = array<i32>} : memref<80x128xf32, #tpu.memory_space<vmem>>, vector<16xf32>,
        %add3A_193 = arith.constant 0 : i32
        %add3A_194 = arith.addi %add3A_157, %add3A_193 : i32
        %get3A_195 = arith.index_cast %add3A_194 : i32 to index
        %get3A_196 = arith.constant 48 : index
        %get3A_197 = tpu.vector_load %arg7[%get3A_195, %get3A_196] {strides = array<i32>} : memref<80x128xf32, #tpu.memory_space<vmem>>, vector<16xf32>,
        %mul3A_198 = arith.mulf %get3A_197, %bitcast3A : vector<16xf32>
        %add3A_199 = arith.constant 0 : i32
        %add3A_200 = arith.addi %add3A_157, %add3A_199 : i32
        %swap3A_201 = arith.index_cast %add3A_200 : i32 to index
        %swap3A_202 = arith.constant 48 : index
        %swap3A_203 = tpu.vector_load %arg7[%swap3A_201, %swap3A_202] {strides = array<i32>} : memref<80x128xf32, #tpu.memory_space<vmem>>, vector<16xf32>,
        tpu.vector_store %arg7[%swap3A_201, %swap3A_202], %mul3A_198 {strides = array<i32>} : memref<80x128xf32, #tpu.memory_space<vmem>>, vector<16xf32>,
        %add3A_204 = arith.constant 0 : i32
        %add3A_205 = arith.addi %add3A_157, %add3A_204 : i32
        %get3A_206 = arith.index_cast %add3A_205 : i32 to index
        %get3A_207 = arith.constant 64 : index
        %get3A_208 = tpu.vector_load %arg7[%get3A_206, %get3A_207] {strides = array<i32>} : memref<80x128xf32, #tpu.memory_space<vmem>>, vector<16xf32>,
        %mul3A_209 = arith.mulf %get3A_208, %bitcast3A : vector<16xf32>
        %add3A_210 = arith.constant 0 : i32
        %add3A_211 = arith.addi %add3A_157, %add3A_210 : i32
        %swap3A_212 = arith.index_cast %add3A_211 : i32 to index
        %swap3A_213 = arith.constant 64 : index
        %swap3A_214 = tpu.vector_load %arg7[%swap3A_212, %swap3A_213] {strides = array<i32>} : memref<80x128xf32, #tpu.memory_space<vmem>>, vector<16xf32>,
        tpu.vector_store %arg7[%swap3A_212, %swap3A_213], %mul3A_209 {strides = array<i32>} : memref<80x128xf32, #tpu.memory_space<vmem>>, vector<16xf32>,
        %add3A_215 = arith.constant 0 : i32
        %add3A_216 = arith.addi %add3A_157, %add3A_215 : i32
        %get3A_217 = arith.index_cast %add3A_216 : i32 to index
        %get3A_218 = arith.constant 80 : index
        %get3A_219 = tpu.vector_load %arg7[%get3A_217, %get3A_218] {strides = array<i32>} : memref<80x128xf32, #tpu.memory_space<vmem>>, vector<16xf32>,
        %mul3A_220 = arith.mulf %get3A_219, %bitcast3A : vector<16xf32>
        %add3A_221 = arith.constant 0 : i32
        %add3A_222 = arith.addi %add3A_157, %add3A_221 : i32
        %swap3A_223 = arith.index_cast %add3A_222 : i32 to index
        %swap3A_224 = arith.constant 80 : index
        %swap3A_225 = tpu.vector_load %arg7[%swap3A_223, %swap3A_224] {strides = array<i32>} : memref<80x128xf32, #tpu.memory_space<vmem>>, vector<16xf32>,
        tpu.vector_store %arg7[%swap3A_223, %swap3A_224], %mul3A_220 {strides = array<i32>} : memref<80x128xf32, #tpu.memory_space<vmem>>, vector<16xf32>,
        %add3A_226 = arith.constant 0 : i32
        %add3A_227 = arith.addi %add3A_157, %add3A_226 : i32
        %get3A_228 = arith.index_cast %add3A_227 : i32 to index
        %get3A_229 = arith.constant 96 : index
        %get3A_230 = tpu.vector_load %arg7[%get3A_228, %get3A_229] {strides = array<i32>} : memref<80x128xf32, #tpu.memory_space<vmem>>, vector<16xf32>,
        %mul3A_231 = arith.mulf %get3A_230, %bitcast3A : vector<16xf32>
        %add3A_232 = arith.constant 0 : i32
        %add3A_233 = arith.addi %add3A_157, %add3A_232 : i32
        %swap3A_234 = arith.index_cast %add3A_233 : i32 to index
        %swap3A_235 = arith.constant 96 : index
        %swap3A_236 = tpu.vector_load %arg7[%swap3A_234, %swap3A_235] {strides = array<i32>} : memref<80x128xf32, #tpu.memory_space<vmem>>, vector<16xf32>,
        tpu.vector_store %arg7[%swap3A_234, %swap3A_235], %mul3A_231 {strides = array<i32>} : memref<80x128xf32, #tpu.memory_space<vmem>>, vector<16xf32>,
        %add3A_237 = arith.constant 0 : i32
        %add3A_238 = arith.addi %add3A_157, %add3A_237 : i32
        %get3A_239 = arith.index_cast %add3A_238 : i32 to index
        %get3A_240 = arith.constant 112 : index
        %get3A_241 = tpu.vector_load %arg7[%get3A_239, %get3A_240] {strides = array<i32>} : memref<80x128xf32, #tpu.memory_space<vmem>>, vector<16xf32>,
        %mul3A_242 = arith.mulf %get3A_241, %bitcast3A : vector<16xf32>
        %add3A_243 = arith.constant 0 : i32
        %add3A_244 = arith.addi %add3A_157, %add3A_243 : i32
        %swap3A_245 = arith.index_cast %add3A_244 : i32 to index
        %swap3A_246 = arith.constant 112 : index
        %swap3A_247 = tpu.vector_load %arg7[%swap3A_245, %swap3A_246] {strides = array<i32>} : memref<80x128xf32, #tpu.memory_space<vmem>>, vector<16xf32>,
        tpu.vector_store %arg7[%swap3A_245, %swap3A_246], %mul3A_242 {strides = array<i32>} : memref<80x128xf32, #tpu.memory_space<vmem>>, vector<16xf32>,
        %broadcast_in_dim3A_248 = arith.constant 8 : i32
        %broadcast_in_dim3A_249 = vector.broadcast %broadcast_in_dim3A_248 : i32 to vector<16xi32>
        %add3A_250 = arith.constant 1 : i32
        %add3A_251 = arith.addi %add3A_157, %add3A_250 : i32
        %broadcast_in_dim3A_252 = vector.broadcast %add3A_251 : i32 to vector<16xi32>
        %gather3A_253 = tpu.vector_load_idx %arg6[%broadcast_in_dim3A_249, %broadcast_in_dim3A_252] : memref<12x80xi32, #tpu.memory_space<vmem>>[vector<16xi32>, vector<16xi32>], vector<16xi32>,
        %bitcast3A_254 = vector.bitcast %gather3A_253 : vector<16xi32> to vector<16xf32>
        %add3A_255 = arith.constant 1 : i32
        %add3A_256 = arith.addi %add3A_157, %add3A_255 : i32
        %get3A_257 = arith.index_cast %add3A_256 : i32 to index
        %get3A_258 = arith.constant 0 : index
        %get3A_259 = tpu.vector_load %arg7[%get3A_257, %get3A_258] {strides = array<i32>} : memref<80x128xf32, #tpu.memory_space<vmem>>, vector<16xf32>,
        %mul3A_260 = arith.mulf %get3A_259, %bitcast3A_254 : vector<16xf32>
        %add3A_261 = arith.constant 1 : i32
        %add3A_262 = arith.addi %add3A_157, %add3A_261 : i32
        %swap3A_263 = arith.index_cast %add3A_262 : i32 to index
        %swap3A_264 = arith.constant 0 : index
        %swap3A_265 = tpu.vector_load %arg7[%swap3A_263, %swap3A_264] {strides = array<i32>} : memref<80x128xf32, #tpu.memory_space<vmem>>, vector<16xf32>,
        tpu.vector_store %arg7[%swap3A_263, %swap3A_264], %mul3A_260 {strides = array<i32>} : memref<80x128xf32, #tpu.memory_space<vmem>>, vector<16xf32>,
        %add3A_266 = arith.constant 1 : i32
        %add3A_267 = arith.addi %add3A_157, %add3A_266 : i32
        %get3A_268 = arith.index_cast %add3A_267 : i32 to index
        %get3A_269 = arith.constant 16 : index
        %get3A_270 = tpu.vector_load %arg7[%get3A_268, %get3A_269] {strides = array<i32>} : memref<80x128xf32, #tpu.memory_space<vmem>>, vector<16xf32>,
        %mul3A_271 = arith.mulf %get3A_270, %bitcast3A_254 : vector<16xf32>
        %add3A_272 = arith.constant 1 : i32
        %add3A_273 = arith.addi %add3A_157, %add3A_272 : i32
        %swap3A_274 = arith.index_cast %add3A_273 : i32 to index
        %swap3A_275 = arith.constant 16 : index
        %swap3A_276 = tpu.vector_load %arg7[%swap3A_274, %swap3A_275] {strides = array<i32>} : memref<80x128xf32, #tpu.memory_space<vmem>>, vector<16xf32>,
        tpu.vector_store %arg7[%swap3A_274, %swap3A_275], %mul3A_271 {strides = array<i32>} : memref<80x128xf32, #tpu.memory_space<vmem>>, vector<16xf32>,
        %add3A_277 = arith.constant 1 : i32
        %add3A_278 = arith.addi %add3A_157, %add3A_277 : i32
        %get3A_279 = arith.index_cast %add3A_278 : i32 to index
        %get3A_280 = arith.constant 32 : index
        %get3A_281 = tpu.vector_load %arg7[%get3A_279, %get3A_280] {strides = array<i32>} : memref<80x128xf32, #tpu.memory_space<vmem>>, vector<16xf32>,
        %mul3A_282 = arith.mulf %get3A_281, %bitcast3A_254 : vector<16xf32>
        %add3A_283 = arith.constant 1 : i32
        %add3A_284 = arith.addi %add3A_157, %add3A_283 : i32
        %swap3A_285 = arith.index_cast %add3A_284 : i32 to index
        %swap3A_286 = arith.constant 32 : index
        %swap3A_287 = tpu.vector_load %arg7[%swap3A_285, %swap3A_286] {strides = array<i32>} : memref<80x128xf32, #tpu.memory_space<vmem>>, vector<16xf32>,
        tpu.vector_store %arg7[%swap3A_285, %swap3A_286], %mul3A_282 {strides = array<i32>} : memref<80x128xf32, #tpu.memory_space<vmem>>, vector<16xf32>,
        %add3A_288 = arith.constant 1 : i32
        %add3A_289 = arith.addi %add3A_157, %add3A_288 : i32
        %get3A_290 = arith.index_cast %add3A_289 : i32 to index
        %get3A_291 = arith.constant 48 : index
        %get3A_292 = tpu.vector_load %arg7[%get3A_290, %get3A_291] {strides = array<i32>} : memref<80x128xf32, #tpu.memory_space<vmem>>, vector<16xf32>,
        %mul3A_293 = arith.mulf %get3A_292, %bitcast3A_254 : vector<16xf32>
        %add3A_294 = arith.constant 1 : i32
        %add3A_295 = arith.addi %add3A_157, %add3A_294 : i32
        %swap3A_296 = arith.index_cast %add3A_295 : i32 to index
        %swap3A_297 = arith.constant 48 : index
        %swap3A_298 = tpu.vector_load %arg7[%swap3A_296, %swap3A_297] {strides = array<i32>} : memref<80x128xf32, #tpu.memory_space<vmem>>, vector<16xf32>,
        tpu.vector_store %arg7[%swap3A_296, %swap3A_297], %mul3A_293 {strides = array<i32>} : memref<80x128xf32, #tpu.memory_space<vmem>>, vector<16xf32>,
        %add3A_299 = arith.constant 1 : i32
        %add3A_300 = arith.addi %add3A_157, %add3A_299 : i32
        %get3A_301 = arith.index_cast %add3A_300 : i32 to index
        %get3A_302 = arith.constant 64 : index
        %get3A_303 = tpu.vector_load %arg7[%get3A_301, %get3A_302] {strides = array<i32>} : memref<80x128xf32, #tpu.memory_space<vmem>>, vector<16xf32>,
        %mul3A_304 = arith.mulf %get3A_303, %bitcast3A_254 : vector<16xf32>
        %add3A_305 = arith.constant 1 : i32
        %add3A_306 = arith.addi %add3A_157, %add3A_305 : i32
        %swap3A_307 = arith.index_cast %add3A_306 : i32 to index
        %swap3A_308 = arith.constant 64 : index
        %swap3A_309 = tpu.vector_load %arg7[%swap3A_307, %swap3A_308] {strides = array<i32>} : memref<80x128xf32, #tpu.memory_space<vmem>>, vector<16xf32>,
        tpu.vector_store %arg7[%swap3A_307, %swap3A_308], %mul3A_304 {strides = array<i32>} : memref<80x128xf32, #tpu.memory_space<vmem>>, vector<16xf32>,
        %add3A_310 = arith.constant 1 : i32
        %add3A_311 = arith.addi %add3A_157, %add3A_310 : i32
        %get3A_312 = arith.index_cast %add3A_311 : i32 to index
        %get3A_313 = arith.constant 80 : index
        %get3A_314 = tpu.vector_load %arg7[%get3A_312, %get3A_313] {strides = array<i32>} : memref<80x128xf32, #tpu.memory_space<vmem>>, vector<16xf32>,
        %mul3A_315 = arith.mulf %get3A_314, %bitcast3A_254 : vector<16xf32>
        %add3A_316 = arith.constant 1 : i32
        %add3A_317 = arith.addi %add3A_157, %add3A_316 : i32
        %swap3A_318 = arith.index_cast %add3A_317 : i32 to index
        %swap3A_319 = arith.constant 80 : index
        %swap3A_320 = tpu.vector_load %arg7[%swap3A_318, %swap3A_319] {strides = array<i32>} : memref<80x128xf32, #tpu.memory_space<vmem>>, vector<16xf32>,
        tpu.vector_store %arg7[%swap3A_318, %swap3A_319], %mul3A_315 {strides = array<i32>} : memref<80x128xf32, #tpu.memory_space<vmem>>, vector<16xf32>,
        %add3A_321 = arith.constant 1 : i32
        %add3A_322 = arith.addi %add3A_157, %add3A_321 : i32
        %get3A_323 = arith.index_cast %add3A_322 : i32 to index
        %get3A_324 = arith.constant 96 : index
        %get3A_325 = tpu.vector_load %arg7[%get3A_323, %get3A_324] {strides = array<i32>} : memref<80x128xf32, #tpu.memory_space<vmem>>, vector<16xf32>,
        %mul3A_326 = arith.mulf %get3A_325, %bitcast3A_254 : vector<16xf32>
        %add3A_327 = arith.constant 1 : i32
        %add3A_328 = arith.addi %add3A_157, %add3A_327 : i32
        %swap3A_329 = arith.index_cast %add3A_328 : i32 to index
        %swap3A_330 = arith.constant 96 : index
        %swap3A_331 = tpu.vector_load %arg7[%swap3A_329, %swap3A_330] {strides = array<i32>} : memref<80x128xf32, #tpu.memory_space<vmem>>, vector<16xf32>,
        tpu.vector_store %arg7[%swap3A_329, %swap3A_330], %mul3A_326 {strides = array<i32>} : memref<80x128xf32, #tpu.memory_space<vmem>>, vector<16xf32>,
        %add3A_332 = arith.constant 1 : i32
        %add3A_333 = arith.addi %add3A_157, %add3A_332 : i32
        %get3A_334 = arith.index_cast %add3A_333 : i32 to index
        %get3A_335 = arith.constant 112 : index
        %get3A_336 = tpu.vector_load %arg7[%get3A_334, %get3A_335] {strides = array<i32>} : memref<80x128xf32, #tpu.memory_space<vmem>>, vector<16xf32>,
        %mul3A_337 = arith.mulf %get3A_336, %bitcast3A_254 : vector<16xf32>
        %add3A_338 = arith.constant 1 : i32
        %add3A_339 = arith.addi %add3A_157, %add3A_338 : i32
        %swap3A_340 = arith.index_cast %add3A_339 : i32 to index
        %swap3A_341 = arith.constant 112 : index
        %swap3A_342 = tpu.vector_load %arg7[%swap3A_340, %swap3A_341] {strides = array<i32>} : memref<80x128xf32, #tpu.memory_space<vmem>>, vector<16xf32>,
        tpu.vector_store %arg7[%swap3A_340, %swap3A_341], %mul3A_337 {strides = array<i32>} : memref<80x128xf32, #tpu.memory_space<vmem>>, vector<16xf32>,
      }
      %scan3A_60 = arith.constant 40 : i32
      %dma_start3A_61 = arith.constant 4 : i32
      %dma_start3A_62 = arith.constant 0 : i32
      %dma_start3A_63 = tpu.memref_slice %arg6[%dma_start3A_61, %dma_start3A_62] : memref<12x80xi32, #tpu.memory_space<vmem>> -> memref<1x80xi32, #tpu.memory_space<vmem>>
      %dma_start3A_64 = tpu.memref_squeeze %dma_start3A_63 : memref<1x80xi32, #tpu.memory_space<vmem>> -> memref<80xi32, #tpu.memory_space<vmem>>
      %dma_start3A_65 = arith.constant 0 : i32
      %dma_start3A_66 = arith.constant 0 : i32
      %dma_start3A_67 = tpu.memref_slice %arg5[%dma_start3A_65, %dma_start3A_66] : memref<10240x128xf32, #tpu.memory_space<vmem_shared>> -> memref<10240x128xf32, #tpu.memory_space<vmem_shared>>
      tpu.enqueue_indirect_dma source(%arg7 : memref<80x128xf32, #tpu.memory_space<vmem>>) target(%dma_start3A_67 : memref<10240x128xf32, #tpu.memory_space<vmem_shared>>) offsets(%dma_start3A_64 : memref<80xi32, #tpu.memory_space<vmem>>) semaphore(%arg15 : memref<!tpu.dma_semaphore, #tpu.memory_space<semaphore_mem>>) {add = true}
      %dma_wait3A_68 = arith.constant 1 : i32
      %dma_wait3A_69 = arith.constant 0 : i32
      %dma_wait3A_70 = tpu.memref_slice %arg6[%dma_wait3A_68, %dma_wait3A_69] : memref<12x80xi32, #tpu.memory_space<vmem>> -> memref<1x80xi32, #tpu.memory_space<vmem>>
      %dma_wait3A_71 = tpu.memref_squeeze %dma_wait3A_70 : memref<1x80xi32, #tpu.memory_space<vmem>> -> memref<80xi32, #tpu.memory_space<vmem>>
      %dma_wait3A_72 = arith.constant 0 : i32
      %dma_wait3A_73 = arith.constant 0 : i32
      %dma_wait3A_74 = tpu.memref_slice %arg2[%dma_wait3A_72, %dma_wait3A_73] : memref<10240x128xf32, #tpu.memory_space<hbm>> -> memref<10240x128xf32, #tpu.memory_space<hbm>>
      tpu.wait_indirect_dma semaphore(%arg12 : memref<!tpu.dma_semaphore, #tpu.memory_space<semaphore_mem>>) src(%dma_wait3A_74 : memref<10240x128xf32, #tpu.memory_space<hbm>>) dst(%arg8 : memref<80x128xf32, #tpu.memory_space<vmem>>)
      %scan3A_75 = arith.constant 0 : i32
      %scan3A_76 = arith.constant 40 : i32
      %scan3A_77 = arith.addi %scan3A_75, %scan3A_76 : i32
      %scan3A_78 = arith.constant 1 : i32
      scf.for %scan3A_153 = %scan3A_75 to %scan3A_77 step %scan3A_78  : i32 {
        %mul3A_154 = arith.constant 2 : i32
        %mul3A_155 = arith.muli %scan3A_153, %mul3A_154 : i32
        %add3A_156 = arith.constant 0 : i32
        %add3A_157 = arith.addi %add3A_156, %mul3A_155 : i32
        %broadcast_in_dim3A = arith.constant 9 : i32
        %broadcast_in_dim3A_158 = vector.broadcast %broadcast_in_dim3A : i32 to vector<16xi32>
        %add3A_159 = arith.constant 0 : i32
        %add3A_160 = arith.addi %add3A_157, %add3A_159 : i32
        %broadcast_in_dim3A_161 = vector.broadcast %add3A_160 : i32 to vector<16xi32>
        %gather3A = tpu.vector_load_idx %arg6[%broadcast_in_dim3A_158, %broadcast_in_dim3A_161] : memref<12x80xi32, #tpu.memory_space<vmem>>[vector<16xi32>, vector<16xi32>], vector<16xi32>,
        %bitcast3A = vector.bitcast %gather3A : vector<16xi32> to vector<16xf32>
        %add3A_162 = arith.constant 0 : i32
        %add3A_163 = arith.addi %add3A_157, %add3A_162 : i32
        %get3A = arith.index_cast %add3A_163 : i32 to index
        %get3A_164 = arith.constant 0 : index
        %get3A_165 = tpu.vector_load %arg8[%get3A, %get3A_164] {strides = array<i32>} : memref<80x128xf32, #tpu.memory_space<vmem>>, vector<16xf32>,
        %mul3A_166 = arith.mulf %get3A_165, %bitcast3A : vector<16xf32>
        %add3A_167 = arith.constant 0 : i32
        %add3A_168 = arith.addi %add3A_157, %add3A_167 : i32
        %swap3A = arith.index_cast %add3A_168 : i32 to index
        %swap3A_169 = arith.constant 0 : index
        %swap3A_170 = tpu.vector_load %arg8[%swap3A, %swap3A_169] {strides = array<i32>} : memref<80x128xf32, #tpu.memory_space<vmem>>, vector<16xf32>,
        tpu.vector_store %arg8[%swap3A, %swap3A_169], %mul3A_166 {strides = array<i32>} : memref<80x128xf32, #tpu.memory_space<vmem>>, vector<16xf32>,
        %add3A_171 = arith.constant 0 : i32
        %add3A_172 = arith.addi %add3A_157, %add3A_171 : i32
        %get3A_173 = arith.index_cast %add3A_172 : i32 to index
        %get3A_174 = arith.constant 16 : index
        %get3A_175 = tpu.vector_load %arg8[%get3A_173, %get3A_174] {strides = array<i32>} : memref<80x128xf32, #tpu.memory_space<vmem>>, vector<16xf32>,
        %mul3A_176 = arith.mulf %get3A_175, %bitcast3A : vector<16xf32>
        %add3A_177 = arith.constant 0 : i32
        %add3A_178 = arith.addi %add3A_157, %add3A_177 : i32
        %swap3A_179 = arith.index_cast %add3A_178 : i32 to index
        %swap3A_180 = arith.constant 16 : index
        %swap3A_181 = tpu.vector_load %arg8[%swap3A_179, %swap3A_180] {strides = array<i32>} : memref<80x128xf32, #tpu.memory_space<vmem>>, vector<16xf32>,
        tpu.vector_store %arg8[%swap3A_179, %swap3A_180], %mul3A_176 {strides = array<i32>} : memref<80x128xf32, #tpu.memory_space<vmem>>, vector<16xf32>,
        %add3A_182 = arith.constant 0 : i32
        %add3A_183 = arith.addi %add3A_157, %add3A_182 : i32
        %get3A_184 = arith.index_cast %add3A_183 : i32 to index
        %get3A_185 = arith.constant 32 : index
        %get3A_186 = tpu.vector_load %arg8[%get3A_184, %get3A_185] {strides = array<i32>} : memref<80x128xf32, #tpu.memory_space<vmem>>, vector<16xf32>,
        %mul3A_187 = arith.mulf %get3A_186, %bitcast3A : vector<16xf32>
        %add3A_188 = arith.constant 0 : i32
        %add3A_189 = arith.addi %add3A_157, %add3A_188 : i32
        %swap3A_190 = arith.index_cast %add3A_189 : i32 to index
        %swap3A_191 = arith.constant 32 : index
        %swap3A_192 = tpu.vector_load %arg8[%swap3A_190, %swap3A_191] {strides = array<i32>} : memref<80x128xf32, #tpu.memory_space<vmem>>, vector<16xf32>,
        tpu.vector_store %arg8[%swap3A_190, %swap3A_191], %mul3A_187 {strides = array<i32>} : memref<80x128xf32, #tpu.memory_space<vmem>>, vector<16xf32>,
        %add3A_193 = arith.constant 0 : i32
        %add3A_194 = arith.addi %add3A_157, %add3A_193 : i32
        %get3A_195 = arith.index_cast %add3A_194 : i32 to index
        %get3A_196 = arith.constant 48 : index
        %get3A_197 = tpu.vector_load %arg8[%get3A_195, %get3A_196] {strides = array<i32>} : memref<80x128xf32, #tpu.memory_space<vmem>>, vector<16xf32>,
        %mul3A_198 = arith.mulf %get3A_197, %bitcast3A : vector<16xf32>
        %add3A_199 = arith.constant 0 : i32
        %add3A_200 = arith.addi %add3A_157, %add3A_199 : i32
        %swap3A_201 = arith.index_cast %add3A_200 : i32 to index
        %swap3A_202 = arith.constant 48 : index
        %swap3A_203 = tpu.vector_load %arg8[%swap3A_201, %swap3A_202] {strides = array<i32>} : memref<80x128xf32, #tpu.memory_space<vmem>>, vector<16xf32>,
        tpu.vector_store %arg8[%swap3A_201, %swap3A_202], %mul3A_198 {strides = array<i32>} : memref<80x128xf32, #tpu.memory_space<vmem>>, vector<16xf32>,
        %add3A_204 = arith.constant 0 : i32
        %add3A_205 = arith.addi %add3A_157, %add3A_204 : i32
        %get3A_206 = arith.index_cast %add3A_205 : i32 to index
        %get3A_207 = arith.constant 64 : index
        %get3A_208 = tpu.vector_load %arg8[%get3A_206, %get3A_207] {strides = array<i32>} : memref<80x128xf32, #tpu.memory_space<vmem>>, vector<16xf32>,
        %mul3A_209 = arith.mulf %get3A_208, %bitcast3A : vector<16xf32>
        %add3A_210 = arith.constant 0 : i32
        %add3A_211 = arith.addi %add3A_157, %add3A_210 : i32
        %swap3A_212 = arith.index_cast %add3A_211 : i32 to index
        %swap3A_213 = arith.constant 64 : index
        %swap3A_214 = tpu.vector_load %arg8[%swap3A_212, %swap3A_213] {strides = array<i32>} : memref<80x128xf32, #tpu.memory_space<vmem>>, vector<16xf32>,
        tpu.vector_store %arg8[%swap3A_212, %swap3A_213], %mul3A_209 {strides = array<i32>} : memref<80x128xf32, #tpu.memory_space<vmem>>, vector<16xf32>,
        %add3A_215 = arith.constant 0 : i32
        %add3A_216 = arith.addi %add3A_157, %add3A_215 : i32
        %get3A_217 = arith.index_cast %add3A_216 : i32 to index
        %get3A_218 = arith.constant 80 : index
        %get3A_219 = tpu.vector_load %arg8[%get3A_217, %get3A_218] {strides = array<i32>} : memref<80x128xf32, #tpu.memory_space<vmem>>, vector<16xf32>,
        %mul3A_220 = arith.mulf %get3A_219, %bitcast3A : vector<16xf32>
        %add3A_221 = arith.constant 0 : i32
        %add3A_222 = arith.addi %add3A_157, %add3A_221 : i32
        %swap3A_223 = arith.index_cast %add3A_222 : i32 to index
        %swap3A_224 = arith.constant 80 : index
        %swap3A_225 = tpu.vector_load %arg8[%swap3A_223, %swap3A_224] {strides = array<i32>} : memref<80x128xf32, #tpu.memory_space<vmem>>, vector<16xf32>,
        tpu.vector_store %arg8[%swap3A_223, %swap3A_224], %mul3A_220 {strides = array<i32>} : memref<80x128xf32, #tpu.memory_space<vmem>>, vector<16xf32>,
        %add3A_226 = arith.constant 0 : i32
        %add3A_227 = arith.addi %add3A_157, %add3A_226 : i32
        %get3A_228 = arith.index_cast %add3A_227 : i32 to index
        %get3A_229 = arith.constant 96 : index
        %get3A_230 = tpu.vector_load %arg8[%get3A_228, %get3A_229] {strides = array<i32>} : memref<80x128xf32, #tpu.memory_space<vmem>>, vector<16xf32>,
        %mul3A_231 = arith.mulf %get3A_230, %bitcast3A : vector<16xf32>
        %add3A_232 = arith.constant 0 : i32
        %add3A_233 = arith.addi %add3A_157, %add3A_232 : i32
        %swap3A_234 = arith.index_cast %add3A_233 : i32 to index
        %swap3A_235 = arith.constant 96 : index
        %swap3A_236 = tpu.vector_load %arg8[%swap3A_234, %swap3A_235] {strides = array<i32>} : memref<80x128xf32, #tpu.memory_space<vmem>>, vector<16xf32>,
        tpu.vector_store %arg8[%swap3A_234, %swap3A_235], %mul3A_231 {strides = array<i32>} : memref<80x128xf32, #tpu.memory_space<vmem>>, vector<16xf32>,
        %add3A_237 = arith.constant 0 : i32
        %add3A_238 = arith.addi %add3A_157, %add3A_237 : i32
        %get3A_239 = arith.index_cast %add3A_238 : i32 to index
        %get3A_240 = arith.constant 112 : index
        %get3A_241 = tpu.vector_load %arg8[%get3A_239, %get3A_240] {strides = array<i32>} : memref<80x128xf32, #tpu.memory_space<vmem>>, vector<16xf32>,
        %mul3A_242 = arith.mulf %get3A_241, %bitcast3A : vector<16xf32>
        %add3A_243 = arith.constant 0 : i32
        %add3A_244 = arith.addi %add3A_157, %add3A_243 : i32
        %swap3A_245 = arith.index_cast %add3A_244 : i32 to index
        %swap3A_246 = arith.constant 112 : index
        %swap3A_247 = tpu.vector_load %arg8[%swap3A_245, %swap3A_246] {strides = array<i32>} : memref<80x128xf32, #tpu.memory_space<vmem>>, vector<16xf32>,
        tpu.vector_store %arg8[%swap3A_245, %swap3A_246], %mul3A_242 {strides = array<i32>} : memref<80x128xf32, #tpu.memory_space<vmem>>, vector<16xf32>,
        %broadcast_in_dim3A_248 = arith.constant 9 : i32
        %broadcast_in_dim3A_249 = vector.broadcast %broadcast_in_dim3A_248 : i32 to vector<16xi32>
        %add3A_250 = arith.constant 1 : i32
        %add3A_251 = arith.addi %add3A_157, %add3A_250 : i32
        %broadcast_in_dim3A_252 = vector.broadcast %add3A_251 : i32 to vector<16xi32>
        %gather3A_253 = tpu.vector_load_idx %arg6[%broadcast_in_dim3A_249, %broadcast_in_dim3A_252] : memref<12x80xi32, #tpu.memory_space<vmem>>[vector<16xi32>, vector<16xi32>], vector<16xi32>,
        %bitcast3A_254 = vector.bitcast %gather3A_253 : vector<16xi32> to vector<16xf32>
        %add3A_255 = arith.constant 1 : i32
        %add3A_256 = arith.addi %add3A_157, %add3A_255 : i32
        %get3A_257 = arith.index_cast %add3A_256 : i32 to index
        %get3A_258 = arith.constant 0 : index
        %get3A_259 = tpu.vector_load %arg8[%get3A_257, %get3A_258] {strides = array<i32>} : memref<80x128xf32, #tpu.memory_space<vmem>>, vector<16xf32>,
        %mul3A_260 = arith.mulf %get3A_259, %bitcast3A_254 : vector<16xf32>
        %add3A_261 = arith.constant 1 : i32
        %add3A_262 = arith.addi %add3A_157, %add3A_261 : i32
        %swap3A_263 = arith.index_cast %add3A_262 : i32 to index
        %swap3A_264 = arith.constant 0 : index
        %swap3A_265 = tpu.vector_load %arg8[%swap3A_263, %swap3A_264] {strides = array<i32>} : memref<80x128xf32, #tpu.memory_space<vmem>>, vector<16xf32>,
        tpu.vector_store %arg8[%swap3A_263, %swap3A_264], %mul3A_260 {strides = array<i32>} : memref<80x128xf32, #tpu.memory_space<vmem>>, vector<16xf32>,
        %add3A_266 = arith.constant 1 : i32
        %add3A_267 = arith.addi %add3A_157, %add3A_266 : i32
        %get3A_268 = arith.index_cast %add3A_267 : i32 to index
        %get3A_269 = arith.constant 16 : index
        %get3A_270 = tpu.vector_load %arg8[%get3A_268, %get3A_269] {strides = array<i32>} : memref<80x128xf32, #tpu.memory_space<vmem>>, vector<16xf32>,
        %mul3A_271 = arith.mulf %get3A_270, %bitcast3A_254 : vector<16xf32>
        %add3A_272 = arith.constant 1 : i32
        %add3A_273 = arith.addi %add3A_157, %add3A_272 : i32
        %swap3A_274 = arith.index_cast %add3A_273 : i32 to index
        %swap3A_275 = arith.constant 16 : index
        %swap3A_276 = tpu.vector_load %arg8[%swap3A_274, %swap3A_275] {strides = array<i32>} : memref<80x128xf32, #tpu.memory_space<vmem>>, vector<16xf32>,
        tpu.vector_store %arg8[%swap3A_274, %swap3A_275], %mul3A_271 {strides = array<i32>} : memref<80x128xf32, #tpu.memory_space<vmem>>, vector<16xf32>,
        %add3A_277 = arith.constant 1 : i32
        %add3A_278 = arith.addi %add3A_157, %add3A_277 : i32
        %get3A_279 = arith.index_cast %add3A_278 : i32 to index
        %get3A_280 = arith.constant 32 : index
        %get3A_281 = tpu.vector_load %arg8[%get3A_279, %get3A_280] {strides = array<i32>} : memref<80x128xf32, #tpu.memory_space<vmem>>, vector<16xf32>,
        %mul3A_282 = arith.mulf %get3A_281, %bitcast3A_254 : vector<16xf32>
        %add3A_283 = arith.constant 1 : i32
        %add3A_284 = arith.addi %add3A_157, %add3A_283 : i32
        %swap3A_285 = arith.index_cast %add3A_284 : i32 to index
        %swap3A_286 = arith.constant 32 : index
        %swap3A_287 = tpu.vector_load %arg8[%swap3A_285, %swap3A_286] {strides = array<i32>} : memref<80x128xf32, #tpu.memory_space<vmem>>, vector<16xf32>,
        tpu.vector_store %arg8[%swap3A_285, %swap3A_286], %mul3A_282 {strides = array<i32>} : memref<80x128xf32, #tpu.memory_space<vmem>>, vector<16xf32>,
        %add3A_288 = arith.constant 1 : i32
        %add3A_289 = arith.addi %add3A_157, %add3A_288 : i32
        %get3A_290 = arith.index_cast %add3A_289 : i32 to index
        %get3A_291 = arith.constant 48 : index
        %get3A_292 = tpu.vector_load %arg8[%get3A_290, %get3A_291] {strides = array<i32>} : memref<80x128xf32, #tpu.memory_space<vmem>>, vector<16xf32>,
        %mul3A_293 = arith.mulf %get3A_292, %bitcast3A_254 : vector<16xf32>
        %add3A_294 = arith.constant 1 : i32
        %add3A_295 = arith.addi %add3A_157, %add3A_294 : i32
        %swap3A_296 = arith.index_cast %add3A_295 : i32 to index
        %swap3A_297 = arith.constant 48 : index
        %swap3A_298 = tpu.vector_load %arg8[%swap3A_296, %swap3A_297] {strides = array<i32>} : memref<80x128xf32, #tpu.memory_space<vmem>>, vector<16xf32>,
        tpu.vector_store %arg8[%swap3A_296, %swap3A_297], %mul3A_293 {strides = array<i32>} : memref<80x128xf32, #tpu.memory_space<vmem>>, vector<16xf32>,
        %add3A_299 = arith.constant 1 : i32
        %add3A_300 = arith.addi %add3A_157, %add3A_299 : i32
        %get3A_301 = arith.index_cast %add3A_300 : i32 to index
        %get3A_302 = arith.constant 64 : index
        %get3A_303 = tpu.vector_load %arg8[%get3A_301, %get3A_302] {strides = array<i32>} : memref<80x128xf32, #tpu.memory_space<vmem>>, vector<16xf32>,
        %mul3A_304 = arith.mulf %get3A_303, %bitcast3A_254 : vector<16xf32>
        %add3A_305 = arith.constant 1 : i32
        %add3A_306 = arith.addi %add3A_157, %add3A_305 : i32
        %swap3A_307 = arith.index_cast %add3A_306 : i32 to index
        %swap3A_308 = arith.constant 64 : index
        %swap3A_309 = tpu.vector_load %arg8[%swap3A_307, %swap3A_308] {strides = array<i32>} : memref<80x128xf32, #tpu.memory_space<vmem>>, vector<16xf32>,
        tpu.vector_store %arg8[%swap3A_307, %swap3A_308], %mul3A_304 {strides = array<i32>} : memref<80x128xf32, #tpu.memory_space<vmem>>, vector<16xf32>,
        %add3A_310 = arith.constant 1 : i32
        %add3A_311 = arith.addi %add3A_157, %add3A_310 : i32
        %get3A_312 = arith.index_cast %add3A_311 : i32 to index
        %get3A_313 = arith.constant 80 : index
        %get3A_314 = tpu.vector_load %arg8[%get3A_312, %get3A_313] {strides = array<i32>} : memref<80x128xf32, #tpu.memory_space<vmem>>, vector<16xf32>,
        %mul3A_315 = arith.mulf %get3A_314, %bitcast3A_254 : vector<16xf32>
        %add3A_316 = arith.constant 1 : i32
        %add3A_317 = arith.addi %add3A_157, %add3A_316 : i32
        %swap3A_318 = arith.index_cast %add3A_317 : i32 to index
        %swap3A_319 = arith.constant 80 : index
        %swap3A_320 = tpu.vector_load %arg8[%swap3A_318, %swap3A_319] {strides = array<i32>} : memref<80x128xf32, #tpu.memory_space<vmem>>, vector<16xf32>,
        tpu.vector_store %arg8[%swap3A_318, %swap3A_319], %mul3A_315 {strides = array<i32>} : memref<80x128xf32, #tpu.memory_space<vmem>>, vector<16xf32>,
        %add3A_321 = arith.constant 1 : i32
        %add3A_322 = arith.addi %add3A_157, %add3A_321 : i32
        %get3A_323 = arith.index_cast %add3A_322 : i32 to index
        %get3A_324 = arith.constant 96 : index
        %get3A_325 = tpu.vector_load %arg8[%get3A_323, %get3A_324] {strides = array<i32>} : memref<80x128xf32, #tpu.memory_space<vmem>>, vector<16xf32>,
        %mul3A_326 = arith.mulf %get3A_325, %bitcast3A_254 : vector<16xf32>
        %add3A_327 = arith.constant 1 : i32
        %add3A_328 = arith.addi %add3A_157, %add3A_327 : i32
        %swap3A_329 = arith.index_cast %add3A_328 : i32 to index
        %swap3A_330 = arith.constant 96 : index
        %swap3A_331 = tpu.vector_load %arg8[%swap3A_329, %swap3A_330] {strides = array<i32>} : memref<80x128xf32, #tpu.memory_space<vmem>>, vector<16xf32>,
        tpu.vector_store %arg8[%swap3A_329, %swap3A_330], %mul3A_326 {strides = array<i32>} : memref<80x128xf32, #tpu.memory_space<vmem>>, vector<16xf32>,
        %add3A_332 = arith.constant 1 : i32
        %add3A_333 = arith.addi %add3A_157, %add3A_332 : i32
        %get3A_334 = arith.index_cast %add3A_333 : i32 to index
        %get3A_335 = arith.constant 112 : index
        %get3A_336 = tpu.vector_load %arg8[%get3A_334, %get3A_335] {strides = array<i32>} : memref<80x128xf32, #tpu.memory_space<vmem>>, vector<16xf32>,
        %mul3A_337 = arith.mulf %get3A_336, %bitcast3A_254 : vector<16xf32>
        %add3A_338 = arith.constant 1 : i32
        %add3A_339 = arith.addi %add3A_157, %add3A_338 : i32
        %swap3A_340 = arith.index_cast %add3A_339 : i32 to index
        %swap3A_341 = arith.constant 112 : index
        %swap3A_342 = tpu.vector_load %arg8[%swap3A_340, %swap3A_341] {strides = array<i32>} : memref<80x128xf32, #tpu.memory_space<vmem>>, vector<16xf32>,
        tpu.vector_store %arg8[%swap3A_340, %swap3A_341], %mul3A_337 {strides = array<i32>} : memref<80x128xf32, #tpu.memory_space<vmem>>, vector<16xf32>,
      }
      %scan3A_79 = arith.constant 40 : i32
      %dma_start3A_80 = arith.constant 5 : i32
      %dma_start3A_81 = arith.constant 0 : i32
      %dma_start3A_82 = tpu.memref_slice %arg6[%dma_start3A_80, %dma_start3A_81] : memref<12x80xi32, #tpu.memory_space<vmem>> -> memref<1x80xi32, #tpu.memory_space<vmem>>
      %dma_start3A_83 = tpu.memref_squeeze %dma_start3A_82 : memref<1x80xi32, #tpu.memory_space<vmem>> -> memref<80xi32, #tpu.memory_space<vmem>>
      %dma_start3A_84 = arith.constant 0 : i32
      %dma_start3A_85 = arith.constant 0 : i32
      %dma_start3A_86 = tpu.memref_slice %arg5[%dma_start3A_84, %dma_start3A_85] : memref<10240x128xf32, #tpu.memory_space<vmem_shared>> -> memref<10240x128xf32, #tpu.memory_space<vmem_shared>>
      tpu.enqueue_indirect_dma source(%arg8 : memref<80x128xf32, #tpu.memory_space<vmem>>) target(%dma_start3A_86 : memref<10240x128xf32, #tpu.memory_space<vmem_shared>>) offsets(%dma_start3A_83 : memref<80xi32, #tpu.memory_space<vmem>>) semaphore(%arg16 : memref<!tpu.dma_semaphore, #tpu.memory_space<semaphore_mem>>) {add = true}
      %dma_wait3A_87 = arith.constant 2 : i32
      %dma_wait3A_88 = arith.constant 0 : i32
      %dma_wait3A_89 = tpu.memref_slice %arg6[%dma_wait3A_87, %dma_wait3A_88] : memref<12x80xi32, #tpu.memory_space<vmem>> -> memref<1x80xi32, #tpu.memory_space<vmem>>
      %dma_wait3A_90 = tpu.memref_squeeze %dma_wait3A_89 : memref<1x80xi32, #tpu.memory_space<vmem>> -> memref<80xi32, #tpu.memory_space<vmem>>
      %dma_wait3A_91 = arith.constant 0 : i32
      %dma_wait3A_92 = arith.constant 0 : i32
      %dma_wait3A_93 = tpu.memref_slice %arg2[%dma_wait3A_91, %dma_wait3A_92] : memref<10240x128xf32, #tpu.memory_space<hbm>> -> memref<10240x128xf32, #tpu.memory_space<hbm>>
      tpu.wait_indirect_dma semaphore(%arg13 : memref<!tpu.dma_semaphore, #tpu.memory_space<semaphore_mem>>) src(%dma_wait3A_93 : memref<10240x128xf32, #tpu.memory_space<hbm>>) dst(%arg9 : memref<80x128xf32, #tpu.memory_space<vmem>>)
      %scan3A_94 = arith.constant 0 : i32
      %scan3A_95 = arith.constant 40 : i32
      %scan3A_96 = arith.addi %scan3A_94, %scan3A_95 : i32
      %scan3A_97 = arith.constant 1 : i32
      scf.for %scan3A_153 = %scan3A_94 to %scan3A_96 step %scan3A_97  : i32 {
        %mul3A_154 = arith.constant 2 : i32
        %mul3A_155 = arith.muli %scan3A_153, %mul3A_154 : i32
        %add3A_156 = arith.constant 0 : i32
        %add3A_157 = arith.addi %add3A_156, %mul3A_155 : i32
        %broadcast_in_dim3A = arith.constant 10 : i32
        %broadcast_in_dim3A_158 = vector.broadcast %broadcast_in_dim3A : i32 to vector<16xi32>
        %add3A_159 = arith.constant 0 : i32
        %add3A_160 = arith.addi %add3A_157, %add3A_159 : i32
        %broadcast_in_dim3A_161 = vector.broadcast %add3A_160 : i32 to vector<16xi32>
        %gather3A = tpu.vector_load_idx %arg6[%broadcast_in_dim3A_158, %broadcast_in_dim3A_161] : memref<12x80xi32, #tpu.memory_space<vmem>>[vector<16xi32>, vector<16xi32>], vector<16xi32>,
        %bitcast3A = vector.bitcast %gather3A : vector<16xi32> to vector<16xf32>
        %add3A_162 = arith.constant 0 : i32
        %add3A_163 = arith.addi %add3A_157, %add3A_162 : i32
        %get3A = arith.index_cast %add3A_163 : i32 to index
        %get3A_164 = arith.constant 0 : index
        %get3A_165 = tpu.vector_load %arg9[%get3A, %get3A_164] {strides = array<i32>} : memref<80x128xf32, #tpu.memory_space<vmem>>, vector<16xf32>,
        %mul3A_166 = arith.mulf %get3A_165, %bitcast3A : vector<16xf32>
        %add3A_167 = arith.constant 0 : i32
        %add3A_168 = arith.addi %add3A_157, %add3A_167 : i32
        %swap3A = arith.index_cast %add3A_168 : i32 to index
        %swap3A_169 = arith.constant 0 : index
        %swap3A_170 = tpu.vector_load %arg9[%swap3A, %swap3A_169] {strides = array<i32>} : memref<80x128xf32, #tpu.memory_space<vmem>>, vector<16xf32>,
        tpu.vector_store %arg9[%swap3A, %swap3A_169], %mul3A_166 {strides = array<i32>} : memref<80x128xf32, #tpu.memory_space<vmem>>, vector<16xf32>,
        %add3A_171 = arith.constant 0 : i32
        %add3A_172 = arith.addi %add3A_157, %add3A_171 : i32
        %get3A_173 = arith.index_cast %add3A_172 : i32 to index
        %get3A_174 = arith.constant 16 : index
        %get3A_175 = tpu.vector_load %arg9[%get3A_173, %get3A_174] {strides = array<i32>} : memref<80x128xf32, #tpu.memory_space<vmem>>, vector<16xf32>,
        %mul3A_176 = arith.mulf %get3A_175, %bitcast3A : vector<16xf32>
        %add3A_177 = arith.constant 0 : i32
        %add3A_178 = arith.addi %add3A_157, %add3A_177 : i32
        %swap3A_179 = arith.index_cast %add3A_178 : i32 to index
        %swap3A_180 = arith.constant 16 : index
        %swap3A_181 = tpu.vector_load %arg9[%swap3A_179, %swap3A_180] {strides = array<i32>} : memref<80x128xf32, #tpu.memory_space<vmem>>, vector<16xf32>,
        tpu.vector_store %arg9[%swap3A_179, %swap3A_180], %mul3A_176 {strides = array<i32>} : memref<80x128xf32, #tpu.memory_space<vmem>>, vector<16xf32>,
        %add3A_182 = arith.constant 0 : i32
        %add3A_183 = arith.addi %add3A_157, %add3A_182 : i32
        %get3A_184 = arith.index_cast %add3A_183 : i32 to index
        %get3A_185 = arith.constant 32 : index
        %get3A_186 = tpu.vector_load %arg9[%get3A_184, %get3A_185] {strides = array<i32>} : memref<80x128xf32, #tpu.memory_space<vmem>>, vector<16xf32>,
        %mul3A_187 = arith.mulf %get3A_186, %bitcast3A : vector<16xf32>
        %add3A_188 = arith.constant 0 : i32
        %add3A_189 = arith.addi %add3A_157, %add3A_188 : i32
        %swap3A_190 = arith.index_cast %add3A_189 : i32 to index
        %swap3A_191 = arith.constant 32 : index
        %swap3A_192 = tpu.vector_load %arg9[%swap3A_190, %swap3A_191] {strides = array<i32>} : memref<80x128xf32, #tpu.memory_space<vmem>>, vector<16xf32>,
        tpu.vector_store %arg9[%swap3A_190, %swap3A_191], %mul3A_187 {strides = array<i32>} : memref<80x128xf32, #tpu.memory_space<vmem>>, vector<16xf32>,
        %add3A_193 = arith.constant 0 : i32
        %add3A_194 = arith.addi %add3A_157, %add3A_193 : i32
        %get3A_195 = arith.index_cast %add3A_194 : i32 to index
        %get3A_196 = arith.constant 48 : index
        %get3A_197 = tpu.vector_load %arg9[%get3A_195, %get3A_196] {strides = array<i32>} : memref<80x128xf32, #tpu.memory_space<vmem>>, vector<16xf32>,
        %mul3A_198 = arith.mulf %get3A_197, %bitcast3A : vector<16xf32>
        %add3A_199 = arith.constant 0 : i32
        %add3A_200 = arith.addi %add3A_157, %add3A_199 : i32
        %swap3A_201 = arith.index_cast %add3A_200 : i32 to index
        %swap3A_202 = arith.constant 48 : index
        %swap3A_203 = tpu.vector_load %arg9[%swap3A_201, %swap3A_202] {strides = array<i32>} : memref<80x128xf32, #tpu.memory_space<vmem>>, vector<16xf32>,
        tpu.vector_store %arg9[%swap3A_201, %swap3A_202], %mul3A_198 {strides = array<i32>} : memref<80x128xf32, #tpu.memory_space<vmem>>, vector<16xf32>,
        %add3A_204 = arith.constant 0 : i32
        %add3A_205 = arith.addi %add3A_157, %add3A_204 : i32
        %get3A_206 = arith.index_cast %add3A_205 : i32 to index
        %get3A_207 = arith.constant 64 : index
        %get3A_208 = tpu.vector_load %arg9[%get3A_206, %get3A_207] {strides = array<i32>} : memref<80x128xf32, #tpu.memory_space<vmem>>, vector<16xf32>,
        %mul3A_209 = arith.mulf %get3A_208, %bitcast3A : vector<16xf32>
        %add3A_210 = arith.constant 0 : i32
        %add3A_211 = arith.addi %add3A_157, %add3A_210 : i32
        %swap3A_212 = arith.index_cast %add3A_211 : i32 to index
        %swap3A_213 = arith.constant 64 : index
        %swap3A_214 = tpu.vector_load %arg9[%swap3A_212, %swap3A_213] {strides = array<i32>} : memref<80x128xf32, #tpu.memory_space<vmem>>, vector<16xf32>,
        tpu.vector_store %arg9[%swap3A_212, %swap3A_213], %mul3A_209 {strides = array<i32>} : memref<80x128xf32, #tpu.memory_space<vmem>>, vector<16xf32>,
        %add3A_215 = arith.constant 0 : i32
        %add3A_216 = arith.addi %add3A_157, %add3A_215 : i32
        %get3A_217 = arith.index_cast %add3A_216 : i32 to index
        %get3A_218 = arith.constant 80 : index
        %get3A_219 = tpu.vector_load %arg9[%get3A_217, %get3A_218] {strides = array<i32>} : memref<80x128xf32, #tpu.memory_space<vmem>>, vector<16xf32>,
        %mul3A_220 = arith.mulf %get3A_219, %bitcast3A : vector<16xf32>
        %add3A_221 = arith.constant 0 : i32
        %add3A_222 = arith.addi %add3A_157, %add3A_221 : i32
        %swap3A_223 = arith.index_cast %add3A_222 : i32 to index
        %swap3A_224 = arith.constant 80 : index
        %swap3A_225 = tpu.vector_load %arg9[%swap3A_223, %swap3A_224] {strides = array<i32>} : memref<80x128xf32, #tpu.memory_space<vmem>>, vector<16xf32>,
        tpu.vector_store %arg9[%swap3A_223, %swap3A_224], %mul3A_220 {strides = array<i32>} : memref<80x128xf32, #tpu.memory_space<vmem>>, vector<16xf32>,
        %add3A_226 = arith.constant 0 : i32
        %add3A_227 = arith.addi %add3A_157, %add3A_226 : i32
        %get3A_228 = arith.index_cast %add3A_227 : i32 to index
        %get3A_229 = arith.constant 96 : index
        %get3A_230 = tpu.vector_load %arg9[%get3A_228, %get3A_229] {strides = array<i32>} : memref<80x128xf32, #tpu.memory_space<vmem>>, vector<16xf32>,
        %mul3A_231 = arith.mulf %get3A_230, %bitcast3A : vector<16xf32>
        %add3A_232 = arith.constant 0 : i32
        %add3A_233 = arith.addi %add3A_157, %add3A_232 : i32
        %swap3A_234 = arith.index_cast %add3A_233 : i32 to index
        %swap3A_235 = arith.constant 96 : index
        %swap3A_236 = tpu.vector_load %arg9[%swap3A_234, %swap3A_235] {strides = array<i32>} : memref<80x128xf32, #tpu.memory_space<vmem>>, vector<16xf32>,
        tpu.vector_store %arg9[%swap3A_234, %swap3A_235], %mul3A_231 {strides = array<i32>} : memref<80x128xf32, #tpu.memory_space<vmem>>, vector<16xf32>,
        %add3A_237 = arith.constant 0 : i32
        %add3A_238 = arith.addi %add3A_157, %add3A_237 : i32
        %get3A_239 = arith.index_cast %add3A_238 : i32 to index
        %get3A_240 = arith.constant 112 : index
        %get3A_241 = tpu.vector_load %arg9[%get3A_239, %get3A_240] {strides = array<i32>} : memref<80x128xf32, #tpu.memory_space<vmem>>, vector<16xf32>,
        %mul3A_242 = arith.mulf %get3A_241, %bitcast3A : vector<16xf32>
        %add3A_243 = arith.constant 0 : i32
        %add3A_244 = arith.addi %add3A_157, %add3A_243 : i32
        %swap3A_245 = arith.index_cast %add3A_244 : i32 to index
        %swap3A_246 = arith.constant 112 : index
        %swap3A_247 = tpu.vector_load %arg9[%swap3A_245, %swap3A_246] {strides = array<i32>} : memref<80x128xf32, #tpu.memory_space<vmem>>, vector<16xf32>,
        tpu.vector_store %arg9[%swap3A_245, %swap3A_246], %mul3A_242 {strides = array<i32>} : memref<80x128xf32, #tpu.memory_space<vmem>>, vector<16xf32>,
        %broadcast_in_dim3A_248 = arith.constant 10 : i32
        %broadcast_in_dim3A_249 = vector.broadcast %broadcast_in_dim3A_248 : i32 to vector<16xi32>
        %add3A_250 = arith.constant 1 : i32
        %add3A_251 = arith.addi %add3A_157, %add3A_250 : i32
        %broadcast_in_dim3A_252 = vector.broadcast %add3A_251 : i32 to vector<16xi32>
        %gather3A_253 = tpu.vector_load_idx %arg6[%broadcast_in_dim3A_249, %broadcast_in_dim3A_252] : memref<12x80xi32, #tpu.memory_space<vmem>>[vector<16xi32>, vector<16xi32>], vector<16xi32>,
        %bitcast3A_254 = vector.bitcast %gather3A_253 : vector<16xi32> to vector<16xf32>
        %add3A_255 = arith.constant 1 : i32
        %add3A_256 = arith.addi %add3A_157, %add3A_255 : i32
        %get3A_257 = arith.index_cast %add3A_256 : i32 to index
        %get3A_258 = arith.constant 0 : index
        %get3A_259 = tpu.vector_load %arg9[%get3A_257, %get3A_258] {strides = array<i32>} : memref<80x128xf32, #tpu.memory_space<vmem>>, vector<16xf32>,
        %mul3A_260 = arith.mulf %get3A_259, %bitcast3A_254 : vector<16xf32>
        %add3A_261 = arith.constant 1 : i32
        %add3A_262 = arith.addi %add3A_157, %add3A_261 : i32
        %swap3A_263 = arith.index_cast %add3A_262 : i32 to index
        %swap3A_264 = arith.constant 0 : index
        %swap3A_265 = tpu.vector_load %arg9[%swap3A_263, %swap3A_264] {strides = array<i32>} : memref<80x128xf32, #tpu.memory_space<vmem>>, vector<16xf32>,
        tpu.vector_store %arg9[%swap3A_263, %swap3A_264], %mul3A_260 {strides = array<i32>} : memref<80x128xf32, #tpu.memory_space<vmem>>, vector<16xf32>,
        %add3A_266 = arith.constant 1 : i32
        %add3A_267 = arith.addi %add3A_157, %add3A_266 : i32
        %get3A_268 = arith.index_cast %add3A_267 : i32 to index
        %get3A_269 = arith.constant 16 : index
        %get3A_270 = tpu.vector_load %arg9[%get3A_268, %get3A_269] {strides = array<i32>} : memref<80x128xf32, #tpu.memory_space<vmem>>, vector<16xf32>,
        %mul3A_271 = arith.mulf %get3A_270, %bitcast3A_254 : vector<16xf32>
        %add3A_272 = arith.constant 1 : i32
        %add3A_273 = arith.addi %add3A_157, %add3A_272 : i32
        %swap3A_274 = arith.index_cast %add3A_273 : i32 to index
        %swap3A_275 = arith.constant 16 : index
        %swap3A_276 = tpu.vector_load %arg9[%swap3A_274, %swap3A_275] {strides = array<i32>} : memref<80x128xf32, #tpu.memory_space<vmem>>, vector<16xf32>,
        tpu.vector_store %arg9[%swap3A_274, %swap3A_275], %mul3A_271 {strides = array<i32>} : memref<80x128xf32, #tpu.memory_space<vmem>>, vector<16xf32>,
        %add3A_277 = arith.constant 1 : i32
        %add3A_278 = arith.addi %add3A_157, %add3A_277 : i32
        %get3A_279 = arith.index_cast %add3A_278 : i32 to index
        %get3A_280 = arith.constant 32 : index
        %get3A_281 = tpu.vector_load %arg9[%get3A_279, %get3A_280] {strides = array<i32>} : memref<80x128xf32, #tpu.memory_space<vmem>>, vector<16xf32>,
        %mul3A_282 = arith.mulf %get3A_281, %bitcast3A_254 : vector<16xf32>
        %add3A_283 = arith.constant 1 : i32
        %add3A_284 = arith.addi %add3A_157, %add3A_283 : i32
        %swap3A_285 = arith.index_cast %add3A_284 : i32 to index
        %swap3A_286 = arith.constant 32 : index
        %swap3A_287 = tpu.vector_load %arg9[%swap3A_285, %swap3A_286] {strides = array<i32>} : memref<80x128xf32, #tpu.memory_space<vmem>>, vector<16xf32>,
        tpu.vector_store %arg9[%swap3A_285, %swap3A_286], %mul3A_282 {strides = array<i32>} : memref<80x128xf32, #tpu.memory_space<vmem>>, vector<16xf32>,
        %add3A_288 = arith.constant 1 : i32
        %add3A_289 = arith.addi %add3A_157, %add3A_288 : i32
        %get3A_290 = arith.index_cast %add3A_289 : i32 to index
        %get3A_291 = arith.constant 48 : index
        %get3A_292 = tpu.vector_load %arg9[%get3A_290, %get3A_291] {strides = array<i32>} : memref<80x128xf32, #tpu.memory_space<vmem>>, vector<16xf32>,
        %mul3A_293 = arith.mulf %get3A_292, %bitcast3A_254 : vector<16xf32>
        %add3A_294 = arith.constant 1 : i32
        %add3A_295 = arith.addi %add3A_157, %add3A_294 : i32
        %swap3A_296 = arith.index_cast %add3A_295 : i32 to index
        %swap3A_297 = arith.constant 48 : index
        %swap3A_298 = tpu.vector_load %arg9[%swap3A_296, %swap3A_297] {strides = array<i32>} : memref<80x128xf32, #tpu.memory_space<vmem>>, vector<16xf32>,
        tpu.vector_store %arg9[%swap3A_296, %swap3A_297], %mul3A_293 {strides = array<i32>} : memref<80x128xf32, #tpu.memory_space<vmem>>, vector<16xf32>,
        %add3A_299 = arith.constant 1 : i32
        %add3A_300 = arith.addi %add3A_157, %add3A_299 : i32
        %get3A_301 = arith.index_cast %add3A_300 : i32 to index
        %get3A_302 = arith.constant 64 : index
        %get3A_303 = tpu.vector_load %arg9[%get3A_301, %get3A_302] {strides = array<i32>} : memref<80x128xf32, #tpu.memory_space<vmem>>, vector<16xf32>,
        %mul3A_304 = arith.mulf %get3A_303, %bitcast3A_254 : vector<16xf32>
        %add3A_305 = arith.constant 1 : i32
        %add3A_306 = arith.addi %add3A_157, %add3A_305 : i32
        %swap3A_307 = arith.index_cast %add3A_306 : i32 to index
        %swap3A_308 = arith.constant 64 : index
        %swap3A_309 = tpu.vector_load %arg9[%swap3A_307, %swap3A_308] {strides = array<i32>} : memref<80x128xf32, #tpu.memory_space<vmem>>, vector<16xf32>,
        tpu.vector_store %arg9[%swap3A_307, %swap3A_308], %mul3A_304 {strides = array<i32>} : memref<80x128xf32, #tpu.memory_space<vmem>>, vector<16xf32>,
        %add3A_310 = arith.constant 1 : i32
        %add3A_311 = arith.addi %add3A_157, %add3A_310 : i32
        %get3A_312 = arith.index_cast %add3A_311 : i32 to index
        %get3A_313 = arith.constant 80 : index
        %get3A_314 = tpu.vector_load %arg9[%get3A_312, %get3A_313] {strides = array<i32>} : memref<80x128xf32, #tpu.memory_space<vmem>>, vector<16xf32>,
        %mul3A_315 = arith.mulf %get3A_314, %bitcast3A_254 : vector<16xf32>
        %add3A_316 = arith.constant 1 : i32
        %add3A_317 = arith.addi %add3A_157, %add3A_316 : i32
        %swap3A_318 = arith.index_cast %add3A_317 : i32 to index
        %swap3A_319 = arith.constant 80 : index
        %swap3A_320 = tpu.vector_load %arg9[%swap3A_318, %swap3A_319] {strides = array<i32>} : memref<80x128xf32, #tpu.memory_space<vmem>>, vector<16xf32>,
        tpu.vector_store %arg9[%swap3A_318, %swap3A_319], %mul3A_315 {strides = array<i32>} : memref<80x128xf32, #tpu.memory_space<vmem>>, vector<16xf32>,
        %add3A_321 = arith.constant 1 : i32
        %add3A_322 = arith.addi %add3A_157, %add3A_321 : i32
        %get3A_323 = arith.index_cast %add3A_322 : i32 to index
        %get3A_324 = arith.constant 96 : index
        %get3A_325 = tpu.vector_load %arg9[%get3A_323, %get3A_324] {strides = array<i32>} : memref<80x128xf32, #tpu.memory_space<vmem>>, vector<16xf32>,
        %mul3A_326 = arith.mulf %get3A_325, %bitcast3A_254 : vector<16xf32>
        %add3A_327 = arith.constant 1 : i32
        %add3A_328 = arith.addi %add3A_157, %add3A_327 : i32
        %swap3A_329 = arith.index_cast %add3A_328 : i32 to index
        %swap3A_330 = arith.constant 96 : index
        %swap3A_331 = tpu.vector_load %arg9[%swap3A_329, %swap3A_330] {strides = array<i32>} : memref<80x128xf32, #tpu.memory_space<vmem>>, vector<16xf32>,
        tpu.vector_store %arg9[%swap3A_329, %swap3A_330], %mul3A_326 {strides = array<i32>} : memref<80x128xf32, #tpu.memory_space<vmem>>, vector<16xf32>,
        %add3A_332 = arith.constant 1 : i32
        %add3A_333 = arith.addi %add3A_157, %add3A_332 : i32
        %get3A_334 = arith.index_cast %add3A_333 : i32 to index
        %get3A_335 = arith.constant 112 : index
        %get3A_336 = tpu.vector_load %arg9[%get3A_334, %get3A_335] {strides = array<i32>} : memref<80x128xf32, #tpu.memory_space<vmem>>, vector<16xf32>,
        %mul3A_337 = arith.mulf %get3A_336, %bitcast3A_254 : vector<16xf32>
        %add3A_338 = arith.constant 1 : i32
        %add3A_339 = arith.addi %add3A_157, %add3A_338 : i32
        %swap3A_340 = arith.index_cast %add3A_339 : i32 to index
        %swap3A_341 = arith.constant 112 : index
        %swap3A_342 = tpu.vector_load %arg9[%swap3A_340, %swap3A_341] {strides = array<i32>} : memref<80x128xf32, #tpu.memory_space<vmem>>, vector<16xf32>,
        tpu.vector_store %arg9[%swap3A_340, %swap3A_341], %mul3A_337 {strides = array<i32>} : memref<80x128xf32, #tpu.memory_space<vmem>>, vector<16xf32>,
      }
      %scan3A_98 = arith.constant 40 : i32
      %dma_start3A_99 = arith.constant 6 : i32
      %dma_start3A_100 = arith.constant 0 : i32
      %dma_start3A_101 = tpu.memref_slice %arg6[%dma_start3A_99, %dma_start3A_100] : memref<12x80xi32, #tpu.memory_space<vmem>> -> memref<1x80xi32, #tpu.memory_space<vmem>>
      %dma_start3A_102 = tpu.memref_squeeze %dma_start3A_101 : memref<1x80xi32, #tpu.memory_space<vmem>> -> memref<80xi32, #tpu.memory_space<vmem>>
      %dma_start3A_103 = arith.constant 0 : i32
      %dma_start3A_104 = arith.constant 0 : i32
      %dma_start3A_105 = tpu.memref_slice %arg5[%dma_start3A_103, %dma_start3A_104] : memref<10240x128xf32, #tpu.memory_space<vmem_shared>> -> memref<10240x128xf32, #tpu.memory_space<vmem_shared>>
      tpu.enqueue_indirect_dma source(%arg9 : memref<80x128xf32, #tpu.memory_space<vmem>>) target(%dma_start3A_105 : memref<10240x128xf32, #tpu.memory_space<vmem_shared>>) offsets(%dma_start3A_102 : memref<80xi32, #tpu.memory_space<vmem>>) semaphore(%arg17 : memref<!tpu.dma_semaphore, #tpu.memory_space<semaphore_mem>>) {add = true}
      %dma_wait3A_106 = arith.constant 3 : i32
      %dma_wait3A_107 = arith.constant 0 : i32
      %dma_wait3A_108 = tpu.memref_slice %arg6[%dma_wait3A_106, %dma_wait3A_107] : memref<12x80xi32, #tpu.memory_space<vmem>> -> memref<1x80xi32, #tpu.memory_space<vmem>>
      %dma_wait3A_109 = tpu.memref_squeeze %dma_wait3A_108 : memref<1x80xi32, #tpu.memory_space<vmem>> -> memref<80xi32, #tpu.memory_space<vmem>>
      %dma_wait3A_110 = arith.constant 0 : i32
      %dma_wait3A_111 = arith.constant 0 : i32
      %dma_wait3A_112 = tpu.memref_slice %arg2[%dma_wait3A_110, %dma_wait3A_111] : memref<10240x128xf32, #tpu.memory_space<hbm>> -> memref<10240x128xf32, #tpu.memory_space<hbm>>
      tpu.wait_indirect_dma semaphore(%arg14 : memref<!tpu.dma_semaphore, #tpu.memory_space<semaphore_mem>>) src(%dma_wait3A_112 : memref<10240x128xf32, #tpu.memory_space<hbm>>) dst(%arg10 : memref<80x128xf32, #tpu.memory_space<vmem>>)
      %scan3A_113 = arith.constant 0 : i32
      %scan3A_114 = arith.constant 40 : i32
      %scan3A_115 = arith.addi %scan3A_113, %scan3A_114 : i32
      %scan3A_116 = arith.constant 1 : i32
      scf.for %scan3A_153 = %scan3A_113 to %scan3A_115 step %scan3A_116  : i32 {
        %mul3A_154 = arith.constant 2 : i32
        %mul3A_155 = arith.muli %scan3A_153, %mul3A_154 : i32
        %add3A_156 = arith.constant 0 : i32
        %add3A_157 = arith.addi %add3A_156, %mul3A_155 : i32
        %broadcast_in_dim3A = arith.constant 11 : i32
        %broadcast_in_dim3A_158 = vector.broadcast %broadcast_in_dim3A : i32 to vector<16xi32>
        %add3A_159 = arith.constant 0 : i32
        %add3A_160 = arith.addi %add3A_157, %add3A_159 : i32
        %broadcast_in_dim3A_161 = vector.broadcast %add3A_160 : i32 to vector<16xi32>
        %gather3A = tpu.vector_load_idx %arg6[%broadcast_in_dim3A_158, %broadcast_in_dim3A_161] : memref<12x80xi32, #tpu.memory_space<vmem>>[vector<16xi32>, vector<16xi32>], vector<16xi32>,
        %bitcast3A = vector.bitcast %gather3A : vector<16xi32> to vector<16xf32>
        %add3A_162 = arith.constant 0 : i32
        %add3A_163 = arith.addi %add3A_157, %add3A_162 : i32
        %get3A = arith.index_cast %add3A_163 : i32 to index
        %get3A_164 = arith.constant 0 : index
        %get3A_165 = tpu.vector_load %arg10[%get3A, %get3A_164] {strides = array<i32>} : memref<80x128xf32, #tpu.memory_space<vmem>>, vector<16xf32>,
        %mul3A_166 = arith.mulf %get3A_165, %bitcast3A : vector<16xf32>
        %add3A_167 = arith.constant 0 : i32
        %add3A_168 = arith.addi %add3A_157, %add3A_167 : i32
        %swap3A = arith.index_cast %add3A_168 : i32 to index
        %swap3A_169 = arith.constant 0 : index
        %swap3A_170 = tpu.vector_load %arg10[%swap3A, %swap3A_169] {strides = array<i32>} : memref<80x128xf32, #tpu.memory_space<vmem>>, vector<16xf32>,
        tpu.vector_store %arg10[%swap3A, %swap3A_169], %mul3A_166 {strides = array<i32>} : memref<80x128xf32, #tpu.memory_space<vmem>>, vector<16xf32>,
        %add3A_171 = arith.constant 0 : i32
        %add3A_172 = arith.addi %add3A_157, %add3A_171 : i32
        %get3A_173 = arith.index_cast %add3A_172 : i32 to index
        %get3A_174 = arith.constant 16 : index
        %get3A_175 = tpu.vector_load %arg10[%get3A_173, %get3A_174] {strides = array<i32>} : memref<80x128xf32, #tpu.memory_space<vmem>>, vector<16xf32>,
        %mul3A_176 = arith.mulf %get3A_175, %bitcast3A : vector<16xf32>
        %add3A_177 = arith.constant 0 : i32
        %add3A_178 = arith.addi %add3A_157, %add3A_177 : i32
        %swap3A_179 = arith.index_cast %add3A_178 : i32 to index
        %swap3A_180 = arith.constant 16 : index
        %swap3A_181 = tpu.vector_load %arg10[%swap3A_179, %swap3A_180] {strides = array<i32>} : memref<80x128xf32, #tpu.memory_space<vmem>>, vector<16xf32>,
        tpu.vector_store %arg10[%swap3A_179, %swap3A_180], %mul3A_176 {strides = array<i32>} : memref<80x128xf32, #tpu.memory_space<vmem>>, vector<16xf32>,
        %add3A_182 = arith.constant 0 : i32
        %add3A_183 = arith.addi %add3A_157, %add3A_182 : i32
        %get3A_184 = arith.index_cast %add3A_183 : i32 to index
        %get3A_185 = arith.constant 32 : index
        %get3A_186 = tpu.vector_load %arg10[%get3A_184, %get3A_185] {strides = array<i32>} : memref<80x128xf32, #tpu.memory_space<vmem>>, vector<16xf32>,
        %mul3A_187 = arith.mulf %get3A_186, %bitcast3A : vector<16xf32>
        %add3A_188 = arith.constant 0 : i32
        %add3A_189 = arith.addi %add3A_157, %add3A_188 : i32
        %swap3A_190 = arith.index_cast %add3A_189 : i32 to index
        %swap3A_191 = arith.constant 32 : index
        %swap3A_192 = tpu.vector_load %arg10[%swap3A_190, %swap3A_191] {strides = array<i32>} : memref<80x128xf32, #tpu.memory_space<vmem>>, vector<16xf32>,
        tpu.vector_store %arg10[%swap3A_190, %swap3A_191], %mul3A_187 {strides = array<i32>} : memref<80x128xf32, #tpu.memory_space<vmem>>, vector<16xf32>,
        %add3A_193 = arith.constant 0 : i32
        %add3A_194 = arith.addi %add3A_157, %add3A_193 : i32
        %get3A_195 = arith.index_cast %add3A_194 : i32 to index
        %get3A_196 = arith.constant 48 : index
        %get3A_197 = tpu.vector_load %arg10[%get3A_195, %get3A_196] {strides = array<i32>} : memref<80x128xf32, #tpu.memory_space<vmem>>, vector<16xf32>,
        %mul3A_198 = arith.mulf %get3A_197, %bitcast3A : vector<16xf32>
        %add3A_199 = arith.constant 0 : i32
        %add3A_200 = arith.addi %add3A_157, %add3A_199 : i32
        %swap3A_201 = arith.index_cast %add3A_200 : i32 to index
        %swap3A_202 = arith.constant 48 : index
        %swap3A_203 = tpu.vector_load %arg10[%swap3A_201, %swap3A_202] {strides = array<i32>} : memref<80x128xf32, #tpu.memory_space<vmem>>, vector<16xf32>,
        tpu.vector_store %arg10[%swap3A_201, %swap3A_202], %mul3A_198 {strides = array<i32>} : memref<80x128xf32, #tpu.memory_space<vmem>>, vector<16xf32>,
        %add3A_204 = arith.constant 0 : i32
        %add3A_205 = arith.addi %add3A_157, %add3A_204 : i32
        %get3A_206 = arith.index_cast %add3A_205 : i32 to index
        %get3A_207 = arith.constant 64 : index
        %get3A_208 = tpu.vector_load %arg10[%get3A_206, %get3A_207] {strides = array<i32>} : memref<80x128xf32, #tpu.memory_space<vmem>>, vector<16xf32>,
        %mul3A_209 = arith.mulf %get3A_208, %bitcast3A : vector<16xf32>
        %add3A_210 = arith.constant 0 : i32
        %add3A_211 = arith.addi %add3A_157, %add3A_210 : i32
        %swap3A_212 = arith.index_cast %add3A_211 : i32 to index
        %swap3A_213 = arith.constant 64 : index
        %swap3A_214 = tpu.vector_load %arg10[%swap3A_212, %swap3A_213] {strides = array<i32>} : memref<80x128xf32, #tpu.memory_space<vmem>>, vector<16xf32>,
        tpu.vector_store %arg10[%swap3A_212, %swap3A_213], %mul3A_209 {strides = array<i32>} : memref<80x128xf32, #tpu.memory_space<vmem>>, vector<16xf32>,
        %add3A_215 = arith.constant 0 : i32
        %add3A_216 = arith.addi %add3A_157, %add3A_215 : i32
        %get3A_217 = arith.index_cast %add3A_216 : i32 to index
        %get3A_218 = arith.constant 80 : index
        %get3A_219 = tpu.vector_load %arg10[%get3A_217, %get3A_218] {strides = array<i32>} : memref<80x128xf32, #tpu.memory_space<vmem>>, vector<16xf32>,
        %mul3A_220 = arith.mulf %get3A_219, %bitcast3A : vector<16xf32>
        %add3A_221 = arith.constant 0 : i32
        %add3A_222 = arith.addi %add3A_157, %add3A_221 : i32
        %swap3A_223 = arith.index_cast %add3A_222 : i32 to index
        %swap3A_224 = arith.constant 80 : index
        %swap3A_225 = tpu.vector_load %arg10[%swap3A_223, %swap3A_224] {strides = array<i32>} : memref<80x128xf32, #tpu.memory_space<vmem>>, vector<16xf32>,
        tpu.vector_store %arg10[%swap3A_223, %swap3A_224], %mul3A_220 {strides = array<i32>} : memref<80x128xf32, #tpu.memory_space<vmem>>, vector<16xf32>,
        %add3A_226 = arith.constant 0 : i32
        %add3A_227 = arith.addi %add3A_157, %add3A_226 : i32
        %get3A_228 = arith.index_cast %add3A_227 : i32 to index
        %get3A_229 = arith.constant 96 : index
        %get3A_230 = tpu.vector_load %arg10[%get3A_228, %get3A_229] {strides = array<i32>} : memref<80x128xf32, #tpu.memory_space<vmem>>, vector<16xf32>,
        %mul3A_231 = arith.mulf %get3A_230, %bitcast3A : vector<16xf32>
        %add3A_232 = arith.constant 0 : i32
        %add3A_233 = arith.addi %add3A_157, %add3A_232 : i32
        %swap3A_234 = arith.index_cast %add3A_233 : i32 to index
        %swap3A_235 = arith.constant 96 : index
        %swap3A_236 = tpu.vector_load %arg10[%swap3A_234, %swap3A_235] {strides = array<i32>} : memref<80x128xf32, #tpu.memory_space<vmem>>, vector<16xf32>,
        tpu.vector_store %arg10[%swap3A_234, %swap3A_235], %mul3A_231 {strides = array<i32>} : memref<80x128xf32, #tpu.memory_space<vmem>>, vector<16xf32>,
        %add3A_237 = arith.constant 0 : i32
        %add3A_238 = arith.addi %add3A_157, %add3A_237 : i32
        %get3A_239 = arith.index_cast %add3A_238 : i32 to index
        %get3A_240 = arith.constant 112 : index
        %get3A_241 = tpu.vector_load %arg10[%get3A_239, %get3A_240] {strides = array<i32>} : memref<80x128xf32, #tpu.memory_space<vmem>>, vector<16xf32>,
        %mul3A_242 = arith.mulf %get3A_241, %bitcast3A : vector<16xf32>
        %add3A_243 = arith.constant 0 : i32
        %add3A_244 = arith.addi %add3A_157, %add3A_243 : i32
        %swap3A_245 = arith.index_cast %add3A_244 : i32 to index
        %swap3A_246 = arith.constant 112 : index
        %swap3A_247 = tpu.vector_load %arg10[%swap3A_245, %swap3A_246] {strides = array<i32>} : memref<80x128xf32, #tpu.memory_space<vmem>>, vector<16xf32>,
        tpu.vector_store %arg10[%swap3A_245, %swap3A_246], %mul3A_242 {strides = array<i32>} : memref<80x128xf32, #tpu.memory_space<vmem>>, vector<16xf32>,
        %broadcast_in_dim3A_248 = arith.constant 11 : i32
        %broadcast_in_dim3A_249 = vector.broadcast %broadcast_in_dim3A_248 : i32 to vector<16xi32>
        %add3A_250 = arith.constant 1 : i32
        %add3A_251 = arith.addi %add3A_157, %add3A_250 : i32
        %broadcast_in_dim3A_252 = vector.broadcast %add3A_251 : i32 to vector<16xi32>
        %gather3A_253 = tpu.vector_load_idx %arg6[%broadcast_in_dim3A_249, %broadcast_in_dim3A_252] : memref<12x80xi32, #tpu.memory_space<vmem>>[vector<16xi32>, vector<16xi32>], vector<16xi32>,
        %bitcast3A_254 = vector.bitcast %gather3A_253 : vector<16xi32> to vector<16xf32>
        %add3A_255 = arith.constant 1 : i32
        %add3A_256 = arith.addi %add3A_157, %add3A_255 : i32
        %get3A_257 = arith.index_cast %add3A_256 : i32 to index
        %get3A_258 = arith.constant 0 : index
        %get3A_259 = tpu.vector_load %arg10[%get3A_257, %get3A_258] {strides = array<i32>} : memref<80x128xf32, #tpu.memory_space<vmem>>, vector<16xf32>,
        %mul3A_260 = arith.mulf %get3A_259, %bitcast3A_254 : vector<16xf32>
        %add3A_261 = arith.constant 1 : i32
        %add3A_262 = arith.addi %add3A_157, %add3A_261 : i32
        %swap3A_263 = arith.index_cast %add3A_262 : i32 to index
        %swap3A_264 = arith.constant 0 : index
        %swap3A_265 = tpu.vector_load %arg10[%swap3A_263, %swap3A_264] {strides = array<i32>} : memref<80x128xf32, #tpu.memory_space<vmem>>, vector<16xf32>,
        tpu.vector_store %arg10[%swap3A_263, %swap3A_264], %mul3A_260 {strides = array<i32>} : memref<80x128xf32, #tpu.memory_space<vmem>>, vector<16xf32>,
        %add3A_266 = arith.constant 1 : i32
        %add3A_267 = arith.addi %add3A_157, %add3A_266 : i32
        %get3A_268 = arith.index_cast %add3A_267 : i32 to index
        %get3A_269 = arith.constant 16 : index
        %get3A_270 = tpu.vector_load %arg10[%get3A_268, %get3A_269] {strides = array<i32>} : memref<80x128xf32, #tpu.memory_space<vmem>>, vector<16xf32>,
        %mul3A_271 = arith.mulf %get3A_270, %bitcast3A_254 : vector<16xf32>
        %add3A_272 = arith.constant 1 : i32
        %add3A_273 = arith.addi %add3A_157, %add3A_272 : i32
        %swap3A_274 = arith.index_cast %add3A_273 : i32 to index
        %swap3A_275 = arith.constant 16 : index
        %swap3A_276 = tpu.vector_load %arg10[%swap3A_274, %swap3A_275] {strides = array<i32>} : memref<80x128xf32, #tpu.memory_space<vmem>>, vector<16xf32>,
        tpu.vector_store %arg10[%swap3A_274, %swap3A_275], %mul3A_271 {strides = array<i32>} : memref<80x128xf32, #tpu.memory_space<vmem>>, vector<16xf32>,
        %add3A_277 = arith.constant 1 : i32
        %add3A_278 = arith.addi %add3A_157, %add3A_277 : i32
        %get3A_279 = arith.index_cast %add3A_278 : i32 to index
        %get3A_280 = arith.constant 32 : index
        %get3A_281 = tpu.vector_load %arg10[%get3A_279, %get3A_280] {strides = array<i32>} : memref<80x128xf32, #tpu.memory_space<vmem>>, vector<16xf32>,
        %mul3A_282 = arith.mulf %get3A_281, %bitcast3A_254 : vector<16xf32>
        %add3A_283 = arith.constant 1 : i32
        %add3A_284 = arith.addi %add3A_157, %add3A_283 : i32
        %swap3A_285 = arith.index_cast %add3A_284 : i32 to index
        %swap3A_286 = arith.constant 32 : index
        %swap3A_287 = tpu.vector_load %arg10[%swap3A_285, %swap3A_286] {strides = array<i32>} : memref<80x128xf32, #tpu.memory_space<vmem>>, vector<16xf32>,
        tpu.vector_store %arg10[%swap3A_285, %swap3A_286], %mul3A_282 {strides = array<i32>} : memref<80x128xf32, #tpu.memory_space<vmem>>, vector<16xf32>,
        %add3A_288 = arith.constant 1 : i32
        %add3A_289 = arith.addi %add3A_157, %add3A_288 : i32
        %get3A_290 = arith.index_cast %add3A_289 : i32 to index
        %get3A_291 = arith.constant 48 : index
        %get3A_292 = tpu.vector_load %arg10[%get3A_290, %get3A_291] {strides = array<i32>} : memref<80x128xf32, #tpu.memory_space<vmem>>, vector<16xf32>,
        %mul3A_293 = arith.mulf %get3A_292, %bitcast3A_254 : vector<16xf32>
        %add3A_294 = arith.constant 1 : i32
        %add3A_295 = arith.addi %add3A_157, %add3A_294 : i32
        %swap3A_296 = arith.index_cast %add3A_295 : i32 to index
        %swap3A_297 = arith.constant 48 : index
        %swap3A_298 = tpu.vector_load %arg10[%swap3A_296, %swap3A_297] {strides = array<i32>} : memref<80x128xf32, #tpu.memory_space<vmem>>, vector<16xf32>,
        tpu.vector_store %arg10[%swap3A_296, %swap3A_297], %mul3A_293 {strides = array<i32>} : memref<80x128xf32, #tpu.memory_space<vmem>>, vector<16xf32>,
        %add3A_299 = arith.constant 1 : i32
        %add3A_300 = arith.addi %add3A_157, %add3A_299 : i32
        %get3A_301 = arith.index_cast %add3A_300 : i32 to index
        %get3A_302 = arith.constant 64 : index
        %get3A_303 = tpu.vector_load %arg10[%get3A_301, %get3A_302] {strides = array<i32>} : memref<80x128xf32, #tpu.memory_space<vmem>>, vector<16xf32>,
        %mul3A_304 = arith.mulf %get3A_303, %bitcast3A_254 : vector<16xf32>
        %add3A_305 = arith.constant 1 : i32
        %add3A_306 = arith.addi %add3A_157, %add3A_305 : i32
        %swap3A_307 = arith.index_cast %add3A_306 : i32 to index
        %swap3A_308 = arith.constant 64 : index
        %swap3A_309 = tpu.vector_load %arg10[%swap3A_307, %swap3A_308] {strides = array<i32>} : memref<80x128xf32, #tpu.memory_space<vmem>>, vector<16xf32>,
        tpu.vector_store %arg10[%swap3A_307, %swap3A_308], %mul3A_304 {strides = array<i32>} : memref<80x128xf32, #tpu.memory_space<vmem>>, vector<16xf32>,
        %add3A_310 = arith.constant 1 : i32
        %add3A_311 = arith.addi %add3A_157, %add3A_310 : i32
        %get3A_312 = arith.index_cast %add3A_311 : i32 to index
        %get3A_313 = arith.constant 80 : index
        %get3A_314 = tpu.vector_load %arg10[%get3A_312, %get3A_313] {strides = array<i32>} : memref<80x128xf32, #tpu.memory_space<vmem>>, vector<16xf32>,
        %mul3A_315 = arith.mulf %get3A_314, %bitcast3A_254 : vector<16xf32>
        %add3A_316 = arith.constant 1 : i32
        %add3A_317 = arith.addi %add3A_157, %add3A_316 : i32
        %swap3A_318 = arith.index_cast %add3A_317 : i32 to index
        %swap3A_319 = arith.constant 80 : index
        %swap3A_320 = tpu.vector_load %arg10[%swap3A_318, %swap3A_319] {strides = array<i32>} : memref<80x128xf32, #tpu.memory_space<vmem>>, vector<16xf32>,
        tpu.vector_store %arg10[%swap3A_318, %swap3A_319], %mul3A_315 {strides = array<i32>} : memref<80x128xf32, #tpu.memory_space<vmem>>, vector<16xf32>,
        %add3A_321 = arith.constant 1 : i32
        %add3A_322 = arith.addi %add3A_157, %add3A_321 : i32
        %get3A_323 = arith.index_cast %add3A_322 : i32 to index
        %get3A_324 = arith.constant 96 : index
        %get3A_325 = tpu.vector_load %arg10[%get3A_323, %get3A_324] {strides = array<i32>} : memref<80x128xf32, #tpu.memory_space<vmem>>, vector<16xf32>,
        %mul3A_326 = arith.mulf %get3A_325, %bitcast3A_254 : vector<16xf32>
        %add3A_327 = arith.constant 1 : i32
        %add3A_328 = arith.addi %add3A_157, %add3A_327 : i32
        %swap3A_329 = arith.index_cast %add3A_328 : i32 to index
        %swap3A_330 = arith.constant 96 : index
        %swap3A_331 = tpu.vector_load %arg10[%swap3A_329, %swap3A_330] {strides = array<i32>} : memref<80x128xf32, #tpu.memory_space<vmem>>, vector<16xf32>,
        tpu.vector_store %arg10[%swap3A_329, %swap3A_330], %mul3A_326 {strides = array<i32>} : memref<80x128xf32, #tpu.memory_space<vmem>>, vector<16xf32>,
        %add3A_332 = arith.constant 1 : i32
        %add3A_333 = arith.addi %add3A_157, %add3A_332 : i32
        %get3A_334 = arith.index_cast %add3A_333 : i32 to index
        %get3A_335 = arith.constant 112 : index
        %get3A_336 = tpu.vector_load %arg10[%get3A_334, %get3A_335] {strides = array<i32>} : memref<80x128xf32, #tpu.memory_space<vmem>>, vector<16xf32>,
        %mul3A_337 = arith.mulf %get3A_336, %bitcast3A_254 : vector<16xf32>
        %add3A_338 = arith.constant 1 : i32
        %add3A_339 = arith.addi %add3A_157, %add3A_338 : i32
        %swap3A_340 = arith.index_cast %add3A_339 : i32 to index
        %swap3A_341 = arith.constant 112 : index
        %swap3A_342 = tpu.vector_load %arg10[%swap3A_340, %swap3A_341] {strides = array<i32>} : memref<80x128xf32, #tpu.memory_space<vmem>>, vector<16xf32>,
        tpu.vector_store %arg10[%swap3A_340, %swap3A_341], %mul3A_337 {strides = array<i32>} : memref<80x128xf32, #tpu.memory_space<vmem>>, vector<16xf32>,
      }
      %scan3A_117 = arith.constant 40 : i32
      %dma_start3A_118 = arith.constant 7 : i32
      %dma_start3A_119 = arith.constant 0 : i32
      %dma_start3A_120 = tpu.memref_slice %arg6[%dma_start3A_118, %dma_start3A_119] : memref<12x80xi32, #tpu.memory_space<vmem>> -> memref<1x80xi32, #tpu.memory_space<vmem>>
      %dma_start3A_121 = tpu.memref_squeeze %dma_start3A_120 : memref<1x80xi32, #tpu.memory_space<vmem>> -> memref<80xi32, #tpu.memory_space<vmem>>
      %dma_start3A_122 = arith.constant 0 : i32
      %dma_start3A_123 = arith.constant 0 : i32
      %dma_start3A_124 = tpu.memref_slice %arg5[%dma_start3A_122, %dma_start3A_123] : memref<10240x128xf32, #tpu.memory_space<vmem_shared>> -> memref<10240x128xf32, #tpu.memory_space<vmem_shared>>
      tpu.enqueue_indirect_dma source(%arg10 : memref<80x128xf32, #tpu.memory_space<vmem>>) target(%dma_start3A_124 : memref<10240x128xf32, #tpu.memory_space<vmem_shared>>) offsets(%dma_start3A_121 : memref<80xi32, #tpu.memory_space<vmem>>) semaphore(%arg18 : memref<!tpu.dma_semaphore, #tpu.memory_space<semaphore_mem>>) {add = true}
      %dma_wait3A_125 = arith.constant 4 : i32
      %dma_wait3A_126 = arith.constant 0 : i32
      %dma_wait3A_127 = tpu.memref_slice %arg6[%dma_wait3A_125, %dma_wait3A_126] : memref<12x80xi32, #tpu.memory_space<vmem>> -> memref<1x80xi32, #tpu.memory_space<vmem>>
      %dma_wait3A_128 = tpu.memref_squeeze %dma_wait3A_127 : memref<1x80xi32, #tpu.memory_space<vmem>> -> memref<80xi32, #tpu.memory_space<vmem>>
      %dma_wait3A_129 = arith.constant 0 : i32
      %dma_wait3A_130 = arith.constant 0 : i32
      %dma_wait3A_131 = tpu.memref_slice %arg5[%dma_wait3A_129, %dma_wait3A_130] : memref<10240x128xf32, #tpu.memory_space<vmem_shared>> -> memref<10240x128xf32, #tpu.memory_space<vmem_shared>>
      tpu.wait_indirect_dma semaphore(%arg15 : memref<!tpu.dma_semaphore, #tpu.memory_space<semaphore_mem>>) src(%arg7 : memref<80x128xf32, #tpu.memory_space<vmem>>) dst(%dma_wait3A_131 : memref<10240x128xf32, #tpu.memory_space<vmem_shared>>)
      %dma_wait3A_132 = arith.constant 5 : i32
      %dma_wait3A_133 = arith.constant 0 : i32
      %dma_wait3A_134 = tpu.memref_slice %arg6[%dma_wait3A_132, %dma_wait3A_133] : memref<12x80xi32, #tpu.memory_space<vmem>> -> memref<1x80xi32, #tpu.memory_space<vmem>>
      %dma_wait3A_135 = tpu.memref_squeeze %dma_wait3A_134 : memref<1x80xi32, #tpu.memory_space<vmem>> -> memref<80xi32, #tpu.memory_space<vmem>>
      %dma_wait3A_136 = arith.constant 0 : i32
      %dma_wait3A_137 = arith.constant 0 : i32
      %dma_wait3A_138 = tpu.memref_slice %arg5[%dma_wait3A_136, %dma_wait3A_137] : memref<10240x128xf32, #tpu.memory_space<vmem_shared>> -> memref<10240x128xf32, #tpu.memory_space<vmem_shared>>
      tpu.wait_indirect_dma semaphore(%arg16 : memref<!tpu.dma_semaphore, #tpu.memory_space<semaphore_mem>>) src(%arg8 : memref<80x128xf32, #tpu.memory_space<vmem>>) dst(%dma_wait3A_138 : memref<10240x128xf32, #tpu.memory_space<vmem_shared>>)
      %dma_wait3A_139 = arith.constant 6 : i32
      %dma_wait3A_140 = arith.constant 0 : i32
      %dma_wait3A_141 = tpu.memref_slice %arg6[%dma_wait3A_139, %dma_wait3A_140] : memref<12x80xi32, #tpu.memory_space<vmem>> -> memref<1x80xi32, #tpu.memory_space<vmem>>
      %dma_wait3A_142 = tpu.memref_squeeze %dma_wait3A_141 : memref<1x80xi32, #tpu.memory_space<vmem>> -> memref<80xi32, #tpu.memory_space<vmem>>
      %dma_wait3A_143 = arith.constant 0 : i32
      %dma_wait3A_144 = arith.constant 0 : i32
      %dma_wait3A_145 = tpu.memref_slice %arg5[%dma_wait3A_143, %dma_wait3A_144] : memref<10240x128xf32, #tpu.memory_space<vmem_shared>> -> memref<10240x128xf32, #tpu.memory_space<vmem_shared>>
      tpu.wait_indirect_dma semaphore(%arg17 : memref<!tpu.dma_semaphore, #tpu.memory_space<semaphore_mem>>) src(%arg9 : memref<80x128xf32, #tpu.memory_space<vmem>>) dst(%dma_wait3A_145 : memref<10240x128xf32, #tpu.memory_space<vmem_shared>>)
      %dma_wait3A_146 = arith.constant 7 : i32
      %dma_wait3A_147 = arith.constant 0 : i32
      %dma_wait3A_148 = tpu.memref_slice %arg6[%dma_wait3A_146, %dma_wait3A_147] : memref<12x80xi32, #tpu.memory_space<vmem>> -> memref<1x80xi32, #tpu.memory_space<vmem>>
      %dma_wait3A_149 = tpu.memref_squeeze %dma_wait3A_148 : memref<1x80xi32, #tpu.memory_space<vmem>> -> memref<80xi32, #tpu.memory_space<vmem>>
      %dma_wait3A_150 = arith.constant 0 : i32
      %dma_wait3A_151 = arith.constant 0 : i32
      %dma_wait3A_152 = tpu.memref_slice %arg5[%dma_wait3A_150, %dma_wait3A_151] : memref<10240x128xf32, #tpu.memory_space<vmem_shared>> -> memref<10240x128xf32, #tpu.memory_space<vmem_shared>>
      tpu.wait_indirect_dma semaphore(%arg18 : memref<!tpu.dma_semaphore, #tpu.memory_space<semaphore_mem>>) src(%arg10 : memref<80x128xf32, #tpu.memory_space<vmem>>) dst(%dma_wait3A_152 : memref<10240x128xf32, #tpu.memory_space<vmem_shared>>)
    }
    %scan3A_14 = arith.constant 32 : i32
    %barrier3A_15 = arith.constant 0 : index
    tpu.barrier barrier_id(%barrier3A_15)
    %mul3A_16 = arith.constant 640 : i32
    %mul3A_17 = arith.muli %arg1, %mul3A_16 : i32
    "tpu.region"() ({
      %run_scoped3A = tpu.sem_alloc : memref<!tpu.dma_semaphore, #tpu.memory_space<semaphore_mem>>
      %dma_start3A = arith.constant 0 : i32
      %dma_start3A_18 = tpu.memref_slice %arg4[%arg0, %mul3A_17, %dma_start3A] : memref<2x10240x128xf32, #tpu.memory_space<hbm>> -> memref<1x640x128xf32, #tpu.memory_space<hbm>>
      %dma_start3A_19 = tpu.memref_squeeze %dma_start3A_18 : memref<1x640x128xf32, #tpu.memory_space<hbm>> -> memref<640x128xf32, #tpu.memory_space<hbm>>
      %dma_start3A_20 = arith.constant 0 : i32
      %dma_start3A_21 = tpu.memref_slice %arg5[%mul3A_17, %dma_start3A_20] : memref<10240x128xf32, #tpu.memory_space<vmem_shared>> -> memref<640x128xf32, #tpu.memory_space<vmem_shared>>
      tpu.enqueue_dma source(%dma_start3A_21 : memref<640x128xf32, #tpu.memory_space<vmem_shared>>) target(%dma_start3A_19 : memref<640x128xf32, #tpu.memory_space<hbm>>) target_semaphore(%run_scoped3A : memref<!tpu.dma_semaphore, #tpu.memory_space<semaphore_mem>>)
      %dma_wait3A = arith.constant 0 : i32
      %dma_wait3A_22 = tpu.memref_slice %arg4[%arg0, %mul3A_17, %dma_wait3A] : memref<2x10240x128xf32, #tpu.memory_space<hbm>> -> memref<1x640x128xf32, #tpu.memory_space<hbm>>
      %dma_wait3A_23 = tpu.memref_squeeze %dma_wait3A_22 : memref<1x640x128xf32, #tpu.memory_space<hbm>> -> memref<640x128xf32, #tpu.memory_space<hbm>>
      %dma_wait3A_24 = arith.constant 0 : i32
      %dma_wait3A_25 = tpu.memref_slice %arg5[%mul3A_17, %dma_wait3A_24] : memref<10240x128xf32, #tpu.memory_space<vmem_shared>> -> memref<640x128xf32, #tpu.memory_space<vmem_shared>>
      tpu.wait_dma2 semaphore(%run_scoped3A : memref<!tpu.dma_semaphore, #tpu.memory_space<semaphore_mem>>) src(%dma_wait3A_25 : memref<640x128xf32, #tpu.memory_space<vmem_shared>>) dst(%dma_wait3A_23 : memref<640x128xf32, #tpu.memory_space<hbm>>)
      tpu.yield
    }) : () -> ()
    return
  }
}

module attributes {stable_mosaic.version = 14 : i64} {
  func.func @_ew_body(%arg0: i32, %arg1: memref<8000x4xf32, #tpu.memory_space<vmem>>, %arg2: memref<1x1x8000xf32, #tpu.memory_space<vmem>>) attributes {dimension_semantics = [#tpu.dimension_semantics<arbitrary>], iteration_bounds = array<i64: 40>, scalar_prefetch = 0 : i64, scratch_operands = 0 : i64, tpu.core_type = #tpu.core_type<tc>, window_params = [{transform_indices = @transform_0, window_bounds = array<i64: 8000, 4>}, {transform_indices = @transform_1, window_bounds = array<i64: 1, 1, 8000>}]} {
    %get3A = arith.constant 0 : index
    %get3A_0 = arith.constant 0 : index
    %get3A_1 = vector.load %arg1[%get3A, %get3A_0] : memref<8000x4xf32, #tpu.memory_space<vmem>>, vector<8000x4xf32>
    %reduce_sum3A = arith.constant dense<0.000000e+00> : vector<8000xf32>
    %reduce_sum3A_2 = vector.multi_reduction <add>, %get3A_1, %reduce_sum3A [1] : vector<8000x4xf32> to vector<8000xf32>
    %mul3A = arith.constant 2.500000e-01 : f32
    %mul3A_3 = vector.broadcast %mul3A : f32 to vector<8000xf32>
    %mul3A_4 = arith.mulf %reduce_sum3A_2, %mul3A_3 : vector<8000xf32>
    %broadcast_in_dim3A = vector.shape_cast %mul3A_4 : vector<8000xf32> to vector<1x1x8000xf32>
    %swap3A = arith.constant 0 : index
    %swap3A_5 = arith.constant 0 : index
    %swap3A_6 = arith.constant 0 : index
    %swap3A_7 = vector.load %arg2[%swap3A, %swap3A_5, %swap3A_6] : memref<1x1x8000xf32, #tpu.memory_space<vmem>>, vector<1x1x8000xf32>
    tpu.vector_store %arg2[%swap3A, %swap3A_5, %swap3A_6], %broadcast_in_dim3A {strides = array<i32>} : memref<1x1x8000xf32, #tpu.memory_space<vmem>>, vector<1x1x8000xf32>,
    return
  }
  func.func @transform_0(%arg0: i32) -> (i32, i32) {
    %c0_i32 = arith.constant 0 : i32
    %c0_i32_0 = arith.constant 0 : i32
    return %arg0, %c0_i32 : i32, i32
  }
  func.func @transform_1(%arg0: i32) -> (i32, i32, i32) {
    %c0_i32 = arith.constant 0 : i32
    %c0_i32_0 = arith.constant 0 : i32
    %c0_i32_1 = arith.constant 0 : i32
    return %arg0, %c0_i32, %c0_i32_0 : i32, i32, i32
  }
}

module attributes {stable_mosaic.version = 14 : i64} {
  func.func @_dis_body(%arg0: memref<2x10240xf32, #tpu.memory_space<vmem>>, %arg1: memref<10240x1xf32, #tpu.memory_space<vmem>>) attributes {dimension_semantics = [], scalar_prefetch = 0 : i64, scratch_operands = 0 : i64, tpu.core_type = #tpu.core_type<tc>} {
    %get3A = arith.constant 0 : index
    %get3A_0 = arith.constant 0 : index
    %get3A_1 = vector.load %arg0[%get3A, %get3A_0] : memref<2x10240xf32, #tpu.memory_space<vmem>>, vector<1x10240xf32>
    %get3A_2 = vector.shape_cast %get3A_1 : vector<1x10240xf32> to vector<10240xf32>
    %get3A_3 = arith.constant 1 : index
    %get3A_4 = arith.constant 0 : index
    %get3A_5 = vector.load %arg0[%get3A_3, %get3A_4] : memref<2x10240xf32, #tpu.memory_space<vmem>>, vector<1x10240xf32>
    %get3A_6 = vector.shape_cast %get3A_5 : vector<1x10240xf32> to vector<10240xf32>
    %add3A = arith.addf %get3A_2, %get3A_6 : vector<10240xf32>
    %add3A_7 = arith.constant 1.000000e+00 : f32
    %add3A_8 = vector.broadcast %add3A_7 : f32 to vector<10240xf32>
    %add3A_9 = arith.addf %add3A, %add3A_8 : vector<10240xf32>
    %gt3A = arith.constant 0.000000e+00 : f32
    %gt3A_10 = vector.broadcast %gt3A : f32 to vector<10240xf32>
    %gt3A_11 = arith.cmpf ogt, %add3A_9, %gt3A_10 : vector<10240xf32>
    %rsqrt3A = math.rsqrt %add3A_9 : vector<10240xf32>
    %jit3A = arith.constant 0.000000e+00 : f32
    %broadcast_in_dim3A = vector.broadcast %jit3A : f32 to vector<10240xf32>
    %select_n3A = arith.select %gt3A_11, %rsqrt3A, %broadcast_in_dim3A : vector<10240xi1>, vector<10240xf32>
    %broadcast_in_dim3A_12 = vector.shape_cast %select_n3A : vector<10240xf32> to vector<10240x1xf32>
    %swap3A = arith.constant 0 : index
    %swap3A_13 = arith.constant 0 : index
    %swap3A_14 = vector.load %arg1[%swap3A, %swap3A_13] : memref<10240x1xf32, #tpu.memory_space<vmem>>, vector<10240x1xf32>
    tpu.vector_store %arg1[%swap3A, %swap3A_13], %broadcast_in_dim3A_12 {strides = array<i32>} : memref<10240x1xf32, #tpu.memory_space<vmem>>, vector<10240x1xf32>,
    return
  }
}

module attributes {stable_mosaic.version = 14 : i64} {
  func.func @_combine_body(%arg0: memref<2x10240x128xf32, #tpu.memory_space<vmem>>, %arg1: memref<10240x128xf32, #tpu.memory_space<vmem>>, %arg2: memref<10240x1xf32, #tpu.memory_space<vmem>>, %arg3: memref<10240x128xf32, #tpu.memory_space<vmem>>) attributes {dimension_semantics = [], scalar_prefetch = 0 : i64, scratch_operands = 0 : i64, tpu.core_type = #tpu.core_type<tc>} {
    %get3A = arith.constant 0 : index
    %get3A_0 = arith.constant 0 : index
    %get3A_1 = vector.load %arg2[%get3A, %get3A_0] : memref<10240x1xf32, #tpu.memory_space<vmem>>, vector<10240x1xf32>
    %get3A_2 = arith.constant 0 : index
    %get3A_3 = arith.constant 0 : index
    %get3A_4 = arith.constant 0 : index
    %get3A_5 = vector.load %arg0[%get3A_2, %get3A_3, %get3A_4] : memref<2x10240x128xf32, #tpu.memory_space<vmem>>, vector<1x10240x128xf32>
    %get3A_6 = vector.shape_cast %get3A_5 : vector<1x10240x128xf32> to vector<10240x128xf32>
    %get3A_7 = arith.constant 1 : index
    %get3A_8 = arith.constant 0 : index
    %get3A_9 = arith.constant 0 : index
    %get3A_10 = vector.load %arg0[%get3A_7, %get3A_8, %get3A_9] : memref<2x10240x128xf32, #tpu.memory_space<vmem>>, vector<1x10240x128xf32>
    %get3A_11 = vector.shape_cast %get3A_10 : vector<1x10240x128xf32> to vector<10240x128xf32>
    %add3A = arith.addf %get3A_6, %get3A_11 : vector<10240x128xf32>
    %mul3A = arith.mulf %get3A_1, %get3A_1 : vector<10240x1xf32>
    %get3A_12 = arith.constant 0 : index
    %get3A_13 = arith.constant 0 : index
    %get3A_14 = vector.load %arg1[%get3A_12, %get3A_13] : memref<10240x128xf32, #tpu.memory_space<vmem>>, vector<10240x128xf32>
    %mul3A_15 = vector.broadcast %mul3A : vector<10240x1xf32> to vector<10240x128xf32>
    %mul3A_16 = arith.mulf %mul3A_15, %get3A_14 : vector<10240x128xf32>
    %add3A_17 = arith.addf %add3A, %mul3A_16 : vector<10240x128xf32>
    %swap3A = arith.constant 0 : index
    %swap3A_18 = arith.constant 0 : index
    %swap3A_19 = vector.load %arg3[%swap3A, %swap3A_18] : memref<10240x128xf32, #tpu.memory_space<vmem>>, vector<10240x128xf32>
    tpu.vector_store %arg3[%swap3A, %swap3A_18], %add3A_17 {strides = array<i32>} : memref<10240x128xf32, #tpu.memory_space<vmem>>, vector<10240x128xf32>,
    return
  }
}

module attributes {stable_mosaic.version = 14 : i64} {
  func.func @_final_body(%arg0: memref<2x10240x128xf32, #tpu.memory_space<vmem>>, %arg1: memref<10240x128xf32, #tpu.memory_space<vmem>>, %arg2: memref<10240x1xf32, #tpu.memory_space<vmem>>, %arg3: memref<128x128xf32, #tpu.memory_space<vmem>>, %arg4: memref<1x128xf32, #tpu.memory_space<vmem>>, %arg5: memref<10000x128xf32, #tpu.memory_space<vmem>>) attributes {dimension_semantics = [], scalar_prefetch = 0 : i64, scratch_operands = 0 : i64, tpu.core_type = #tpu.core_type<tc>} {
    %get3A = arith.constant 0 : index
    %get3A_0 = arith.constant 0 : index
    %get3A_1 = vector.load %arg2[%get3A, %get3A_0] : memref<10240x1xf32, #tpu.memory_space<vmem>>, vector<10240x1xf32>
    %get3A_2 = arith.constant 0 : index
    %get3A_3 = arith.constant 0 : index
    %get3A_4 = arith.constant 0 : index
    %get3A_5 = vector.load %arg0[%get3A_2, %get3A_3, %get3A_4] : memref<2x10240x128xf32, #tpu.memory_space<vmem>>, vector<1x10240x128xf32>
    %get3A_6 = vector.shape_cast %get3A_5 : vector<1x10240x128xf32> to vector<10240x128xf32>
    %get3A_7 = arith.constant 1 : index
    %get3A_8 = arith.constant 0 : index
    %get3A_9 = arith.constant 0 : index
    %get3A_10 = vector.load %arg0[%get3A_7, %get3A_8, %get3A_9] : memref<2x10240x128xf32, #tpu.memory_space<vmem>>, vector<1x10240x128xf32>
    %get3A_11 = vector.shape_cast %get3A_10 : vector<1x10240x128xf32> to vector<10240x128xf32>
    %add3A = arith.addf %get3A_6, %get3A_11 : vector<10240x128xf32>
    %mul3A = arith.mulf %get3A_1, %get3A_1 : vector<10240x1xf32>
    %get3A_12 = arith.constant 0 : index
    %get3A_13 = arith.constant 0 : index
    %get3A_14 = vector.load %arg1[%get3A_12, %get3A_13] : memref<10240x128xf32, #tpu.memory_space<vmem>>, vector<10240x128xf32>
    %mul3A_15 = vector.broadcast %mul3A : vector<10240x1xf32> to vector<10240x128xf32>
    %mul3A_16 = arith.mulf %mul3A_15, %get3A_14 : vector<10240x128xf32>
    %add3A_17 = arith.addf %add3A, %mul3A_16 : vector<10240x128xf32>
    %get3A_18 = arith.constant 0 : index
    %get3A_19 = arith.constant 0 : index
    %get3A_20 = vector.load %arg3[%get3A_18, %get3A_19] : memref<128x128xf32, #tpu.memory_space<vmem>>, vector<128x128xf32>
    %dot_general3A = arith.constant dense<0.000000e+00> : vector<10240x128xf32>
    %dot_general3A_21 = tpu.matmul %add3A_17, %get3A_20, %dot_general3A {dimension_numbers = #tpu.dot_dimension_numbers<[1], [1], [0], [0], [0, 0, 1, 0], [], []>, precision = #tpu.contract_precision<fp32>, transpose_lhs_hint = false} : vector<10240x128xf32>, vector<128x128xf32>, vector<10240x128xf32> -> vector<10240x128xf32>
    %get3A_22 = arith.constant 0 : index
    %get3A_23 = arith.constant 0 : index
    %get3A_24 = vector.load %arg4[%get3A_22, %get3A_23] : memref<1x128xf32, #tpu.memory_space<vmem>>, vector<1x128xf32>
    %add3A_25 = vector.broadcast %get3A_24 : vector<1x128xf32> to vector<10240x128xf32>
    %add3A_26 = arith.addf %dot_general3A_21, %add3A_25 : vector<10240x128xf32>
    %max3A = arith.constant 0.000000e+00 : f32
    %max3A_27 = vector.broadcast %max3A : f32 to vector<10240x128xf32>
    %max3A_28 = arith.maximumf %add3A_26, %max3A_27 : vector<10240x128xf32>
    %reduce_max3A = arith.constant dense<0xFF800000> : vector<10240xf32>
    %reduce_max3A_29 = vector.multi_reduction <maximumf>, %max3A_28, %reduce_max3A [1] : vector<10240x128xf32> to vector<10240xf32>
    %broadcast_in_dim3A = vector.shape_cast %reduce_max3A_29 : vector<10240xf32> to vector<10240x1xf32>
    %sub3A = vector.broadcast %broadcast_in_dim3A : vector<10240x1xf32> to vector<10240x128xf32>
    %sub3A_30 = arith.subf %max3A_28, %sub3A : vector<10240x128xf32>
    %exp3A = math.exp %sub3A_30 : vector<10240x128xf32>
    %reduce_sum3A = arith.constant dense<0.000000e+00> : vector<10240xf32>
    %reduce_sum3A_31 = vector.multi_reduction <add>, %exp3A, %reduce_sum3A [1] : vector<10240x128xf32> to vector<10240xf32>
    %broadcast_in_dim3A_32 = vector.shape_cast %reduce_sum3A_31 : vector<10240xf32> to vector<10240x1xf32>
    %log3A = math.log %broadcast_in_dim3A_32 : vector<10240x1xf32>
    %sub3A_33 = vector.broadcast %log3A : vector<10240x1xf32> to vector<10240x128xf32>
    %sub3A_34 = arith.subf %sub3A_30, %sub3A_33 : vector<10240x128xf32>
    %slice3A = vector.extract_strided_slice %sub3A_34 {offsets = [0, 0], sizes = [10000, 128], strides = [1, 1]} : vector<10240x128xf32> to vector<10000x128xf32>
    %swap3A = arith.constant 0 : index
    %swap3A_35 = arith.constant 0 : index
    %swap3A_36 = vector.load %arg5[%swap3A, %swap3A_35] : memref<10000x128xf32, #tpu.memory_space<vmem>>, vector<10000x128xf32>
    tpu.vector_store %arg5[%swap3A, %swap3A_35], %slice3A {strides = array<i32>} : memref<10000x128xf32, #tpu.memory_space<vmem>>, vector<10000x128xf32>,
    return
  }
}

</mosaic_0001>

<sc_bundles>
// kernel: kernel.10.cloned.1.call-start
scs
__scs_entry_jumppad:
0x0: {  	(pc) =	sbr.rel $0x88, $3  }
0x1: {  	(tag) =	ssettag $0x0;
	lr =	simm.s32 $0x1  }
0x2: {  	[smem:$0x3F9C] =	sst lr;
	_ =	strace $0xD0000000  }
0x3: {  	_ = 	snop  }
0x4: {  	_ = 	snop  }
0x5: {  	_ = 	snop  }
0x6: {  	_ = 	snop  }
0x7: {  	_ = 	snop  }
__scs_overlays_trampoline_lowered:
0x8: {  	[smem:$0x3FAB] =	sst s0  }
0x9: {  	[smem:$0x3FAC] =	sst s1  }
0xa: {  	[smem:$0x3FAD] =	sst s2  }
0xb: {  	[smem:$0x3FAE] =	sst s3  }
0xc: {  	[smem:$0x3FAF] =	sst s4  }
0xd: {  	[smem:$0x3FB0] =	sst s5  }
0xe: {  	[smem:$0x3FB1] =	sst s6  }
0xf: {  	[smem:$0x3FB2] =	sst s7  }
0x10: {  	[smem:$0x3FB3] =	sst s8  }
0x11: {  	[smem:$0x3FB4] =	sst s9;
	s0 =	simm.s32 @!p0 $0x0  }
0x12: {  	s1 =	sld [smem:$0x3F9A];
	s0 =	simm.s32 @p0 $0x1  }
0x13: {  	[smem:$0x3FB5] =	sst s0;
	s0 =	simm.s32 @!p1 $0x0  }
0x14: {  	s2 =	sld [smem:$0x3F99];
	s0 =	simm.s32 @p1 $0x1  }
0x15: {  	[smem:$0x3FB6] =	sst s0;
	s0 =	simm.s32 @!p2 $0x0  }
0x16: {  	s3 =	sld [smem:$0x3FDB];
	s0 =	simm.s32 @p2 $0x1  }
0x17: {  	s4 =	simm.s32 $0x1BF5;
	[smem:$0x3FB8] =	sst s0  }
0x18: {  	s0 =	sld [smem:$0x3F9B];
	_ =	swait.ge [sflag:s4], $0x0  }
0x19: {  	s7 =	sld [smem:$0x3F9C]  }
0x1a: {  	s8 =	sadd.s32 $0xFFFFE003, lr  }
0x1b: {  	s9 =	sadd.s32 $0xFFFFFEF7, lr;
	s5 =	simm.s32 $0xFFFFFFFF;
	p2 =	slt.u32 s8, $0xFFFFF086  }
0x1c: {  	p1 =	slt.u32 s9, $0xF7A;
	s5 =	simm.s32 @!p2 $0x0  }
0x1d: {  	s5 =	simm.s32 @p1 $0x1;
	p0 =	seq.s32 s7, s2  }
0x1e: {  	s7 =	smul.u32 @!p0 $0xF7A, s2;
	p2 =	seq.s32 @!p0 s5, $0x0  }
0x1f: {  	s9 =	smul.u32 $0xF7A, s1;
	s8 =	simm.s32 @!p0 $0x1BF5;
	p2 =	por !p2, p0  }
0x20: {  	[sflag:s8] =	ssyncset.s32 @!p0 $0xFFFFF086;
	s6 =	sadd.s32 @!p0 s3, s7;
	s7 =	simm.s32 @!p0 $0x108  }
0x21: {  	s3 =	sadd.s32 s3, s9;
	s6 =	sadd.s32 @!p0 $0x88, s6;
	s7 =	simm.s32 @p2 $0x1082  }
0x22: {  	[simem:s7], [sflag:s8] =	dma.local @!p0 [hbm:s6], $0xF7A  }
0x23: {  	s9 =	sor.u32 $0xD0000000, s2;
	s6 =	simm.s32 $0x108;
	_ =	swait.ge @!p0 [sflag:s8], $0x0  }
0x24: {  	s3 =	sadd.s32 $0x88, s3;
	s6 =	simm.s32 @!p1 $0x1082;
	[sflag:s4] =	ssyncset.s32 $0xFFFFF086  }
0x25: {  	[simem:s6], [sflag:s4] =	dma.local [hbm:s3], $0xF7A  }
0x26: {  	[smem:$0x3F9C] =	sst s1;
	(tag) =	ssettag s2;
	_ =	strace s9  }
0x27: {  	s1 =	sld [smem:$0x3FAC]  }
0x28: {  	s2 =	sld [smem:$0x3FAD]  }
0x29: {  	s4 =	sld [smem:$0x3FAF]  }
0x2a: {  	p0 =	seq.s32 s5, $0x0;
	s5 =	sld [smem:$0x3FB0]  }
0x2b: {  	s6 =	sld [smem:$0x3FB1]  }
0x2c: {  	s7 =	sld [smem:$0x3FB2]  }
0x2d: {  	s3 =	simm.s32 $0x108;
	s8 =	sld [smem:$0x3FB3]  }
0x2e: {  	s3 =	simm.s32 @!p0 $0x1082;
	s9 =	sld [smem:$0x3FB4]  }
0x2f: {  	lr =	sadd.s32 s0, s3;
	s0 =	sld [smem:$0x3FAB]  }
0x30: {  	s3 =	sld [smem:$0x3FAE]  }
0x31: {  	[smem:$0x3FB7] =	sst s10  }
0x32: {  	s10 =	sld [smem:$0x3FB5];
	_ =	sdelay $0x3  }
0x33: {  	p0 =	seq.s32 s10, $0x1;
	s10 =	sld [smem:$0x3FB7];
	_ =	sdelay $0x3  }
0x34: {  	[smem:$0x3FB7] =	sst s10  }
0x35: {  	s10 =	sld [smem:$0x3FB6];
	_ =	sdelay $0x3  }
0x36: {  	p1 =	seq.s32 s10, $0x1;
	s10 =	sld [smem:$0x3FB7];
	_ =	sdelay $0x3  }
0x37: {  	[smem:$0x3FB7] =	sst s10  }
0x38: {  	s10 =	sld [smem:$0x3FB8]  }
0x39: {  	_ = 	snop;
	(pc) =	sbr.ind lr, $3  }
0x3a: {  	_ = 	snop  }
0x3b: {  	_ = 	snop  }
0x3c: {  	p2 =	seq.s32 s10, $0x1;
	s10 =	sld [smem:$0x3FB7]  }
0x3d: {  	_ =	shalt  }
0x3e: {  	_ =	shalt  }
0x3f: {  	_ =	shalt  }
0x40: {  	_ =	shalt  }
0x41: {  	_ =	shalt  }
0x42: {  	_ =	shalt  }
0x43: {  	_ =	shalt  }
0x44: {  	_ =	shalt  }
0x45: {  	_ =	shalt  }
0x46: {  	_ =	shalt  }
0x47: {  	_ =	shalt  }
0x48: {  	_ =	shalt  }
0x49: {  	_ =	shalt  }
0x4a: {  	_ =	shalt  }
0x4b: {  	_ =	shalt  }
0x4c: {  	_ =	shalt  }
0x4d: {  	_ =	shalt  }
0x4e: {  	_ =	shalt  }
0x4f: {  	_ =	shalt  }
0x50: {  	_ =	shalt  }
0x51: {  	_ =	shalt  }
0x52: {  	_ =	shalt  }
0x53: {  	_ =	shalt  }
0x54: {  	_ =	shalt  }
0x55: {  	_ =	shalt  }
0x56: {  	_ =	shalt  }
0x57: {  	_ =	shalt  }
0x58: {  	_ =	shalt  }
0x59: {  	_ =	shalt  }
0x5a: {  	_ =	shalt  }
0x5b: {  	_ =	shalt  }
0x5c: {  	_ =	shalt  }
0x5d: {  	_ =	shalt  }
0x5e: {  	_ =	shalt  }
0x5f: {  	_ =	shalt  }
0x60: {  	_ =	shalt  }
0x61: {  	_ =	shalt  }
0x62: {  	_ =	shalt  }
0x63: {  	_ =	shalt  }
0x64: {  	_ =	shalt  }
0x65: {  	_ =	shalt  }
0x66: {  	_ =	shalt  }
0x67: {  	_ =	shalt  }
0x68: {  	_ =	shalt  }
0x69: {  	_ =	shalt  }
0x6a: {  	_ =	shalt  }
0x6b: {  	_ =	shalt  }
0x6c: {  	_ =	shalt  }
0x6d: {  	_ =	shalt  }
0x6e: {  	_ =	shalt  }
0x6f: {  	_ =	shalt  }
0x70: {  	_ =	shalt  }
0x71: {  	_ =	shalt  }
0x72: {  	_ =	shalt  }
0x73: {  	_ =	shalt  }
0x74: {  	_ =	shalt  }
0x75: {  	_ =	shalt  }
0x76: {  	_ =	shalt  }
0x77: {  	_ =	shalt  }
0x78: {  	_ =	shalt  }
0x79: {  	_ =	shalt  }
0x7a: {  	_ =	shalt  }
0x7b: {  	_ =	shalt  }
0x7c: {  	_ =	shalt  }
0x7d: {  	_ =	shalt  }
0x7e: {  	_ =	shalt  }
0x7f: {  	_ =	shalt  }
0x80: {  	_ =	shalt  }
0x81: {  	_ =	shalt  }
0x82: {  	_ =	shalt  }
0x83: {  	_ =	shalt  }
0x84: {  	_ =	shalt  }
0x85: {  	_ =	shalt  }
0x86: {  	_ =	shalt  }
0x87: {  	_ =	shalt  }
.Lfunc_end0:
.L_simem_size_0:
called_computation_lowered:
.L_overlay_start_0:
0x88: {  	s2 =	sld [smem:$0x3FD9]  }
0x89: {  	s3 =	sld [smem:$0x3FFE];
	_ =	sdelay $0x1  }
0x8a: {  	s1 =	srdreg.scid  }
0x8b: {  	s0 =	sand.u32 $0x1, s1  }
0x8c: {  	s16 =	sshll.u32 s0, $0xA;
	s2 =	sadd.s32 s3, s2  }
0x8d: {  	s2 =	sadd.s32 s2, s16  }
0x8e: {  	[smem:$0x3FC3] =	sst s2  }
0x8f: {  	_ = 	snop  }
0x90: {  	(tm) =	ssettm $0x1  }
0x91: {  	s17 =	sld [smem:$0x3FFB];
	_ =	sdelay $0x3  }
0x92: {  	_ =	strace s17  }
0x93: {  	s2 =	sld [smem:$0x3FFC];
	_ =	sdelay $0x3  }
0x94: {  	_ =	strace s2  }
0x95: {  	s2 =	sld [smem:$0x3FFD];
	_ =	sdelay $0x3  }
0x96: {  	_ =	strace s2  }
0x97: {  	_ =	strace $0x8FFFFFFF  }
0x98: {  	s18 =	sld [smem:$0x3FDB];
	_ =	sdelay $0x1  }
0x99: {  	s19 =	simm.s32 $_scs_section_size  }
0x9a: {  	s4 =	simm.s32 $_size__tile_overlayer_lowered;
	s5 =	simm.s32 $_tile_overlayer_lowered  }
0x9b: {  	s22 =	simm.s32 $0x1BFF;
	s21 =	sshll.u32 s5, $0x1;
	s2 =	sadd.s32 s19, s18  }
0x9c: {  	s6 =	simm.s32 $0x0;
	s20 =	sshll.u32 s4, $0x1;
	s4 =	sadd.s32 s21, s2  }
0x9d: {  	[timem:s6], [sflag:s22] =	dma.local [hbm:s4], s20  }
0x9e: {  	_ =	swait.ge [sflag:s22], s20  }
0x9f: {  	s3 =	ssub.s32 $0x0, s20;
	[sflag:s22] =	ssyncset.done $0x0  }
0xa0: {  	[sflag:s22] =	ssyncadd.s32 s3;
	_ =	sdelay $0x1  }
0xa1: {  	s23 =	simm.s32 $0x1B8B  }
0xa2: {  	_ =	swait.ge [sflag:s23], $0x1  }
0xa3: {  	[sflag:s23] =	ssyncset.done $0x0  }
0xa4: {  	s25 =	simm.s32 $0x1B8E;
	s24 =	sld [smem:$0x3FFE];
	[sflag:s23] =	ssyncadd.s32 $0xFFFFFFFF  }
0xa5: {  	s26 =	simm.s32 $execute0_lowered;
	[smem:$0x3FD2] =	sst s25  }
0xa6: {  	s4 =	sshll.u32 s26, $0x1;
	_ =	strace $0x80000046;
	[dreg:$0x1] =	wrdreg $0xFFFFFFFF  }
0xa7: {  	s28 =	simm.s32 $_size_execute0_lowered;
	s2 =	sadd.s32 s2, s4;
	[dreg:$0x0] =	wrdreg $0x0  }
0xa8: {  	s4 =	sshll.u32 s28, $0x1;
	[dreg:$0x2] =	wrdreg s2  }
0xa9: {  	[dreg:$0x3] =	wrdreg s4  }
0xaa: {  	[dreg:$0x4] =	wrdreg $0xC0  }
0xab: {  	_ =	task [dreg:s6], $0x5FFFF  }
0xac: {  	[dreg:$0x1] =	wrdreg $0xFFFFFFFF  }
0xad: {  	[dreg:$0x0] =	wrdreg $0x60  }
0xae: {  	[dreg:$0x2] =	wrdreg s24  }
0xaf: {  	[dreg:$0x3] =	wrdreg $0x0  }
0xb0: {  	[dreg:$0x4] =	wrdreg $0x9  }
0xb1: {  	_ =	task.clear_ibuf [dreg:s6], $0x5FFFF;
	_ =	strace $0x90000046  }
0xb2: {  	s29 =	simm.s32 $0x9;
	_ =	strace $0x80000048  }
0xb3: {  	_ =	swait.ge [sflag:s29], $0x1  }
0xb4: {  	[sflag:s29] =	ssyncadd.s32 $0xFFFFFFFF  }
0xb5: {  	_ =	strace $0x90000048  }
0xb6: {  	_ =	sfence  }
0xb7: {  	s30 =	sld [smem:$0x0];
	_ =	sdelay $0x2  }
0xb8: {  	s31 =	sshll.u32 s1, $0xD;
	s1 =	sshrl.u32 s1, $0x2  }
0xb9: {  	s3 =	sand.u32 $0x4000, s31;
	s1 =	sadd.s32 s1, s30  }
0xba: {  	s0 =	sor.u32 s3, s0;
	s1 =	sshll.u32 s1, $0x11  }
0xbb: {  	s0 =	sor.u32 s1, s0  }
0xbc: {  	s0 =	sadd.s32 $0x8F2B, s0  }
0xbd: {  	[sflag:s0] =	ssyncadd.remote.s32 $0x1  }
0xbe: {  	_ =	sfence.sel $0xFFFF  }
0xbf: {  	[dreg:$0x0] =	wrdreg $0xFFFFFFFF;
	(pc) =	sbr.abs _section_cstart, $3  }
0xc0: {  	[dreg:$0x1] =	wrdreg $0xFFFFFFFF  }
0xc1: {  	_ =	task.clear_ibuf [dreg:s6], $0x2FFFF;
	_ =	strace $0x9FFFFFFF  }
0xc2: {  	(tm) =	ssettm $0x7FFFFFFF  }
0xc3: {  	_ =	shalt  }
tec
execute0_lowered:
.L_overlay_start_1:
0x0: {  	(tag) =	ssettag $0x1  }
0x1: {  	s4 =	rddreg [dreg:$0x0]  }
0x2: {  	s1 =	rddreg [dreg:$0x1]  }
0x3: {  	s0 =	rddreg [dreg:$0x2]  }
0x4: {  	s3 =	simm.s32 $0x0;
	s5 =	srdreg.scid;
	s2 =	stileid.u32  }
0x5: {  	s10 =	simm.s32 $0x1;
	s11 =	simm.s32 $0x280;
	s12 =	simm.s32 $0x4280  }
0x6: {  	s13 =	simm.s32 $0x50;
	s14 =	simm.s32 $0x80;
	s15 =	simm.s32 $0x100  }
0x7: {  	s16 =	simm.s32 $0x0;
	[smem:$0x7FF] =	sst s3;
	s8 =	smul.u32 $0x500, s2  }
0x8: {  	s5 =	sand.u32 $0x1, s5;
	s7 =	sshll.u32 s2, $0xB;
	s9 =	smul.u32 $0xA00, s2  }
0x9: {  	_ =	strace $0x80000047;
	s6 =	sshll.u32 s5, $0xF;
	s30 =	sshll.u32 s5, $0x7  }
0xa: {  	s5 =	ssub.s32 $0x2, s5;
	s6 =	sor.u32 s7, s6;
	s7 =	sor.u32 s30, s8  }
0xb: {  	s31 =	sshrl.u32 s5, $0x1;
	s9 =	sshrl.u32 s9, $0x2;
	s7 =	sshrl.u32 s7, $0x3  }
0xc: {  	s6 =	sadd.s32 s6, s4;
	s8 =	ssub.s32 s5, s31;
	s7 =	sadd.s32 s7, s4  }
0xd: {  	s4 =	sadd.s32 s9, s1;
	s5 =	sadd.s32 $0x1A00, s6;
	s6 =	sadd.s32 $0x11A00, s6  }
0xe: {  	v0 =	vimm.f32 $0.0e+00;
	s8 =	smax.u32 s8, $0x1;
	s9 =	simm.s32 $0x8280;
	s7 =	sadd.s32 $0x21A00, s7  }
.LBB2_1:
0xf: {  	[tilespmem:$0x8280] =	vst v0  }
0x10: {  	[tilespmem:$0x8290] =	vst v0  }
0x11: {  	[tilespmem:$0x82A0] =	vst v0  }
0x12: {  	[tilespmem:$0x82B0] =	vst v0  }
0x13: {  	[tilespmem:$0x82C0] =	vst v0  }
0x14: {  	[tilespmem:$0x82D0] =	vst v0  }
0x15: {  	[tilespmem:$0x82E0] =	vst v0  }
0x16: {  	[tilespmem:$0x82F0] =	vst v0  }
0x17: {  	[tilespmem:$0x8300] =	vst v0  }
0x18: {  	[tilespmem:$0x8310] =	vst v0  }
0x19: {  	[tilespmem:$0x8320] =	vst v0  }
0x1a: {  	[tilespmem:$0x8330] =	vst v0  }
0x1b: {  	[tilespmem:$0x8340] =	vst v0  }
0x1c: {  	[tilespmem:$0x8350] =	vst v0  }
0x1d: {  	[tilespmem:$0x8360] =	vst v0  }
0x1e: {  	[tilespmem:$0x8370] =	vst v0  }
0x1f: {  	[tilespmem:$0x8380] =	vst v0  }
0x20: {  	[tilespmem:$0x8390] =	vst v0  }
0x21: {  	[tilespmem:$0x83A0] =	vst v0  }
0x22: {  	[tilespmem:$0x83B0] =	vst v0  }
0x23: {  	[tilespmem:$0x83C0] =	vst v0  }
0x24: {  	[tilespmem:$0x83D0] =	vst v0  }
0x25: {  	[tilespmem:$0x83E0] =	vst v0  }
0x26: {  	[tilespmem:$0x83F0] =	vst v0  }
0x27: {  	[tilespmem:$0x8400] =	vst v0  }
0x28: {  	[tilespmem:$0x8410] =	vst v0  }
0x29: {  	[tilespmem:$0x8420] =	vst v0  }
0x2a: {  	[tilespmem:$0x8430] =	vst v0  }
0x2b: {  	[tilespmem:$0x8440] =	vst v0  }
0x2c: {  	[tilespmem:$0x8450] =	vst v0  }
0x2d: {  	[tilespmem:$0x8460] =	vst v0  }
0x2e: {  	[tilespmem:$0x8470] =	vst v0  }
0x2f: {  	[tilespmem:$0x8480] =	vst v0  }
0x30: {  	[tilespmem:$0x8490] =	vst v0  }
0x31: {  	[tilespmem:$0x84A0] =	vst v0  }
0x32: {  	[tilespmem:$0x84B0] =	vst v0  }
0x33: {  	[tilespmem:$0x84C0] =	vst v0  }
0x34: {  	[tilespmem:$0x84D0] =	vst v0  }
0x35: {  	[tilespmem:$0x84E0] =	vst v0  }
0x36: {  	[tilespmem:$0x84F0] =	vst v0  }
0x37: {  	[spmem:s4] =	stream.linear.scatter [tilespmem:s9], [sflag:$0x1], $0x280, $0x38;
	[tilespmem:$0x8500] =	vst v63  }
0x38: {  	_ =	swait.ge [sflag:s10], $0x280  }
0x39: {  	[sflag:s10] =	ssyncset.done $0x0  }
0x3a: {  	[sflag:s10] =	ssyncadd.s32 $0xFFFFFD80  }
0x3b: {  	[bflag:$0x0] =	sbarrier.arrive $0xFFFF  }
0x3c: {  	[tilespmem:s11], [sflag:$0x1] =	stream.linear.gather [hbm4b:s5+s3], $0x4000, $0x38;
	[tilespmem:$0x8500] =	vst v63  }
0x3d: {  	_ =	swait.ge [sflag:s10], $0x4000  }
0x3e: {  	[sflag:s10] =	ssyncset.done $0x0  }
0x3f: {  	[sflag:s10] =	ssyncadd.s32 $0xFFFFC000  }
0x40: {  	[tilespmem:s12], [sflag:$0x1] =	stream.linear.gather [hbm4b:s6+s3], $0x4000, $0x38;
	[tilespmem:$0x8500] =	vst v63  }
0x41: {  	_ =	swait.ge [sflag:s10], $0x4000  }
0x42: {  	[sflag:s10] =	ssyncset.done $0x0  }
0x43: {  	s17 =	simm.s32 $0x4280;
	s18 =	simm.s32 $0x280;
	[sflag:s10] =	ssyncadd.s32 $0xFFFFC000  }
0x44: {  	[spmem:s1] =	stream.indirect.scatter.add.f32 [tilespmem:s17], [sflag:$0x1], $0x1, s18, s13, $0xb8;
	[tilespmem:$0x8500] =	vst v63  }
0x45: {  	s17 =	simm.s32 $0x200;
	_ =	swait.ge [sflag:s10], $0x50  }
.LBB2_2:
0x46: {  	s18 =	sshra.s32 s17, $0x2  }
0x47: {  	[sflag:s10] =	ssyncset.done $0x0;
	p0 =	sne.s32 s17, $0xFE00;
	s19 =	sadd.s32 $0x4280, s18  }
.Ltmp0:
0x48: {  	s18 =	sadd.s32 $0x280, s18;
	[sflag:s10] =	ssyncadd.s32 $0xFFFFFFB0;
	(pc) =	sbr.rel @p0 .LBB2_2-.Ltmp0, $3  }
0x49: {  	[spmem:s1] =	stream.indirect.scatter.add.f32 [tilespmem:s19], [sflag:$0x1], $0x1, s18, s13, $0xb8;
	[tilespmem:$0x8500] =	vst v63  }
0x4a: {  	s17 =	sadd.s32 $0x200, s17;
	_ =	sdelay $0x1  }
0x4b: {  	_ =	swait.ge [sflag:s10], $0x50  }
0x4c: {  	[sflag:s10] =	ssyncset.done $0x0  }
0x4d: {  	[sflag:s10] =	ssyncadd.s32 $0xFFFFFFB0  }
0x4e: {  	[bflag:$0x0] =	sbarrier.arrive $0xFFFF  }
0x4f: {  	[tilespmem:s9], [sflag:$0x1] =	stream.linear.gather [spmem:s4], $0x280, $0x38;
	[tilespmem:$0x8500] =	vst v63  }
0x50: {  	s16 =	sadd.s32 $0x1, s16;
	_ =	swait.ge [sflag:s10], $0x280  }
0x51: {  	p0 =	sne.s32 s16, s8;
	[sflag:s10] =	ssyncset.done $0x0  }
.Ltmp1:
0x52: {  	[sflag:s10] =	ssyncadd.s32 $0xFFFFFD80;
	(pc) =	sbr.rel @p0 .LBB2_1-.Ltmp1, $4  }
0x53: {  	[hbm4b:s7+s14] =	stream.strided.scatter [tilespmem:s9], [sflag:$0x1], $0x280, s15, s14, $0x38;
	[tilespmem:$0x8500] =	vst v63  }
0x54: {  	_ =	swait.ge [sflag:s10], $0x280  }
0x55: {  	[sflag:s10] =	ssyncset.done $0x0  }
0x56: {  	[sflag:s10] =	ssyncadd.s32 $0xFFFFFD80  }
0x57: {  	_ =	sfence.sel $0x180000  }
0x58: {  	[bflag:$0x0] =	sbarrier.arrive $0xFFFF  }
0x59: {  	p0 =	sne.s32 s2, $0x0;
	_ =	strace $0x90000047  }
0x5a: {  	s0 =	sadd.s32 @!p0 $0x100000, s0;
	[bflag:$0x2] =	sbarrier.arrive $0xFFFF  }
0x5b: {  	[sflag:s0] =	ssyncadd.tile.s32 @!p0 $0x1;
	_ =	shalt  }
.Lfunc_end2:
_tile_overlayer_lowered:
.L_overlay_start_2:
0x5c: {  	(tag) =	ssettag $0x2  }
0x5d: {  	s0 =	rddreg [dreg:$0x0];
	s2 =	stileid.u32  }
0x5e: {  	s1 =	rddreg [dreg:$0x1];
	p0 =	sne.s32 s2, $0x0  }
0x5f: {  	s3 =	rddreg [dreg:$0x2];
	[bflag:$0x3] =	sbarrier.arrive $0xFFFF;
	s2 =	simm.s32 @!p0 $0x1C01  }
0x60: {  	[timem:s3], [sflag:s2] =	dma.local @!p0 [hbm:s0], s1  }
0x61: {  	s0 =	simm.s32 @!p0 $0x1  }
0x62: {  	_ =	swait.ge @!p0 [sflag:s0], s1  }
0x63: {  	s1 =	ssub.s32 @!p0 $0x0, s1;
	[sflag:s0] =	ssyncset.done @!p0 $0x0  }
0x64: {  	[sflag:s0] =	ssyncadd.s32 @!p0 s1  }
0x65: {  	[bflag:$0x3] =	sbarrier.arrive $0xFFFF  }
0x66: {  	_ =	shalt  }

// kernel: kernel.13.cloned.1.call-start
scs
__scs_entry_jumppad:
0x0: {  	(pc) =	sbr.rel $0x88, $3  }
0x1: {  	(tag) =	ssettag $0x0;
	lr =	simm.s32 $0x1  }
0x2: {  	[smem:$0x3F9C] =	sst lr;
	_ =	strace $0xD0000000  }
0x3: {  	_ = 	snop  }
0x4: {  	_ = 	snop  }
0x5: {  	_ = 	snop  }
0x6: {  	_ = 	snop  }
0x7: {  	_ = 	snop  }
__scs_overlays_trampoline_lowered:
0x8: {  	[smem:$0x3FAB] =	sst s0  }
0x9: {  	[smem:$0x3FAC] =	sst s1  }
0xa: {  	[smem:$0x3FAD] =	sst s2  }
0xb: {  	[smem:$0x3FAE] =	sst s3  }
0xc: {  	[smem:$0x3FAF] =	sst s4  }
0xd: {  	[smem:$0x3FB0] =	sst s5  }
0xe: {  	[smem:$0x3FB1] =	sst s6  }
0xf: {  	[smem:$0x3FB2] =	sst s7  }
0x10: {  	[smem:$0x3FB3] =	sst s8  }
0x11: {  	[smem:$0x3FB4] =	sst s9;
	s0 =	simm.s32 @!p0 $0x0  }
0x12: {  	s1 =	sld [smem:$0x3F9A];
	s0 =	simm.s32 @p0 $0x1  }
0x13: {  	[smem:$0x3FB5] =	sst s0;
	s0 =	simm.s32 @!p1 $0x0  }
0x14: {  	s2 =	sld [smem:$0x3F99];
	s0 =	simm.s32 @p1 $0x1  }
0x15: {  	[smem:$0x3FB6] =	sst s0;
	s0 =	simm.s32 @!p2 $0x0  }
0x16: {  	s3 =	sld [smem:$0x3FDB];
	s0 =	simm.s32 @p2 $0x1  }
0x17: {  	s4 =	simm.s32 $0x1BF5;
	[smem:$0x3FB8] =	sst s0  }
0x18: {  	s0 =	sld [smem:$0x3F9B];
	_ =	swait.ge [sflag:s4], $0x0  }
0x19: {  	s7 =	sld [smem:$0x3F9C]  }
0x1a: {  	s8 =	sadd.s32 $0xFFFFE003, lr  }
0x1b: {  	s9 =	sadd.s32 $0xFFFFFEF7, lr;
	s5 =	simm.s32 $0xFFFFFFFF;
	p2 =	slt.u32 s8, $0xFFFFF086  }
0x1c: {  	p1 =	slt.u32 s9, $0xF7A;
	s5 =	simm.s32 @!p2 $0x0  }
0x1d: {  	s5 =	simm.s32 @p1 $0x1;
	p0 =	seq.s32 s7, s2  }
0x1e: {  	s7 =	smul.u32 @!p0 $0xF7A, s2;
	p2 =	seq.s32 @!p0 s5, $0x0  }
0x1f: {  	s9 =	smul.u32 $0xF7A, s1;
	s8 =	simm.s32 @!p0 $0x1BF5;
	p2 =	por !p2, p0  }
0x20: {  	[sflag:s8] =	ssyncset.s32 @!p0 $0xFFFFF086;
	s6 =	sadd.s32 @!p0 s3, s7;
	s7 =	simm.s32 @!p0 $0x108  }
0x21: {  	s3 =	sadd.s32 s3, s9;
	s6 =	sadd.s32 @!p0 $0x88, s6;
	s7 =	simm.s32 @p2 $0x1082  }
0x22: {  	[simem:s7], [sflag:s8] =	dma.local @!p0 [hbm:s6], $0xF7A  }
0x23: {  	s9 =	sor.u32 $0xD0000000, s2;
	s6 =	simm.s32 $0x108;
	_ =	swait.ge @!p0 [sflag:s8], $0x0  }
0x24: {  	s3 =	sadd.s32 $0x88, s3;
	s6 =	simm.s32 @!p1 $0x1082;
	[sflag:s4] =	ssyncset.s32 $0xFFFFF086  }
0x25: {  	[simem:s6], [sflag:s4] =	dma.local [hbm:s3], $0xF7A  }
0x26: {  	[smem:$0x3F9C] =	sst s1;
	(tag) =	ssettag s2;
	_ =	strace s9  }
0x27: {  	s1 =	sld [smem:$0x3FAC]  }
0x28: {  	s2 =	sld [smem:$0x3FAD]  }
0x29: {  	s4 =	sld [smem:$0x3FAF]  }
0x2a: {  	p0 =	seq.s32 s5, $0x0;
	s5 =	sld [smem:$0x3FB0]  }
0x2b: {  	s6 =	sld [smem:$0x3FB1]  }
0x2c: {  	s7 =	sld [smem:$0x3FB2]  }
0x2d: {  	s3 =	simm.s32 $0x108;
	s8 =	sld [smem:$0x3FB3]  }
0x2e: {  	s3 =	simm.s32 @!p0 $0x1082;
	s9 =	sld [smem:$0x3FB4]  }
0x2f: {  	lr =	sadd.s32 s0, s3;
	s0 =	sld [smem:$0x3FAB]  }
0x30: {  	s3 =	sld [smem:$0x3FAE]  }
0x31: {  	[smem:$0x3FB7] =	sst s10  }
0x32: {  	s10 =	sld [smem:$0x3FB5];
	_ =	sdelay $0x3  }
0x33: {  	p0 =	seq.s32 s10, $0x1;
	s10 =	sld [smem:$0x3FB7];
	_ =	sdelay $0x3  }
0x34: {  	[smem:$0x3FB7] =	sst s10  }
0x35: {  	s10 =	sld [smem:$0x3FB6];
	_ =	sdelay $0x3  }
0x36: {  	p1 =	seq.s32 s10, $0x1;
	s10 =	sld [smem:$0x3FB7];
	_ =	sdelay $0x3  }
0x37: {  	[smem:$0x3FB7] =	sst s10  }
0x38: {  	s10 =	sld [smem:$0x3FB8]  }
0x39: {  	_ = 	snop;
	(pc) =	sbr.ind lr, $3  }
0x3a: {  	_ = 	snop  }
0x3b: {  	_ = 	snop  }
0x3c: {  	p2 =	seq.s32 s10, $0x1;
	s10 =	sld [smem:$0x3FB7]  }
0x3d: {  	_ =	shalt  }
0x3e: {  	_ =	shalt  }
0x3f: {  	_ =	shalt  }
0x40: {  	_ =	shalt  }
0x41: {  	_ =	shalt  }
0x42: {  	_ =	shalt  }
0x43: {  	_ =	shalt  }
0x44: {  	_ =	shalt  }
0x45: {  	_ =	shalt  }
0x46: {  	_ =	shalt  }
0x47: {  	_ =	shalt  }
0x48: {  	_ =	shalt  }
0x49: {  	_ =	shalt  }
0x4a: {  	_ =	shalt  }
0x4b: {  	_ =	shalt  }
0x4c: {  	_ =	shalt  }
0x4d: {  	_ =	shalt  }
0x4e: {  	_ =	shalt  }
0x4f: {  	_ =	shalt  }
0x50: {  	_ =	shalt  }
0x51: {  	_ =	shalt  }
0x52: {  	_ =	shalt  }
0x53: {  	_ =	shalt  }
0x54: {  	_ =	shalt  }
0x55: {  	_ =	shalt  }
0x56: {  	_ =	shalt  }
0x57: {  	_ =	shalt  }
0x58: {  	_ =	shalt  }
0x59: {  	_ =	shalt  }
0x5a: {  	_ =	shalt  }
0x5b: {  	_ =	shalt  }
0x5c: {  	_ =	shalt  }
0x5d: {  	_ =	shalt  }
0x5e: {  	_ =	shalt  }
0x5f: {  	_ =	shalt  }
0x60: {  	_ =	shalt  }
0x61: {  	_ =	shalt  }
0x62: {  	_ =	shalt  }
0x63: {  	_ =	shalt  }
0x64: {  	_ =	shalt  }
0x65: {  	_ =	shalt  }
0x66: {  	_ =	shalt  }
0x67: {  	_ =	shalt  }
0x68: {  	_ =	shalt  }
0x69: {  	_ =	shalt  }
0x6a: {  	_ =	shalt  }
0x6b: {  	_ =	shalt  }
0x6c: {  	_ =	shalt  }
0x6d: {  	_ =	shalt  }
0x6e: {  	_ =	shalt  }
0x6f: {  	_ =	shalt  }
0x70: {  	_ =	shalt  }
0x71: {  	_ =	shalt  }
0x72: {  	_ =	shalt  }
0x73: {  	_ =	shalt  }
0x74: {  	_ =	shalt  }
0x75: {  	_ =	shalt  }
0x76: {  	_ =	shalt  }
0x77: {  	_ =	shalt  }
0x78: {  	_ =	shalt  }
0x79: {  	_ =	shalt  }
0x7a: {  	_ =	shalt  }
0x7b: {  	_ =	shalt  }
0x7c: {  	_ =	shalt  }
0x7d: {  	_ =	shalt  }
0x7e: {  	_ =	shalt  }
0x7f: {  	_ =	shalt  }
0x80: {  	_ =	shalt  }
0x81: {  	_ =	shalt  }
0x82: {  	_ =	shalt  }
0x83: {  	_ =	shalt  }
0x84: {  	_ =	shalt  }
0x85: {  	_ =	shalt  }
0x86: {  	_ =	shalt  }
0x87: {  	_ =	shalt  }
.Lfunc_end0:
.L_simem_size_0:
called_computation.1_lowered:
.L_overlay_start_0:
0x88: {  	s2 =	sld [smem:$0x3FD9]  }
0x89: {  	s3 =	sld [smem:$0x3FFE];
	_ =	sdelay $0x1  }
0x8a: {  	s1 =	srdreg.scid  }
0x8b: {  	s0 =	sand.u32 $0x1, s1  }
0x8c: {  	s17 =	sshll.u32 s0, $0xA;
	s2 =	sadd.s32 s3, s2  }
0x8d: {  	s2 =	sadd.s32 s2, s17  }
0x8e: {  	[smem:$0x3FC3] =	sst s2  }
0x8f: {  	_ = 	snop  }
0x90: {  	s2 =	sld [smem:$0x3FD0];
	(tm) =	ssettm $0x1  }
0x91: {  	s18 =	sld [smem:$0x3FFB];
	_ =	sdelay $0x3  }
0x92: {  	_ =	strace s18  }
0x93: {  	s3 =	sld [smem:$0x3FFC];
	_ =	sdelay $0x3  }
0x94: {  	_ =	strace s3  }
0x95: {  	s3 =	sld [smem:$0x3FFD];
	_ =	sdelay $0x3  }
0x96: {  	_ =	strace s3  }
0x97: {  	_ =	strace $0x8FFFFFFF  }
0x98: {  	s19 =	sld [smem:$0x3FDB];
	_ =	sdelay $0x1  }
0x99: {  	s4 =	simm.s32 $_scs_section_size  }
0x9a: {  	s5 =	simm.s32 $_size__tile_overlayer_lowered;
	s6 =	simm.s32 $_tile_overlayer_lowered  }
0x9b: {  	s22 =	simm.s32 $0x1BFF;
	s21 =	sshll.u32 s6, $0x1;
	s3 =	sadd.s32 s4, s19  }
0x9c: {  	s7 =	simm.s32 $0x0;
	s20 =	sshll.u32 s5, $0x1;
	s5 =	sadd.s32 s21, s3  }
0x9d: {  	[timem:s7], [sflag:s22] =	dma.local [hbm:s5], s20  }
0x9e: {  	_ =	swait.ge [sflag:s22], s20  }
0x9f: {  	s4 =	ssub.s32 $0x0, s20;
	[sflag:s22] =	ssyncset.done $0x0  }
0xa0: {  	[sflag:s22] =	ssyncadd.s32 s4;
	_ =	sdelay $0x1  }
0xa1: {  	s23 =	simm.s32 $0x1B8B  }
0xa2: {  	_ =	swait.ge [sflag:s23], $0x1  }
0xa3: {  	[sflag:s23] =	ssyncset.done $0x0  }
0xa4: {  	s25 =	simm.s32 $0x1B8E;
	s24 =	sld [smem:$0x3FFE];
	[sflag:s23] =	ssyncadd.s32 $0xFFFFFFFF  }
0xa5: {  	s26 =	simm.s32 $execute0_lowered;
	[smem:$0x3FD2] =	sst s25  }
0xa6: {  	s5 =	sshll.u32 s26, $0x1;
	_ =	strace $0x80000049;
	[dreg:$0x1] =	wrdreg $0xFFFFFFFF  }
0xa7: {  	s28 =	simm.s32 $_size_execute0_lowered;
	s3 =	sadd.s32 s3, s5;
	[dreg:$0x0] =	wrdreg $0x0  }
0xa8: {  	s5 =	sshll.u32 s28, $0x1;
	[dreg:$0x2] =	wrdreg s3  }
0xa9: {  	[dreg:$0x3] =	wrdreg s5  }
0xaa: {  	[dreg:$0x4] =	wrdreg $0xC0  }
0xab: {  	_ =	task [dreg:s7], $0x5FFFF  }
0xac: {  	[dreg:$0x1] =	wrdreg $0xFFFFFFFF  }
0xad: {  	[dreg:$0x0] =	wrdreg $0x60  }
0xae: {  	[dreg:$0x2] =	wrdreg s2  }
0xaf: {  	[dreg:$0x3] =	wrdreg s24  }
0xb0: {  	[dreg:$0x4] =	wrdreg $0x9  }
0xb1: {  	_ =	task.clear_ibuf [dreg:s7], $0x5FFFF;
	_ =	strace $0x90000049  }
0xb2: {  	s29 =	simm.s32 $0x9;
	_ =	strace $0x8000004B  }
0xb3: {  	_ =	swait.ge [sflag:s29], $0x1  }
0xb4: {  	[sflag:s29] =	ssyncadd.s32 $0xFFFFFFFF  }
0xb5: {  	_ =	strace $0x9000004B  }
0xb6: {  	_ =	sfence  }
0xb7: {  	s30 =	sld [smem:$0x0];
	_ =	sdelay $0x2  }
0xb8: {  	s31 =	sshll.u32 s1, $0xD;
	s1 =	sshrl.u32 s1, $0x2  }
0xb9: {  	s3 =	sand.u32 $0x4000, s31;
	s1 =	sadd.s32 s1, s30  }
0xba: {  	s0 =	sor.u32 s3, s0;
	s1 =	sshll.u32 s1, $0x11  }
0xbb: {  	s0 =	sor.u32 s1, s0  }
0xbc: {  	s0 =	sadd.s32 $0x8F2B, s0  }
0xbd: {  	[sflag:s0] =	ssyncadd.remote.s32 $0x1  }
0xbe: {  	_ =	sfence.sel $0xFFFF  }
0xbf: {  	[dreg:$0x0] =	wrdreg $0xFFFFFFFF;
	(pc) =	sbr.abs _section_cstart, $3  }
0xc0: {  	[dreg:$0x1] =	wrdreg $0xFFFFFFFF  }
0xc1: {  	_ =	task.clear_ibuf [dreg:s7], $0x2FFFF;
	_ =	strace $0x9FFFFFFF  }
0xc2: {  	(tm) =	ssettm $0x7FFFFFFF  }
0xc3: {  	_ =	shalt  }
tec
execute0_lowered:
.L_overlay_start_1:
0x0: {  	(tag) =	ssettag $0x1  }
0x1: {  	s4 =	rddreg [dreg:$0x0]  }
0x2: {  	s0 =	srdreg.scid;
	s5 =	rddreg [dreg:$0x1];
	s2 =	simm.s32 $0x0  }
0x3: {  	s11 =	simm.s32 $0x6800;
	s12 =	simm.s32 $0xA800;
	s13 =	simm.s32 $0x80  }
0x4: {  	s14 =	simm.s32 $0x400;
	s15 =	simm.s32 $0xE800;
	s3 =	sand.u32 $0x1, s0  }
0x5: {  	s16 =	simm.s32 $0x0;
	s0 =	stileid.u32;
	s1 =	sshll.u32 s3, $0x4  }
0x6: {  	[smem:$0x7FF] =	sst s2;
	s8 =	sshll.u32 s0, $0x7;
	s6 =	sor.u32 s0, s1  }
0x7: {  	s31 =	ssub.s32 $0x2, s3;
	s3 =	sadd.s32 $0x21A00, s5;
	s7 =	sshrl.u32 s6, $0x3  }
0x8: {  	s1 =	rddreg [dreg:$0x2];
	_ =	strace $0x8000004A;
	s7 =	smul.u32 $0x14000, s7  }
0x9: {  	s8 =	sand.u32 $0x380, s8;
	s10 =	sshrl.u32 s31, $0x1;
	s6 =	sshll.u32 s6, $0xB  }
0xa: {  	s9 =	sadd.s32 s6, s5;
	s4 =	sadd.s32 s4, s6;
	s7 =	sor.u32 s8, s7  }
0xb: {  	s6 =	sadd.s32 $0x11A00, s9;
	s8 =	ssub.s32 s31, s10;
	s7 =	sshrl.u32 s7, $0x3  }
0xc: {  	s10 =	simm.s32 $0x2800;
	s8 =	smax.u32 s8, $0x1;
	s7 =	sadd.s32 s7, s5  }
0xd: {  	s5 =	sadd.s32 $0x1A00, s9;
	s9 =	simm.s32 $0x1;
	s7 =	sadd.s32 $0x22000, s7  }
.LBB2_1:
0xe: {  	[tilespmem:s2], [sflag:$0x1] =	stream.linear.gather [hbm4b:s3+s2], $0x2800, $0x38;
	[tilespmem:$0x11000] =	vst v63  }
0xf: {  	_ =	swait.ge [sflag:s9], $0x2800  }
0x10: {  	[sflag:s9] =	ssyncset.done $0x0  }
0x11: {  	[sflag:s9] =	ssyncadd.s32 $0xFFFFD800  }
0x12: {  	[tilespmem:s10], [sflag:$0x1] =	stream.linear.gather [hbm4b:s4+s2], $0x4000, $0x38;
	[tilespmem:$0x11000] =	vst v63  }
0x13: {  	_ =	swait.ge [sflag:s9], $0x4000  }
0x14: {  	[sflag:s9] =	ssyncset.done $0x0  }
0x15: {  	[sflag:s9] =	ssyncadd.s32 $0xFFFFC000  }
0x16: {  	[tilespmem:s11], [sflag:$0x1] =	stream.linear.gather [hbm4b:s5+s2], $0x4000, $0x38;
	[tilespmem:$0x11000] =	vst v63  }
0x17: {  	_ =	swait.ge [sflag:s9], $0x4000  }
0x18: {  	[sflag:s9] =	ssyncset.done $0x0  }
0x19: {  	[sflag:s9] =	ssyncadd.s32 $0xFFFFC000  }
0x1a: {  	[tilespmem:s12], [sflag:$0x1] =	stream.linear.gather [hbm4b:s6+s2], $0x4000, $0x38;
	[tilespmem:$0x11000] =	vst v63  }
0x1b: {  	_ =	swait.ge [sflag:s9], $0x4000  }
0x1c: {  	[sflag:s9] =	ssyncset.done $0x0  }
0x1d: {  	s17 =	simm.s32 $0xE820;
	s18 =	simm.s32 $0x0;
	[sflag:s9] =	ssyncadd.s32 $0xFFFFC000  }
.LBB2_2:
0x1e: {  	s19 =	sshra.s32 s18, $0x2  }
0x1f: {  	v0 =	vld [tilespmem:s19+$0x2800];
	_ =	sdelay $0x1  }
0x20: {  	v1 =	vld [tilespmem:s19+$0x6800];
	_ =	sdelay $0x4  }
0x21: {  	v2 =	vld [tilespmem:s19+$0xA800]  }
0x22: {  	v0 =	vld.idx.msk [tilespmem:v0+s2+$0x0], $0xffff;
	_ =	sdelay $0x1  }
0x23: {  	v1 =	vld.idx.msk [tilespmem:v1+s2+$0x0], $0xffff;
	_ =	sdelay $0x2  }
0x24: {  	v0 =	vmul.f32 v0, v2;
	_ =	sdelay $0x1  }
0x25: {  	v0 =	vmul.f32 v1, v0;
	_ =	sdelay $0x1  }
0x26: {  	[tilespmem:s17+$0xFFFFFFE0] =	vst v0  }
0x27: {  	v0 =	vld [tilespmem:s19+$0x2810];
	_ =	sdelay $0x1  }
0x28: {  	v56 =	vld [tilespmem:s19+$0x6810];
	_ =	sdelay $0x4  }
0x29: {  	v57 =	vld [tilespmem:s19+$0xA810]  }
0x2a: {  	v0 =	vld.idx.msk [tilespmem:v0+s2+$0x0], $0xffff;
	_ =	sdelay $0x1  }
0x2b: {  	v1 =	vld.idx.msk [tilespmem:v56+s2+$0x0], $0xffff;
	_ =	sdelay $0x2  }
0x2c: {  	v0 =	vmul.f32 v0, v57;
	_ =	sdelay $0x1  }
0x2d: {  	v0 =	vmul.f32 v1, v0;
	_ =	sdelay $0x1  }
0x2e: {  	[tilespmem:s17+$0xFFFFFFF0] =	vst v0  }
0x2f: {  	v0 =	vld [tilespmem:s19+$0x2820];
	_ =	sdelay $0x1  }
0x30: {  	v58 =	vld [tilespmem:s19+$0x6820];
	_ =	sdelay $0x4  }
0x31: {  	v59 =	vld [tilespmem:s19+$0xA820]  }
0x32: {  	v0 =	vld.idx.msk [tilespmem:v0+s2+$0x0], $0xffff;
	_ =	sdelay $0x1  }
0x33: {  	v1 =	vld.idx.msk [tilespmem:v58+s2+$0x0], $0xffff;
	_ =	sdelay $0x2  }
0x34: {  	v0 =	vmul.f32 v0, v59;
	_ =	sdelay $0x1  }
0x35: {  	v0 =	vmul.f32 v1, v0;
	_ =	sdelay $0x1  }
0x36: {  	[tilespmem:s17+$0x0] =	vst v0  }
0x37: {  	v0 =	vld [tilespmem:s19+$0x2830];
	_ =	sdelay $0x1  }
0x38: {  	v60 =	vld [tilespmem:s19+$0x6830];
	_ =	sdelay $0x4  }
0x39: {  	v61 =	vld [tilespmem:s19+$0xA830]  }
0x3a: {  	v0 =	vld.idx.msk [tilespmem:v0+s2+$0x0], $0xffff;
	_ =	sdelay $0x1  }
0x3b: {  	v1 =	vld.idx.msk [tilespmem:v60+s2+$0x0], $0xffff;
	_ =	sdelay $0x2  }
0x3c: {  	v0 =	vmul.f32 v0, v61;
	_ =	sdelay $0x1  }
0x3d: {  	v0 =	vmul.f32 v1, v0;
	_ =	sdelay $0x1  }
0x3e: {  	[tilespmem:s17+$0x10] =	vst v0  }
0x3f: {  	v0 =	vld [tilespmem:s19+$0x2840];
	_ =	sdelay $0x1  }
0x40: {  	v62 =	vld [tilespmem:s19+$0x6840];
	_ =	sdelay $0x4  }
0x41: {  	v63 =	vld [tilespmem:s19+$0xA840]  }
0x42: {  	v0 =	vld.idx.msk [tilespmem:v0+s2+$0x0], $0xffff;
	_ =	sdelay $0x1  }
0x43: {  	v1 =	vld.idx.msk [tilespmem:v62+s2+$0x0], $0xffff;
	_ =	sdelay $0x1  }
0x44: {  	p0 =	sne.s32 s18, $0xFE00  }
.Ltmp0:
0x45: {  	v0 =	vmul.f32 v0, v63;
	(pc) =	sbr.rel @p0 .LBB2_2-.Ltmp0, $3  }
0x46: {  	_ = 	snop  }
0x47: {  	v0 =	vmul.f32 v1, v0;
	_ =	sdelay $0x1  }
0x48: {  	s18 =	sadd.s32 $0x200, s18;
	[tilespmem:s17+$0x20] =	vst v0;
	s17 =	sadd.s32 $0x50, s17  }
0x49: {  	s16 =	sadd.s32 $0x1, s16  }
0x4a: {  	p0 =	sne.s32 s16, s8  }
.Ltmp1:
0x4b: {  	_ = 	snop;
	(pc) =	sbr.rel @p0 .LBB2_1-.Ltmp1, $4  }
0x4c: {  	[hbm4b:s7+s13] =	stream.strided.scatter [tilespmem:s15], [sflag:$0x1], $0x2800, s14, s13, $0x38;
	[tilespmem:$0x11000] =	vst v63  }
0x4d: {  	_ =	swait.ge [sflag:s9], $0x2800  }
0x4e: {  	[sflag:s9] =	ssyncset.done $0x0  }
0x4f: {  	[sflag:s9] =	ssyncadd.s32 $0xFFFFD800  }
0x50: {  	_ =	sfence.sel $0x180000  }
0x51: {  	[bflag:$0x0] =	sbarrier.arrive $0xFFFF  }
0x52: {  	p0 =	sne.s32 s0, $0x0;
	_ =	strace $0x9000004A  }
0x53: {  	s0 =	sadd.s32 @!p0 $0x100000, s1;
	[bflag:$0x2] =	sbarrier.arrive $0xFFFF  }
0x54: {  	[sflag:s0] =	ssyncadd.tile.s32 @!p0 $0x1;
	_ =	shalt  }
.Lfunc_end2:
_tile_overlayer_lowered:
.L_overlay_start_2:
0x55: {  	(tag) =	ssettag $0x2  }
0x56: {  	s0 =	rddreg [dreg:$0x0];
	s2 =	stileid.u32  }
0x57: {  	s1 =	rddreg [dreg:$0x1];
	p0 =	sne.s32 s2, $0x0  }
0x58: {  	s3 =	rddreg [dreg:$0x2];
	[bflag:$0x3] =	sbarrier.arrive $0xFFFF;
	s2 =	simm.s32 @!p0 $0x1C01  }
0x59: {  	[timem:s3], [sflag:s2] =	dma.local @!p0 [hbm:s0], s1  }
0x5a: {  	s0 =	simm.s32 @!p0 $0x1  }
0x5b: {  	_ =	swait.ge @!p0 [sflag:s0], s1  }
0x5c: {  	s1 =	ssub.s32 @!p0 $0x0, s1;
	[sflag:s0] =	ssyncset.done @!p0 $0x0  }
0x5d: {  	[sflag:s0] =	ssyncadd.s32 @!p0 s1  }
0x5e: {  	[bflag:$0x3] =	sbarrier.arrive $0xFFFF  }
0x5f: {  	_ =	shalt  }

// kernel: kernel.16.cloned.1.call-start
scs
__scs_entry_jumppad:
0x0: {  	(pc) =	sbr.rel $0x88, $3  }
0x1: {  	(tag) =	ssettag $0x0;
	lr =	simm.s32 $0x1  }
0x2: {  	[smem:$0x3F9C] =	sst lr;
	_ =	strace $0xD0000000  }
0x3: {  	_ = 	snop  }
0x4: {  	_ = 	snop  }
0x5: {  	_ = 	snop  }
0x6: {  	_ = 	snop  }
0x7: {  	_ = 	snop  }
__scs_overlays_trampoline_lowered:
0x8: {  	[smem:$0x3FAB] =	sst s0  }
0x9: {  	[smem:$0x3FAC] =	sst s1  }
0xa: {  	[smem:$0x3FAD] =	sst s2  }
0xb: {  	[smem:$0x3FAE] =	sst s3  }
0xc: {  	[smem:$0x3FAF] =	sst s4  }
0xd: {  	[smem:$0x3FB0] =	sst s5  }
0xe: {  	[smem:$0x3FB1] =	sst s6  }
0xf: {  	[smem:$0x3FB2] =	sst s7  }
0x10: {  	[smem:$0x3FB3] =	sst s8  }
0x11: {  	[smem:$0x3FB4] =	sst s9;
	s0 =	simm.s32 @!p0 $0x0  }
0x12: {  	s1 =	sld [smem:$0x3F9A];
	s0 =	simm.s32 @p0 $0x1  }
0x13: {  	[smem:$0x3FB5] =	sst s0;
	s0 =	simm.s32 @!p1 $0x0  }
0x14: {  	s2 =	sld [smem:$0x3F99];
	s0 =	simm.s32 @p1 $0x1  }
0x15: {  	[smem:$0x3FB6] =	sst s0;
	s0 =	simm.s32 @!p2 $0x0  }
0x16: {  	s3 =	sld [smem:$0x3FDB];
	s0 =	simm.s32 @p2 $0x1  }
0x17: {  	s4 =	simm.s32 $0x1BF5;
	[smem:$0x3FB8] =	sst s0  }
0x18: {  	s0 =	sld [smem:$0x3F9B];
	_ =	swait.ge [sflag:s4], $0x0  }
0x19: {  	s7 =	sld [smem:$0x3F9C]  }
0x1a: {  	s8 =	sadd.s32 $0xFFFFE003, lr  }
0x1b: {  	s9 =	sadd.s32 $0xFFFFFEF7, lr;
	s5 =	simm.s32 $0xFFFFFFFF;
	p2 =	slt.u32 s8, $0xFFFFF086  }
0x1c: {  	p1 =	slt.u32 s9, $0xF7A;
	s5 =	simm.s32 @!p2 $0x0  }
0x1d: {  	s5 =	simm.s32 @p1 $0x1;
	p0 =	seq.s32 s7, s2  }
0x1e: {  	s7 =	smul.u32 @!p0 $0xF7A, s2;
	p2 =	seq.s32 @!p0 s5, $0x0  }
0x1f: {  	s9 =	smul.u32 $0xF7A, s1;
	s8 =	simm.s32 @!p0 $0x1BF5;
	p2 =	por !p2, p0  }
0x20: {  	[sflag:s8] =	ssyncset.s32 @!p0 $0xFFFFF086;
	s6 =	sadd.s32 @!p0 s3, s7;
	s7 =	simm.s32 @!p0 $0x108  }
0x21: {  	s3 =	sadd.s32 s3, s9;
	s6 =	sadd.s32 @!p0 $0x88, s6;
	s7 =	simm.s32 @p2 $0x1082  }
0x22: {  	[simem:s7], [sflag:s8] =	dma.local @!p0 [hbm:s6], $0xF7A  }
0x23: {  	s9 =	sor.u32 $0xD0000000, s2;
	s6 =	simm.s32 $0x108;
	_ =	swait.ge @!p0 [sflag:s8], $0x0  }
0x24: {  	s3 =	sadd.s32 $0x88, s3;
	s6 =	simm.s32 @!p1 $0x1082;
	[sflag:s4] =	ssyncset.s32 $0xFFFFF086  }
0x25: {  	[simem:s6], [sflag:s4] =	dma.local [hbm:s3], $0xF7A  }
0x26: {  	[smem:$0x3F9C] =	sst s1;
	(tag) =	ssettag s2;
	_ =	strace s9  }
0x27: {  	s1 =	sld [smem:$0x3FAC]  }
0x28: {  	s2 =	sld [smem:$0x3FAD]  }
0x29: {  	s4 =	sld [smem:$0x3FAF]  }
0x2a: {  	p0 =	seq.s32 s5, $0x0;
	s5 =	sld [smem:$0x3FB0]  }
0x2b: {  	s6 =	sld [smem:$0x3FB1]  }
0x2c: {  	s7 =	sld [smem:$0x3FB2]  }
0x2d: {  	s3 =	simm.s32 $0x108;
	s8 =	sld [smem:$0x3FB3]  }
0x2e: {  	s3 =	simm.s32 @!p0 $0x1082;
	s9 =	sld [smem:$0x3FB4]  }
0x2f: {  	lr =	sadd.s32 s0, s3;
	s0 =	sld [smem:$0x3FAB]  }
0x30: {  	s3 =	sld [smem:$0x3FAE]  }
0x31: {  	[smem:$0x3FB7] =	sst s10  }
0x32: {  	s10 =	sld [smem:$0x3FB5];
	_ =	sdelay $0x3  }
0x33: {  	p0 =	seq.s32 s10, $0x1;
	s10 =	sld [smem:$0x3FB7];
	_ =	sdelay $0x3  }
0x34: {  	[smem:$0x3FB7] =	sst s10  }
0x35: {  	s10 =	sld [smem:$0x3FB6];
	_ =	sdelay $0x3  }
0x36: {  	p1 =	seq.s32 s10, $0x1;
	s10 =	sld [smem:$0x3FB7];
	_ =	sdelay $0x3  }
0x37: {  	[smem:$0x3FB7] =	sst s10  }
0x38: {  	s10 =	sld [smem:$0x3FB8]  }
0x39: {  	_ = 	snop;
	(pc) =	sbr.ind lr, $3  }
0x3a: {  	_ = 	snop  }
0x3b: {  	_ = 	snop  }
0x3c: {  	p2 =	seq.s32 s10, $0x1;
	s10 =	sld [smem:$0x3FB7]  }
0x3d: {  	_ =	shalt  }
0x3e: {  	_ =	shalt  }
0x3f: {  	_ =	shalt  }
0x40: {  	_ =	shalt  }
0x41: {  	_ =	shalt  }
0x42: {  	_ =	shalt  }
0x43: {  	_ =	shalt  }
0x44: {  	_ =	shalt  }
0x45: {  	_ =	shalt  }
0x46: {  	_ =	shalt  }
0x47: {  	_ =	shalt  }
0x48: {  	_ =	shalt  }
0x49: {  	_ =	shalt  }
0x4a: {  	_ =	shalt  }
0x4b: {  	_ =	shalt  }
0x4c: {  	_ =	shalt  }
0x4d: {  	_ =	shalt  }
0x4e: {  	_ =	shalt  }
0x4f: {  	_ =	shalt  }
0x50: {  	_ =	shalt  }
0x51: {  	_ =	shalt  }
0x52: {  	_ =	shalt  }
0x53: {  	_ =	shalt  }
0x54: {  	_ =	shalt  }
0x55: {  	_ =	shalt  }
0x56: {  	_ =	shalt  }
0x57: {  	_ =	shalt  }
0x58: {  	_ =	shalt  }
0x59: {  	_ =	shalt  }
0x5a: {  	_ =	shalt  }
0x5b: {  	_ =	shalt  }
0x5c: {  	_ =	shalt  }
0x5d: {  	_ =	shalt  }
0x5e: {  	_ =	shalt  }
0x5f: {  	_ =	shalt  }
0x60: {  	_ =	shalt  }
0x61: {  	_ =	shalt  }
0x62: {  	_ =	shalt  }
0x63: {  	_ =	shalt  }
0x64: {  	_ =	shalt  }
0x65: {  	_ =	shalt  }
0x66: {  	_ =	shalt  }
0x67: {  	_ =	shalt  }
0x68: {  	_ =	shalt  }
0x69: {  	_ =	shalt  }
0x6a: {  	_ =	shalt  }
0x6b: {  	_ =	shalt  }
0x6c: {  	_ =	shalt  }
0x6d: {  	_ =	shalt  }
0x6e: {  	_ =	shalt  }
0x6f: {  	_ =	shalt  }
0x70: {  	_ =	shalt  }
0x71: {  	_ =	shalt  }
0x72: {  	_ =	shalt  }
0x73: {  	_ =	shalt  }
0x74: {  	_ =	shalt  }
0x75: {  	_ =	shalt  }
0x76: {  	_ =	shalt  }
0x77: {  	_ =	shalt  }
0x78: {  	_ =	shalt  }
0x79: {  	_ =	shalt  }
0x7a: {  	_ =	shalt  }
0x7b: {  	_ =	shalt  }
0x7c: {  	_ =	shalt  }
0x7d: {  	_ =	shalt  }
0x7e: {  	_ =	shalt  }
0x7f: {  	_ =	shalt  }
0x80: {  	_ =	shalt  }
0x81: {  	_ =	shalt  }
0x82: {  	_ =	shalt  }
0x83: {  	_ =	shalt  }
0x84: {  	_ =	shalt  }
0x85: {  	_ =	shalt  }
0x86: {  	_ =	shalt  }
0x87: {  	_ =	shalt  }
.Lfunc_end0:
.L_simem_size_0:
called_computation.2_lowered:
.L_overlay_start_0:
0x88: {  	s2 =	sld [smem:$0x3FD9]  }
0x89: {  	s3 =	sld [smem:$0x3FFE];
	_ =	sdelay $0x1  }
0x8a: {  	s1 =	srdreg.scid  }
0x8b: {  	s0 =	sand.u32 $0x1, s1  }
0x8c: {  	s16 =	sshll.u32 s0, $0xA;
	s2 =	sadd.s32 s3, s2  }
0x8d: {  	s2 =	sadd.s32 s2, s16  }
0x8e: {  	[smem:$0x3FC3] =	sst s2  }
0x8f: {  	_ = 	snop  }
0x90: {  	(tm) =	ssettm $0x1  }
0x91: {  	s17 =	sld [smem:$0x3FFB];
	_ =	sdelay $0x3  }
0x92: {  	_ =	strace s17  }
0x93: {  	s2 =	sld [smem:$0x3FFC];
	_ =	sdelay $0x3  }
0x94: {  	_ =	strace s2  }
0x95: {  	s2 =	sld [smem:$0x3FFD];
	_ =	sdelay $0x3  }
0x96: {  	_ =	strace s2  }
0x97: {  	_ =	strace $0x8FFFFFFF  }
0x98: {  	s18 =	sld [smem:$0x3FDB];
	_ =	sdelay $0x1  }
0x99: {  	s19 =	simm.s32 $_scs_section_size  }
0x9a: {  	s4 =	simm.s32 $_size__tile_overlayer_lowered;
	s5 =	simm.s32 $_tile_overlayer_lowered  }
0x9b: {  	s22 =	simm.s32 $0x1BFF;
	s21 =	sshll.u32 s5, $0x1;
	s2 =	sadd.s32 s19, s18  }
0x9c: {  	s6 =	simm.s32 $0x0;
	s20 =	sshll.u32 s4, $0x1;
	s4 =	sadd.s32 s21, s2  }
0x9d: {  	[timem:s6], [sflag:s22] =	dma.local [hbm:s4], s20  }
0x9e: {  	_ =	swait.ge [sflag:s22], s20  }
0x9f: {  	s3 =	ssub.s32 $0x0, s20;
	[sflag:s22] =	ssyncset.done $0x0  }
0xa0: {  	[sflag:s22] =	ssyncadd.s32 s3;
	_ =	sdelay $0x1  }
0xa1: {  	s23 =	simm.s32 $0x1B8B  }
0xa2: {  	_ =	swait.ge [sflag:s23], $0x1  }
0xa3: {  	[sflag:s23] =	ssyncset.done $0x0  }
0xa4: {  	s25 =	simm.s32 $0x1B8E;
	s24 =	sld [smem:$0x3FFE];
	[sflag:s23] =	ssyncadd.s32 $0xFFFFFFFF  }
0xa5: {  	s26 =	simm.s32 $execute0_lowered;
	[smem:$0x3FD2] =	sst s25  }
0xa6: {  	s4 =	sshll.u32 s26, $0x1;
	_ =	strace $0x8000004C;
	[dreg:$0x1] =	wrdreg $0xFFFFFFFF  }
0xa7: {  	s28 =	simm.s32 $_size_execute0_lowered;
	s2 =	sadd.s32 s2, s4;
	[dreg:$0x0] =	wrdreg $0x0  }
0xa8: {  	s4 =	sshll.u32 s28, $0x1;
	[dreg:$0x2] =	wrdreg s2  }
0xa9: {  	[dreg:$0x3] =	wrdreg s4  }
0xaa: {  	[dreg:$0x4] =	wrdreg $0xC0  }
0xab: {  	_ =	task [dreg:s6], $0x5FFFF  }
0xac: {  	[dreg:$0x1] =	wrdreg $0xFFFFFFFF  }
0xad: {  	[dreg:$0x0] =	wrdreg $0x60  }
0xae: {  	[dreg:$0x2] =	wrdreg s24  }
0xaf: {  	[dreg:$0x3] =	wrdreg $0x0  }
0xb0: {  	[dreg:$0x4] =	wrdreg $0x9  }
0xb1: {  	_ =	task.clear_ibuf [dreg:s6], $0x5FFFF;
	_ =	strace $0x9000004C  }
0xb2: {  	s29 =	simm.s32 $0x9;
	_ =	strace $0x8000004E  }
0xb3: {  	_ =	swait.ge [sflag:s29], $0x1  }
0xb4: {  	[sflag:s29] =	ssyncadd.s32 $0xFFFFFFFF  }
0xb5: {  	_ =	strace $0x9000004E  }
0xb6: {  	_ =	sfence  }
0xb7: {  	s30 =	sld [smem:$0x0];
	_ =	sdelay $0x2  }
0xb8: {  	s31 =	sshll.u32 s1, $0xD;
	s1 =	sshrl.u32 s1, $0x2  }
0xb9: {  	s3 =	sand.u32 $0x4000, s31;
	s1 =	sadd.s32 s1, s30  }
0xba: {  	s0 =	sor.u32 s3, s0;
	s1 =	sshll.u32 s1, $0x11  }
0xbb: {  	s0 =	sor.u32 s1, s0  }
0xbc: {  	s0 =	sadd.s32 $0x8F2B, s0  }
0xbd: {  	[sflag:s0] =	ssyncadd.remote.s32 $0x1  }
0xbe: {  	_ =	sfence.sel $0xFFFF  }
0xbf: {  	[dreg:$0x0] =	wrdreg $0xFFFFFFFF;
	(pc) =	sbr.abs _section_cstart, $3  }
0xc0: {  	[dreg:$0x1] =	wrdreg $0xFFFFFFFF  }
0xc1: {  	_ =	task.clear_ibuf [dreg:s6], $0x2FFFF;
	_ =	strace $0x9FFFFFFF  }
0xc2: {  	(tm) =	ssettm $0x7FFFFFFF  }
0xc3: {  	_ =	shalt  }
tec
execute0_lowered:
.L_overlay_start_1:
0x0: {  	(tag) =	ssettag $0x1  }
0x1: {  	s0 =	rddreg [dreg:$0x0]  }
0x2: {  	s1 =	rddreg [dreg:$0x1];
	s2 =	srdreg.scid  }
0x3: {  	s3 =	simm.s32 $0x0;
	s8 =	stileid.u32;
	s28 =	simm.s32 $0x2  }
0x4: {  	s29 =	simm.s32 $0x14280;
	s30 =	simm.s32 $0x3;
	s31 =	simm.s32 $0x14300  }
0x5: {  	s9 =	simm.s32 $0x7;
	s10 =	simm.s32 $0x8;
	s11 =	simm.s32 $0x0  }
0x6: {  	s2 =	sand.u32 $0x1, s2;
	[smem:$0x7FF] =	sst s3;
	s6 =	smul.u32 $0x14000, s8  }
0x7: {  	s7 =	sshll.u32 s8, $0xD;
	s4 =	sadd.s32 $0x2C000, s0;
	s8 =	smul.u32 $0x50000, s8  }
0x8: {  	s5 =	smul.u32 $0x140000, s2;
	_ =	strace $0x8000004D;
	s16 =	ssub.s32 $0x2, s2  }
0x9: {  	s7 =	sadd.s32 s7, s0;
	s17 =	sshrl.u32 s16, $0x1;
	s18 =	sshrl.u32 s8, $0x2  }
0xa: {  	s5 =	sadd.s32 s6, s5;
	s6 =	ssub.s32 s16, s17;
	s13 =	sadd.s32 s18, s1  }
0xb: {  	s2 =	sshll.u32 s2, $0x11;
	s19 =	smax.u32 s6, $0x1;
	[dreg:$0x4] =	wrdreg s13  }
0xc: {  	s2 =	sadd.s32 s2, s7;
	s20 =	sadd.s32 $0x2800, s13;
	[dreg:$0x5] =	wrdreg s19  }
0xd: {  	s8 =	simm.s32 $0x6;
	s21 =	sadd.s32 $0x5000, s13;
	[dreg:$0x6] =	wrdreg s20  }
0xe: {  	s16 =	simm.s32 $0x14800;
	s22 =	sadd.s32 $0x7800, s13;
	[dreg:$0x7] =	wrdreg s21  }
0xf: {  	s17 =	simm.s32 $0x9;
	s23 =	sadd.s32 $0xA000, s13;
	[dreg:$0x8] =	wrdreg s22  }
0x10: {  	s18 =	simm.s32 $0x14000;
	s24 =	sadd.s32 $0xC800, s13;
	[dreg:$0x9] =	wrdreg s23  }
0x11: {  	s5 =	sshrl.u32 s5, $0x3;
	s25 =	sadd.s32 $0xF000, s13;
	[dreg:$0xa] =	wrdreg s24  }
0x12: {  	s26 =	sadd.s32 $0x11800, s13;
	s6 =	simm.s32 $0x5;
	[dreg:$0xb] =	wrdreg s25  }
0x13: {  	s0 =	sadd.s32 s5, s0;
	s5 =	sadd.s32 $0x54000, s2;
	[dreg:$0xc] =	wrdreg s26  }
0x14: {  	s19 =	simm.s32 $0x50;
	s20 =	simm.s32 $0x14080;
	s21 =	simm.s32 $0x17000  }
0x15: {  	s22 =	simm.s32 $0x14100;
	s23 =	simm.s32 $0x19800;
	s24 =	simm.s32 $0x14180  }
0x16: {  	s25 =	simm.s32 $0x1C000;
	s26 =	simm.s32 $0x14200;
	s0 =	sadd.s32 $0x94000, s0  }
0x17: {  	v0 =	vimm.f32 $0.0e+00;
	s2 =	simm.s32 $0x14380;
	[dreg:$0x3] =	wrdreg s0;
	s0 =	simm.s32 $0x4  }
.LBB2_1:
0x18: {  	s7 =	simm.s32 $0x0;
	s12 =	simm.s32 $0x200  }
.LBB2_2:
0x19: {  	p0 =	sne.s32 s12, $0x9E00;
	[tilespmem:s7+$0x14870] =	vst v0  }
0x1a: {  	[tilespmem:s7+$0x14800] =	vst v0  }
0x1b: {  	[tilespmem:s7+$0x14810] =	vst v0  }
.Ltmp0:
0x1c: {  	[tilespmem:s7+$0x14820] =	vst v0;
	(pc) =	sbr.rel @p0 .LBB2_2-.Ltmp0, $4  }
0x1d: {  	[tilespmem:s7+$0x14830] =	vst v0  }
0x1e: {  	[tilespmem:s7+$0x14840] =	vst v0  }
0x1f: {  	[tilespmem:s7+$0x14850] =	vst v0  }
0x20: {  	[tilespmem:s7+$0x14860] =	vst v0;
	s7 =	sshra.s32 s12, $0x2;
	s12 =	sadd.s32 $0x200, s12  }
0x21: {  	[tilespmem:s7+$0x14870] =	vst v0  }
0x22: {  	[tilespmem:s7+$0x14800] =	vst v0  }
0x23: {  	[tilespmem:s7+$0x14810] =	vst v0  }
0x24: {  	[tilespmem:s7+$0x14820] =	vst v0  }
0x25: {  	[tilespmem:s7+$0x14830] =	vst v0  }
0x26: {  	[tilespmem:s7+$0x14840] =	vst v0  }
0x27: {  	[tilespmem:s7+$0x14850] =	vst v0  }
0x28: {  	[dreg:$0xd] =	wrdreg s11;
	[tilespmem:s7+$0x14860] =	vst v0  }
0x29: {  	[spmem:s13] =	stream.linear.scatter [tilespmem:s16], [sflag:$0x9], $0x2800, $0x38;
	[tilespmem:$0x1E800] =	vst v63  }
0x2a: {  	_ =	swait.ge [sflag:s17], $0x2800  }
0x2b: {  	[sflag:s17] =	ssyncset.done $0x0  }
0x2c: {  	s14 =	rddreg [dreg:$0x6];
	[sflag:s17] =	ssyncadd.s32 $0xFFFFD800  }
0x2d: {  	[spmem:s14] =	stream.linear.scatter [tilespmem:s16], [sflag:$0x9], $0x2800, $0x38;
	[tilespmem:$0x1E800] =	vst v63  }
0x2e: {  	_ =	swait.ge [sflag:s17], $0x2800  }
0x2f: {  	[sflag:s17] =	ssyncset.done $0x0  }
0x30: {  	s15 =	rddreg [dreg:$0x7];
	[sflag:s17] =	ssyncadd.s32 $0xFFFFD800  }
0x31: {  	[spmem:s15] =	stream.linear.scatter [tilespmem:s16], [sflag:$0x9], $0x2800, $0x38;
	[tilespmem:$0x1E800] =	vst v63  }
0x32: {  	_ =	swait.ge [sflag:s17], $0x2800  }
0x33: {  	[sflag:s17] =	ssyncset.done $0x0  }
0x34: {  	s11 =	rddreg [dreg:$0x8];
	[sflag:s17] =	ssyncadd.s32 $0xFFFFD800  }
0x35: {  	[spmem:s11] =	stream.linear.scatter [tilespmem:s16], [sflag:$0x9], $0x2800, $0x38;
	[tilespmem:$0x1E800] =	vst v63  }
0x36: {  	_ =	swait.ge [sflag:s17], $0x2800  }
0x37: {  	[sflag:s17] =	ssyncset.done $0x0  }
0x38: {  	s12 =	rddreg [dreg:$0x9];
	[sflag:s17] =	ssyncadd.s32 $0xFFFFD800  }
0x39: {  	[spmem:s12] =	stream.linear.scatter [tilespmem:s16], [sflag:$0x9], $0x2800, $0x38;
	[tilespmem:$0x1E800] =	vst v63  }
0x3a: {  	_ =	swait.ge [sflag:s17], $0x2800  }
0x3b: {  	[sflag:s17] =	ssyncset.done $0x0  }
0x3c: {  	s13 =	rddreg [dreg:$0xa];
	[sflag:s17] =	ssyncadd.s32 $0xFFFFD800  }
0x3d: {  	[spmem:s13] =	stream.linear.scatter [tilespmem:s16], [sflag:$0x9], $0x2800, $0x38;
	[tilespmem:$0x1E800] =	vst v63  }
0x3e: {  	_ =	swait.ge [sflag:s17], $0x2800  }
0x3f: {  	[sflag:s17] =	ssyncset.done $0x0  }
0x40: {  	s14 =	rddreg [dreg:$0xb];
	[sflag:s17] =	ssyncadd.s32 $0xFFFFD800  }
0x41: {  	[spmem:s14] =	stream.linear.scatter [tilespmem:s16], [sflag:$0x9], $0x2800, $0x38;
	[tilespmem:$0x1E800] =	vst v63  }
0x42: {  	_ =	swait.ge [sflag:s17], $0x2800  }
0x43: {  	[sflag:s17] =	ssyncset.done $0x0  }
0x44: {  	s15 =	rddreg [dreg:$0xc];
	[sflag:s17] =	ssyncadd.s32 $0xFFFFD800  }
0x45: {  	[spmem:s15] =	stream.linear.scatter [tilespmem:s16], [sflag:$0x9], $0x2800, $0x38;
	[tilespmem:$0x1E800] =	vst v63  }
0x46: {  	_ =	swait.ge [sflag:s17], $0x2800  }
0x47: {  	[sflag:s17] =	ssyncset.done $0x0  }
0x48: {  	[sflag:s17] =	ssyncadd.s32 $0xFFFFD800  }
0x49: {  	s12 =	simm.s32 $0x0;
	[bflag:$0x0] =	sbarrier.arrive $0xFFFF  }
.LBB2_4:
0x4a: {  	s7 =	sshll.u32 s12, $0x8  }
0x4b: {  	s7 =	sadd.s32 s7, s5  }
0x4c: {  	[tilespmem:s18], [sflag:$0x9] =	stream.linear.gather [hbm4b:s7+s3], $0x600, $0x38;
	[tilespmem:$0x1E800] =	vst v63  }
0x4d: {  	_ =	swait.ge [sflag:s17], $0x600  }
0x4e: {  	[sflag:s17] =	ssyncset.done $0x0  }
0x4f: {  	[sflag:s17] =	ssyncadd.s32 $0xFFFFFA00  }
0x50: {  	[tilespmem:s16], [sflag:$0x1] =	stream.indirect.gather [hbm4b:s4+s19], $0x80, s18, s19, $0xb8;
	[tilespmem:$0x1E800] =	vst v63  }
0x51: {  	s14 =	simm.s32 $0x0  }
0x52: {  	v1 =	vmov s14;
	[tilespmem:s21], [sflag:$0x2] =	stream.indirect.gather [hbm4b:s4+s19], $0x80, s20, s19, $0xb8;
	[tilespmem:$0x1E800] =	vst v63  }
0x53: {  	v1 =	vand.u32 $0x7E, v1  }
0x54: {  	v1 =	vor.u32 $0x400, v1;
	[tilespmem:s23], [sflag:$0x3] =	stream.indirect.gather [hbm4b:s4+s19], $0x80, s22, s19, $0xb8;
	[tilespmem:$0x1E800] =	vst v63  }
0x55: {  	s15 =	simm.s32 $0x1;
	v2 =	vbroadcast v1, $0x0  }
0x56: {  	[tilespmem:s25], [sflag:$0x4] =	stream.indirect.gather [hbm4b:s4+s19], $0x80, s24, s19, $0xb8;
	[tilespmem:$0x1E800] =	vst v63  }
0x57: {  	_ =	swait.ge [sflag:s15], $0x2800  }
0x58: {  	[sflag:s15] =	ssyncset.done $0x0  }
0x59: {  	s13 =	simm.s32 $0x14880;
	[sflag:s15] =	ssyncadd.s32 $0xFFFFD800  }
0x5a: {  	v5 =	vld [tilespmem:s13+$0xFFFFFFF0]  }
0x5b: {  	v6 =	vld.idx.msk [tilespmem:v2+s18+$0x0], $0xffff  }
0x5c: {  	v7 =	vld [tilespmem:s13+$0xFFFFFF80]  }
0x5d: {  	v8 =	vld [tilespmem:s13+$0xFFFFFFA0]  }
0x5e: {  	v9 =	vld [tilespmem:s13+$0xFFFFFFB0]  }
0x5f: {  	v3 =	vld [tilespmem:s13+$0xFFFFFFD0]  }
0x60: {  	v10 =	vld [tilespmem:s13+$0xFFFFFFE0];
	v5 =	vmul.f32 v6, v5  }
0x61: {  	v12 =	vmov s15;
	v4 =	vld [tilespmem:s13+$0xFFFFFFC0];
	v7 =	vmul.f32 v6, v7  }
0x62: {  	v11 =	vld [tilespmem:s13+$0xFFFFFF90];
	v8 =	vmul.f32 v6, v8;
	[tilespmem:s13+$0xFFFFFFF0] =	vst v5;
	v5 =	vand.u32 $0x7F, v12  }
0x63: {  	v9 =	vmul.f32 v6, v9;
	[tilespmem:s13+$0xFFFFFF80] =	vst v7;
	v5 =	vor.u32 $0x400, v5  }
0x64: {  	v3 =	vmul.f32 v6, v3;
	[tilespmem:s13+$0xFFFFFFA0] =	vst v8;
	v7 =	vbroadcast v5, $0x0  }
0x65: {  	v63 =	vmul.f32 v6, v10;
	[tilespmem:s13+$0xFFFFFFB0] =	vst v9  }
0x66: {  	v1 =	vld [tilespmem:s13+$0x0];
	[tilespmem:s13+$0xFFFFFFD0] =	vst v3;
	v3 =	vmul.f32 v6, v4  }
0x67: {  	v2 =	vld [tilespmem:s13+$0x10];
	[tilespmem:s13+$0xFFFFFFE0] =	vst v63;
	v5 =	vmul.f32 v6, v11  }
0x68: {  	v4 =	vld [tilespmem:s13+$0x70];
	[tilespmem:s13+$0xFFFFFFC0] =	vst v3  }
0x69: {  	[tilespmem:s13+$0xFFFFFF90] =	vst v5;
	v5 =	vld [tilespmem:s13+$0x50]  }
0x6a: {  	s14 =	simm.s32 $0x3;
	s15 =	simm.s32 $0x14880;
	v3 =	vld.idx.msk [tilespmem:v7+s18+$0x0], $0xffff  }
.LBB2_5:
0x6b: {  	p0 =	sne.s32 s14, $0x4F  }
0x6c: {  	v6 =	vld [tilespmem:s13+$0x30];
	s15 =	sadd.s32 $0x100, s15;
	s7 =	smov.u32 s14;
	s14 =	sadd.s32 $0x2, s14  }
0x6d: {  	v7 =	vld [tilespmem:s13+$0x20]  }
0x6e: {  	v8 =	vld [tilespmem:s13+$0x40]  }
0x6f: {  	v9 =	vld [tilespmem:s13+$0x60];
	_ =	sdelay $0x1  }
0x70: {  	s11 =	sadd.s32 $0xFFFFFFFF, s7;
	v1 =	vmul.f32 v3, v1;
	v2 =	vmul.f32 v3, v2  }
0x71: {  	v10 =	vmov s11;
	v6 =	vmul.f32 v3, v6;
	v7 =	vmul.f32 v3, v7  }
0x72: {  	v10 =	vand.u32 $0x7E, v10;
	v5 =	vmul.f32 v3, v5;
	[tilespmem:s13+$0x0] =	vst v1;
	v8 =	vmul.f32 v3, v8  }
0x73: {  	v10 =	vor.u32 $0x400, v10;
	v1 =	vld [tilespmem:s15+$0x0];
	[tilespmem:s13+$0x30] =	vst v6;
	v6 =	vmul.f32 v3, v9;
	v3 =	vmul.f32 v3, v4  }
0x74: {  	v4 =	vbroadcast v10, $0x0;
	[tilespmem:s13+$0x40] =	vst v8  }
0x75: {  	v8 =	vld [tilespmem:s15+$0xFFFFFFD0];
	[tilespmem:s13+$0x50] =	vst v5  }
0x76: {  	v5 =	vld [tilespmem:s15+$0xFFFFFFC0];
	[tilespmem:s13+$0x20] =	vst v7  }
0x77: {  	v7 =	vld [tilespmem:s15+$0xFFFFFFB0];
	[tilespmem:s13+$0x70] =	vst v3  }
0x78: {  	v3 =	vld [tilespmem:s15+$0xFFFFFFE0];
	[tilespmem:s13+$0x10] =	vst v2  }
0x79: {  	v9 =	vld [tilespmem:s15+$0xFFFFFFF0];
	[tilespmem:s13+$0x60] =	vst v6;
	s13 =	smov.u32 s15  }
0x7a: {  	v4 =	vld.idx.msk [tilespmem:v4+s18+$0x0], $0xffff  }
0x7b: {  	v6 =	vld [tilespmem:s15+$0xFFFFFF80]  }
0x7c: {  	v10 =	vld [tilespmem:s15+$0xFFFFFFA0]  }
0x7d: {  	v11 =	vld [tilespmem:s15+$0xFFFFFF90]  }
0x7e: {  	v2 =	vld [tilespmem:s15+$0x10];
	_ =	sdelay $0x1  }
0x7f: {  	v9 =	vmul.f32 v4, v9;
	v6 =	vmul.f32 v4, v6  }
0x80: {  	v12 =	vmov s7;
	v3 =	vmul.f32 v4, v3;
	v10 =	vmul.f32 v4, v10  }
0x81: {  	v7 =	vmul.f32 v4, v7;
	v11 =	vmul.f32 v4, v11;
	[tilespmem:s15+$0xFFFFFFF0] =	vst v9;
	v9 =	vand.u32 $0x7F, v12  }
0x82: {  	[tilespmem:s15+$0xFFFFFF80] =	vst v6;
	v6 =	vmul.f32 v4, v5;
	v4 =	vmul.f32 v4, v8;
	v5 =	vor.u32 $0x400, v9  }
0x83: {  	[tilespmem:s15+$0xFFFFFFA0] =	vst v10;
	v8 =	vbroadcast v5, $0x0  }
0x84: {  	[tilespmem:s15+$0xFFFFFFB0] =	vst v7  }
.Ltmp1:
0x85: {  	[tilespmem:s15+$0xFFFFFFD0] =	vst v4;
	(pc) =	sbr.rel @p0 .LBB2_5-.Ltmp1, $4  }
0x86: {  	[tilespmem:s15+$0xFFFFFF90] =	vst v11  }
0x87: {  	[tilespmem:s15+$0xFFFFFFE0] =	vst v3;
	v5 =	vld [tilespmem:s15+$0x50]  }
0x88: {  	[tilespmem:s15+$0xFFFFFFC0] =	vst v6;
	v4 =	vld [tilespmem:s15+$0x70]  }
0x89: {  	v3 =	vld.idx.msk [tilespmem:v8+s18+$0x0], $0xffff  }
0x8a: {  	_ = 	snop  }
0x8b: {  	v7 =	vld [tilespmem:s13+$0x40]  }
0x8c: {  	v6 =	vld [tilespmem:s13+$0x30];
	_ =	sdelay $0x1  }
0x8d: {  	v1 =	vmul.f32 v3, v1  }
0x8e: {  	v8 =	vld [tilespmem:s13+$0x20];
	v5 =	vmul.f32 v3, v5  }
0x8f: {  	v9 =	vld [tilespmem:s13+$0x60];
	[tilespmem:s13+$0x0] =	vst v1;
	v1 =	vmul.f32 v3, v7  }
0x90: {  	v6 =	vmul.f32 v3, v6;
	[tilespmem:s13+$0x50] =	vst v5  }
0x91: {  	[tilespmem:s13+$0x40] =	vst v1;
	v1 =	vmul.f32 v3, v4  }
0x92: {  	s7 =	simm.s32 $0x0;
	v2 =	vmul.f32 v3, v2;
	[tilespmem:s13+$0x30] =	vst v6  }
0x93: {  	v6 =	vmul.f32 v3, v8;
	[tilespmem:s13+$0x70] =	vst v1;
	v1 =	vmov s7  }
0x94: {  	[tilespmem:s13+$0x10] =	vst v2;
	v3 =	vmul.f32 v3, v9;
	v1 =	vand.u32 $0x7E, v1  }
0x95: {  	[tilespmem:s13+$0x20] =	vst v6;
	v1 =	vor.u32 $0x480, v1  }
0x96: {  	[tilespmem:s13+$0x60] =	vst v3;
	v2 =	vbroadcast v1, $0x0  }
0x97: {  	[spmem:s1] =	stream.indirect.scatter.add.f32 [tilespmem:s16], [sflag:$0x5], $0x80, s26, s19, $0xb8;
	[tilespmem:$0x1E800] =	vst v63  }
0x98: {  	_ =	swait.ge [sflag:s28], $0x2800  }
0x99: {  	[sflag:s28] =	ssyncset.done $0x0  }
0x9a: {  	s13 =	simm.s32 $0x17080;
	[sflag:s28] =	ssyncadd.s32 $0xFFFFD800  }
0x9b: {  	v5 =	vld [tilespmem:s13+$0xFFFFFFF0]  }
0x9c: {  	v6 =	vld.idx.msk [tilespmem:v2+s18+$0x0], $0xffff  }
0x9d: {  	v7 =	vld [tilespmem:s13+$0xFFFFFF80]  }
0x9e: {  	v61 =	vld [tilespmem:s13+$0xFFFFFFA0]  }
0x9f: {  	v62 =	vld [tilespmem:s13+$0xFFFFFFB0]  }
0xa0: {  	v3 =	vld [tilespmem:s13+$0xFFFFFFD0]  }
0xa1: {  	s15 =	simm.s32 $0x1;
	v10 =	vld [tilespmem:s13+$0xFFFFFFE0];
	v5 =	vmul.f32 v6, v5  }
0xa2: {  	v12 =	vmov s15;
	v4 =	vld [tilespmem:s13+$0xFFFFFFC0];
	v7 =	vmul.f32 v6, v7  }
0xa3: {  	v11 =	vld [tilespmem:s13+$0xFFFFFF90];
	v8 =	vmul.f32 v6, v61;
	[tilespmem:s13+$0xFFFFFFF0] =	vst v5;
	v5 =	vand.u32 $0x7F, v12  }
0xa4: {  	v9 =	vmul.f32 v6, v62;
	[tilespmem:s13+$0xFFFFFF80] =	vst v7;
	v5 =	vor.u32 $0x480, v5  }
0xa5: {  	v3 =	vmul.f32 v6, v3;
	[tilespmem:s13+$0xFFFFFFA0] =	vst v8;
	v7 =	vbroadcast v5, $0x0  }
0xa6: {  	v63 =	vmul.f32 v6, v10;
	[tilespmem:s13+$0xFFFFFFB0] =	vst v9  }
0xa7: {  	v1 =	vld [tilespmem:s13+$0x0];
	[tilespmem:s13+$0xFFFFFFD0] =	vst v3;
	v3 =	vmul.f32 v6, v4  }
0xa8: {  	v2 =	vld [tilespmem:s13+$0x10];
	[tilespmem:s13+$0xFFFFFFE0] =	vst v63;
	v5 =	vmul.f32 v6, v11  }
0xa9: {  	v4 =	vld [tilespmem:s13+$0x70];
	[tilespmem:s13+$0xFFFFFFC0] =	vst v3  }
0xaa: {  	[tilespmem:s13+$0xFFFFFF90] =	vst v5;
	v5 =	vld [tilespmem:s13+$0x50]  }
0xab: {  	s14 =	simm.s32 $0x3;
	s15 =	simm.s32 $0x17080;
	v3 =	vld.idx.msk [tilespmem:v7+s18+$0x0], $0xffff  }
.LBB2_7:
0xac: {  	p0 =	sne.s32 s14, $0x4F  }
0xad: {  	v6 =	vld [tilespmem:s13+$0x30];
	s15 =	sadd.s32 $0x100, s15;
	s7 =	smov.u32 s14;
	s14 =	sadd.s32 $0x2, s14  }
0xae: {  	v7 =	vld [tilespmem:s13+$0x20]  }
0xaf: {  	v8 =	vld [tilespmem:s13+$0x40]  }
0xb0: {  	v9 =	vld [tilespmem:s13+$0x60];
	_ =	sdelay $0x1  }
0xb1: {  	s11 =	sadd.s32 $0xFFFFFFFF, s7;
	v1 =	vmul.f32 v3, v1;
	v2 =	vmul.f32 v3, v2  }
0xb2: {  	v10 =	vmov s11;
	v6 =	vmul.f32 v3, v6;
	v7 =	vmul.f32 v3, v7  }
0xb3: {  	v10 =	vand.u32 $0x7E, v10;
	v5 =	vmul.f32 v3, v5;
	[tilespmem:s13+$0x0] =	vst v1;
	v8 =	vmul.f32 v3, v8  }
0xb4: {  	v10 =	vor.u32 $0x480, v10;
	v1 =	vld [tilespmem:s15+$0x0];
	[tilespmem:s13+$0x30] =	vst v6;
	v6 =	vmul.f32 v3, v9;
	v3 =	vmul.f32 v3, v4  }
0xb5: {  	v4 =	vbroadcast v10, $0x0;
	[tilespmem:s13+$0x40] =	vst v8  }
0xb6: {  	v8 =	vld [tilespmem:s15+$0xFFFFFFD0];
	[tilespmem:s13+$0x50] =	vst v5  }
0xb7: {  	v5 =	vld [tilespmem:s15+$0xFFFFFFC0];
	[tilespmem:s13+$0x20] =	vst v7  }
0xb8: {  	v7 =	vld [tilespmem:s15+$0xFFFFFFB0];
	[tilespmem:s13+$0x70] =	vst v3  }
0xb9: {  	v3 =	vld [tilespmem:s15+$0xFFFFFFE0];
	[tilespmem:s13+$0x10] =	vst v2  }
0xba: {  	v9 =	vld [tilespmem:s15+$0xFFFFFFF0];
	[tilespmem:s13+$0x60] =	vst v6;
	s13 =	smov.u32 s15  }
0xbb: {  	v4 =	vld.idx.msk [tilespmem:v4+s18+$0x0], $0xffff  }
0xbc: {  	v6 =	vld [tilespmem:s15+$0xFFFFFF80]  }
0xbd: {  	v10 =	vld [tilespmem:s15+$0xFFFFFFA0]  }
0xbe: {  	v11 =	vld [tilespmem:s15+$0xFFFFFF90]  }
0xbf: {  	v2 =	vld [tilespmem:s15+$0x10];
	_ =	sdelay $0x1  }
0xc0: {  	v9 =	vmul.f32 v4, v9;
	v6 =	vmul.f32 v4, v6  }
0xc1: {  	v12 =	vmov s7;
	v3 =	vmul.f32 v4, v3;
	v10 =	vmul.f32 v4, v10  }
0xc2: {  	v7 =	vmul.f32 v4, v7;
	v11 =	vmul.f32 v4, v11;
	[tilespmem:s15+$0xFFFFFFF0] =	vst v9;
	v9 =	vand.u32 $0x7F, v12  }
0xc3: {  	[tilespmem:s15+$0xFFFFFF80] =	vst v6;
	v6 =	vmul.f32 v4, v5;
	v4 =	vmul.f32 v4, v8;
	v5 =	vor.u32 $0x480, v9  }
0xc4: {  	[tilespmem:s15+$0xFFFFFFA0] =	vst v10;
	v8 =	vbroadcast v5, $0x0  }
0xc5: {  	[tilespmem:s15+$0xFFFFFFB0] =	vst v7  }
.Ltmp2:
0xc6: {  	[tilespmem:s15+$0xFFFFFFD0] =	vst v4;
	(pc) =	sbr.rel @p0 .LBB2_7-.Ltmp2, $4  }
0xc7: {  	[tilespmem:s15+$0xFFFFFF90] =	vst v11  }
0xc8: {  	[tilespmem:s15+$0xFFFFFFE0] =	vst v3;
	v5 =	vld [tilespmem:s15+$0x50]  }
0xc9: {  	[tilespmem:s15+$0xFFFFFFC0] =	vst v6;
	v4 =	vld [tilespmem:s15+$0x70]  }
0xca: {  	v3 =	vld.idx.msk [tilespmem:v8+s18+$0x0], $0xffff  }
0xcb: {  	_ = 	snop  }
0xcc: {  	v7 =	vld [tilespmem:s13+$0x40]  }
0xcd: {  	v6 =	vld [tilespmem:s13+$0x30];
	_ =	sdelay $0x1  }
0xce: {  	v1 =	vmul.f32 v3, v1  }
0xcf: {  	v8 =	vld [tilespmem:s13+$0x20];
	v5 =	vmul.f32 v3, v5  }
0xd0: {  	v9 =	vld [tilespmem:s13+$0x60];
	[tilespmem:s13+$0x0] =	vst v1;
	v1 =	vmul.f32 v3, v7  }
0xd1: {  	v6 =	vmul.f32 v3, v6;
	[tilespmem:s13+$0x50] =	vst v5  }
0xd2: {  	[tilespmem:s13+$0x40] =	vst v1;
	v1 =	vmul.f32 v3, v4  }
0xd3: {  	s7 =	simm.s32 $0x0;
	v2 =	vmul.f32 v3, v2;
	[tilespmem:s13+$0x30] =	vst v6  }
0xd4: {  	v6 =	vmul.f32 v3, v8;
	[tilespmem:s13+$0x70] =	vst v1;
	v1 =	vmov s7  }
0xd5: {  	[tilespmem:s13+$0x10] =	vst v2;
	v3 =	vmul.f32 v3, v9;
	v1 =	vand.u32 $0x7E, v1  }
0xd6: {  	[tilespmem:s13+$0x20] =	vst v6;
	v1 =	vor.u32 $0x500, v1  }
0xd7: {  	[tilespmem:s13+$0x60] =	vst v3;
	v2 =	vbroadcast v1, $0x0  }
0xd8: {  	[spmem:s1] =	stream.indirect.scatter.add.f32 [tilespmem:s21], [sflag:$0x6], $0x80, s29, s19, $0xb8;
	[tilespmem:$0x1E800] =	vst v63  }
0xd9: {  	_ =	swait.ge [sflag:s30], $0x2800  }
0xda: {  	[sflag:s30] =	ssyncset.done $0x0  }
0xdb: {  	s13 =	simm.s32 $0x19880;
	[sflag:s30] =	ssyncadd.s32 $0xFFFFD800  }
0xdc: {  	v5 =	vld [tilespmem:s13+$0xFFFFFFF0]  }
0xdd: {  	v6 =	vld.idx.msk [tilespmem:v2+s18+$0x0], $0xffff  }
0xde: {  	v7 =	vld [tilespmem:s13+$0xFFFFFF80]  }
0xdf: {  	v61 =	vld [tilespmem:s13+$0xFFFFFFA0]  }
0xe0: {  	v62 =	vld [tilespmem:s13+$0xFFFFFFB0]  }
0xe1: {  	v3 =	vld [tilespmem:s13+$0xFFFFFFD0]  }
0xe2: {  	s15 =	simm.s32 $0x1;
	v10 =	vld [tilespmem:s13+$0xFFFFFFE0];
	v5 =	vmul.f32 v6, v5  }
0xe3: {  	v12 =	vmov s15;
	v4 =	vld [tilespmem:s13+$0xFFFFFFC0];
	v7 =	vmul.f32 v6, v7  }
0xe4: {  	v11 =	vld [tilespmem:s13+$0xFFFFFF90];
	v8 =	vmul.f32 v6, v61;
	[tilespmem:s13+$0xFFFFFFF0] =	vst v5;
	v5 =	vand.u32 $0x7F, v12  }
0xe5: {  	v9 =	vmul.f32 v6, v62;
	[tilespmem:s13+$0xFFFFFF80] =	vst v7;
	v5 =	vor.u32 $0x500, v5  }
0xe6: {  	v3 =	vmul.f32 v6, v3;
	[tilespmem:s13+$0xFFFFFFA0] =	vst v8;
	v7 =	vbroadcast v5, $0x0  }
0xe7: {  	v63 =	vmul.f32 v6, v10;
	[tilespmem:s13+$0xFFFFFFB0] =	vst v9  }
0xe8: {  	v1 =	vld [tilespmem:s13+$0x0];
	[tilespmem:s13+$0xFFFFFFD0] =	vst v3;
	v3 =	vmul.f32 v6, v4  }
0xe9: {  	v2 =	vld [tilespmem:s13+$0x10];
	[tilespmem:s13+$0xFFFFFFE0] =	vst v63;
	v5 =	vmul.f32 v6, v11  }
0xea: {  	v4 =	vld [tilespmem:s13+$0x70];
	[tilespmem:s13+$0xFFFFFFC0] =	vst v3  }
0xeb: {  	[tilespmem:s13+$0xFFFFFF90] =	vst v5;
	v5 =	vld [tilespmem:s13+$0x50]  }
0xec: {  	s14 =	simm.s32 $0x3;
	s15 =	simm.s32 $0x19880;
	v3 =	vld.idx.msk [tilespmem:v7+s18+$0x0], $0xffff  }
.LBB2_9:
0xed: {  	p0 =	sne.s32 s14, $0x4F  }
0xee: {  	v6 =	vld [tilespmem:s13+$0x30];
	s15 =	sadd.s32 $0x100, s15;
	s7 =	smov.u32 s14;
	s14 =	sadd.s32 $0x2, s14  }
0xef: {  	v7 =	vld [tilespmem:s13+$0x20]  }
0xf0: {  	v8 =	vld [tilespmem:s13+$0x40]  }
0xf1: {  	v9 =	vld [tilespmem:s13+$0x60];
	_ =	sdelay $0x1  }
0xf2: {  	s11 =	sadd.s32 $0xFFFFFFFF, s7;
	v1 =	vmul.f32 v3, v1;
	v2 =	vmul.f32 v3, v2  }
0xf3: {  	v10 =	vmov s11;
	v6 =	vmul.f32 v3, v6;
	v7 =	vmul.f32 v3, v7  }
0xf4: {  	v10 =	vand.u32 $0x7E, v10;
	v5 =	vmul.f32 v3, v5;
	[tilespmem:s13+$0x0] =	vst v1;
	v8 =	vmul.f32 v3, v8  }
0xf5: {  	v10 =	vor.u32 $0x500, v10;
	v1 =	vld [tilespmem:s15+$0x0];
	[tilespmem:s13+$0x30] =	vst v6;
	v6 =	vmul.f32 v3, v9;
	v3 =	vmul.f32 v3, v4  }
0xf6: {  	v4 =	vbroadcast v10, $0x0;
	[tilespmem:s13+$0x40] =	vst v8  }
0xf7: {  	v8 =	vld [tilespmem:s15+$0xFFFFFFD0];
	[tilespmem:s13+$0x50] =	vst v5  }
0xf8: {  	v5 =	vld [tilespmem:s15+$0xFFFFFFC0];
	[tilespmem:s13+$0x20] =	vst v7  }
0xf9: {  	v7 =	vld [tilespmem:s15+$0xFFFFFFB0];
	[tilespmem:s13+$0x70] =	vst v3  }
0xfa: {  	v3 =	vld [tilespmem:s15+$0xFFFFFFE0];
	[tilespmem:s13+$0x10] =	vst v2  }
0xfb: {  	v9 =	vld [tilespmem:s15+$0xFFFFFFF0];
	[tilespmem:s13+$0x60] =	vst v6;
	s13 =	smov.u32 s15  }
0xfc: {  	v4 =	vld.idx.msk [tilespmem:v4+s18+$0x0], $0xffff  }
0xfd: {  	v6 =	vld [tilespmem:s15+$0xFFFFFF80]  }
0xfe: {  	v10 =	vld [tilespmem:s15+$0xFFFFFFA0]  }
0xff: {  	v11 =	vld [tilespmem:s15+$0xFFFFFF90]  }
0x100: {  	v2 =	vld [tilespmem:s15+$0x10];
	_ =	sdelay $0x1  }
0x101: {  	v9 =	vmul.f32 v4, v9;
	v6 =	vmul.f32 v4, v6  }
0x102: {  	v12 =	vmov s7;
	v3 =	vmul.f32 v4, v3;
	v10 =	vmul.f32 v4, v10  }
0x103: {  	v7 =	vmul.f32 v4, v7;
	v11 =	vmul.f32 v4, v11;
	[tilespmem:s15+$0xFFFFFFF0] =	vst v9;
	v9 =	vand.u32 $0x7F, v12  }
0x104: {  	[tilespmem:s15+$0xFFFFFF80] =	vst v6;
	v6 =	vmul.f32 v4, v5;
	v4 =	vmul.f32 v4, v8;
	v5 =	vor.u32 $0x500, v9  }
0x105: {  	[tilespmem:s15+$0xFFFFFFA0] =	vst v10;
	v8 =	vbroadcast v5, $0x0  }
0x106: {  	[tilespmem:s15+$0xFFFFFFB0] =	vst v7  }
.Ltmp3:
0x107: {  	[tilespmem:s15+$0xFFFFFFD0] =	vst v4;
	(pc) =	sbr.rel @p0 .LBB2_9-.Ltmp3, $4  }
0x108: {  	[tilespmem:s15+$0xFFFFFF90] =	vst v11  }
0x109: {  	[tilespmem:s15+$0xFFFFFFE0] =	vst v3;
	v5 =	vld [tilespmem:s15+$0x50]  }
0x10a: {  	[tilespmem:s15+$0xFFFFFFC0] =	vst v6;
	v4 =	vld [tilespmem:s15+$0x70]  }
0x10b: {  	v3 =	vld.idx.msk [tilespmem:v8+s18+$0x0], $0xffff  }
0x10c: {  	_ = 	snop  }
0x10d: {  	v7 =	vld [tilespmem:s13+$0x40]  }
0x10e: {  	v6 =	vld [tilespmem:s13+$0x30];
	_ =	sdelay $0x1  }
0x10f: {  	v1 =	vmul.f32 v3, v1  }
0x110: {  	v8 =	vld [tilespmem:s13+$0x20];
	v5 =	vmul.f32 v3, v5  }
0x111: {  	v9 =	vld [tilespmem:s13+$0x60];
	[tilespmem:s13+$0x0] =	vst v1;
	v1 =	vmul.f32 v3, v7  }
0x112: {  	v6 =	vmul.f32 v3, v6;
	[tilespmem:s13+$0x50] =	vst v5  }
0x113: {  	[tilespmem:s13+$0x40] =	vst v1;
	v1 =	vmul.f32 v3, v4  }
0x114: {  	s7 =	simm.s32 $0x0;
	v2 =	vmul.f32 v3, v2;
	[tilespmem:s13+$0x30] =	vst v6  }
0x115: {  	v6 =	vmul.f32 v3, v8;
	[tilespmem:s13+$0x70] =	vst v1;
	v1 =	vmov s7  }
0x116: {  	[tilespmem:s13+$0x10] =	vst v2;
	v3 =	vmul.f32 v3, v9;
	v1 =	vand.u32 $0x7E, v1  }
0x117: {  	[tilespmem:s13+$0x20] =	vst v6;
	v1 =	vor.u32 $0x580, v1  }
0x118: {  	[tilespmem:s13+$0x60] =	vst v3;
	v2 =	vbroadcast v1, $0x0  }
0x119: {  	[spmem:s1] =	stream.indirect.scatter.add.f32 [tilespmem:s23], [sflag:$0x7], $0x80, s31, s19, $0xb8;
	[tilespmem:$0x1E800] =	vst v63  }
0x11a: {  	_ =	swait.ge [sflag:s0], $0x2800  }
0x11b: {  	[sflag:s0] =	ssyncset.done $0x0  }
0x11c: {  	s13 =	simm.s32 $0x1C080;
	[sflag:s0] =	ssyncadd.s32 $0xFFFFD800  }
0x11d: {  	v5 =	vld [tilespmem:s13+$0xFFFFFFF0]  }
0x11e: {  	v6 =	vld.idx.msk [tilespmem:v2+s18+$0x0], $0xffff  }
0x11f: {  	v7 =	vld [tilespmem:s13+$0xFFFFFF80]  }
0x120: {  	v61 =	vld [tilespmem:s13+$0xFFFFFFA0]  }
0x121: {  	v62 =	vld [tilespmem:s13+$0xFFFFFFB0]  }
0x122: {  	v3 =	vld [tilespmem:s13+$0xFFFFFFD0]  }
0x123: {  	s15 =	simm.s32 $0x1;
	v10 =	vld [tilespmem:s13+$0xFFFFFFE0];
	v5 =	vmul.f32 v6, v5  }
0x124: {  	v12 =	vmov s15;
	v4 =	vld [tilespmem:s13+$0xFFFFFFC0];
	v7 =	vmul.f32 v6, v7  }
0x125: {  	v11 =	vld [tilespmem:s13+$0xFFFFFF90];
	v8 =	vmul.f32 v6, v61;
	[tilespmem:s13+$0xFFFFFFF0] =	vst v5;
	v5 =	vand.u32 $0x7F, v12  }
0x126: {  	v9 =	vmul.f32 v6, v62;
	[tilespmem:s13+$0xFFFFFF80] =	vst v7;
	v5 =	vor.u32 $0x580, v5  }
0x127: {  	v3 =	vmul.f32 v6, v3;
	[tilespmem:s13+$0xFFFFFFA0] =	vst v8;
	v7 =	vbroadcast v5, $0x0  }
0x128: {  	v63 =	vmul.f32 v6, v10;
	[tilespmem:s13+$0xFFFFFFB0] =	vst v9  }
0x129: {  	v1 =	vld [tilespmem:s13+$0x0];
	[tilespmem:s13+$0xFFFFFFD0] =	vst v3;
	v3 =	vmul.f32 v6, v4  }
0x12a: {  	v2 =	vld [tilespmem:s13+$0x10];
	[tilespmem:s13+$0xFFFFFFE0] =	vst v63;
	v5 =	vmul.f32 v6, v11  }
0x12b: {  	v4 =	vld [tilespmem:s13+$0x70];
	[tilespmem:s13+$0xFFFFFFC0] =	vst v3  }
0x12c: {  	[tilespmem:s13+$0xFFFFFF90] =	vst v5;
	v5 =	vld [tilespmem:s13+$0x50]  }
0x12d: {  	s14 =	simm.s32 $0x3;
	s15 =	simm.s32 $0x1C080;
	v3 =	vld.idx.msk [tilespmem:v7+s18+$0x0], $0xffff  }
.LBB2_11:
0x12e: {  	p0 =	sne.s32 s14, $0x4F  }
0x12f: {  	v6 =	vld [tilespmem:s13+$0x30];
	s15 =	sadd.s32 $0x100, s15;
	s7 =	smov.u32 s14;
	s14 =	sadd.s32 $0x2, s14  }
0x130: {  	v7 =	vld [tilespmem:s13+$0x20]  }
0x131: {  	v8 =	vld [tilespmem:s13+$0x40]  }
0x132: {  	v9 =	vld [tilespmem:s13+$0x60];
	_ =	sdelay $0x1  }
0x133: {  	s11 =	sadd.s32 $0xFFFFFFFF, s7;
	v1 =	vmul.f32 v3, v1;
	v2 =	vmul.f32 v3, v2  }
0x134: {  	v10 =	vmov s11;
	v6 =	vmul.f32 v3, v6;
	v7 =	vmul.f32 v3, v7  }
0x135: {  	v10 =	vand.u32 $0x7E, v10;
	v5 =	vmul.f32 v3, v5;
	[tilespmem:s13+$0x0] =	vst v1;
	v8 =	vmul.f32 v3, v8  }
0x136: {  	v10 =	vor.u32 $0x580, v10;
	v1 =	vld [tilespmem:s15+$0x0];
	[tilespmem:s13+$0x30] =	vst v6;
	v6 =	vmul.f32 v3, v9;
	v3 =	vmul.f32 v3, v4  }
0x137: {  	v4 =	vbroadcast v10, $0x0;
	[tilespmem:s13+$0x40] =	vst v8  }
0x138: {  	v8 =	vld [tilespmem:s15+$0xFFFFFFD0];
	[tilespmem:s13+$0x50] =	vst v5  }
0x139: {  	v5 =	vld [tilespmem:s15+$0xFFFFFFC0];
	[tilespmem:s13+$0x20] =	vst v7  }
0x13a: {  	v7 =	vld [tilespmem:s15+$0xFFFFFFB0];
	[tilespmem:s13+$0x70] =	vst v3  }
0x13b: {  	v3 =	vld [tilespmem:s15+$0xFFFFFFE0];
	[tilespmem:s13+$0x10] =	vst v2  }
0x13c: {  	v9 =	vld [tilespmem:s15+$0xFFFFFFF0];
	[tilespmem:s13+$0x60] =	vst v6;
	s13 =	smov.u32 s15  }
0x13d: {  	v4 =	vld.idx.msk [tilespmem:v4+s18+$0x0], $0xffff  }
0x13e: {  	v6 =	vld [tilespmem:s15+$0xFFFFFF80]  }
0x13f: {  	v10 =	vld [tilespmem:s15+$0xFFFFFFA0]  }
0x140: {  	v11 =	vld [tilespmem:s15+$0xFFFFFF90]  }
0x141: {  	v2 =	vld [tilespmem:s15+$0x10];
	_ =	sdelay $0x1  }
0x142: {  	v9 =	vmul.f32 v4, v9;
	v6 =	vmul.f32 v4, v6  }
0x143: {  	v12 =	vmov s7;
	v3 =	vmul.f32 v4, v3;
	v10 =	vmul.f32 v4, v10  }
0x144: {  	v7 =	vmul.f32 v4, v7;
	v11 =	vmul.f32 v4, v11;
	[tilespmem:s15+$0xFFFFFFF0] =	vst v9;
	v9 =	vand.u32 $0x7F, v12  }
0x145: {  	[tilespmem:s15+$0xFFFFFF80] =	vst v6;
	v6 =	vmul.f32 v4, v5;
	v4 =	vmul.f32 v4, v8;
	v5 =	vor.u32 $0x580, v9  }
0x146: {  	[tilespmem:s15+$0xFFFFFFA0] =	vst v10;
	v8 =	vbroadcast v5, $0x0  }
0x147: {  	[tilespmem:s15+$0xFFFFFFB0] =	vst v7  }
.Ltmp4:
0x148: {  	[tilespmem:s15+$0xFFFFFFD0] =	vst v4;
	(pc) =	sbr.rel @p0 .LBB2_11-.Ltmp4, $4  }
0x149: {  	[tilespmem:s15+$0xFFFFFF90] =	vst v11  }
0x14a: {  	[tilespmem:s15+$0xFFFFFFE0] =	vst v3;
	v5 =	vld [tilespmem:s15+$0x50]  }
0x14b: {  	[tilespmem:s15+$0xFFFFFFC0] =	vst v6;
	v4 =	vld [tilespmem:s15+$0x70]  }
0x14c: {  	v3 =	vld.idx.msk [tilespmem:v8+s18+$0x0], $0xffff  }
0x14d: {  	_ =	sdelay $0x1  }
0x14e: {  	v6 =	vld [tilespmem:s13+$0x30]  }
0x14f: {  	v7 =	vld [tilespmem:s13+$0x40]  }
0x150: {  	v8 =	vld [tilespmem:s13+$0x20];
	v1 =	vmul.f32 v3, v1  }
0x151: {  	v5 =	vmul.f32 v3, v5  }
0x152: {  	v9 =	vld [tilespmem:s13+$0x60];
	v2 =	vmul.f32 v3, v2;
	[tilespmem:s13+$0x0] =	vst v1  }
0x153: {  	v6 =	vmul.f32 v3, v6;
	[tilespmem:s13+$0x50] =	vst v5  }
0x154: {  	v1 =	vmul.f32 v3, v7;
	[tilespmem:s13+$0x10] =	vst v2  }
0x155: {  	v63 =	vmul.f32 v3, v8;
	[tilespmem:s13+$0x30] =	vst v6  }
0x156: {  	[tilespmem:s13+$0x40] =	vst v1;
	v1 =	vmul.f32 v3, v4  }
0x157: {  	[tilespmem:s13+$0x20] =	vst v63;
	v3 =	vmul.f32 v3, v9  }
0x158: {  	[tilespmem:s13+$0x70] =	vst v1  }
0x159: {  	[tilespmem:s13+$0x60] =	vst v3  }
0x15a: {  	[spmem:s1] =	stream.indirect.scatter.add.f32 [tilespmem:s25], [sflag:$0x8], $0x80, s2, s19, $0xb8;
	[tilespmem:$0x1E800] =	vst v63  }
0x15b: {  	_ =	swait.ge [sflag:s6], $0x2800  }
0x15c: {  	[sflag:s6] =	ssyncset.done $0x0  }
0x15d: {  	[sflag:s6] =	ssyncadd.s32 $0xFFFFD800  }
0x15e: {  	_ =	swait.ge [sflag:s8], $0x2800  }
0x15f: {  	[sflag:s8] =	ssyncset.done $0x0  }
0x160: {  	s12 =	sadd.s32 $0x1, s12;
	[sflag:s8] =	ssyncadd.s32 $0xFFFFD800  }
0x161: {  	p0 =	sne.s32 s12, $0x20;
	_ =	swait.ge [sflag:s9], $0x2800  }
.Ltmp5:
0x162: {  	[sflag:s9] =	ssyncset.done $0x0;
	(pc) =	sbr.rel @p0 .LBB2_4-.Ltmp5, $4  }
0x163: {  	[sflag:s9] =	ssyncadd.s32 $0xFFFFD800  }
0x164: {  	_ =	swait.ge [sflag:s10], $0x2800  }
0x165: {  	[sflag:s10] =	ssyncset.done $0x0  }
0x166: {  	[sflag:s10] =	ssyncadd.s32 $0xFFFFD800  }
0x167: {  	s7 =	stileid.u32;
	[bflag:$0x0] =	sbarrier.arrive $0xFFFF  }
0x168: {  	s7 =	sshll.u32 s7, $0x6;
	s13 =	rddreg [dreg:$0x4]  }
0x169: {  	s12 =	rddreg [dreg:$0x3];
	s7 =	sor.u32 $0x1C09, s7;
	s11 =	sshrl.u32 s13, $0x3  }
0x16a: {  	[hbm:s12], [sflag:s7] =	dma.local [spmem:s11], $0x2800  }
0x16b: {  	_ =	swait.ge [sflag:s17], $0x2800  }
0x16c: {  	s14 =	rddreg [dreg:$0xd]  }
0x16d: {  	s15 =	rddreg [dreg:$0x5];
	s11 =	sadd.s32 $0x1, s14  }
0x16e: {  	p0 =	sne.s32 s11, s15  }
.Ltmp6:
0x16f: {  	_ = 	snop;
	(pc) =	sbr.rel @p0 .LBB2_1-.Ltmp6, $3  }
0x170: {  	_ =	sdelay $0x1  }
0x171: {  	[sflag:s17] =	ssyncset.done $0x0  }
0x172: {  	[sflag:s17] =	ssyncadd.s32 $0xFFFFD800  }
0x173: {  	_ =	sfence.sel $0x180000  }
0x174: {  	[bflag:$0x0] =	sbarrier.arrive $0xFFFF  }
0x175: {  	_ =	strace $0x9000004D  }
0x176: {  	s0 =	stileid.u32;
	[bflag:$0x2] =	sbarrier.arrive $0xFFFF  }
0x177: {  	p0 =	sne.s32 s0, $0x0;
	s0 =	rddreg [dreg:$0x2]  }
0x178: {  	s0 =	sadd.s32 @!p0 $0x100000, s0  }
0x179: {  	[sflag:s0] =	ssyncadd.tile.s32 @!p0 $0x1;
	_ =	shalt  }
.Lfunc_end2:
_tile_overlayer_lowered:
.L_overlay_start_2:
0x17a: {  	(tag) =	ssettag $0x2  }
0x17b: {  	s0 =	rddreg [dreg:$0x0];
	s2 =	stileid.u32  }
0x17c: {  	s1 =	rddreg [dreg:$0x1];
	p0 =	sne.s32 s2, $0x0  }
0x17d: {  	s3 =	rddreg [dreg:$0x2];
	[bflag:$0x3] =	sbarrier.arrive $0xFFFF;
	s2 =	simm.s32 @!p0 $0x1C09  }
0x17e: {  	[timem:s3], [sflag:s2] =	dma.local @!p0 [hbm:s0], s1  }
0x17f: {  	s0 =	simm.s32 @!p0 $0x9  }
0x180: {  	_ =	swait.ge @!p0 [sflag:s0], s1  }
0x181: {  	s1 =	ssub.s32 @!p0 $0x0, s1;
	[sflag:s0] =	ssyncset.done @!p0 $0x0  }
0x182: {  	[sflag:s0] =	ssyncadd.s32 @!p0 s1  }
0x183: {  	[bflag:$0x3] =	sbarrier.arrive $0xFFFF  }
0x184: {  	_ =	shalt  }

// kernel: kernel.19.cloned.1.call-start
scs
__scs_entry_jumppad:
0x0: {  	(pc) =	sbr.rel $0x88, $3  }
0x1: {  	(tag) =	ssettag $0x0;
	lr =	simm.s32 $0x1  }
0x2: {  	[smem:$0x3F9C] =	sst lr;
	_ =	strace $0xD0000000  }
0x3: {  	_ = 	snop  }
0x4: {  	_ = 	snop  }
0x5: {  	_ = 	snop  }
0x6: {  	_ = 	snop  }
0x7: {  	_ = 	snop  }
__scs_overlays_trampoline_lowered:
0x8: {  	[smem:$0x3FAB] =	sst s0  }
0x9: {  	[smem:$0x3FAC] =	sst s1  }
0xa: {  	[smem:$0x3FAD] =	sst s2  }
0xb: {  	[smem:$0x3FAE] =	sst s3  }
0xc: {  	[smem:$0x3FAF] =	sst s4  }
0xd: {  	[smem:$0x3FB0] =	sst s5  }
0xe: {  	[smem:$0x3FB1] =	sst s6  }
0xf: {  	[smem:$0x3FB2] =	sst s7  }
0x10: {  	[smem:$0x3FB3] =	sst s8  }
0x11: {  	[smem:$0x3FB4] =	sst s9;
	s0 =	simm.s32 @!p0 $0x0  }
0x12: {  	s1 =	sld [smem:$0x3F9A];
	s0 =	simm.s32 @p0 $0x1  }
0x13: {  	[smem:$0x3FB5] =	sst s0;
	s0 =	simm.s32 @!p1 $0x0  }
0x14: {  	s2 =	sld [smem:$0x3F99];
	s0 =	simm.s32 @p1 $0x1  }
0x15: {  	[smem:$0x3FB6] =	sst s0;
	s0 =	simm.s32 @!p2 $0x0  }
0x16: {  	s3 =	sld [smem:$0x3FDB];
	s0 =	simm.s32 @p2 $0x1  }
0x17: {  	s4 =	simm.s32 $0x1BF5;
	[smem:$0x3FB8] =	sst s0  }
0x18: {  	s0 =	sld [smem:$0x3F9B];
	_ =	swait.ge [sflag:s4], $0x0  }
0x19: {  	s7 =	sld [smem:$0x3F9C]  }
0x1a: {  	s8 =	sadd.s32 $0xFFFFE003, lr  }
0x1b: {  	s9 =	sadd.s32 $0xFFFFFEF7, lr;
	s5 =	simm.s32 $0xFFFFFFFF;
	p2 =	slt.u32 s8, $0xFFFFF086  }
0x1c: {  	p1 =	slt.u32 s9, $0xF7A;
	s5 =	simm.s32 @!p2 $0x0  }
0x1d: {  	s5 =	simm.s32 @p1 $0x1;
	p0 =	seq.s32 s7, s2  }
0x1e: {  	s7 =	smul.u32 @!p0 $0xF7A, s2;
	p2 =	seq.s32 @!p0 s5, $0x0  }
0x1f: {  	s9 =	smul.u32 $0xF7A, s1;
	s8 =	simm.s32 @!p0 $0x1BF5;
	p2 =	por !p2, p0  }
0x20: {  	[sflag:s8] =	ssyncset.s32 @!p0 $0xFFFFF086;
	s6 =	sadd.s32 @!p0 s3, s7;
	s7 =	simm.s32 @!p0 $0x108  }
0x21: {  	s3 =	sadd.s32 s3, s9;
	s6 =	sadd.s32 @!p0 $0x88, s6;
	s7 =	simm.s32 @p2 $0x1082  }
0x22: {  	[simem:s7], [sflag:s8] =	dma.local @!p0 [hbm:s6], $0xF7A  }
0x23: {  	s9 =	sor.u32 $0xD0000000, s2;
	s6 =	simm.s32 $0x108;
	_ =	swait.ge @!p0 [sflag:s8], $0x0  }
0x24: {  	s3 =	sadd.s32 $0x88, s3;
	s6 =	simm.s32 @!p1 $0x1082;
	[sflag:s4] =	ssyncset.s32 $0xFFFFF086  }
0x25: {  	[simem:s6], [sflag:s4] =	dma.local [hbm:s3], $0xF7A  }
0x26: {  	[smem:$0x3F9C] =	sst s1;
	(tag) =	ssettag s2;
	_ =	strace s9  }
0x27: {  	s1 =	sld [smem:$0x3FAC]  }
0x28: {  	s2 =	sld [smem:$0x3FAD]  }
0x29: {  	s4 =	sld [smem:$0x3FAF]  }
0x2a: {  	p0 =	seq.s32 s5, $0x0;
	s5 =	sld [smem:$0x3FB0]  }
0x2b: {  	s6 =	sld [smem:$0x3FB1]  }
0x2c: {  	s7 =	sld [smem:$0x3FB2]  }
0x2d: {  	s3 =	simm.s32 $0x108;
	s8 =	sld [smem:$0x3FB3]  }
0x2e: {  	s3 =	simm.s32 @!p0 $0x1082;
	s9 =	sld [smem:$0x3FB4]  }
0x2f: {  	lr =	sadd.s32 s0, s3;
	s0 =	sld [smem:$0x3FAB]  }
0x30: {  	s3 =	sld [smem:$0x3FAE]  }
0x31: {  	[smem:$0x3FB7] =	sst s10  }
0x32: {  	s10 =	sld [smem:$0x3FB5];
	_ =	sdelay $0x3  }
0x33: {  	p0 =	seq.s32 s10, $0x1;
	s10 =	sld [smem:$0x3FB7];
	_ =	sdelay $0x3  }
0x34: {  	[smem:$0x3FB7] =	sst s10  }
0x35: {  	s10 =	sld [smem:$0x3FB6];
	_ =	sdelay $0x3  }
0x36: {  	p1 =	seq.s32 s10, $0x1;
	s10 =	sld [smem:$0x3FB7];
	_ =	sdelay $0x3  }
0x37: {  	[smem:$0x3FB7] =	sst s10  }
0x38: {  	s10 =	sld [smem:$0x3FB8]  }
0x39: {  	_ = 	snop;
	(pc) =	sbr.ind lr, $3  }
0x3a: {  	_ = 	snop  }
0x3b: {  	_ = 	snop  }
0x3c: {  	p2 =	seq.s32 s10, $0x1;
	s10 =	sld [smem:$0x3FB7]  }
0x3d: {  	_ =	shalt  }
0x3e: {  	_ =	shalt  }
0x3f: {  	_ =	shalt  }
0x40: {  	_ =	shalt  }
0x41: {  	_ =	shalt  }
0x42: {  	_ =	shalt  }
0x43: {  	_ =	shalt  }
0x44: {  	_ =	shalt  }
0x45: {  	_ =	shalt  }
0x46: {  	_ =	shalt  }
0x47: {  	_ =	shalt  }
0x48: {  	_ =	shalt  }
0x49: {  	_ =	shalt  }
0x4a: {  	_ =	shalt  }
0x4b: {  	_ =	shalt  }
0x4c: {  	_ =	shalt  }
0x4d: {  	_ =	shalt  }
0x4e: {  	_ =	shalt  }
0x4f: {  	_ =	shalt  }
0x50: {  	_ =	shalt  }
0x51: {  	_ =	shalt  }
0x52: {  	_ =	shalt  }
0x53: {  	_ =	shalt  }
0x54: {  	_ =	shalt  }
0x55: {  	_ =	shalt  }
0x56: {  	_ =	shalt  }
0x57: {  	_ =	shalt  }
0x58: {  	_ =	shalt  }
0x59: {  	_ =	shalt  }
0x5a: {  	_ =	shalt  }
0x5b: {  	_ =	shalt  }
0x5c: {  	_ =	shalt  }
0x5d: {  	_ =	shalt  }
0x5e: {  	_ =	shalt  }
0x5f: {  	_ =	shalt  }
0x60: {  	_ =	shalt  }
0x61: {  	_ =	shalt  }
0x62: {  	_ =	shalt  }
0x63: {  	_ =	shalt  }
0x64: {  	_ =	shalt  }
0x65: {  	_ =	shalt  }
0x66: {  	_ =	shalt  }
0x67: {  	_ =	shalt  }
0x68: {  	_ =	shalt  }
0x69: {  	_ =	shalt  }
0x6a: {  	_ =	shalt  }
0x6b: {  	_ =	shalt  }
0x6c: {  	_ =	shalt  }
0x6d: {  	_ =	shalt  }
0x6e: {  	_ =	shalt  }
0x6f: {  	_ =	shalt  }
0x70: {  	_ =	shalt  }
0x71: {  	_ =	shalt  }
0x72: {  	_ =	shalt  }
0x73: {  	_ =	shalt  }
0x74: {  	_ =	shalt  }
0x75: {  	_ =	shalt  }
0x76: {  	_ =	shalt  }
0x77: {  	_ =	shalt  }
0x78: {  	_ =	shalt  }
0x79: {  	_ =	shalt  }
0x7a: {  	_ =	shalt  }
0x7b: {  	_ =	shalt  }
0x7c: {  	_ =	shalt  }
0x7d: {  	_ =	shalt  }
0x7e: {  	_ =	shalt  }
0x7f: {  	_ =	shalt  }
0x80: {  	_ =	shalt  }
0x81: {  	_ =	shalt  }
0x82: {  	_ =	shalt  }
0x83: {  	_ =	shalt  }
0x84: {  	_ =	shalt  }
0x85: {  	_ =	shalt  }
0x86: {  	_ =	shalt  }
0x87: {  	_ =	shalt  }
.Lfunc_end0:
.L_simem_size_0:
called_computation.3_lowered:
.L_overlay_start_0:
0x88: {  	s2 =	sld [smem:$0x3FD9]  }
0x89: {  	s3 =	sld [smem:$0x3FFE];
	_ =	sdelay $0x1  }
0x8a: {  	s1 =	srdreg.scid  }
0x8b: {  	s0 =	sand.u32 $0x1, s1  }
0x8c: {  	s16 =	sshll.u32 s0, $0xA;
	s2 =	sadd.s32 s3, s2  }
0x8d: {  	s2 =	sadd.s32 s2, s16  }
0x8e: {  	[smem:$0x3FC3] =	sst s2  }
0x8f: {  	_ = 	snop  }
0x90: {  	(tm) =	ssettm $0x1  }
0x91: {  	s17 =	sld [smem:$0x3FFB];
	_ =	sdelay $0x3  }
0x92: {  	_ =	strace s17  }
0x93: {  	s2 =	sld [smem:$0x3FFC];
	_ =	sdelay $0x3  }
0x94: {  	_ =	strace s2  }
0x95: {  	s2 =	sld [smem:$0x3FFD];
	_ =	sdelay $0x3  }
0x96: {  	_ =	strace s2  }
0x97: {  	_ =	strace $0x8FFFFFFF  }
0x98: {  	s18 =	sld [smem:$0x3FDB];
	_ =	sdelay $0x1  }
0x99: {  	s19 =	simm.s32 $_scs_section_size  }
0x9a: {  	s4 =	simm.s32 $_size__tile_overlayer_lowered;
	s5 =	simm.s32 $_tile_overlayer_lowered  }
0x9b: {  	s22 =	simm.s32 $0x1BFF;
	s21 =	sshll.u32 s5, $0x1;
	s2 =	sadd.s32 s19, s18  }
0x9c: {  	s6 =	simm.s32 $0x0;
	s20 =	sshll.u32 s4, $0x1;
	s4 =	sadd.s32 s21, s2  }
0x9d: {  	[timem:s6], [sflag:s22] =	dma.local [hbm:s4], s20  }
0x9e: {  	_ =	swait.ge [sflag:s22], s20  }
0x9f: {  	s3 =	ssub.s32 $0x0, s20;
	[sflag:s22] =	ssyncset.done $0x0  }
0xa0: {  	[sflag:s22] =	ssyncadd.s32 s3;
	_ =	sdelay $0x1  }
0xa1: {  	s23 =	simm.s32 $0x1B8B  }
0xa2: {  	_ =	swait.ge [sflag:s23], $0x1  }
0xa3: {  	[sflag:s23] =	ssyncset.done $0x0  }
0xa4: {  	s25 =	simm.s32 $0x1B8E;
	s24 =	sld [smem:$0x3FFE];
	[sflag:s23] =	ssyncadd.s32 $0xFFFFFFFF  }
0xa5: {  	s26 =	simm.s32 $execute0_lowered;
	[smem:$0x3FD2] =	sst s25  }
0xa6: {  	s4 =	sshll.u32 s26, $0x1;
	_ =	strace $0x8000004F;
	[dreg:$0x1] =	wrdreg $0xFFFFFFFF  }
0xa7: {  	s28 =	simm.s32 $_size_execute0_lowered;
	s2 =	sadd.s32 s2, s4;
	[dreg:$0x0] =	wrdreg $0x0  }
0xa8: {  	s4 =	sshll.u32 s28, $0x1;
	[dreg:$0x2] =	wrdreg s2  }
0xa9: {  	[dreg:$0x3] =	wrdreg s4  }
0xaa: {  	[dreg:$0x4] =	wrdreg $0xC0  }
0xab: {  	_ =	task [dreg:s6], $0x5FFFF  }
0xac: {  	[dreg:$0x1] =	wrdreg $0xFFFFFFFF  }
0xad: {  	[dreg:$0x0] =	wrdreg $0x60  }
0xae: {  	[dreg:$0x2] =	wrdreg s24  }
0xaf: {  	[dreg:$0x3] =	wrdreg $0x0  }
0xb0: {  	[dreg:$0x4] =	wrdreg $0x9  }
0xb1: {  	_ =	task.clear_ibuf [dreg:s6], $0x5FFFF;
	_ =	strace $0x9000004F  }
0xb2: {  	s29 =	simm.s32 $0x9;
	_ =	strace $0x80000051  }
0xb3: {  	_ =	swait.ge [sflag:s29], $0x1  }
0xb4: {  	[sflag:s29] =	ssyncadd.s32 $0xFFFFFFFF  }
0xb5: {  	_ =	strace $0x90000051  }
0xb6: {  	_ =	sfence  }
0xb7: {  	s30 =	sld [smem:$0x0];
	_ =	sdelay $0x2  }
0xb8: {  	s31 =	sshll.u32 s1, $0xD;
	s1 =	sshrl.u32 s1, $0x2  }
0xb9: {  	s3 =	sand.u32 $0x4000, s31;
	s1 =	sadd.s32 s1, s30  }
0xba: {  	s0 =	sor.u32 s3, s0;
	s1 =	sshll.u32 s1, $0x11  }
0xbb: {  	s0 =	sor.u32 s1, s0  }
0xbc: {  	s0 =	sadd.s32 $0x8F2B, s0  }
0xbd: {  	[sflag:s0] =	ssyncadd.remote.s32 $0x1  }
0xbe: {  	_ =	sfence.sel $0xFFFF  }
0xbf: {  	[dreg:$0x0] =	wrdreg $0xFFFFFFFF;
	(pc) =	sbr.abs _section_cstart, $3  }
0xc0: {  	[dreg:$0x1] =	wrdreg $0xFFFFFFFF  }
0xc1: {  	_ =	task.clear_ibuf [dreg:s6], $0x2FFFF;
	_ =	strace $0x9FFFFFFF  }
0xc2: {  	(tm) =	ssettm $0x7FFFFFFF  }
0xc3: {  	_ =	shalt  }
tec
execute0_lowered:
.L_overlay_start_1:
0x0: {  	(tag) =	ssettag $0x1  }
0x1: {  	s0 =	rddreg [dreg:$0x0]  }
0x2: {  	s1 =	rddreg [dreg:$0x1];
	s2 =	srdreg.scid  }
0x3: {  	s3 =	simm.s32 $0x0;
	s8 =	stileid.u32;
	s28 =	simm.s32 $0x2  }
0x4: {  	s29 =	simm.s32 $0x14280;
	s30 =	simm.s32 $0x3;
	s31 =	simm.s32 $0x14300  }
0x5: {  	s9 =	simm.s32 $0x7;
	s10 =	simm.s32 $0x8;
	s11 =	simm.s32 $0x0  }
0x6: {  	s2 =	sand.u32 $0x1, s2;
	[smem:$0x7FF] =	sst s3;
	s6 =	smul.u32 $0x14000, s8  }
0x7: {  	s7 =	sshll.u32 s8, $0xD;
	s4 =	sadd.s32 $0x1A00, s0;
	s8 =	smul.u32 $0x50000, s8  }
0x8: {  	s5 =	smul.u32 $0x140000, s2;
	_ =	strace $0x80000050;
	s16 =	ssub.s32 $0x2, s2  }
0x9: {  	s7 =	sadd.s32 s7, s0;
	s17 =	sshrl.u32 s16, $0x1;
	s18 =	sshrl.u32 s8, $0x2  }
0xa: {  	s5 =	sadd.s32 s6, s5;
	s6 =	ssub.s32 s16, s17;
	s13 =	sadd.s32 s18, s1  }
0xb: {  	s2 =	sshll.u32 s2, $0x11;
	s19 =	smax.u32 s6, $0x1;
	[dreg:$0x4] =	wrdreg s13  }
0xc: {  	s2 =	sadd.s32 s2, s7;
	s20 =	sadd.s32 $0x2800, s13;
	[dreg:$0x5] =	wrdreg s19  }
0xd: {  	s8 =	simm.s32 $0x6;
	s21 =	sadd.s32 $0x5000, s13;
	[dreg:$0x6] =	wrdreg s20  }
0xe: {  	s16 =	simm.s32 $0x14800;
	s22 =	sadd.s32 $0x7800, s13;
	[dreg:$0x7] =	wrdreg s21  }
0xf: {  	s17 =	simm.s32 $0x9;
	s23 =	sadd.s32 $0xA000, s13;
	[dreg:$0x8] =	wrdreg s22  }
0x10: {  	s18 =	simm.s32 $0x14000;
	s24 =	sadd.s32 $0xC800, s13;
	[dreg:$0x9] =	wrdreg s23  }
0x11: {  	s5 =	sshrl.u32 s5, $0x3;
	s25 =	sadd.s32 $0xF000, s13;
	[dreg:$0xa] =	wrdreg s24  }
0x12: {  	s26 =	sadd.s32 $0x11800, s13;
	s6 =	simm.s32 $0x5;
	[dreg:$0xb] =	wrdreg s25  }
0x13: {  	s0 =	sadd.s32 s5, s0;
	s5 =	sadd.s32 $0x54000, s2;
	[dreg:$0xc] =	wrdreg s26  }
0x14: {  	s19 =	simm.s32 $0x50;
	s20 =	simm.s32 $0x14080;
	s21 =	simm.s32 $0x17000  }
0x15: {  	s22 =	simm.s32 $0x14100;
	s23 =	simm.s32 $0x19800;
	s24 =	simm.s32 $0x14180  }
0x16: {  	s25 =	simm.s32 $0x1C000;
	s26 =	simm.s32 $0x14200;
	s0 =	sadd.s32 $0x94000, s0  }
0x17: {  	v0 =	vimm.f32 $0.0e+00;
	s2 =	simm.s32 $0x14380;
	[dreg:$0x3] =	wrdreg s0;
	s0 =	simm.s32 $0x4  }
.LBB2_1:
0x18: {  	s7 =	simm.s32 $0x0;
	s12 =	simm.s32 $0x200  }
.LBB2_2:
0x19: {  	p0 =	sne.s32 s12, $0x9E00;
	[tilespmem:s7+$0x14870] =	vst v0  }
0x1a: {  	[tilespmem:s7+$0x14800] =	vst v0  }
0x1b: {  	[tilespmem:s7+$0x14810] =	vst v0  }
.Ltmp0:
0x1c: {  	[tilespmem:s7+$0x14820] =	vst v0;
	(pc) =	sbr.rel @p0 .LBB2_2-.Ltmp0, $4  }
0x1d: {  	[tilespmem:s7+$0x14830] =	vst v0  }
0x1e: {  	[tilespmem:s7+$0x14840] =	vst v0  }
0x1f: {  	[tilespmem:s7+$0x14850] =	vst v0  }
0x20: {  	[tilespmem:s7+$0x14860] =	vst v0;
	s7 =	sshra.s32 s12, $0x2;
	s12 =	sadd.s32 $0x200, s12  }
0x21: {  	[tilespmem:s7+$0x14870] =	vst v0  }
0x22: {  	[tilespmem:s7+$0x14800] =	vst v0  }
0x23: {  	[tilespmem:s7+$0x14810] =	vst v0  }
0x24: {  	[tilespmem:s7+$0x14820] =	vst v0  }
0x25: {  	[tilespmem:s7+$0x14830] =	vst v0  }
0x26: {  	[tilespmem:s7+$0x14840] =	vst v0  }
0x27: {  	[tilespmem:s7+$0x14850] =	vst v0  }
0x28: {  	[dreg:$0xd] =	wrdreg s11;
	[tilespmem:s7+$0x14860] =	vst v0  }
0x29: {  	[spmem:s13] =	stream.linear.scatter [tilespmem:s16], [sflag:$0x9], $0x2800, $0x38;
	[tilespmem:$0x1E800] =	vst v63  }
0x2a: {  	_ =	swait.ge [sflag:s17], $0x2800  }
0x2b: {  	[sflag:s17] =	ssyncset.done $0x0  }
0x2c: {  	s14 =	rddreg [dreg:$0x6];
	[sflag:s17] =	ssyncadd.s32 $0xFFFFD800  }
0x2d: {  	[spmem:s14] =	stream.linear.scatter [tilespmem:s16], [sflag:$0x9], $0x2800, $0x38;
	[tilespmem:$0x1E800] =	vst v63  }
0x2e: {  	_ =	swait.ge [sflag:s17], $0x2800  }
0x2f: {  	[sflag:s17] =	ssyncset.done $0x0  }
0x30: {  	s15 =	rddreg [dreg:$0x7];
	[sflag:s17] =	ssyncadd.s32 $0xFFFFD800  }
0x31: {  	[spmem:s15] =	stream.linear.scatter [tilespmem:s16], [sflag:$0x9], $0x2800, $0x38;
	[tilespmem:$0x1E800] =	vst v63  }
0x32: {  	_ =	swait.ge [sflag:s17], $0x2800  }
0x33: {  	[sflag:s17] =	ssyncset.done $0x0  }
0x34: {  	s11 =	rddreg [dreg:$0x8];
	[sflag:s17] =	ssyncadd.s32 $0xFFFFD800  }
0x35: {  	[spmem:s11] =	stream.linear.scatter [tilespmem:s16], [sflag:$0x9], $0x2800, $0x38;
	[tilespmem:$0x1E800] =	vst v63  }
0x36: {  	_ =	swait.ge [sflag:s17], $0x2800  }
0x37: {  	[sflag:s17] =	ssyncset.done $0x0  }
0x38: {  	s12 =	rddreg [dreg:$0x9];
	[sflag:s17] =	ssyncadd.s32 $0xFFFFD800  }
0x39: {  	[spmem:s12] =	stream.linear.scatter [tilespmem:s16], [sflag:$0x9], $0x2800, $0x38;
	[tilespmem:$0x1E800] =	vst v63  }
0x3a: {  	_ =	swait.ge [sflag:s17], $0x2800  }
0x3b: {  	[sflag:s17] =	ssyncset.done $0x0  }
0x3c: {  	s13 =	rddreg [dreg:$0xa];
	[sflag:s17] =	ssyncadd.s32 $0xFFFFD800  }
0x3d: {  	[spmem:s13] =	stream.linear.scatter [tilespmem:s16], [sflag:$0x9], $0x2800, $0x38;
	[tilespmem:$0x1E800] =	vst v63  }
0x3e: {  	_ =	swait.ge [sflag:s17], $0x2800  }
0x3f: {  	[sflag:s17] =	ssyncset.done $0x0  }
0x40: {  	s14 =	rddreg [dreg:$0xb];
	[sflag:s17] =	ssyncadd.s32 $0xFFFFD800  }
0x41: {  	[spmem:s14] =	stream.linear.scatter [tilespmem:s16], [sflag:$0x9], $0x2800, $0x38;
	[tilespmem:$0x1E800] =	vst v63  }
0x42: {  	_ =	swait.ge [sflag:s17], $0x2800  }
0x43: {  	[sflag:s17] =	ssyncset.done $0x0  }
0x44: {  	s15 =	rddreg [dreg:$0xc];
	[sflag:s17] =	ssyncadd.s32 $0xFFFFD800  }
0x45: {  	[spmem:s15] =	stream.linear.scatter [tilespmem:s16], [sflag:$0x9], $0x2800, $0x38;
	[tilespmem:$0x1E800] =	vst v63  }
0x46: {  	_ =	swait.ge [sflag:s17], $0x2800  }
0x47: {  	[sflag:s17] =	ssyncset.done $0x0  }
0x48: {  	[sflag:s17] =	ssyncadd.s32 $0xFFFFD800  }
0x49: {  	s12 =	simm.s32 $0x0;
	[bflag:$0x0] =	sbarrier.arrive $0xFFFF  }
.LBB2_4:
0x4a: {  	s7 =	sshll.u32 s12, $0x8  }
0x4b: {  	s7 =	sadd.s32 s7, s5  }
0x4c: {  	[tilespmem:s18], [sflag:$0x9] =	stream.linear.gather [hbm4b:s7+s3], $0x600, $0x38;
	[tilespmem:$0x1E800] =	vst v63  }
0x4d: {  	_ =	swait.ge [sflag:s17], $0x600  }
0x4e: {  	[sflag:s17] =	ssyncset.done $0x0  }
0x4f: {  	[sflag:s17] =	ssyncadd.s32 $0xFFFFFA00  }
0x50: {  	[tilespmem:s16], [sflag:$0x1] =	stream.indirect.gather [hbm4b:s4+s19], $0x80, s18, s19, $0xb8;
	[tilespmem:$0x1E800] =	vst v63  }
0x51: {  	s14 =	simm.s32 $0x0  }
0x52: {  	v1 =	vmov s14;
	[tilespmem:s21], [sflag:$0x2] =	stream.indirect.gather [hbm4b:s4+s19], $0x80, s20, s19, $0xb8;
	[tilespmem:$0x1E800] =	vst v63  }
0x53: {  	v1 =	vand.u32 $0x7E, v1  }
0x54: {  	v1 =	vor.u32 $0x400, v1;
	[tilespmem:s23], [sflag:$0x3] =	stream.indirect.gather [hbm4b:s4+s19], $0x80, s22, s19, $0xb8;
	[tilespmem:$0x1E800] =	vst v63  }
0x55: {  	s15 =	simm.s32 $0x1;
	v2 =	vbroadcast v1, $0x0  }
0x56: {  	[tilespmem:s25], [sflag:$0x4] =	stream.indirect.gather [hbm4b:s4+s19], $0x80, s24, s19, $0xb8;
	[tilespmem:$0x1E800] =	vst v63  }
0x57: {  	_ =	swait.ge [sflag:s15], $0x2800  }
0x58: {  	[sflag:s15] =	ssyncset.done $0x0  }
0x59: {  	s13 =	simm.s32 $0x14880;
	[sflag:s15] =	ssyncadd.s32 $0xFFFFD800  }
0x5a: {  	v5 =	vld [tilespmem:s13+$0xFFFFFFF0]  }
0x5b: {  	v6 =	vld.idx.msk [tilespmem:v2+s18+$0x0], $0xffff  }
0x5c: {  	v7 =	vld [tilespmem:s13+$0xFFFFFF80]  }
0x5d: {  	v8 =	vld [tilespmem:s13+$0xFFFFFFA0]  }
0x5e: {  	v9 =	vld [tilespmem:s13+$0xFFFFFFB0]  }
0x5f: {  	v3 =	vld [tilespmem:s13+$0xFFFFFFD0]  }
0x60: {  	v10 =	vld [tilespmem:s13+$0xFFFFFFE0];
	v5 =	vmul.f32 v6, v5  }
0x61: {  	v12 =	vmov s15;
	v4 =	vld [tilespmem:s13+$0xFFFFFFC0];
	v7 =	vmul.f32 v6, v7  }
0x62: {  	v11 =	vld [tilespmem:s13+$0xFFFFFF90];
	v8 =	vmul.f32 v6, v8;
	[tilespmem:s13+$0xFFFFFFF0] =	vst v5;
	v5 =	vand.u32 $0x7F, v12  }
0x63: {  	v9 =	vmul.f32 v6, v9;
	[tilespmem:s13+$0xFFFFFF80] =	vst v7;
	v5 =	vor.u32 $0x400, v5  }
0x64: {  	v3 =	vmul.f32 v6, v3;
	[tilespmem:s13+$0xFFFFFFA0] =	vst v8;
	v7 =	vbroadcast v5, $0x0  }
0x65: {  	v63 =	vmul.f32 v6, v10;
	[tilespmem:s13+$0xFFFFFFB0] =	vst v9  }
0x66: {  	v1 =	vld [tilespmem:s13+$0x0];
	[tilespmem:s13+$0xFFFFFFD0] =	vst v3;
	v3 =	vmul.f32 v6, v4  }
0x67: {  	v2 =	vld [tilespmem:s13+$0x10];
	[tilespmem:s13+$0xFFFFFFE0] =	vst v63;
	v5 =	vmul.f32 v6, v11  }
0x68: {  	v4 =	vld [tilespmem:s13+$0x70];
	[tilespmem:s13+$0xFFFFFFC0] =	vst v3  }
0x69: {  	[tilespmem:s13+$0xFFFFFF90] =	vst v5;
	v5 =	vld [tilespmem:s13+$0x50]  }
0x6a: {  	s14 =	simm.s32 $0x3;
	s15 =	simm.s32 $0x14880;
	v3 =	vld.idx.msk [tilespmem:v7+s18+$0x0], $0xffff  }
.LBB2_5:
0x6b: {  	p0 =	sne.s32 s14, $0x4F  }
0x6c: {  	v6 =	vld [tilespmem:s13+$0x30];
	s15 =	sadd.s32 $0x100, s15;
	s7 =	smov.u32 s14;
	s14 =	sadd.s32 $0x2, s14  }
0x6d: {  	v7 =	vld [tilespmem:s13+$0x20]  }
0x6e: {  	v8 =	vld [tilespmem:s13+$0x40]  }
0x6f: {  	v9 =	vld [tilespmem:s13+$0x60];
	_ =	sdelay $0x1  }
0x70: {  	s11 =	sadd.s32 $0xFFFFFFFF, s7;
	v1 =	vmul.f32 v3, v1;
	v2 =	vmul.f32 v3, v2  }
0x71: {  	v10 =	vmov s11;
	v6 =	vmul.f32 v3, v6;
	v7 =	vmul.f32 v3, v7  }
0x72: {  	v10 =	vand.u32 $0x7E, v10;
	v5 =	vmul.f32 v3, v5;
	[tilespmem:s13+$0x0] =	vst v1;
	v8 =	vmul.f32 v3, v8  }
0x73: {  	v10 =	vor.u32 $0x400, v10;
	v1 =	vld [tilespmem:s15+$0x0];
	[tilespmem:s13+$0x30] =	vst v6;
	v6 =	vmul.f32 v3, v9;
	v3 =	vmul.f32 v3, v4  }
0x74: {  	v4 =	vbroadcast v10, $0x0;
	[tilespmem:s13+$0x40] =	vst v8  }
0x75: {  	v8 =	vld [tilespmem:s15+$0xFFFFFFD0];
	[tilespmem:s13+$0x50] =	vst v5  }
0x76: {  	v5 =	vld [tilespmem:s15+$0xFFFFFFC0];
	[tilespmem:s13+$0x20] =	vst v7  }
0x77: {  	v7 =	vld [tilespmem:s15+$0xFFFFFFB0];
	[tilespmem:s13+$0x70] =	vst v3  }
0x78: {  	v3 =	vld [tilespmem:s15+$0xFFFFFFE0];
	[tilespmem:s13+$0x10] =	vst v2  }
0x79: {  	v9 =	vld [tilespmem:s15+$0xFFFFFFF0];
	[tilespmem:s13+$0x60] =	vst v6;
	s13 =	smov.u32 s15  }
0x7a: {  	v4 =	vld.idx.msk [tilespmem:v4+s18+$0x0], $0xffff  }
0x7b: {  	v6 =	vld [tilespmem:s15+$0xFFFFFF80]  }
0x7c: {  	v10 =	vld [tilespmem:s15+$0xFFFFFFA0]  }
0x7d: {  	v11 =	vld [tilespmem:s15+$0xFFFFFF90]  }
0x7e: {  	v2 =	vld [tilespmem:s15+$0x10];
	_ =	sdelay $0x1  }
0x7f: {  	v9 =	vmul.f32 v4, v9;
	v6 =	vmul.f32 v4, v6  }
0x80: {  	v12 =	vmov s7;
	v3 =	vmul.f32 v4, v3;
	v10 =	vmul.f32 v4, v10  }
0x81: {  	v7 =	vmul.f32 v4, v7;
	v11 =	vmul.f32 v4, v11;
	[tilespmem:s15+$0xFFFFFFF0] =	vst v9;
	v9 =	vand.u32 $0x7F, v12  }
0x82: {  	[tilespmem:s15+$0xFFFFFF80] =	vst v6;
	v6 =	vmul.f32 v4, v5;
	v4 =	vmul.f32 v4, v8;
	v5 =	vor.u32 $0x400, v9  }
0x83: {  	[tilespmem:s15+$0xFFFFFFA0] =	vst v10;
	v8 =	vbroadcast v5, $0x0  }
0x84: {  	[tilespmem:s15+$0xFFFFFFB0] =	vst v7  }
.Ltmp1:
0x85: {  	[tilespmem:s15+$0xFFFFFFD0] =	vst v4;
	(pc) =	sbr.rel @p0 .LBB2_5-.Ltmp1, $4  }
0x86: {  	[tilespmem:s15+$0xFFFFFF90] =	vst v11  }
0x87: {  	[tilespmem:s15+$0xFFFFFFE0] =	vst v3;
	v5 =	vld [tilespmem:s15+$0x50]  }
0x88: {  	[tilespmem:s15+$0xFFFFFFC0] =	vst v6;
	v4 =	vld [tilespmem:s15+$0x70]  }
0x89: {  	v3 =	vld.idx.msk [tilespmem:v8+s18+$0x0], $0xffff  }
0x8a: {  	_ = 	snop  }
0x8b: {  	v7 =	vld [tilespmem:s13+$0x40]  }
0x8c: {  	v6 =	vld [tilespmem:s13+$0x30];
	_ =	sdelay $0x1  }
0x8d: {  	v1 =	vmul.f32 v3, v1  }
0x8e: {  	v8 =	vld [tilespmem:s13+$0x20];
	v5 =	vmul.f32 v3, v5  }
0x8f: {  	v9 =	vld [tilespmem:s13+$0x60];
	[tilespmem:s13+$0x0] =	vst v1;
	v1 =	vmul.f32 v3, v7  }
0x90: {  	v6 =	vmul.f32 v3, v6;
	[tilespmem:s13+$0x50] =	vst v5  }
0x91: {  	[tilespmem:s13+$0x40] =	vst v1;
	v1 =	vmul.f32 v3, v4  }
0x92: {  	s7 =	simm.s32 $0x0;
	v2 =	vmul.f32 v3, v2;
	[tilespmem:s13+$0x30] =	vst v6  }
0x93: {  	v6 =	vmul.f32 v3, v8;
	[tilespmem:s13+$0x70] =	vst v1;
	v1 =	vmov s7  }
0x94: {  	[tilespmem:s13+$0x10] =	vst v2;
	v3 =	vmul.f32 v3, v9;
	v1 =	vand.u32 $0x7E, v1  }
0x95: {  	[tilespmem:s13+$0x20] =	vst v6;
	v1 =	vor.u32 $0x480, v1  }
0x96: {  	[tilespmem:s13+$0x60] =	vst v3;
	v2 =	vbroadcast v1, $0x0  }
0x97: {  	[spmem:s1] =	stream.indirect.scatter.add.f32 [tilespmem:s16], [sflag:$0x5], $0x80, s26, s19, $0xb8;
	[tilespmem:$0x1E800] =	vst v63  }
0x98: {  	_ =	swait.ge [sflag:s28], $0x2800  }
0x99: {  	[sflag:s28] =	ssyncset.done $0x0  }
0x9a: {  	s13 =	simm.s32 $0x17080;
	[sflag:s28] =	ssyncadd.s32 $0xFFFFD800  }
0x9b: {  	v5 =	vld [tilespmem:s13+$0xFFFFFFF0]  }
0x9c: {  	v6 =	vld.idx.msk [tilespmem:v2+s18+$0x0], $0xffff  }
0x9d: {  	v7 =	vld [tilespmem:s13+$0xFFFFFF80]  }
0x9e: {  	v61 =	vld [tilespmem:s13+$0xFFFFFFA0]  }
0x9f: {  	v62 =	vld [tilespmem:s13+$0xFFFFFFB0]  }
0xa0: {  	v3 =	vld [tilespmem:s13+$0xFFFFFFD0]  }
0xa1: {  	s15 =	simm.s32 $0x1;
	v10 =	vld [tilespmem:s13+$0xFFFFFFE0];
	v5 =	vmul.f32 v6, v5  }
0xa2: {  	v12 =	vmov s15;
	v4 =	vld [tilespmem:s13+$0xFFFFFFC0];
	v7 =	vmul.f32 v6, v7  }
0xa3: {  	v11 =	vld [tilespmem:s13+$0xFFFFFF90];
	v8 =	vmul.f32 v6, v61;
	[tilespmem:s13+$0xFFFFFFF0] =	vst v5;
	v5 =	vand.u32 $0x7F, v12  }
0xa4: {  	v9 =	vmul.f32 v6, v62;
	[tilespmem:s13+$0xFFFFFF80] =	vst v7;
	v5 =	vor.u32 $0x480, v5  }
0xa5: {  	v3 =	vmul.f32 v6, v3;
	[tilespmem:s13+$0xFFFFFFA0] =	vst v8;
	v7 =	vbroadcast v5, $0x0  }
0xa6: {  	v63 =	vmul.f32 v6, v10;
	[tilespmem:s13+$0xFFFFFFB0] =	vst v9  }
0xa7: {  	v1 =	vld [tilespmem:s13+$0x0];
	[tilespmem:s13+$0xFFFFFFD0] =	vst v3;
	v3 =	vmul.f32 v6, v4  }
0xa8: {  	v2 =	vld [tilespmem:s13+$0x10];
	[tilespmem:s13+$0xFFFFFFE0] =	vst v63;
	v5 =	vmul.f32 v6, v11  }
0xa9: {  	v4 =	vld [tilespmem:s13+$0x70];
	[tilespmem:s13+$0xFFFFFFC0] =	vst v3  }
0xaa: {  	[tilespmem:s13+$0xFFFFFF90] =	vst v5;
	v5 =	vld [tilespmem:s13+$0x50]  }
0xab: {  	s14 =	simm.s32 $0x3;
	s15 =	simm.s32 $0x17080;
	v3 =	vld.idx.msk [tilespmem:v7+s18+$0x0], $0xffff  }
.LBB2_7:
0xac: {  	p0 =	sne.s32 s14, $0x4F  }
0xad: {  	v6 =	vld [tilespmem:s13+$0x30];
	s15 =	sadd.s32 $0x100, s15;
	s7 =	smov.u32 s14;
	s14 =	sadd.s32 $0x2, s14  }
0xae: {  	v7 =	vld [tilespmem:s13+$0x20]  }
0xaf: {  	v8 =	vld [tilespmem:s13+$0x40]  }
0xb0: {  	v9 =	vld [tilespmem:s13+$0x60];
	_ =	sdelay $0x1  }
0xb1: {  	s11 =	sadd.s32 $0xFFFFFFFF, s7;
	v1 =	vmul.f32 v3, v1;
	v2 =	vmul.f32 v3, v2  }
0xb2: {  	v10 =	vmov s11;
	v6 =	vmul.f32 v3, v6;
	v7 =	vmul.f32 v3, v7  }
0xb3: {  	v10 =	vand.u32 $0x7E, v10;
	v5 =	vmul.f32 v3, v5;
	[tilespmem:s13+$0x0] =	vst v1;
	v8 =	vmul.f32 v3, v8  }
0xb4: {  	v10 =	vor.u32 $0x480, v10;
	v1 =	vld [tilespmem:s15+$0x0];
	[tilespmem:s13+$0x30] =	vst v6;
	v6 =	vmul.f32 v3, v9;
	v3 =	vmul.f32 v3, v4  }
0xb5: {  	v4 =	vbroadcast v10, $0x0;
	[tilespmem:s13+$0x40] =	vst v8  }
0xb6: {  	v8 =	vld [tilespmem:s15+$0xFFFFFFD0];
	[tilespmem:s13+$0x50] =	vst v5  }
0xb7: {  	v5 =	vld [tilespmem:s15+$0xFFFFFFC0];
	[tilespmem:s13+$0x20] =	vst v7  }
0xb8: {  	v7 =	vld [tilespmem:s15+$0xFFFFFFB0];
	[tilespmem:s13+$0x70] =	vst v3  }
0xb9: {  	v3 =	vld [tilespmem:s15+$0xFFFFFFE0];
	[tilespmem:s13+$0x10] =	vst v2  }
0xba: {  	v9 =	vld [tilespmem:s15+$0xFFFFFFF0];
	[tilespmem:s13+$0x60] =	vst v6;
	s13 =	smov.u32 s15  }
0xbb: {  	v4 =	vld.idx.msk [tilespmem:v4+s18+$0x0], $0xffff  }
0xbc: {  	v6 =	vld [tilespmem:s15+$0xFFFFFF80]  }
0xbd: {  	v10 =	vld [tilespmem:s15+$0xFFFFFFA0]  }
0xbe: {  	v11 =	vld [tilespmem:s15+$0xFFFFFF90]  }
0xbf: {  	v2 =	vld [tilespmem:s15+$0x10];
	_ =	sdelay $0x1  }
0xc0: {  	v9 =	vmul.f32 v4, v9;
	v6 =	vmul.f32 v4, v6  }
0xc1: {  	v12 =	vmov s7;
	v3 =	vmul.f32 v4, v3;
	v10 =	vmul.f32 v4, v10  }
0xc2: {  	v7 =	vmul.f32 v4, v7;
	v11 =	vmul.f32 v4, v11;
	[tilespmem:s15+$0xFFFFFFF0] =	vst v9;
	v9 =	vand.u32 $0x7F, v12  }
0xc3: {  	[tilespmem:s15+$0xFFFFFF80] =	vst v6;
	v6 =	vmul.f32 v4, v5;
	v4 =	vmul.f32 v4, v8;
	v5 =	vor.u32 $0x480, v9  }
0xc4: {  	[tilespmem:s15+$0xFFFFFFA0] =	vst v10;
	v8 =	vbroadcast v5, $0x0  }
0xc5: {  	[tilespmem:s15+$0xFFFFFFB0] =	vst v7  }
.Ltmp2:
0xc6: {  	[tilespmem:s15+$0xFFFFFFD0] =	vst v4;
	(pc) =	sbr.rel @p0 .LBB2_7-.Ltmp2, $4  }
0xc7: {  	[tilespmem:s15+$0xFFFFFF90] =	vst v11  }
0xc8: {  	[tilespmem:s15+$0xFFFFFFE0] =	vst v3;
	v5 =	vld [tilespmem:s15+$0x50]  }
0xc9: {  	[tilespmem:s15+$0xFFFFFFC0] =	vst v6;
	v4 =	vld [tilespmem:s15+$0x70]  }
0xca: {  	v3 =	vld.idx.msk [tilespmem:v8+s18+$0x0], $0xffff  }
0xcb: {  	_ = 	snop  }
0xcc: {  	v7 =	vld [tilespmem:s13+$0x40]  }
0xcd: {  	v6 =	vld [tilespmem:s13+$0x30];
	_ =	sdelay $0x1  }
0xce: {  	v1 =	vmul.f32 v3, v1  }
0xcf: {  	v8 =	vld [tilespmem:s13+$0x20];
	v5 =	vmul.f32 v3, v5  }
0xd0: {  	v9 =	vld [tilespmem:s13+$0x60];
	[tilespmem:s13+$0x0] =	vst v1;
	v1 =	vmul.f32 v3, v7  }
0xd1: {  	v6 =	vmul.f32 v3, v6;
	[tilespmem:s13+$0x50] =	vst v5  }
0xd2: {  	[tilespmem:s13+$0x40] =	vst v1;
	v1 =	vmul.f32 v3, v4  }
0xd3: {  	s7 =	simm.s32 $0x0;
	v2 =	vmul.f32 v3, v2;
	[tilespmem:s13+$0x30] =	vst v6  }
0xd4: {  	v6 =	vmul.f32 v3, v8;
	[tilespmem:s13+$0x70] =	vst v1;
	v1 =	vmov s7  }
0xd5: {  	[tilespmem:s13+$0x10] =	vst v2;
	v3 =	vmul.f32 v3, v9;
	v1 =	vand.u32 $0x7E, v1  }
0xd6: {  	[tilespmem:s13+$0x20] =	vst v6;
	v1 =	vor.u32 $0x500, v1  }
0xd7: {  	[tilespmem:s13+$0x60] =	vst v3;
	v2 =	vbroadcast v1, $0x0  }
0xd8: {  	[spmem:s1] =	stream.indirect.scatter.add.f32 [tilespmem:s21], [sflag:$0x6], $0x80, s29, s19, $0xb8;
	[tilespmem:$0x1E800] =	vst v63  }
0xd9: {  	_ =	swait.ge [sflag:s30], $0x2800  }
0xda: {  	[sflag:s30] =	ssyncset.done $0x0  }
0xdb: {  	s13 =	simm.s32 $0x19880;
	[sflag:s30] =	ssyncadd.s32 $0xFFFFD800  }
0xdc: {  	v5 =	vld [tilespmem:s13+$0xFFFFFFF0]  }
0xdd: {  	v6 =	vld.idx.msk [tilespmem:v2+s18+$0x0], $0xffff  }
0xde: {  	v7 =	vld [tilespmem:s13+$0xFFFFFF80]  }
0xdf: {  	v61 =	vld [tilespmem:s13+$0xFFFFFFA0]  }
0xe0: {  	v62 =	vld [tilespmem:s13+$0xFFFFFFB0]  }
0xe1: {  	v3 =	vld [tilespmem:s13+$0xFFFFFFD0]  }
0xe2: {  	s15 =	simm.s32 $0x1;
	v10 =	vld [tilespmem:s13+$0xFFFFFFE0];
	v5 =	vmul.f32 v6, v5  }
0xe3: {  	v12 =	vmov s15;
	v4 =	vld [tilespmem:s13+$0xFFFFFFC0];
	v7 =	vmul.f32 v6, v7  }
0xe4: {  	v11 =	vld [tilespmem:s13+$0xFFFFFF90];
	v8 =	vmul.f32 v6, v61;
	[tilespmem:s13+$0xFFFFFFF0] =	vst v5;
	v5 =	vand.u32 $0x7F, v12  }
0xe5: {  	v9 =	vmul.f32 v6, v62;
	[tilespmem:s13+$0xFFFFFF80] =	vst v7;
	v5 =	vor.u32 $0x500, v5  }
0xe6: {  	v3 =	vmul.f32 v6, v3;
	[tilespmem:s13+$0xFFFFFFA0] =	vst v8;
	v7 =	vbroadcast v5, $0x0  }
0xe7: {  	v63 =	vmul.f32 v6, v10;
	[tilespmem:s13+$0xFFFFFFB0] =	vst v9  }
0xe8: {  	v1 =	vld [tilespmem:s13+$0x0];
	[tilespmem:s13+$0xFFFFFFD0] =	vst v3;
	v3 =	vmul.f32 v6, v4  }
0xe9: {  	v2 =	vld [tilespmem:s13+$0x10];
	[tilespmem:s13+$0xFFFFFFE0] =	vst v63;
	v5 =	vmul.f32 v6, v11  }
0xea: {  	v4 =	vld [tilespmem:s13+$0x70];
	[tilespmem:s13+$0xFFFFFFC0] =	vst v3  }
0xeb: {  	[tilespmem:s13+$0xFFFFFF90] =	vst v5;
	v5 =	vld [tilespmem:s13+$0x50]  }
0xec: {  	s14 =	simm.s32 $0x3;
	s15 =	simm.s32 $0x19880;
	v3 =	vld.idx.msk [tilespmem:v7+s18+$0x0], $0xffff  }
.LBB2_9:
0xed: {  	p0 =	sne.s32 s14, $0x4F  }
0xee: {  	v6 =	vld [tilespmem:s13+$0x30];
	s15 =	sadd.s32 $0x100, s15;
	s7 =	smov.u32 s14;
	s14 =	sadd.s32 $0x2, s14  }
0xef: {  	v7 =	vld [tilespmem:s13+$0x20]  }
0xf0: {  	v8 =	vld [tilespmem:s13+$0x40]  }
0xf1: {  	v9 =	vld [tilespmem:s13+$0x60];
	_ =	sdelay $0x1  }
0xf2: {  	s11 =	sadd.s32 $0xFFFFFFFF, s7;
	v1 =	vmul.f32 v3, v1;
	v2 =	vmul.f32 v3, v2  }
0xf3: {  	v10 =	vmov s11;
	v6 =	vmul.f32 v3, v6;
	v7 =	vmul.f32 v3, v7  }
0xf4: {  	v10 =	vand.u32 $0x7E, v10;
	v5 =	vmul.f32 v3, v5;
	[tilespmem:s13+$0x0] =	vst v1;
	v8 =	vmul.f32 v3, v8  }
0xf5: {  	v10 =	vor.u32 $0x500, v10;
	v1 =	vld [tilespmem:s15+$0x0];
	[tilespmem:s13+$0x30] =	vst v6;
	v6 =	vmul.f32 v3, v9;
	v3 =	vmul.f32 v3, v4  }
0xf6: {  	v4 =	vbroadcast v10, $0x0;
	[tilespmem:s13+$0x40] =	vst v8  }
0xf7: {  	v8 =	vld [tilespmem:s15+$0xFFFFFFD0];
	[tilespmem:s13+$0x50] =	vst v5  }
0xf8: {  	v5 =	vld [tilespmem:s15+$0xFFFFFFC0];
	[tilespmem:s13+$0x20] =	vst v7  }
0xf9: {  	v7 =	vld [tilespmem:s15+$0xFFFFFFB0];
	[tilespmem:s13+$0x70] =	vst v3  }
0xfa: {  	v3 =	vld [tilespmem:s15+$0xFFFFFFE0];
	[tilespmem:s13+$0x10] =	vst v2  }
0xfb: {  	v9 =	vld [tilespmem:s15+$0xFFFFFFF0];
	[tilespmem:s13+$0x60] =	vst v6;
	s13 =	smov.u32 s15  }
0xfc: {  	v4 =	vld.idx.msk [tilespmem:v4+s18+$0x0], $0xffff  }
0xfd: {  	v6 =	vld [tilespmem:s15+$0xFFFFFF80]  }
0xfe: {  	v10 =	vld [tilespmem:s15+$0xFFFFFFA0]  }
0xff: {  	v11 =	vld [tilespmem:s15+$0xFFFFFF90]  }
0x100: {  	v2 =	vld [tilespmem:s15+$0x10];
	_ =	sdelay $0x1  }
0x101: {  	v9 =	vmul.f32 v4, v9;
	v6 =	vmul.f32 v4, v6  }
0x102: {  	v12 =	vmov s7;
	v3 =	vmul.f32 v4, v3;
	v10 =	vmul.f32 v4, v10  }
0x103: {  	v7 =	vmul.f32 v4, v7;
	v11 =	vmul.f32 v4, v11;
	[tilespmem:s15+$0xFFFFFFF0] =	vst v9;
	v9 =	vand.u32 $0x7F, v12  }
0x104: {  	[tilespmem:s15+$0xFFFFFF80] =	vst v6;
	v6 =	vmul.f32 v4, v5;
	v4 =	vmul.f32 v4, v8;
	v5 =	vor.u32 $0x500, v9  }
0x105: {  	[tilespmem:s15+$0xFFFFFFA0] =	vst v10;
	v8 =	vbroadcast v5, $0x0  }
0x106: {  	[tilespmem:s15+$0xFFFFFFB0] =	vst v7  }
.Ltmp3:
0x107: {  	[tilespmem:s15+$0xFFFFFFD0] =	vst v4;
	(pc) =	sbr.rel @p0 .LBB2_9-.Ltmp3, $4  }
0x108: {  	[tilespmem:s15+$0xFFFFFF90] =	vst v11  }
0x109: {  	[tilespmem:s15+$0xFFFFFFE0] =	vst v3;
	v5 =	vld [tilespmem:s15+$0x50]  }
0x10a: {  	[tilespmem:s15+$0xFFFFFFC0] =	vst v6;
	v4 =	vld [tilespmem:s15+$0x70]  }
0x10b: {  	v3 =	vld.idx.msk [tilespmem:v8+s18+$0x0], $0xffff  }
0x10c: {  	_ = 	snop  }
0x10d: {  	v7 =	vld [tilespmem:s13+$0x40]  }
0x10e: {  	v6 =	vld [tilespmem:s13+$0x30];
	_ =	sdelay $0x1  }
0x10f: {  	v1 =	vmul.f32 v3, v1  }
0x110: {  	v8 =	vld [tilespmem:s13+$0x20];
	v5 =	vmul.f32 v3, v5  }
0x111: {  	v9 =	vld [tilespmem:s13+$0x60];
	[tilespmem:s13+$0x0] =	vst v1;
	v1 =	vmul.f32 v3, v7  }
0x112: {  	v6 =	vmul.f32 v3, v6;
	[tilespmem:s13+$0x50] =	vst v5  }
0x113: {  	[tilespmem:s13+$0x40] =	vst v1;
	v1 =	vmul.f32 v3, v4  }
0x114: {  	s7 =	simm.s32 $0x0;
	v2 =	vmul.f32 v3, v2;
	[tilespmem:s13+$0x30] =	vst v6  }
0x115: {  	v6 =	vmul.f32 v3, v8;
	[tilespmem:s13+$0x70] =	vst v1;
	v1 =	vmov s7  }
0x116: {  	[tilespmem:s13+$0x10] =	vst v2;
	v3 =	vmul.f32 v3, v9;
	v1 =	vand.u32 $0x7E, v1  }
0x117: {  	[tilespmem:s13+$0x20] =	vst v6;
	v1 =	vor.u32 $0x580, v1  }
0x118: {  	[tilespmem:s13+$0x60] =	vst v3;
	v2 =	vbroadcast v1, $0x0  }
0x119: {  	[spmem:s1] =	stream.indirect.scatter.add.f32 [tilespmem:s23], [sflag:$0x7], $0x80, s31, s19, $0xb8;
	[tilespmem:$0x1E800] =	vst v63  }
0x11a: {  	_ =	swait.ge [sflag:s0], $0x2800  }
0x11b: {  	[sflag:s0] =	ssyncset.done $0x0  }
0x11c: {  	s13 =	simm.s32 $0x1C080;
	[sflag:s0] =	ssyncadd.s32 $0xFFFFD800  }
0x11d: {  	v5 =	vld [tilespmem:s13+$0xFFFFFFF0]  }
0x11e: {  	v6 =	vld.idx.msk [tilespmem:v2+s18+$0x0], $0xffff  }
0x11f: {  	v7 =	vld [tilespmem:s13+$0xFFFFFF80]  }
0x120: {  	v61 =	vld [tilespmem:s13+$0xFFFFFFA0]  }
0x121: {  	v62 =	vld [tilespmem:s13+$0xFFFFFFB0]  }
0x122: {  	v3 =	vld [tilespmem:s13+$0xFFFFFFD0]  }
0x123: {  	s15 =	simm.s32 $0x1;
	v10 =	vld [tilespmem:s13+$0xFFFFFFE0];
	v5 =	vmul.f32 v6, v5  }
0x124: {  	v12 =	vmov s15;
	v4 =	vld [tilespmem:s13+$0xFFFFFFC0];
	v7 =	vmul.f32 v6, v7  }
0x125: {  	v11 =	vld [tilespmem:s13+$0xFFFFFF90];
	v8 =	vmul.f32 v6, v61;
	[tilespmem:s13+$0xFFFFFFF0] =	vst v5;
	v5 =	vand.u32 $0x7F, v12  }
0x126: {  	v9 =	vmul.f32 v6, v62;
	[tilespmem:s13+$0xFFFFFF80] =	vst v7;
	v5 =	vor.u32 $0x580, v5  }
0x127: {  	v3 =	vmul.f32 v6, v3;
	[tilespmem:s13+$0xFFFFFFA0] =	vst v8;
	v7 =	vbroadcast v5, $0x0  }
0x128: {  	v63 =	vmul.f32 v6, v10;
	[tilespmem:s13+$0xFFFFFFB0] =	vst v9  }
0x129: {  	v1 =	vld [tilespmem:s13+$0x0];
	[tilespmem:s13+$0xFFFFFFD0] =	vst v3;
	v3 =	vmul.f32 v6, v4  }
0x12a: {  	v2 =	vld [tilespmem:s13+$0x10];
	[tilespmem:s13+$0xFFFFFFE0] =	vst v63;
	v5 =	vmul.f32 v6, v11  }
0x12b: {  	v4 =	vld [tilespmem:s13+$0x70];
	[tilespmem:s13+$0xFFFFFFC0] =	vst v3  }
0x12c: {  	[tilespmem:s13+$0xFFFFFF90] =	vst v5;
	v5 =	vld [tilespmem:s13+$0x50]  }
0x12d: {  	s14 =	simm.s32 $0x3;
	s15 =	simm.s32 $0x1C080;
	v3 =	vld.idx.msk [tilespmem:v7+s18+$0x0], $0xffff  }
.LBB2_11:
0x12e: {  	p0 =	sne.s32 s14, $0x4F  }
0x12f: {  	v6 =	vld [tilespmem:s13+$0x30];
	s15 =	sadd.s32 $0x100, s15;
	s7 =	smov.u32 s14;
	s14 =	sadd.s32 $0x2, s14  }
0x130: {  	v7 =	vld [tilespmem:s13+$0x20]  }
0x131: {  	v8 =	vld [tilespmem:s13+$0x40]  }
0x132: {  	v9 =	vld [tilespmem:s13+$0x60];
	_ =	sdelay $0x1  }
0x133: {  	s11 =	sadd.s32 $0xFFFFFFFF, s7;
	v1 =	vmul.f32 v3, v1;
	v2 =	vmul.f32 v3, v2  }
0x134: {  	v10 =	vmov s11;
	v6 =	vmul.f32 v3, v6;
	v7 =	vmul.f32 v3, v7  }
0x135: {  	v10 =	vand.u32 $0x7E, v10;
	v5 =	vmul.f32 v3, v5;
	[tilespmem:s13+$0x0] =	vst v1;
	v8 =	vmul.f32 v3, v8  }
0x136: {  	v10 =	vor.u32 $0x580, v10;
	v1 =	vld [tilespmem:s15+$0x0];
	[tilespmem:s13+$0x30] =	vst v6;
	v6 =	vmul.f32 v3, v9;
	v3 =	vmul.f32 v3, v4  }
0x137: {  	v4 =	vbroadcast v10, $0x0;
	[tilespmem:s13+$0x40] =	vst v8  }
0x138: {  	v8 =	vld [tilespmem:s15+$0xFFFFFFD0];
	[tilespmem:s13+$0x50] =	vst v5  }
0x139: {  	v5 =	vld [tilespmem:s15+$0xFFFFFFC0];
	[tilespmem:s13+$0x20] =	vst v7  }
0x13a: {  	v7 =	vld [tilespmem:s15+$0xFFFFFFB0];
	[tilespmem:s13+$0x70] =	vst v3  }
0x13b: {  	v3 =	vld [tilespmem:s15+$0xFFFFFFE0];
	[tilespmem:s13+$0x10] =	vst v2  }
0x13c: {  	v9 =	vld [tilespmem:s15+$0xFFFFFFF0];
	[tilespmem:s13+$0x60] =	vst v6;
	s13 =	smov.u32 s15  }
0x13d: {  	v4 =	vld.idx.msk [tilespmem:v4+s18+$0x0], $0xffff  }
0x13e: {  	v6 =	vld [tilespmem:s15+$0xFFFFFF80]  }
0x13f: {  	v10 =	vld [tilespmem:s15+$0xFFFFFFA0]  }
0x140: {  	v11 =	vld [tilespmem:s15+$0xFFFFFF90]  }
0x141: {  	v2 =	vld [tilespmem:s15+$0x10];
	_ =	sdelay $0x1  }
0x142: {  	v9 =	vmul.f32 v4, v9;
	v6 =	vmul.f32 v4, v6  }
0x143: {  	v12 =	vmov s7;
	v3 =	vmul.f32 v4, v3;
	v10 =	vmul.f32 v4, v10  }
0x144: {  	v7 =	vmul.f32 v4, v7;
	v11 =	vmul.f32 v4, v11;
	[tilespmem:s15+$0xFFFFFFF0] =	vst v9;
	v9 =	vand.u32 $0x7F, v12  }
0x145: {  	[tilespmem:s15+$0xFFFFFF80] =	vst v6;
	v6 =	vmul.f32 v4, v5;
	v4 =	vmul.f32 v4, v8;
	v5 =	vor.u32 $0x580, v9  }
0x146: {  	[tilespmem:s15+$0xFFFFFFA0] =	vst v10;
	v8 =	vbroadcast v5, $0x0  }
0x147: {  	[tilespmem:s15+$0xFFFFFFB0] =	vst v7  }
.Ltmp4:
0x148: {  	[tilespmem:s15+$0xFFFFFFD0] =	vst v4;
	(pc) =	sbr.rel @p0 .LBB2_11-.Ltmp4, $4  }
0x149: {  	[tilespmem:s15+$0xFFFFFF90] =	vst v11  }
0x14a: {  	[tilespmem:s15+$0xFFFFFFE0] =	vst v3;
	v5 =	vld [tilespmem:s15+$0x50]  }
0x14b: {  	[tilespmem:s15+$0xFFFFFFC0] =	vst v6;
	v4 =	vld [tilespmem:s15+$0x70]  }
0x14c: {  	v3 =	vld.idx.msk [tilespmem:v8+s18+$0x0], $0xffff  }
0x14d: {  	_ =	sdelay $0x1  }
0x14e: {  	v6 =	vld [tilespmem:s13+$0x30]  }
0x14f: {  	v7 =	vld [tilespmem:s13+$0x40]  }
0x150: {  	v8 =	vld [tilespmem:s13+$0x20];
	v1 =	vmul.f32 v3, v1  }
0x151: {  	v5 =	vmul.f32 v3, v5  }
0x152: {  	v9 =	vld [tilespmem:s13+$0x60];
	v2 =	vmul.f32 v3, v2;
	[tilespmem:s13+$0x0] =	vst v1  }
0x153: {  	v6 =	vmul.f32 v3, v6;
	[tilespmem:s13+$0x50] =	vst v5  }
0x154: {  	v1 =	vmul.f32 v3, v7;
	[tilespmem:s13+$0x10] =	vst v2  }
0x155: {  	v63 =	vmul.f32 v3, v8;
	[tilespmem:s13+$0x30] =	vst v6  }
0x156: {  	[tilespmem:s13+$0x40] =	vst v1;
	v1 =	vmul.f32 v3, v4  }
0x157: {  	[tilespmem:s13+$0x20] =	vst v63;
	v3 =	vmul.f32 v3, v9  }
0x158: {  	[tilespmem:s13+$0x70] =	vst v1  }
0x159: {  	[tilespmem:s13+$0x60] =	vst v3  }
0x15a: {  	[spmem:s1] =	stream.indirect.scatter.add.f32 [tilespmem:s25], [sflag:$0x8], $0x80, s2, s19, $0xb8;
	[tilespmem:$0x1E800] =	vst v63  }
0x15b: {  	_ =	swait.ge [sflag:s6], $0x2800  }
0x15c: {  	[sflag:s6] =	ssyncset.done $0x0  }
0x15d: {  	[sflag:s6] =	ssyncadd.s32 $0xFFFFD800  }
0x15e: {  	_ =	swait.ge [sflag:s8], $0x2800  }
0x15f: {  	[sflag:s8] =	ssyncset.done $0x0  }
0x160: {  	s12 =	sadd.s32 $0x1, s12;
	[sflag:s8] =	ssyncadd.s32 $0xFFFFD800  }
0x161: {  	p0 =	sne.s32 s12, $0x20;
	_ =	swait.ge [sflag:s9], $0x2800  }
.Ltmp5:
0x162: {  	[sflag:s9] =	ssyncset.done $0x0;
	(pc) =	sbr.rel @p0 .LBB2_4-.Ltmp5, $4  }
0x163: {  	[sflag:s9] =	ssyncadd.s32 $0xFFFFD800  }
0x164: {  	_ =	swait.ge [sflag:s10], $0x2800  }
0x165: {  	[sflag:s10] =	ssyncset.done $0x0  }
0x166: {  	[sflag:s10] =	ssyncadd.s32 $0xFFFFD800  }
0x167: {  	s7 =	stileid.u32;
	[bflag:$0x0] =	sbarrier.arrive $0xFFFF  }
0x168: {  	s7 =	sshll.u32 s7, $0x6;
	s13 =	rddreg [dreg:$0x4]  }
0x169: {  	s12 =	rddreg [dreg:$0x3];
	s7 =	sor.u32 $0x1C09, s7;
	s11 =	sshrl.u32 s13, $0x3  }
0x16a: {  	[hbm:s12], [sflag:s7] =	dma.local [spmem:s11], $0x2800  }
0x16b: {  	_ =	swait.ge [sflag:s17], $0x2800  }
0x16c: {  	s14 =	rddreg [dreg:$0xd]  }
0x16d: {  	s15 =	rddreg [dreg:$0x5];
	s11 =	sadd.s32 $0x1, s14  }
0x16e: {  	p0 =	sne.s32 s11, s15  }
.Ltmp6:
0x16f: {  	_ = 	snop;
	(pc) =	sbr.rel @p0 .LBB2_1-.Ltmp6, $3  }
0x170: {  	_ =	sdelay $0x1  }
0x171: {  	[sflag:s17] =	ssyncset.done $0x0  }
0x172: {  	[sflag:s17] =	ssyncadd.s32 $0xFFFFD800  }
0x173: {  	_ =	sfence.sel $0x180000  }
0x174: {  	[bflag:$0x0] =	sbarrier.arrive $0xFFFF  }
0x175: {  	_ =	strace $0x90000050  }
0x176: {  	s0 =	stileid.u32;
	[bflag:$0x2] =	sbarrier.arrive $0xFFFF  }
0x177: {  	p0 =	sne.s32 s0, $0x0;
	s0 =	rddreg [dreg:$0x2]  }
0x178: {  	s0 =	sadd.s32 @!p0 $0x100000, s0  }
0x179: {  	[sflag:s0] =	ssyncadd.tile.s32 @!p0 $0x1;
	_ =	shalt  }
.Lfunc_end2:
_tile_overlayer_lowered:
.L_overlay_start_2:
0x17a: {  	(tag) =	ssettag $0x2  }
0x17b: {  	s0 =	rddreg [dreg:$0x0];
	s2 =	stileid.u32  }
0x17c: {  	s1 =	rddreg [dreg:$0x1];
	p0 =	sne.s32 s2, $0x0  }
0x17d: {  	s3 =	rddreg [dreg:$0x2];
	[bflag:$0x3] =	sbarrier.arrive $0xFFFF;
	s2 =	simm.s32 @!p0 $0x1C09  }
0x17e: {  	[timem:s3], [sflag:s2] =	dma.local @!p0 [hbm:s0], s1  }
0x17f: {  	s0 =	simm.s32 @!p0 $0x9  }
0x180: {  	_ =	swait.ge @!p0 [sflag:s0], s1  }
0x181: {  	s1 =	ssub.s32 @!p0 $0x0, s1;
	[sflag:s0] =	ssyncset.done @!p0 $0x0  }
0x182: {  	[sflag:s0] =	ssyncadd.s32 @!p0 s1  }
0x183: {  	[bflag:$0x3] =	sbarrier.arrive $0xFFFF  }
0x184: {  	_ =	shalt  }

</sc_bundles>
